<compile_context>
chip_gen: v7x
topology: tpu7x:2x2x1
jax: 0.10.2.dev20260603
libtpu: 0.0.44.dev20260713+nightly
codegen_flags: <defaults>
</compile_context>

<pallas_src>
import functools

import jax
import jax.numpy as jnp
from jax import lax
from jax.experimental import pallas as pl
from jax.experimental.pallas import tpu as pltpu
from jax.experimental.pallas import tpu_sc as plsc

_N = 8192 * 1024
_B = 4
_NC = 2
_NS = 16
_NW = _NC * _NS
_R = _N // 4
_PER_W = _N // _NW

_CHS = 2048
_ROWS_W = _R // _NW
_NCHS = _ROWS_W // _CHS

_CH = 1024
_NCH = _PER_W // _CH
_G = _CH // 16

_SC_PARAMS = pltpu.CompilerParams(use_tc_tiling_on_sc=False,
                                  needs_layout_passes=False)
_TC_PARAMS = pltpu.CompilerParams(use_tc_tiling_on_sc=True,
                                  needs_layout_passes=False)

_XROWS_W = 8192 // _NW
_XR_CH = 8
_WORDS_CH = _XR_CH * 1024 * _B
_WORDS_W = _XROWS_W * 1024 * _B


def _build_table(x):
    mesh = plsc.VectorSubcoreMesh(core_axis_name="c", subcore_axis_name="s")

    @functools.partial(
        pl.kernel,
        mesh=mesh,
        out_type=jax.ShapeDtypeStruct((4 * _N,), jnp.float32),
        scratch_types=[
            pltpu.VMEM((2, _B, _XR_CH, 1024), jnp.float32),
            pltpu.VMEM((_WORDS_CH,), jnp.float32),
            pltpu.VMEM((_WORDS_CH,), jnp.float32),
            pltpu.SemaphoreType.DMA,
            pltpu.SemaphoreType.DMA,
        ],
        compiler_params=_TC_PARAMS,
    )
    def k(x_hbm, tab_hbm, in_v, row_v0, row_v1, sem_g, sem_s):
        wid = lax.axis_index("s") * _NC + lax.axis_index("c")
        xr0 = wid * _XROWS_W
        w0 = wid * _WORDS_W
        iota = lax.iota(jnp.int32, 16)
        wpat = (lax.shift_right_logical(iota, 2) * 16
                + lax.shift_left(iota & 3, 2))
        row_v = (row_v0, row_v1)

        def loads(c, par):
            return [
                pltpu.make_async_copy(
                    x_hbm.at[b].at[pl.ds(xr0 + c * _XR_CH, _XR_CH)],
                    in_v.at[par].at[b], sem_g)
                for b in range(_B)
            ]

        def store(c, par):
            return pltpu.make_async_copy(
                row_v[par],
                tab_hbm.at[pl.ds(w0 + c * _WORDS_CH, _WORDS_CH)], sem_s)

        def interleave(par):
            for b in range(_B):
                @plsc.parallel_loop(0, _XR_CH * 64, unroll=8)
                def _(g2):
                    i = lax.shift_right_logical(g2, 6)
                    g = g2 & 63
                    vals = in_v[par, b, i, pl.ds(g * 16, 16)]
                    plsc.store_scatter(
                        row_v[par],
                        [i * 4096 + b + g * 64 + wpat], vals)

        for cp in loads(0, 0):
            cp.start()

        @pl.loop(0, _NCHS // 2)
        def _(jj):
            for p in (0, 1):
                c = 2 * jj + p
                for cp in loads(c, p):
                    cp.wait()

                @pl.when(c + 1 < _NCHS)
                def _():
                    for cp in loads(c + 1, 1 - p):
                        cp.start()

                @pl.when(c >= 2)
                def _():
                    store(c - 2, p).wait()

                interleave(p)
                store(c, p).start()

        for c in (_NCHS - 2, _NCHS - 1):
            store(c, c % 2).wait()

    return k(x)


def _gather(table, perm):
    mesh = plsc.VectorSubcoreMesh(core_axis_name="c", subcore_axis_name="s")

    @functools.partial(
        pl.kernel,
        mesh=mesh,
        out_type=jax.ShapeDtypeStruct((_B, _N), jnp.float32),
        scratch_types=[
            pltpu.VMEM((4, _CH), jnp.int32),
            pltpu.VMEM((4, _CH), jnp.int32),
            pltpu.VMEM((4, _CH, 16), jnp.float32),
            pltpu.VMEM((2, _B, _CH), jnp.float32),
            pltpu.SemaphoreType.DMA,
            pltpu.SemaphoreType.DMA,
            pltpu.SemaphoreType.DMA,
        ],
        compiler_params=_SC_PARAMS,
    )
    def k(table_hbm, perm_hbm, out_hbm, pidx_v, gidx_v, val_v, outb_v,
          sem_g, sem_s, sem_p):
        wid = lax.axis_index("s") * _NC + lax.axis_index("c")
        w_base = wid * _PER_W
        iota = lax.iota(jnp.int32, 16)

        def base(c):
            return w_base + c * _CH

        def load_perm(c, par):
            return pltpu.make_async_copy(perm_hbm.at[pl.ds(base(c), _CH)],
                                         pidx_v.at[par], sem_p)

        def compute_gidx(par):
            @plsc.parallel_loop(0, _G, unroll=8)
            def _(g):
                s = g * 16
                pvec = pidx_v[par, pl.ds(s, 16)]
                gidx_v[par, pl.ds(s, 16)] = lax.shift_right_logical(pvec, 2)

        def gather(par):
            return pltpu.make_async_copy(table_hbm.at[gidx_v.at[par]],
                                         val_v.at[par], sem_g)

        def extract(par4, par2):
            @plsc.parallel_loop(0, _G, unroll=4)
            def _(g):
                s = g * 16
                pvec = pidx_v[par4, pl.ds(s, 16)]
                col0 = lax.shift_left(pvec & 3, 2)
                rows = s + iota
                for b in range(_B):
                    outb_v[par2, b, pl.ds(s, 16)] = plsc.load_gather(
                        val_v.at[par4], [rows, col0 + b])

        def scatter(c, par2, b):
            return pltpu.make_async_copy(
                outb_v.at[par2].at[b],
                out_hbm.at[b].at[pl.ds(base(c), _CH)], sem_s)

        for c0 in range(4):
            load_perm(c0, c0).start()
        for c0 in range(2):
            load_perm(c0, c0).wait()
            compute_gidx(c0)
            gather(c0).start()

        @pl.loop(0, _NCH // 4)
        def _(j):
            for p in (0, 1, 2, 3):
                c = 4 * j + p
                p2 = (p + 2) % 4

                @pl.when(c + 2 < _NCH)
                def _():
                    load_perm(c + 2, p2).wait()

                compute_gidx(p2)

                @pl.when(c + 2 < _NCH)
                def _():
                    gather(p2).start()

                gather(p).wait()

                @pl.when(c >= 2)
                def _():
                    for b in range(_B):
                        scatter(c - 2, p % 2, b).wait()

                extract(p, p % 2)
                for b in range(_B):
                    scatter(c, p % 2, b).start()

                @pl.when(c + 4 < _NCH)
                def _():
                    load_perm(c + 4, p).start()

        for c in (_NCH - 2, _NCH - 1):
            for b in range(_B):
                scatter(c, c % 2, b).wait()

    return k(table, perm)


def kernel(x, perm):
    bsz = x.shape[0]
    dims = x.shape[1:]
    table = _build_table(x).reshape(_R, 16)
    out = _gather(table, perm)
    return out.reshape((bsz,) + dims)

# --- scband reference (transcript-rebuilt; emitter-appended) ---
"""Pipeline reference for scband-parameter-shuffle-65481071408045 (READ-ONLY COPY).

The authoritative reference and input builder live on the scoring server;
editing this copy changes nothing except your own understanding.
"""

import jax, jax.numpy as jnp
import numpy as np

def setup_inputs(seed: int = 0) -> dict:
    key = jax.random.key(seed)
    kx, kp = jax.random.split(key)
    x = jax.random.normal(kx, (4, 8192, 1024), dtype=jnp.float32)
    n = 8192 * 1024
    # Deterministic stand-in for torch.randperm inside forward (p=1.0 => always shuffle)
    perm = jax.random.permutation(kp, n).astype(jnp.int32)
    return {"x": x, "perm": perm}

def reference(x, perm):
    batch_size = x.shape[0]
    dims = x.shape[1:]
    flat = x.reshape(batch_size, -1)
    shuffled = jnp.take(flat, perm, axis=1)
    return shuffled.reshape((batch_size,) + dims)

if __name__ == "__main__":
    import jax
    _d = setup_inputs()
    print(jax.jit(kernel)(*tuple(_d.values())))

</pallas_src>

<mosaic_0001>
#map = affine_map<(d0, d1) -> (0, 0)>
#map1 = affine_map<(d0, d1) -> (0)>
module attributes {stable_mosaic.version = 14 : i64} {
  func.func @k(%arg0: i32, %arg1: i32, %arg2: memref<2097152x16xf32, #tpu.memory_space<hbm>>, %arg3: memref<8388608xi32, #tpu.memory_space<hbm>>, %arg4: memref<4x8388608xf32, #tpu.memory_space<hbm>>, %arg5: memref<4x1024xi32, #tpu.memory_space<vmem>>, %arg6: memref<4x1024xi32, #tpu.memory_space<vmem>>, %arg7: memref<4x1024x16xf32, #tpu.memory_space<vmem>>, %arg8: memref<2x4x1024xf32, #tpu.memory_space<vmem>>, %arg9: memref<!tpu.dma_semaphore, #tpu.memory_space<semaphore_mem>>, %arg10: memref<!tpu.dma_semaphore, #tpu.memory_space<semaphore_mem>>, %arg11: memref<!tpu.dma_semaphore, #tpu.memory_space<semaphore_mem>>) attributes {dimension_semantics = [#tpu.dimension_semantics<core_parallel>, #tpu.dimension_semantics<subcore_parallel>], iteration_bounds = array<i64: 2, 16>, scalar_prefetch = 0 : i64, scratch_operands = 7 : i64, tpu.core_type = #tpu.core_type<sc_vector_subcore>, window_params = [{transform_indices = #map}, {transform_indices = #map1}, {transform_indices = #map}]} {
    %mul3A = arith.constant 2 : i32
    %mul3A_0 = arith.muli %arg1, %mul3A : i32
    %add3A = arith.addi %mul3A_0, %arg0 : i32
    %mul3A_1 = arith.constant 262144 : i32
    %mul3A_2 = arith.muli %add3A, %mul3A_1 : i32
    %iota3A = tpu.iota {dimensions = array<i32: 0>} : vector<16xi32>
    %add3A_3 = arith.constant 0 : i32
    %add3A_4 = arith.addi %mul3A_2, %add3A_3 : i32
    %dma_start3A = arith.constant 0 : i32
    %dma_start3A_5 = arith.constant 0 : i32
    %dma_start3A_6 = tpu.memref_slice %arg5[%dma_start3A, %dma_start3A_5] : memref<4x1024xi32, #tpu.memory_space<vmem>> -> memref<1x1024xi32, #tpu.memory_space<vmem>>
    %dma_start3A_7 = tpu.memref_squeeze %dma_start3A_6 : memref<1x1024xi32, #tpu.memory_space<vmem>> -> memref<1024xi32, #tpu.memory_space<vmem>>
    %dma_start3A_8 = tpu.memref_slice %arg3[%add3A_4] : memref<8388608xi32, #tpu.memory_space<hbm>> -> memref<1024xi32, #tpu.memory_space<hbm>>
    %dma_start3A_9 = arith.constant 0 : i32
    %dma_start3A_10 = tpu.memref_slice %arg5[%dma_start3A, %dma_start3A_9] : memref<4x1024xi32, #tpu.memory_space<vmem>> -> memref<1x1024xi32, #tpu.memory_space<vmem>>
    %dma_start3A_11 = tpu.memref_squeeze %dma_start3A_10 : memref<1x1024xi32, #tpu.memory_space<vmem>> -> memref<1024xi32, #tpu.memory_space<vmem>>
    %dma_start3A_12 = tpu.memref_slice %arg3[%add3A_4] : memref<8388608xi32, #tpu.memory_space<hbm>> -> memref<1024xi32, #tpu.memory_space<hbm>>
    tpu.enqueue_dma source(%dma_start3A_12 : memref<1024xi32, #tpu.memory_space<hbm>>) target(%dma_start3A_11 : memref<1024xi32, #tpu.memory_space<vmem>>) target_semaphore(%arg11 : memref<!tpu.dma_semaphore, #tpu.memory_space<semaphore_mem>>)
    %add3A_13 = arith.constant 1024 : i32
    %add3A_14 = arith.addi %mul3A_2, %add3A_13 : i32
    %dma_start3A_15 = arith.constant 1 : i32
    %dma_start3A_16 = arith.constant 0 : i32
    %dma_start3A_17 = tpu.memref_slice %arg5[%dma_start3A_15, %dma_start3A_16] : memref<4x1024xi32, #tpu.memory_space<vmem>> -> memref<1x1024xi32, #tpu.memory_space<vmem>>
    %dma_start3A_18 = tpu.memref_squeeze %dma_start3A_17 : memref<1x1024xi32, #tpu.memory_space<vmem>> -> memref<1024xi32, #tpu.memory_space<vmem>>
    %dma_start3A_19 = tpu.memref_slice %arg3[%add3A_14] : memref<8388608xi32, #tpu.memory_space<hbm>> -> memref<1024xi32, #tpu.memory_space<hbm>>
    %dma_start3A_20 = arith.constant 0 : i32
    %dma_start3A_21 = tpu.memref_slice %arg5[%dma_start3A_15, %dma_start3A_20] : memref<4x1024xi32, #tpu.memory_space<vmem>> -> memref<1x1024xi32, #tpu.memory_space<vmem>>
    %dma_start3A_22 = tpu.memref_squeeze %dma_start3A_21 : memref<1x1024xi32, #tpu.memory_space<vmem>> -> memref<1024xi32, #tpu.memory_space<vmem>>
    %dma_start3A_23 = tpu.memref_slice %arg3[%add3A_14] : memref<8388608xi32, #tpu.memory_space<hbm>> -> memref<1024xi32, #tpu.memory_space<hbm>>
    tpu.enqueue_dma source(%dma_start3A_23 : memref<1024xi32, #tpu.memory_space<hbm>>) target(%dma_start3A_22 : memref<1024xi32, #tpu.memory_space<vmem>>) target_semaphore(%arg11 : memref<!tpu.dma_semaphore, #tpu.memory_space<semaphore_mem>>)
    %add3A_24 = arith.constant 2048 : i32
    %add3A_25 = arith.addi %mul3A_2, %add3A_24 : i32
    %dma_start3A_26 = arith.constant 2 : i32
    %dma_start3A_27 = arith.constant 0 : i32
    %dma_start3A_28 = tpu.memref_slice %arg5[%dma_start3A_26, %dma_start3A_27] : memref<4x1024xi32, #tpu.memory_space<vmem>> -> memref<1x1024xi32, #tpu.memory_space<vmem>>
    %dma_start3A_29 = tpu.memref_squeeze %dma_start3A_28 : memref<1x1024xi32, #tpu.memory_space<vmem>> -> memref<1024xi32, #tpu.memory_space<vmem>>
    %dma_start3A_30 = tpu.memref_slice %arg3[%add3A_25] : memref<8388608xi32, #tpu.memory_space<hbm>> -> memref<1024xi32, #tpu.memory_space<hbm>>
    %dma_start3A_31 = arith.constant 0 : i32
    %dma_start3A_32 = tpu.memref_slice %arg5[%dma_start3A_26, %dma_start3A_31] : memref<4x1024xi32, #tpu.memory_space<vmem>> -> memref<1x1024xi32, #tpu.memory_space<vmem>>
    %dma_start3A_33 = tpu.memref_squeeze %dma_start3A_32 : memref<1x1024xi32, #tpu.memory_space<vmem>> -> memref<1024xi32, #tpu.memory_space<vmem>>
    %dma_start3A_34 = tpu.memref_slice %arg3[%add3A_25] : memref<8388608xi32, #tpu.memory_space<hbm>> -> memref<1024xi32, #tpu.memory_space<hbm>>
    tpu.enqueue_dma source(%dma_start3A_34 : memref<1024xi32, #tpu.memory_space<hbm>>) target(%dma_start3A_33 : memref<1024xi32, #tpu.memory_space<vmem>>) target_semaphore(%arg11 : memref<!tpu.dma_semaphore, #tpu.memory_space<semaphore_mem>>)
    %add3A_35 = arith.constant 3072 : i32
    %add3A_36 = arith.addi %mul3A_2, %add3A_35 : i32
    %dma_start3A_37 = arith.constant 3 : i32
    %dma_start3A_38 = arith.constant 0 : i32
    %dma_start3A_39 = tpu.memref_slice %arg5[%dma_start3A_37, %dma_start3A_38] : memref<4x1024xi32, #tpu.memory_space<vmem>> -> memref<1x1024xi32, #tpu.memory_space<vmem>>
    %dma_start3A_40 = tpu.memref_squeeze %dma_start3A_39 : memref<1x1024xi32, #tpu.memory_space<vmem>> -> memref<1024xi32, #tpu.memory_space<vmem>>
    %dma_start3A_41 = tpu.memref_slice %arg3[%add3A_36] : memref<8388608xi32, #tpu.memory_space<hbm>> -> memref<1024xi32, #tpu.memory_space<hbm>>
    %dma_start3A_42 = arith.constant 0 : i32
    %dma_start3A_43 = tpu.memref_slice %arg5[%dma_start3A_37, %dma_start3A_42] : memref<4x1024xi32, #tpu.memory_space<vmem>> -> memref<1x1024xi32, #tpu.memory_space<vmem>>
    %dma_start3A_44 = tpu.memref_squeeze %dma_start3A_43 : memref<1x1024xi32, #tpu.memory_space<vmem>> -> memref<1024xi32, #tpu.memory_space<vmem>>
    %dma_start3A_45 = tpu.memref_slice %arg3[%add3A_36] : memref<8388608xi32, #tpu.memory_space<hbm>> -> memref<1024xi32, #tpu.memory_space<hbm>>
    tpu.enqueue_dma source(%dma_start3A_45 : memref<1024xi32, #tpu.memory_space<hbm>>) target(%dma_start3A_44 : memref<1024xi32, #tpu.memory_space<vmem>>) target_semaphore(%arg11 : memref<!tpu.dma_semaphore, #tpu.memory_space<semaphore_mem>>)
    %add3A_46 = arith.constant 0 : i32
    %add3A_47 = arith.addi %mul3A_2, %add3A_46 : i32
    %dma_wait3A = arith.constant 0 : i32
    %dma_wait3A_48 = arith.constant 0 : i32
    %dma_wait3A_49 = tpu.memref_slice %arg5[%dma_wait3A, %dma_wait3A_48] : memref<4x1024xi32, #tpu.memory_space<vmem>> -> memref<1x1024xi32, #tpu.memory_space<vmem>>
    %dma_wait3A_50 = tpu.memref_squeeze %dma_wait3A_49 : memref<1x1024xi32, #tpu.memory_space<vmem>> -> memref<1024xi32, #tpu.memory_space<vmem>>
    %dma_wait3A_51 = tpu.memref_slice %arg3[%add3A_47] : memref<8388608xi32, #tpu.memory_space<hbm>> -> memref<1024xi32, #tpu.memory_space<hbm>>
    %dma_wait3A_52 = arith.constant 0 : i32
    %dma_wait3A_53 = tpu.memref_slice %arg5[%dma_wait3A, %dma_wait3A_52] : memref<4x1024xi32, #tpu.memory_space<vmem>> -> memref<1x1024xi32, #tpu.memory_space<vmem>>
    %dma_wait3A_54 = tpu.memref_squeeze %dma_wait3A_53 : memref<1x1024xi32, #tpu.memory_space<vmem>> -> memref<1024xi32, #tpu.memory_space<vmem>>
    %dma_wait3A_55 = tpu.memref_slice %arg3[%add3A_47] : memref<8388608xi32, #tpu.memory_space<hbm>> -> memref<1024xi32, #tpu.memory_space<hbm>>
    tpu.wait_dma2 semaphore(%arg11 : memref<!tpu.dma_semaphore, #tpu.memory_space<semaphore_mem>>) src(%dma_wait3A_55 : memref<1024xi32, #tpu.memory_space<hbm>>) dst(%dma_wait3A_54 : memref<1024xi32, #tpu.memory_space<vmem>>)
    %parallel_loop3A = arith.constant 0 : i32
    %parallel_loop3A_56 = arith.constant 64 : i32
    %parallel_loop3A_57 = arith.constant 1 : i32
    scf.for %parallel_loop3A_316 = %parallel_loop3A to %parallel_loop3A_56 step %parallel_loop3A_57  : i32 {
      %parallel_loop3A_317 = arith.constant 16 : i32
      %parallel_loop3A_318 = arith.muli %parallel_loop3A_316, %parallel_loop3A_317 : i32
      %parallel_loop3A_319 = arith.constant 0 : i32
      %parallel_loop3A_320 = arith.index_cast %parallel_loop3A_319 : i32 to index
      %parallel_loop3A_321 = arith.index_cast %parallel_loop3A_318 : i32 to index
      %parallel_loop3A_322 = tpu.vector_load %arg5[%parallel_loop3A_320, %parallel_loop3A_321] {strides = array<i32>} : memref<4x1024xi32, #tpu.memory_space<vmem>>, vector<16xi32>,
      %parallel_loop3A_323 = arith.constant 2 : i32
      %parallel_loop3A_324 = vector.broadcast %parallel_loop3A_323 : i32 to vector<16xi32>
      %parallel_loop3A_325 = arith.shrui %parallel_loop3A_322, %parallel_loop3A_324 : vector<16xi32>
      %parallel_loop3A_326 = arith.constant 0 : i32
      %parallel_loop3A_327 = arith.index_cast %parallel_loop3A_326 : i32 to index
      %parallel_loop3A_328 = arith.index_cast %parallel_loop3A_318 : i32 to index
      %parallel_loop3A_329 = tpu.vector_load %arg6[%parallel_loop3A_327, %parallel_loop3A_328] {strides = array<i32>} : memref<4x1024xi32, #tpu.memory_space<vmem>>, vector<16xi32>,
      tpu.vector_store %arg6[%parallel_loop3A_327, %parallel_loop3A_328], %parallel_loop3A_325 {strides = array<i32>} : memref<4x1024xi32, #tpu.memory_space<vmem>>, vector<16xi32>,
    } {sc.loop_unroll_factor = 8 : i64, sc.parallel_access}
    %dma_start3A_58 = arith.constant 0 : i32
    %dma_start3A_59 = arith.constant 0 : i32
    %dma_start3A_60 = arith.constant 0 : i32
    %dma_start3A_61 = arith.constant 0 : i32
    %dma_start3A_62 = tpu.memref_slice %arg7[%dma_start3A_59, %dma_start3A_60, %dma_start3A_61] : memref<4x1024x16xf32, #tpu.memory_space<vmem>> -> memref<1x1024x16xf32, #tpu.memory_space<vmem>>
    %dma_start3A_63 = tpu.memref_squeeze %dma_start3A_62 : memref<1x1024x16xf32, #tpu.memory_space<vmem>> -> memref<1024x16xf32, #tpu.memory_space<vmem>>
    %dma_start3A_64 = arith.constant 0 : i32
    %dma_start3A_65 = tpu.memref_slice %arg6[%dma_start3A_58, %dma_start3A_64] : memref<4x1024xi32, #tpu.memory_space<vmem>> -> memref<1x1024xi32, #tpu.memory_space<vmem>>
    %dma_start3A_66 = tpu.memref_squeeze %dma_start3A_65 : memref<1x1024xi32, #tpu.memory_space<vmem>> -> memref<1024xi32, #tpu.memory_space<vmem>>
    %dma_start3A_67 = arith.constant 0 : i32
    %dma_start3A_68 = arith.constant 0 : i32
    %dma_start3A_69 = tpu.memref_slice %arg2[%dma_start3A_67, %dma_start3A_68] : memref<2097152x16xf32, #tpu.memory_space<hbm>> -> memref<2097152x16xf32, #tpu.memory_space<hbm>>
    tpu.enqueue_indirect_dma source(%dma_start3A_69 : memref<2097152x16xf32, #tpu.memory_space<hbm>>) target(%dma_start3A_63 : memref<1024x16xf32, #tpu.memory_space<vmem>>) offsets(%dma_start3A_66 : memref<1024xi32, #tpu.memory_space<vmem>>) semaphore(%arg9 : memref<!tpu.dma_semaphore, #tpu.memory_space<semaphore_mem>>)
    %add3A_70 = arith.constant 1024 : i32
    %add3A_71 = arith.addi %mul3A_2, %add3A_70 : i32
    %dma_wait3A_72 = arith.constant 1 : i32
    %dma_wait3A_73 = arith.constant 0 : i32
    %dma_wait3A_74 = tpu.memref_slice %arg5[%dma_wait3A_72, %dma_wait3A_73] : memref<4x1024xi32, #tpu.memory_space<vmem>> -> memref<1x1024xi32, #tpu.memory_space<vmem>>
    %dma_wait3A_75 = tpu.memref_squeeze %dma_wait3A_74 : memref<1x1024xi32, #tpu.memory_space<vmem>> -> memref<1024xi32, #tpu.memory_space<vmem>>
    %dma_wait3A_76 = tpu.memref_slice %arg3[%add3A_71] : memref<8388608xi32, #tpu.memory_space<hbm>> -> memref<1024xi32, #tpu.memory_space<hbm>>
    %dma_wait3A_77 = arith.constant 0 : i32
    %dma_wait3A_78 = tpu.memref_slice %arg5[%dma_wait3A_72, %dma_wait3A_77] : memref<4x1024xi32, #tpu.memory_space<vmem>> -> memref<1x1024xi32, #tpu.memory_space<vmem>>
    %dma_wait3A_79 = tpu.memref_squeeze %dma_wait3A_78 : memref<1x1024xi32, #tpu.memory_space<vmem>> -> memref<1024xi32, #tpu.memory_space<vmem>>
    %dma_wait3A_80 = tpu.memref_slice %arg3[%add3A_71] : memref<8388608xi32, #tpu.memory_space<hbm>> -> memref<1024xi32, #tpu.memory_space<hbm>>
    tpu.wait_dma2 semaphore(%arg11 : memref<!tpu.dma_semaphore, #tpu.memory_space<semaphore_mem>>) src(%dma_wait3A_80 : memref<1024xi32, #tpu.memory_space<hbm>>) dst(%dma_wait3A_79 : memref<1024xi32, #tpu.memory_space<vmem>>)
    %parallel_loop3A_81 = arith.constant 0 : i32
    %parallel_loop3A_82 = arith.constant 64 : i32
    %parallel_loop3A_83 = arith.constant 1 : i32
    scf.for %parallel_loop3A_316 = %parallel_loop3A_81 to %parallel_loop3A_82 step %parallel_loop3A_83  : i32 {
      %parallel_loop3A_317 = arith.constant 16 : i32
      %parallel_loop3A_318 = arith.muli %parallel_loop3A_316, %parallel_loop3A_317 : i32
      %parallel_loop3A_319 = arith.constant 1 : i32
      %parallel_loop3A_320 = arith.index_cast %parallel_loop3A_319 : i32 to index
      %parallel_loop3A_321 = arith.index_cast %parallel_loop3A_318 : i32 to index
      %parallel_loop3A_322 = tpu.vector_load %arg5[%parallel_loop3A_320, %parallel_loop3A_321] {strides = array<i32>} : memref<4x1024xi32, #tpu.memory_space<vmem>>, vector<16xi32>,
      %parallel_loop3A_323 = arith.constant 2 : i32
      %parallel_loop3A_324 = vector.broadcast %parallel_loop3A_323 : i32 to vector<16xi32>
      %parallel_loop3A_325 = arith.shrui %parallel_loop3A_322, %parallel_loop3A_324 : vector<16xi32>
      %parallel_loop3A_326 = arith.constant 1 : i32
      %parallel_loop3A_327 = arith.index_cast %parallel_loop3A_326 : i32 to index
      %parallel_loop3A_328 = arith.index_cast %parallel_loop3A_318 : i32 to index
      %parallel_loop3A_329 = tpu.vector_load %arg6[%parallel_loop3A_327, %parallel_loop3A_328] {strides = array<i32>} : memref<4x1024xi32, #tpu.memory_space<vmem>>, vector<16xi32>,
      tpu.vector_store %arg6[%parallel_loop3A_327, %parallel_loop3A_328], %parallel_loop3A_325 {strides = array<i32>} : memref<4x1024xi32, #tpu.memory_space<vmem>>, vector<16xi32>,
    } {sc.loop_unroll_factor = 8 : i64, sc.parallel_access}
    %dma_start3A_84 = arith.constant 1 : i32
    %dma_start3A_85 = arith.constant 1 : i32
    %dma_start3A_86 = arith.constant 0 : i32
    %dma_start3A_87 = arith.constant 0 : i32
    %dma_start3A_88 = tpu.memref_slice %arg7[%dma_start3A_85, %dma_start3A_86, %dma_start3A_87] : memref<4x1024x16xf32, #tpu.memory_space<vmem>> -> memref<1x1024x16xf32, #tpu.memory_space<vmem>>
    %dma_start3A_89 = tpu.memref_squeeze %dma_start3A_88 : memref<1x1024x16xf32, #tpu.memory_space<vmem>> -> memref<1024x16xf32, #tpu.memory_space<vmem>>
    %dma_start3A_90 = arith.constant 0 : i32
    %dma_start3A_91 = tpu.memref_slice %arg6[%dma_start3A_84, %dma_start3A_90] : memref<4x1024xi32, #tpu.memory_space<vmem>> -> memref<1x1024xi32, #tpu.memory_space<vmem>>
    %dma_start3A_92 = tpu.memref_squeeze %dma_start3A_91 : memref<1x1024xi32, #tpu.memory_space<vmem>> -> memref<1024xi32, #tpu.memory_space<vmem>>
    %dma_start3A_93 = arith.constant 0 : i32
    %dma_start3A_94 = arith.constant 0 : i32
    %dma_start3A_95 = tpu.memref_slice %arg2[%dma_start3A_93, %dma_start3A_94] : memref<2097152x16xf32, #tpu.memory_space<hbm>> -> memref<2097152x16xf32, #tpu.memory_space<hbm>>
    tpu.enqueue_indirect_dma source(%dma_start3A_95 : memref<2097152x16xf32, #tpu.memory_space<hbm>>) target(%dma_start3A_89 : memref<1024x16xf32, #tpu.memory_space<vmem>>) offsets(%dma_start3A_92 : memref<1024xi32, #tpu.memory_space<vmem>>) semaphore(%arg9 : memref<!tpu.dma_semaphore, #tpu.memory_space<semaphore_mem>>)
    %scan3A = arith.constant 0 : i32
    %scan3A_96 = arith.constant 64 : i32
    %scan3A_97 = arith.addi %scan3A, %scan3A_96 : i32
    %scan3A_98 = arith.constant 1 : i32
    scf.for %scan3A_316 = %scan3A to %scan3A_97 step %scan3A_98  : i32 {
      %mul3A_317 = arith.constant 1 : i32
      %mul3A_318 = arith.muli %scan3A_316, %mul3A_317 : i32
      %add3A_319 = arith.constant 0 : i32
      %add3A_320 = arith.addi %add3A_319, %mul3A_318 : i32
      %mul3A_321 = arith.constant 4 : i32
      %mul3A_322 = arith.muli %mul3A_321, %add3A_320 : i32
      %add3A_323 = arith.constant 0 : i32
      %add3A_324 = arith.addi %mul3A_322, %add3A_323 : i32
      %add3A_325 = arith.constant 2 : i32
      %add3A_326 = arith.addi %add3A_324, %add3A_325 : i32
      %lt3A = arith.constant 256 : i32
      %lt3A_327 = arith.cmpi slt, %add3A_326, %lt3A : i32
      %convert_element_type3A = arith.extui %lt3A_327 : i1 to i32
      %cond3A = arith.constant 0 : i32
      %cond3A_328 = arith.cmpi ne, %convert_element_type3A, %cond3A : i32
      scf.if %cond3A_328 {
        %add3A_957 = arith.constant 2 : i32
        %add3A_958 = arith.addi %add3A_324, %add3A_957 : i32
        %mul3A_959 = arith.constant 1024 : i32
        %mul3A_960 = arith.muli %add3A_958, %mul3A_959 : i32
        %add3A_961 = arith.addi %mul3A_2, %mul3A_960 : i32
        %dma_wait3A_962 = arith.constant 2 : i32
        %dma_wait3A_963 = arith.constant 0 : i32
        %dma_wait3A_964 = tpu.memref_slice %arg5[%dma_wait3A_962, %dma_wait3A_963] : memref<4x1024xi32, #tpu.memory_space<vmem>> -> memref<1x1024xi32, #tpu.memory_space<vmem>>
        %dma_wait3A_965 = tpu.memref_squeeze %dma_wait3A_964 : memref<1x1024xi32, #tpu.memory_space<vmem>> -> memref<1024xi32, #tpu.memory_space<vmem>>
        %dma_wait3A_966 = tpu.memref_slice %arg3[%add3A_961] : memref<8388608xi32, #tpu.memory_space<hbm>> -> memref<1024xi32, #tpu.memory_space<hbm>>
        %dma_wait3A_967 = arith.constant 0 : i32
        %dma_wait3A_968 = tpu.memref_slice %arg5[%dma_wait3A_962, %dma_wait3A_967] : memref<4x1024xi32, #tpu.memory_space<vmem>> -> memref<1x1024xi32, #tpu.memory_space<vmem>>
        %dma_wait3A_969 = tpu.memref_squeeze %dma_wait3A_968 : memref<1x1024xi32, #tpu.memory_space<vmem>> -> memref<1024xi32, #tpu.memory_space<vmem>>
        %dma_wait3A_970 = tpu.memref_slice %arg3[%add3A_961] : memref<8388608xi32, #tpu.memory_space<hbm>> -> memref<1024xi32, #tpu.memory_space<hbm>>
        tpu.wait_dma2 semaphore(%arg11 : memref<!tpu.dma_semaphore, #tpu.memory_space<semaphore_mem>>) src(%dma_wait3A_970 : memref<1024xi32, #tpu.memory_space<hbm>>) dst(%dma_wait3A_969 : memref<1024xi32, #tpu.memory_space<vmem>>)
      } else {
      }
      %parallel_loop3A_329 = arith.constant 0 : i32
      %parallel_loop3A_330 = arith.constant 64 : i32
      %parallel_loop3A_331 = arith.constant 1 : i32
      scf.for %parallel_loop3A_957 = %parallel_loop3A_329 to %parallel_loop3A_330 step %parallel_loop3A_331  : i32 {
        %parallel_loop3A_958 = arith.constant 16 : i32
        %parallel_loop3A_959 = arith.muli %parallel_loop3A_957, %parallel_loop3A_958 : i32
        %parallel_loop3A_960 = arith.constant 2 : i32
        %parallel_loop3A_961 = arith.index_cast %parallel_loop3A_960 : i32 to index
        %parallel_loop3A_962 = arith.index_cast %parallel_loop3A_959 : i32 to index
        %parallel_loop3A_963 = tpu.vector_load %arg5[%parallel_loop3A_961, %parallel_loop3A_962] {strides = array<i32>} : memref<4x1024xi32, #tpu.memory_space<vmem>>, vector<16xi32>,
        %parallel_loop3A_964 = arith.constant 2 : i32
        %parallel_loop3A_965 = vector.broadcast %parallel_loop3A_964 : i32 to vector<16xi32>
        %parallel_loop3A_966 = arith.shrui %parallel_loop3A_963, %parallel_loop3A_965 : vector<16xi32>
        %parallel_loop3A_967 = arith.constant 2 : i32
        %parallel_loop3A_968 = arith.index_cast %parallel_loop3A_967 : i32 to index
        %parallel_loop3A_969 = arith.index_cast %parallel_loop3A_959 : i32 to index
        %parallel_loop3A_970 = tpu.vector_load %arg6[%parallel_loop3A_968, %parallel_loop3A_969] {strides = array<i32>} : memref<4x1024xi32, #tpu.memory_space<vmem>>, vector<16xi32>,
        tpu.vector_store %arg6[%parallel_loop3A_968, %parallel_loop3A_969], %parallel_loop3A_966 {strides = array<i32>} : memref<4x1024xi32, #tpu.memory_space<vmem>>, vector<16xi32>,
      } {sc.loop_unroll_factor = 8 : i64, sc.parallel_access}
      %add3A_332 = arith.constant 2 : i32
      %add3A_333 = arith.addi %add3A_324, %add3A_332 : i32
      %lt3A_334 = arith.constant 256 : i32
      %lt3A_335 = arith.cmpi slt, %add3A_333, %lt3A_334 : i32
      %convert_element_type3A_336 = arith.extui %lt3A_335 : i1 to i32
      %cond3A_337 = arith.constant 0 : i32
      %cond3A_338 = arith.cmpi ne, %convert_element_type3A_336, %cond3A_337 : i32
      scf.if %cond3A_338 {
        %dma_start3A_957 = arith.constant 2 : i32
        %dma_start3A_958 = arith.constant 2 : i32
        %dma_start3A_959 = arith.constant 0 : i32
        %dma_start3A_960 = arith.constant 0 : i32
        %dma_start3A_961 = tpu.memref_slice %arg7[%dma_start3A_958, %dma_start3A_959, %dma_start3A_960] : memref<4x1024x16xf32, #tpu.memory_space<vmem>> -> memref<1x1024x16xf32, #tpu.memory_space<vmem>>
        %dma_start3A_962 = tpu.memref_squeeze %dma_start3A_961 : memref<1x1024x16xf32, #tpu.memory_space<vmem>> -> memref<1024x16xf32, #tpu.memory_space<vmem>>
        %dma_start3A_963 = arith.constant 0 : i32
        %dma_start3A_964 = tpu.memref_slice %arg6[%dma_start3A_957, %dma_start3A_963] : memref<4x1024xi32, #tpu.memory_space<vmem>> -> memref<1x1024xi32, #tpu.memory_space<vmem>>
        %dma_start3A_965 = tpu.memref_squeeze %dma_start3A_964 : memref<1x1024xi32, #tpu.memory_space<vmem>> -> memref<1024xi32, #tpu.memory_space<vmem>>
        %dma_start3A_966 = arith.constant 0 : i32
        %dma_start3A_967 = arith.constant 0 : i32
        %dma_start3A_968 = tpu.memref_slice %arg2[%dma_start3A_966, %dma_start3A_967] : memref<2097152x16xf32, #tpu.memory_space<hbm>> -> memref<2097152x16xf32, #tpu.memory_space<hbm>>
        tpu.enqueue_indirect_dma source(%dma_start3A_968 : memref<2097152x16xf32, #tpu.memory_space<hbm>>) target(%dma_start3A_962 : memref<1024x16xf32, #tpu.memory_space<vmem>>) offsets(%dma_start3A_965 : memref<1024xi32, #tpu.memory_space<vmem>>) semaphore(%arg9 : memref<!tpu.dma_semaphore, #tpu.memory_space<semaphore_mem>>)
      } else {
      }
      %dma_wait3A_339 = arith.constant 0 : i32
      %dma_wait3A_340 = arith.constant 0 : i32
      %dma_wait3A_341 = arith.constant 0 : i32
      %dma_wait3A_342 = arith.constant 0 : i32
      %dma_wait3A_343 = tpu.memref_slice %arg7[%dma_wait3A_340, %dma_wait3A_341, %dma_wait3A_342] : memref<4x1024x16xf32, #tpu.memory_space<vmem>> -> memref<1x1024x16xf32, #tpu.memory_space<vmem>>
      %dma_wait3A_344 = tpu.memref_squeeze %dma_wait3A_343 : memref<1x1024x16xf32, #tpu.memory_space<vmem>> -> memref<1024x16xf32, #tpu.memory_space<vmem>>
      %dma_wait3A_345 = arith.constant 0 : i32
      %dma_wait3A_346 = tpu.memref_slice %arg6[%dma_wait3A_339, %dma_wait3A_345] : memref<4x1024xi32, #tpu.memory_space<vmem>> -> memref<1x1024xi32, #tpu.memory_space<vmem>>
      %dma_wait3A_347 = tpu.memref_squeeze %dma_wait3A_346 : memref<1x1024xi32, #tpu.memory_space<vmem>> -> memref<1024xi32, #tpu.memory_space<vmem>>
      %dma_wait3A_348 = arith.constant 0 : i32
      %dma_wait3A_349 = arith.constant 0 : i32
      %dma_wait3A_350 = tpu.memref_slice %arg2[%dma_wait3A_348, %dma_wait3A_349] : memref<2097152x16xf32, #tpu.memory_space<hbm>> -> memref<2097152x16xf32, #tpu.memory_space<hbm>>
      tpu.wait_indirect_dma semaphore(%arg9 : memref<!tpu.dma_semaphore, #tpu.memory_space<semaphore_mem>>) src(%dma_wait3A_350 : memref<2097152x16xf32, #tpu.memory_space<hbm>>) dst(%dma_wait3A_344 : memref<1024x16xf32, #tpu.memory_space<vmem>>)
      %ge3A = arith.constant 2 : i32
      %ge3A_351 = arith.cmpi sge, %add3A_324, %ge3A : i32
      %convert_element_type3A_352 = arith.extui %ge3A_351 : i1 to i32
      %cond3A_353 = arith.constant 0 : i32
      %cond3A_354 = arith.cmpi ne, %convert_element_type3A_352, %cond3A_353 : i32
      scf.if %cond3A_354 {
        %sub3A = arith.constant 2 : i32
        %sub3A_957 = arith.subi %add3A_324, %sub3A : i32
        %mul3A_958 = arith.constant 1024 : i32
        %mul3A_959 = arith.muli %sub3A_957, %mul3A_958 : i32
        %add3A_960 = arith.addi %mul3A_2, %mul3A_959 : i32
        %dma_wait3A_961 = arith.constant 0 : i32
        %dma_wait3A_962 = arith.constant 0 : i32
        %dma_wait3A_963 = arith.constant 0 : i32
        %dma_wait3A_964 = arith.constant 0 : i32
        %dma_wait3A_965 = arith.constant 0 : i32
        %dma_wait3A_966 = tpu.memref_slice %arg8[%dma_wait3A_961, %dma_wait3A_964, %dma_wait3A_965] : memref<2x4x1024xf32, #tpu.memory_space<vmem>> -> memref<1x4x1024xf32, #tpu.memory_space<vmem>>
        %dma_wait3A_967 = tpu.memref_squeeze %dma_wait3A_966 : memref<1x4x1024xf32, #tpu.memory_space<vmem>> -> memref<4x1024xf32, #tpu.memory_space<vmem>>
        %dma_wait3A_968 = arith.constant 0 : i32
        %dma_wait3A_969 = tpu.memref_slice %dma_wait3A_967[%dma_wait3A_962, %dma_wait3A_968] : memref<4x1024xf32, #tpu.memory_space<vmem>> -> memref<1x1024xf32, #tpu.memory_space<vmem>>
        %dma_wait3A_970 = tpu.memref_squeeze %dma_wait3A_969 : memref<1x1024xf32, #tpu.memory_space<vmem>> -> memref<1024xf32, #tpu.memory_space<vmem>>
        %dma_wait3A_971 = arith.constant 0 : i32
        %dma_wait3A_972 = tpu.memref_slice %arg4[%dma_wait3A_963, %dma_wait3A_971] : memref<4x8388608xf32, #tpu.memory_space<hbm>> -> memref<1x8388608xf32, #tpu.memory_space<hbm>>
        %dma_wait3A_973 = tpu.memref_squeeze %dma_wait3A_972 : memref<1x8388608xf32, #tpu.memory_space<hbm>> -> memref<8388608xf32, #tpu.memory_space<hbm>>
        %dma_wait3A_974 = tpu.memref_slice %dma_wait3A_973[%add3A_960] : memref<8388608xf32, #tpu.memory_space<hbm>> -> memref<1024xf32, #tpu.memory_space<hbm>>
        %dma_wait3A_975 = arith.constant 0 : i32
        %dma_wait3A_976 = tpu.memref_slice %arg4[%dma_wait3A_963, %dma_wait3A_975] : memref<4x8388608xf32, #tpu.memory_space<hbm>> -> memref<1x8388608xf32, #tpu.memory_space<hbm>>
        %dma_wait3A_977 = tpu.memref_squeeze %dma_wait3A_976 : memref<1x8388608xf32, #tpu.memory_space<hbm>> -> memref<8388608xf32, #tpu.memory_space<hbm>>
        %dma_wait3A_978 = tpu.memref_slice %dma_wait3A_977[%add3A_960] : memref<8388608xf32, #tpu.memory_space<hbm>> -> memref<1024xf32, #tpu.memory_space<hbm>>
        %dma_wait3A_979 = arith.constant 0 : i32
        %dma_wait3A_980 = arith.constant 0 : i32
        %dma_wait3A_981 = tpu.memref_slice %arg8[%dma_wait3A_961, %dma_wait3A_979, %dma_wait3A_980] : memref<2x4x1024xf32, #tpu.memory_space<vmem>> -> memref<1x4x1024xf32, #tpu.memory_space<vmem>>
        %dma_wait3A_982 = tpu.memref_squeeze %dma_wait3A_981 : memref<1x4x1024xf32, #tpu.memory_space<vmem>> -> memref<4x1024xf32, #tpu.memory_space<vmem>>
        %dma_wait3A_983 = arith.constant 0 : i32
        %dma_wait3A_984 = tpu.memref_slice %dma_wait3A_982[%dma_wait3A_962, %dma_wait3A_983] : memref<4x1024xf32, #tpu.memory_space<vmem>> -> memref<1x1024xf32, #tpu.memory_space<vmem>>
        %dma_wait3A_985 = tpu.memref_squeeze %dma_wait3A_984 : memref<1x1024xf32, #tpu.memory_space<vmem>> -> memref<1024xf32, #tpu.memory_space<vmem>>
        tpu.wait_dma2 semaphore(%arg10 : memref<!tpu.dma_semaphore, #tpu.memory_space<semaphore_mem>>) src(%dma_wait3A_985 : memref<1024xf32, #tpu.memory_space<vmem>>) dst(%dma_wait3A_978 : memref<1024xf32, #tpu.memory_space<hbm>>)
        %sub3A_986 = arith.constant 2 : i32
        %sub3A_987 = arith.subi %add3A_324, %sub3A_986 : i32
        %mul3A_988 = arith.constant 1024 : i32
        %mul3A_989 = arith.muli %sub3A_987, %mul3A_988 : i32
        %add3A_990 = arith.addi %mul3A_2, %mul3A_989 : i32
        %dma_wait3A_991 = arith.constant 0 : i32
        %dma_wait3A_992 = arith.constant 1 : i32
        %dma_wait3A_993 = arith.constant 1 : i32
        %dma_wait3A_994 = arith.constant 0 : i32
        %dma_wait3A_995 = arith.constant 0 : i32
        %dma_wait3A_996 = tpu.memref_slice %arg8[%dma_wait3A_991, %dma_wait3A_994, %dma_wait3A_995] : memref<2x4x1024xf32, #tpu.memory_space<vmem>> -> memref<1x4x1024xf32, #tpu.memory_space<vmem>>
        %dma_wait3A_997 = tpu.memref_squeeze %dma_wait3A_996 : memref<1x4x1024xf32, #tpu.memory_space<vmem>> -> memref<4x1024xf32, #tpu.memory_space<vmem>>
        %dma_wait3A_998 = arith.constant 0 : i32
        %dma_wait3A_999 = tpu.memref_slice %dma_wait3A_997[%dma_wait3A_992, %dma_wait3A_998] : memref<4x1024xf32, #tpu.memory_space<vmem>> -> memref<1x1024xf32, #tpu.memory_space<vmem>>
        %dma_wait3A_1000 = tpu.memref_squeeze %dma_wait3A_999 : memref<1x1024xf32, #tpu.memory_space<vmem>> -> memref<1024xf32, #tpu.memory_space<vmem>>
        %dma_wait3A_1001 = arith.constant 0 : i32
        %dma_wait3A_1002 = tpu.memref_slice %arg4[%dma_wait3A_993, %dma_wait3A_1001] : memref<4x8388608xf32, #tpu.memory_space<hbm>> -> memref<1x8388608xf32, #tpu.memory_space<hbm>>
        %dma_wait3A_1003 = tpu.memref_squeeze %dma_wait3A_1002 : memref<1x8388608xf32, #tpu.memory_space<hbm>> -> memref<8388608xf32, #tpu.memory_space<hbm>>
        %dma_wait3A_1004 = tpu.memref_slice %dma_wait3A_1003[%add3A_990] : memref<8388608xf32, #tpu.memory_space<hbm>> -> memref<1024xf32, #tpu.memory_space<hbm>>
        %dma_wait3A_1005 = arith.constant 0 : i32
        %dma_wait3A_1006 = tpu.memref_slice %arg4[%dma_wait3A_993, %dma_wait3A_1005] : memref<4x8388608xf32, #tpu.memory_space<hbm>> -> memref<1x8388608xf32, #tpu.memory_space<hbm>>
        %dma_wait3A_1007 = tpu.memref_squeeze %dma_wait3A_1006 : memref<1x8388608xf32, #tpu.memory_space<hbm>> -> memref<8388608xf32, #tpu.memory_space<hbm>>
        %dma_wait3A_1008 = tpu.memref_slice %dma_wait3A_1007[%add3A_990] : memref<8388608xf32, #tpu.memory_space<hbm>> -> memref<1024xf32, #tpu.memory_space<hbm>>
        %dma_wait3A_1009 = arith.constant 0 : i32
        %dma_wait3A_1010 = arith.constant 0 : i32
        %dma_wait3A_1011 = tpu.memref_slice %arg8[%dma_wait3A_991, %dma_wait3A_1009, %dma_wait3A_1010] : memref<2x4x1024xf32, #tpu.memory_space<vmem>> -> memref<1x4x1024xf32, #tpu.memory_space<vmem>>
        %dma_wait3A_1012 = tpu.memref_squeeze %dma_wait3A_1011 : memref<1x4x1024xf32, #tpu.memory_space<vmem>> -> memref<4x1024xf32, #tpu.memory_space<vmem>>
        %dma_wait3A_1013 = arith.constant 0 : i32
        %dma_wait3A_1014 = tpu.memref_slice %dma_wait3A_1012[%dma_wait3A_992, %dma_wait3A_1013] : memref<4x1024xf32, #tpu.memory_space<vmem>> -> memref<1x1024xf32, #tpu.memory_space<vmem>>
        %dma_wait3A_1015 = tpu.memref_squeeze %dma_wait3A_1014 : memref<1x1024xf32, #tpu.memory_space<vmem>> -> memref<1024xf32, #tpu.memory_space<vmem>>
        tpu.wait_dma2 semaphore(%arg10 : memref<!tpu.dma_semaphore, #tpu.memory_space<semaphore_mem>>) src(%dma_wait3A_1015 : memref<1024xf32, #tpu.memory_space<vmem>>) dst(%dma_wait3A_1008 : memref<1024xf32, #tpu.memory_space<hbm>>)
        %sub3A_1016 = arith.constant 2 : i32
        %sub3A_1017 = arith.subi %add3A_324, %sub3A_1016 : i32
        %mul3A_1018 = arith.constant 1024 : i32
        %mul3A_1019 = arith.muli %sub3A_1017, %mul3A_1018 : i32
        %add3A_1020 = arith.addi %mul3A_2, %mul3A_1019 : i32
        %dma_wait3A_1021 = arith.constant 0 : i32
        %dma_wait3A_1022 = arith.constant 2 : i32
        %dma_wait3A_1023 = arith.constant 2 : i32
        %dma_wait3A_1024 = arith.constant 0 : i32
        %dma_wait3A_1025 = arith.constant 0 : i32
        %dma_wait3A_1026 = tpu.memref_slice %arg8[%dma_wait3A_1021, %dma_wait3A_1024, %dma_wait3A_1025] : memref<2x4x1024xf32, #tpu.memory_space<vmem>> -> memref<1x4x1024xf32, #tpu.memory_space<vmem>>
        %dma_wait3A_1027 = tpu.memref_squeeze %dma_wait3A_1026 : memref<1x4x1024xf32, #tpu.memory_space<vmem>> -> memref<4x1024xf32, #tpu.memory_space<vmem>>
        %dma_wait3A_1028 = arith.constant 0 : i32
        %dma_wait3A_1029 = tpu.memref_slice %dma_wait3A_1027[%dma_wait3A_1022, %dma_wait3A_1028] : memref<4x1024xf32, #tpu.memory_space<vmem>> -> memref<1x1024xf32, #tpu.memory_space<vmem>>
        %dma_wait3A_1030 = tpu.memref_squeeze %dma_wait3A_1029 : memref<1x1024xf32, #tpu.memory_space<vmem>> -> memref<1024xf32, #tpu.memory_space<vmem>>
        %dma_wait3A_1031 = arith.constant 0 : i32
        %dma_wait3A_1032 = tpu.memref_slice %arg4[%dma_wait3A_1023, %dma_wait3A_1031] : memref<4x8388608xf32, #tpu.memory_space<hbm>> -> memref<1x8388608xf32, #tpu.memory_space<hbm>>
        %dma_wait3A_1033 = tpu.memref_squeeze %dma_wait3A_1032 : memref<1x8388608xf32, #tpu.memory_space<hbm>> -> memref<8388608xf32, #tpu.memory_space<hbm>>
        %dma_wait3A_1034 = tpu.memref_slice %dma_wait3A_1033[%add3A_1020] : memref<8388608xf32, #tpu.memory_space<hbm>> -> memref<1024xf32, #tpu.memory_space<hbm>>
        %dma_wait3A_1035 = arith.constant 0 : i32
        %dma_wait3A_1036 = tpu.memref_slice %arg4[%dma_wait3A_1023, %dma_wait3A_1035] : memref<4x8388608xf32, #tpu.memory_space<hbm>> -> memref<1x8388608xf32, #tpu.memory_space<hbm>>
        %dma_wait3A_1037 = tpu.memref_squeeze %dma_wait3A_1036 : memref<1x8388608xf32, #tpu.memory_space<hbm>> -> memref<8388608xf32, #tpu.memory_space<hbm>>
        %dma_wait3A_1038 = tpu.memref_slice %dma_wait3A_1037[%add3A_1020] : memref<8388608xf32, #tpu.memory_space<hbm>> -> memref<1024xf32, #tpu.memory_space<hbm>>
        %dma_wait3A_1039 = arith.constant 0 : i32
        %dma_wait3A_1040 = arith.constant 0 : i32
        %dma_wait3A_1041 = tpu.memref_slice %arg8[%dma_wait3A_1021, %dma_wait3A_1039, %dma_wait3A_1040] : memref<2x4x1024xf32, #tpu.memory_space<vmem>> -> memref<1x4x1024xf32, #tpu.memory_space<vmem>>
        %dma_wait3A_1042 = tpu.memref_squeeze %dma_wait3A_1041 : memref<1x4x1024xf32, #tpu.memory_space<vmem>> -> memref<4x1024xf32, #tpu.memory_space<vmem>>
        %dma_wait3A_1043 = arith.constant 0 : i32
        %dma_wait3A_1044 = tpu.memref_slice %dma_wait3A_1042[%dma_wait3A_1022, %dma_wait3A_1043] : memref<4x1024xf32, #tpu.memory_space<vmem>> -> memref<1x1024xf32, #tpu.memory_space<vmem>>
        %dma_wait3A_1045 = tpu.memref_squeeze %dma_wait3A_1044 : memref<1x1024xf32, #tpu.memory_space<vmem>> -> memref<1024xf32, #tpu.memory_space<vmem>>
        tpu.wait_dma2 semaphore(%arg10 : memref<!tpu.dma_semaphore, #tpu.memory_space<semaphore_mem>>) src(%dma_wait3A_1045 : memref<1024xf32, #tpu.memory_space<vmem>>) dst(%dma_wait3A_1038 : memref<1024xf32, #tpu.memory_space<hbm>>)
        %sub3A_1046 = arith.constant 2 : i32
        %sub3A_1047 = arith.subi %add3A_324, %sub3A_1046 : i32
        %mul3A_1048 = arith.constant 1024 : i32
        %mul3A_1049 = arith.muli %sub3A_1047, %mul3A_1048 : i32
        %add3A_1050 = arith.addi %mul3A_2, %mul3A_1049 : i32
        %dma_wait3A_1051 = arith.constant 0 : i32
        %dma_wait3A_1052 = arith.constant 3 : i32
        %dma_wait3A_1053 = arith.constant 3 : i32
        %dma_wait3A_1054 = arith.constant 0 : i32
        %dma_wait3A_1055 = arith.constant 0 : i32
        %dma_wait3A_1056 = tpu.memref_slice %arg8[%dma_wait3A_1051, %dma_wait3A_1054, %dma_wait3A_1055] : memref<2x4x1024xf32, #tpu.memory_space<vmem>> -> memref<1x4x1024xf32, #tpu.memory_space<vmem>>
        %dma_wait3A_1057 = tpu.memref_squeeze %dma_wait3A_1056 : memref<1x4x1024xf32, #tpu.memory_space<vmem>> -> memref<4x1024xf32, #tpu.memory_space<vmem>>
        %dma_wait3A_1058 = arith.constant 0 : i32
        %dma_wait3A_1059 = tpu.memref_slice %dma_wait3A_1057[%dma_wait3A_1052, %dma_wait3A_1058] : memref<4x1024xf32, #tpu.memory_space<vmem>> -> memref<1x1024xf32, #tpu.memory_space<vmem>>
        %dma_wait3A_1060 = tpu.memref_squeeze %dma_wait3A_1059 : memref<1x1024xf32, #tpu.memory_space<vmem>> -> memref<1024xf32, #tpu.memory_space<vmem>>
        %dma_wait3A_1061 = arith.constant 0 : i32
        %dma_wait3A_1062 = tpu.memref_slice %arg4[%dma_wait3A_1053, %dma_wait3A_1061] : memref<4x8388608xf32, #tpu.memory_space<hbm>> -> memref<1x8388608xf32, #tpu.memory_space<hbm>>
        %dma_wait3A_1063 = tpu.memref_squeeze %dma_wait3A_1062 : memref<1x8388608xf32, #tpu.memory_space<hbm>> -> memref<8388608xf32, #tpu.memory_space<hbm>>
        %dma_wait3A_1064 = tpu.memref_slice %dma_wait3A_1063[%add3A_1050] : memref<8388608xf32, #tpu.memory_space<hbm>> -> memref<1024xf32, #tpu.memory_space<hbm>>
        %dma_wait3A_1065 = arith.constant 0 : i32
        %dma_wait3A_1066 = tpu.memref_slice %arg4[%dma_wait3A_1053, %dma_wait3A_1065] : memref<4x8388608xf32, #tpu.memory_space<hbm>> -> memref<1x8388608xf32, #tpu.memory_space<hbm>>
        %dma_wait3A_1067 = tpu.memref_squeeze %dma_wait3A_1066 : memref<1x8388608xf32, #tpu.memory_space<hbm>> -> memref<8388608xf32, #tpu.memory_space<hbm>>
        %dma_wait3A_1068 = tpu.memref_slice %dma_wait3A_1067[%add3A_1050] : memref<8388608xf32, #tpu.memory_space<hbm>> -> memref<1024xf32, #tpu.memory_space<hbm>>
        %dma_wait3A_1069 = arith.constant 0 : i32
        %dma_wait3A_1070 = arith.constant 0 : i32
        %dma_wait3A_1071 = tpu.memref_slice %arg8[%dma_wait3A_1051, %dma_wait3A_1069, %dma_wait3A_1070] : memref<2x4x1024xf32, #tpu.memory_space<vmem>> -> memref<1x4x1024xf32, #tpu.memory_space<vmem>>
        %dma_wait3A_1072 = tpu.memref_squeeze %dma_wait3A_1071 : memref<1x4x1024xf32, #tpu.memory_space<vmem>> -> memref<4x1024xf32, #tpu.memory_space<vmem>>
        %dma_wait3A_1073 = arith.constant 0 : i32
        %dma_wait3A_1074 = tpu.memref_slice %dma_wait3A_1072[%dma_wait3A_1052, %dma_wait3A_1073] : memref<4x1024xf32, #tpu.memory_space<vmem>> -> memref<1x1024xf32, #tpu.memory_space<vmem>>
        %dma_wait3A_1075 = tpu.memref_squeeze %dma_wait3A_1074 : memref<1x1024xf32, #tpu.memory_space<vmem>> -> memref<1024xf32, #tpu.memory_space<vmem>>
        tpu.wait_dma2 semaphore(%arg10 : memref<!tpu.dma_semaphore, #tpu.memory_space<semaphore_mem>>) src(%dma_wait3A_1075 : memref<1024xf32, #tpu.memory_space<vmem>>) dst(%dma_wait3A_1068 : memref<1024xf32, #tpu.memory_space<hbm>>)
      } else {
      }
      %parallel_loop3A_355 = arith.constant 0 : i32
      %parallel_loop3A_356 = arith.constant 64 : i32
      %parallel_loop3A_357 = arith.constant 1 : i32
      scf.for %parallel_loop3A_957 = %parallel_loop3A_355 to %parallel_loop3A_356 step %parallel_loop3A_357  : i32 {
        %parallel_loop3A_958 = arith.constant 16 : i32
        %parallel_loop3A_959 = arith.muli %parallel_loop3A_957, %parallel_loop3A_958 : i32
        %parallel_loop3A_960 = arith.constant 0 : i32
        %parallel_loop3A_961 = arith.index_cast %parallel_loop3A_960 : i32 to index
        %parallel_loop3A_962 = arith.index_cast %parallel_loop3A_959 : i32 to index
        %parallel_loop3A_963 = tpu.vector_load %arg5[%parallel_loop3A_961, %parallel_loop3A_962] {strides = array<i32>} : memref<4x1024xi32, #tpu.memory_space<vmem>>, vector<16xi32>,
        %parallel_loop3A_964 = arith.constant 3 : i32
        %parallel_loop3A_965 = vector.broadcast %parallel_loop3A_964 : i32 to vector<16xi32>
        %parallel_loop3A_966 = arith.andi %parallel_loop3A_963, %parallel_loop3A_965 : vector<16xi32>
        %parallel_loop3A_967 = arith.constant 2 : i32
        %parallel_loop3A_968 = vector.broadcast %parallel_loop3A_967 : i32 to vector<16xi32>
        %parallel_loop3A_969 = arith.shli %parallel_loop3A_966, %parallel_loop3A_968 : vector<16xi32>
        %parallel_loop3A_970 = vector.broadcast %parallel_loop3A_959 : i32 to vector<16xi32>
        %parallel_loop3A_971 = arith.addi %parallel_loop3A_970, %iota3A : vector<16xi32>
        %parallel_loop3A_972 = arith.constant 0 : i32
        %parallel_loop3A_973 = vector.broadcast %parallel_loop3A_972 : i32 to vector<16xi32>
        %parallel_loop3A_974 = arith.addi %parallel_loop3A_969, %parallel_loop3A_973 : vector<16xi32>
        %parallel_loop3A_975 = arith.constant 0 : i32
        %parallel_loop3A_976 = arith.constant 0 : i32
        %parallel_loop3A_977 = arith.constant 0 : i32
        %parallel_loop3A_978 = tpu.memref_slice %arg7[%parallel_loop3A_975, %parallel_loop3A_976, %parallel_loop3A_977] : memref<4x1024x16xf32, #tpu.memory_space<vmem>> -> memref<1x1024x16xf32, #tpu.memory_space<vmem>>
        %parallel_loop3A_979 = tpu.memref_squeeze %parallel_loop3A_978 : memref<1x1024x16xf32, #tpu.memory_space<vmem>> -> memref<1024x16xf32, #tpu.memory_space<vmem>>
        %parallel_loop3A_980 = tpu.vector_load_idx %parallel_loop3A_979[%parallel_loop3A_971, %parallel_loop3A_974] : memref<1024x16xf32, #tpu.memory_space<vmem>>[vector<16xi32>, vector<16xi32>], vector<16xf32>,
        %parallel_loop3A_981 = arith.constant 0 : i32
        %parallel_loop3A_982 = arith.constant 0 : i32
        %parallel_loop3A_983 = arith.index_cast %parallel_loop3A_981 : i32 to index
        %parallel_loop3A_984 = arith.index_cast %parallel_loop3A_982 : i32 to index
        %parallel_loop3A_985 = arith.index_cast %parallel_loop3A_959 : i32 to index
        %parallel_loop3A_986 = tpu.vector_load %arg8[%parallel_loop3A_983, %parallel_loop3A_984, %parallel_loop3A_985] {strides = array<i32>} : memref<2x4x1024xf32, #tpu.memory_space<vmem>>, vector<16xf32>,
        tpu.vector_store %arg8[%parallel_loop3A_983, %parallel_loop3A_984, %parallel_loop3A_985], %parallel_loop3A_980 {strides = array<i32>} : memref<2x4x1024xf32, #tpu.memory_space<vmem>>, vector<16xf32>,
        %parallel_loop3A_987 = arith.constant 1 : i32
        %parallel_loop3A_988 = vector.broadcast %parallel_loop3A_987 : i32 to vector<16xi32>
        %parallel_loop3A_989 = arith.addi %parallel_loop3A_969, %parallel_loop3A_988 : vector<16xi32>
        %parallel_loop3A_990 = arith.constant 0 : i32
        %parallel_loop3A_991 = arith.constant 0 : i32
        %parallel_loop3A_992 = arith.constant 0 : i32
        %parallel_loop3A_993 = tpu.memref_slice %arg7[%parallel_loop3A_990, %parallel_loop3A_991, %parallel_loop3A_992] : memref<4x1024x16xf32, #tpu.memory_space<vmem>> -> memref<1x1024x16xf32, #tpu.memory_space<vmem>>
        %parallel_loop3A_994 = tpu.memref_squeeze %parallel_loop3A_993 : memref<1x1024x16xf32, #tpu.memory_space<vmem>> -> memref<1024x16xf32, #tpu.memory_space<vmem>>
        %parallel_loop3A_995 = tpu.vector_load_idx %parallel_loop3A_994[%parallel_loop3A_971, %parallel_loop3A_989] : memref<1024x16xf32, #tpu.memory_space<vmem>>[vector<16xi32>, vector<16xi32>], vector<16xf32>,
        %parallel_loop3A_996 = arith.constant 0 : i32
        %parallel_loop3A_997 = arith.constant 1 : i32
        %parallel_loop3A_998 = arith.index_cast %parallel_loop3A_996 : i32 to index
        %parallel_loop3A_999 = arith.index_cast %parallel_loop3A_997 : i32 to index
        %parallel_loop3A_1000 = arith.index_cast %parallel_loop3A_959 : i32 to index
        %parallel_loop3A_1001 = tpu.vector_load %arg8[%parallel_loop3A_998, %parallel_loop3A_999, %parallel_loop3A_1000] {strides = array<i32>} : memref<2x4x1024xf32, #tpu.memory_space<vmem>>, vector<16xf32>,
        tpu.vector_store %arg8[%parallel_loop3A_998, %parallel_loop3A_999, %parallel_loop3A_1000], %parallel_loop3A_995 {strides = array<i32>} : memref<2x4x1024xf32, #tpu.memory_space<vmem>>, vector<16xf32>,
        %parallel_loop3A_1002 = arith.constant 2 : i32
        %parallel_loop3A_1003 = vector.broadcast %parallel_loop3A_1002 : i32 to vector<16xi32>
        %parallel_loop3A_1004 = arith.addi %parallel_loop3A_969, %parallel_loop3A_1003 : vector<16xi32>
        %parallel_loop3A_1005 = arith.constant 0 : i32
        %parallel_loop3A_1006 = arith.constant 0 : i32
        %parallel_loop3A_1007 = arith.constant 0 : i32
        %parallel_loop3A_1008 = tpu.memref_slice %arg7[%parallel_loop3A_1005, %parallel_loop3A_1006, %parallel_loop3A_1007] : memref<4x1024x16xf32, #tpu.memory_space<vmem>> -> memref<1x1024x16xf32, #tpu.memory_space<vmem>>
        %parallel_loop3A_1009 = tpu.memref_squeeze %parallel_loop3A_1008 : memref<1x1024x16xf32, #tpu.memory_space<vmem>> -> memref<1024x16xf32, #tpu.memory_space<vmem>>
        %parallel_loop3A_1010 = tpu.vector_load_idx %parallel_loop3A_1009[%parallel_loop3A_971, %parallel_loop3A_1004] : memref<1024x16xf32, #tpu.memory_space<vmem>>[vector<16xi32>, vector<16xi32>], vector<16xf32>,
        %parallel_loop3A_1011 = arith.constant 0 : i32
        %parallel_loop3A_1012 = arith.constant 2 : i32
        %parallel_loop3A_1013 = arith.index_cast %parallel_loop3A_1011 : i32 to index
        %parallel_loop3A_1014 = arith.index_cast %parallel_loop3A_1012 : i32 to index
        %parallel_loop3A_1015 = arith.index_cast %parallel_loop3A_959 : i32 to index
        %parallel_loop3A_1016 = tpu.vector_load %arg8[%parallel_loop3A_1013, %parallel_loop3A_1014, %parallel_loop3A_1015] {strides = array<i32>} : memref<2x4x1024xf32, #tpu.memory_space<vmem>>, vector<16xf32>,
        tpu.vector_store %arg8[%parallel_loop3A_1013, %parallel_loop3A_1014, %parallel_loop3A_1015], %parallel_loop3A_1010 {strides = array<i32>} : memref<2x4x1024xf32, #tpu.memory_space<vmem>>, vector<16xf32>,
        %parallel_loop3A_1017 = arith.constant 3 : i32
        %parallel_loop3A_1018 = vector.broadcast %parallel_loop3A_1017 : i32 to vector<16xi32>
        %parallel_loop3A_1019 = arith.addi %parallel_loop3A_969, %parallel_loop3A_1018 : vector<16xi32>
        %parallel_loop3A_1020 = arith.constant 0 : i32
        %parallel_loop3A_1021 = arith.constant 0 : i32
        %parallel_loop3A_1022 = arith.constant 0 : i32
        %parallel_loop3A_1023 = tpu.memref_slice %arg7[%parallel_loop3A_1020, %parallel_loop3A_1021, %parallel_loop3A_1022] : memref<4x1024x16xf32, #tpu.memory_space<vmem>> -> memref<1x1024x16xf32, #tpu.memory_space<vmem>>
        %parallel_loop3A_1024 = tpu.memref_squeeze %parallel_loop3A_1023 : memref<1x1024x16xf32, #tpu.memory_space<vmem>> -> memref<1024x16xf32, #tpu.memory_space<vmem>>
        %parallel_loop3A_1025 = tpu.vector_load_idx %parallel_loop3A_1024[%parallel_loop3A_971, %parallel_loop3A_1019] : memref<1024x16xf32, #tpu.memory_space<vmem>>[vector<16xi32>, vector<16xi32>], vector<16xf32>,
        %parallel_loop3A_1026 = arith.constant 0 : i32
        %parallel_loop3A_1027 = arith.constant 3 : i32
        %parallel_loop3A_1028 = arith.index_cast %parallel_loop3A_1026 : i32 to index
        %parallel_loop3A_1029 = arith.index_cast %parallel_loop3A_1027 : i32 to index
        %parallel_loop3A_1030 = arith.index_cast %parallel_loop3A_959 : i32 to index
        %parallel_loop3A_1031 = tpu.vector_load %arg8[%parallel_loop3A_1028, %parallel_loop3A_1029, %parallel_loop3A_1030] {strides = array<i32>} : memref<2x4x1024xf32, #tpu.memory_space<vmem>>, vector<16xf32>,
        tpu.vector_store %arg8[%parallel_loop3A_1028, %parallel_loop3A_1029, %parallel_loop3A_1030], %parallel_loop3A_1025 {strides = array<i32>} : memref<2x4x1024xf32, #tpu.memory_space<vmem>>, vector<16xf32>,
      } {sc.loop_unroll_factor = 4 : i64, sc.parallel_access}
      %mul3A_358 = arith.constant 1024 : i32
      %mul3A_359 = arith.muli %add3A_324, %mul3A_358 : i32
      %add3A_360 = arith.addi %mul3A_2, %mul3A_359 : i32
      %dma_start3A_361 = arith.constant 0 : i32
      %dma_start3A_362 = arith.constant 0 : i32
      %dma_start3A_363 = arith.constant 0 : i32
      %dma_start3A_364 = arith.constant 0 : i32
      %dma_start3A_365 = arith.constant 0 : i32
      %dma_start3A_366 = tpu.memref_slice %arg8[%dma_start3A_361, %dma_start3A_364, %dma_start3A_365] : memref<2x4x1024xf32, #tpu.memory_space<vmem>> -> memref<1x4x1024xf32, #tpu.memory_space<vmem>>
      %dma_start3A_367 = tpu.memref_squeeze %dma_start3A_366 : memref<1x4x1024xf32, #tpu.memory_space<vmem>> -> memref<4x1024xf32, #tpu.memory_space<vmem>>
      %dma_start3A_368 = arith.constant 0 : i32
      %dma_start3A_369 = tpu.memref_slice %dma_start3A_367[%dma_start3A_362, %dma_start3A_368] : memref<4x1024xf32, #tpu.memory_space<vmem>> -> memref<1x1024xf32, #tpu.memory_space<vmem>>
      %dma_start3A_370 = tpu.memref_squeeze %dma_start3A_369 : memref<1x1024xf32, #tpu.memory_space<vmem>> -> memref<1024xf32, #tpu.memory_space<vmem>>
      %dma_start3A_371 = arith.constant 0 : i32
      %dma_start3A_372 = tpu.memref_slice %arg4[%dma_start3A_363, %dma_start3A_371] : memref<4x8388608xf32, #tpu.memory_space<hbm>> -> memref<1x8388608xf32, #tpu.memory_space<hbm>>
      %dma_start3A_373 = tpu.memref_squeeze %dma_start3A_372 : memref<1x8388608xf32, #tpu.memory_space<hbm>> -> memref<8388608xf32, #tpu.memory_space<hbm>>
      %dma_start3A_374 = tpu.memref_slice %dma_start3A_373[%add3A_360] : memref<8388608xf32, #tpu.memory_space<hbm>> -> memref<1024xf32, #tpu.memory_space<hbm>>
      %dma_start3A_375 = arith.constant 0 : i32
      %dma_start3A_376 = tpu.memref_slice %arg4[%dma_start3A_363, %dma_start3A_375] : memref<4x8388608xf32, #tpu.memory_space<hbm>> -> memref<1x8388608xf32, #tpu.memory_space<hbm>>
      %dma_start3A_377 = tpu.memref_squeeze %dma_start3A_376 : memref<1x8388608xf32, #tpu.memory_space<hbm>> -> memref<8388608xf32, #tpu.memory_space<hbm>>
      %dma_start3A_378 = tpu.memref_slice %dma_start3A_377[%add3A_360] : memref<8388608xf32, #tpu.memory_space<hbm>> -> memref<1024xf32, #tpu.memory_space<hbm>>
      %dma_start3A_379 = arith.constant 0 : i32
      %dma_start3A_380 = arith.constant 0 : i32
      %dma_start3A_381 = tpu.memref_slice %arg8[%dma_start3A_361, %dma_start3A_379, %dma_start3A_380] : memref<2x4x1024xf32, #tpu.memory_space<vmem>> -> memref<1x4x1024xf32, #tpu.memory_space<vmem>>
      %dma_start3A_382 = tpu.memref_squeeze %dma_start3A_381 : memref<1x4x1024xf32, #tpu.memory_space<vmem>> -> memref<4x1024xf32, #tpu.memory_space<vmem>>
      %dma_start3A_383 = arith.constant 0 : i32
      %dma_start3A_384 = tpu.memref_slice %dma_start3A_382[%dma_start3A_362, %dma_start3A_383] : memref<4x1024xf32, #tpu.memory_space<vmem>> -> memref<1x1024xf32, #tpu.memory_space<vmem>>
      %dma_start3A_385 = tpu.memref_squeeze %dma_start3A_384 : memref<1x1024xf32, #tpu.memory_space<vmem>> -> memref<1024xf32, #tpu.memory_space<vmem>>
      tpu.enqueue_dma source(%dma_start3A_385 : memref<1024xf32, #tpu.memory_space<vmem>>) target(%dma_start3A_378 : memref<1024xf32, #tpu.memory_space<hbm>>) target_semaphore(%arg10 : memref<!tpu.dma_semaphore, #tpu.memory_space<semaphore_mem>>)
      %mul3A_386 = arith.constant 1024 : i32
      %mul3A_387 = arith.muli %add3A_324, %mul3A_386 : i32
      %add3A_388 = arith.addi %mul3A_2, %mul3A_387 : i32
      %dma_start3A_389 = arith.constant 0 : i32
      %dma_start3A_390 = arith.constant 1 : i32
      %dma_start3A_391 = arith.constant 1 : i32
      %dma_start3A_392 = arith.constant 0 : i32
      %dma_start3A_393 = arith.constant 0 : i32
      %dma_start3A_394 = tpu.memref_slice %arg8[%dma_start3A_389, %dma_start3A_392, %dma_start3A_393] : memref<2x4x1024xf32, #tpu.memory_space<vmem>> -> memref<1x4x1024xf32, #tpu.memory_space<vmem>>
      %dma_start3A_395 = tpu.memref_squeeze %dma_start3A_394 : memref<1x4x1024xf32, #tpu.memory_space<vmem>> -> memref<4x1024xf32, #tpu.memory_space<vmem>>
      %dma_start3A_396 = arith.constant 0 : i32
      %dma_start3A_397 = tpu.memref_slice %dma_start3A_395[%dma_start3A_390, %dma_start3A_396] : memref<4x1024xf32, #tpu.memory_space<vmem>> -> memref<1x1024xf32, #tpu.memory_space<vmem>>
      %dma_start3A_398 = tpu.memref_squeeze %dma_start3A_397 : memref<1x1024xf32, #tpu.memory_space<vmem>> -> memref<1024xf32, #tpu.memory_space<vmem>>
      %dma_start3A_399 = arith.constant 0 : i32
      %dma_start3A_400 = tpu.memref_slice %arg4[%dma_start3A_391, %dma_start3A_399] : memref<4x8388608xf32, #tpu.memory_space<hbm>> -> memref<1x8388608xf32, #tpu.memory_space<hbm>>
      %dma_start3A_401 = tpu.memref_squeeze %dma_start3A_400 : memref<1x8388608xf32, #tpu.memory_space<hbm>> -> memref<8388608xf32, #tpu.memory_space<hbm>>
      %dma_start3A_402 = tpu.memref_slice %dma_start3A_401[%add3A_388] : memref<8388608xf32, #tpu.memory_space<hbm>> -> memref<1024xf32, #tpu.memory_space<hbm>>
      %dma_start3A_403 = arith.constant 0 : i32
      %dma_start3A_404 = tpu.memref_slice %arg4[%dma_start3A_391, %dma_start3A_403] : memref<4x8388608xf32, #tpu.memory_space<hbm>> -> memref<1x8388608xf32, #tpu.memory_space<hbm>>
      %dma_start3A_405 = tpu.memref_squeeze %dma_start3A_404 : memref<1x8388608xf32, #tpu.memory_space<hbm>> -> memref<8388608xf32, #tpu.memory_space<hbm>>
      %dma_start3A_406 = tpu.memref_slice %dma_start3A_405[%add3A_388] : memref<8388608xf32, #tpu.memory_space<hbm>> -> memref<1024xf32, #tpu.memory_space<hbm>>
      %dma_start3A_407 = arith.constant 0 : i32
      %dma_start3A_408 = arith.constant 0 : i32
      %dma_start3A_409 = tpu.memref_slice %arg8[%dma_start3A_389, %dma_start3A_407, %dma_start3A_408] : memref<2x4x1024xf32, #tpu.memory_space<vmem>> -> memref<1x4x1024xf32, #tpu.memory_space<vmem>>
      %dma_start3A_410 = tpu.memref_squeeze %dma_start3A_409 : memref<1x4x1024xf32, #tpu.memory_space<vmem>> -> memref<4x1024xf32, #tpu.memory_space<vmem>>
      %dma_start3A_411 = arith.constant 0 : i32
      %dma_start3A_412 = tpu.memref_slice %dma_start3A_410[%dma_start3A_390, %dma_start3A_411] : memref<4x1024xf32, #tpu.memory_space<vmem>> -> memref<1x1024xf32, #tpu.memory_space<vmem>>
      %dma_start3A_413 = tpu.memref_squeeze %dma_start3A_412 : memref<1x1024xf32, #tpu.memory_space<vmem>> -> memref<1024xf32, #tpu.memory_space<vmem>>
      tpu.enqueue_dma source(%dma_start3A_413 : memref<1024xf32, #tpu.memory_space<vmem>>) target(%dma_start3A_406 : memref<1024xf32, #tpu.memory_space<hbm>>) target_semaphore(%arg10 : memref<!tpu.dma_semaphore, #tpu.memory_space<semaphore_mem>>)
      %mul3A_414 = arith.constant 1024 : i32
      %mul3A_415 = arith.muli %add3A_324, %mul3A_414 : i32
      %add3A_416 = arith.addi %mul3A_2, %mul3A_415 : i32
      %dma_start3A_417 = arith.constant 0 : i32
      %dma_start3A_418 = arith.constant 2 : i32
      %dma_start3A_419 = arith.constant 2 : i32
      %dma_start3A_420 = arith.constant 0 : i32
      %dma_start3A_421 = arith.constant 0 : i32
      %dma_start3A_422 = tpu.memref_slice %arg8[%dma_start3A_417, %dma_start3A_420, %dma_start3A_421] : memref<2x4x1024xf32, #tpu.memory_space<vmem>> -> memref<1x4x1024xf32, #tpu.memory_space<vmem>>
      %dma_start3A_423 = tpu.memref_squeeze %dma_start3A_422 : memref<1x4x1024xf32, #tpu.memory_space<vmem>> -> memref<4x1024xf32, #tpu.memory_space<vmem>>
      %dma_start3A_424 = arith.constant 0 : i32
      %dma_start3A_425 = tpu.memref_slice %dma_start3A_423[%dma_start3A_418, %dma_start3A_424] : memref<4x1024xf32, #tpu.memory_space<vmem>> -> memref<1x1024xf32, #tpu.memory_space<vmem>>
      %dma_start3A_426 = tpu.memref_squeeze %dma_start3A_425 : memref<1x1024xf32, #tpu.memory_space<vmem>> -> memref<1024xf32, #tpu.memory_space<vmem>>
      %dma_start3A_427 = arith.constant 0 : i32
      %dma_start3A_428 = tpu.memref_slice %arg4[%dma_start3A_419, %dma_start3A_427] : memref<4x8388608xf32, #tpu.memory_space<hbm>> -> memref<1x8388608xf32, #tpu.memory_space<hbm>>
      %dma_start3A_429 = tpu.memref_squeeze %dma_start3A_428 : memref<1x8388608xf32, #tpu.memory_space<hbm>> -> memref<8388608xf32, #tpu.memory_space<hbm>>
      %dma_start3A_430 = tpu.memref_slice %dma_start3A_429[%add3A_416] : memref<8388608xf32, #tpu.memory_space<hbm>> -> memref<1024xf32, #tpu.memory_space<hbm>>
      %dma_start3A_431 = arith.constant 0 : i32
      %dma_start3A_432 = tpu.memref_slice %arg4[%dma_start3A_419, %dma_start3A_431] : memref<4x8388608xf32, #tpu.memory_space<hbm>> -> memref<1x8388608xf32, #tpu.memory_space<hbm>>
      %dma_start3A_433 = tpu.memref_squeeze %dma_start3A_432 : memref<1x8388608xf32, #tpu.memory_space<hbm>> -> memref<8388608xf32, #tpu.memory_space<hbm>>
      %dma_start3A_434 = tpu.memref_slice %dma_start3A_433[%add3A_416] : memref<8388608xf32, #tpu.memory_space<hbm>> -> memref<1024xf32, #tpu.memory_space<hbm>>
      %dma_start3A_435 = arith.constant 0 : i32
      %dma_start3A_436 = arith.constant 0 : i32
      %dma_start3A_437 = tpu.memref_slice %arg8[%dma_start3A_417, %dma_start3A_435, %dma_start3A_436] : memref<2x4x1024xf32, #tpu.memory_space<vmem>> -> memref<1x4x1024xf32, #tpu.memory_space<vmem>>
      %dma_start3A_438 = tpu.memref_squeeze %dma_start3A_437 : memref<1x4x1024xf32, #tpu.memory_space<vmem>> -> memref<4x1024xf32, #tpu.memory_space<vmem>>
      %dma_start3A_439 = arith.constant 0 : i32
      %dma_start3A_440 = tpu.memref_slice %dma_start3A_438[%dma_start3A_418, %dma_start3A_439] : memref<4x1024xf32, #tpu.memory_space<vmem>> -> memref<1x1024xf32, #tpu.memory_space<vmem>>
      %dma_start3A_441 = tpu.memref_squeeze %dma_start3A_440 : memref<1x1024xf32, #tpu.memory_space<vmem>> -> memref<1024xf32, #tpu.memory_space<vmem>>
      tpu.enqueue_dma source(%dma_start3A_441 : memref<1024xf32, #tpu.memory_space<vmem>>) target(%dma_start3A_434 : memref<1024xf32, #tpu.memory_space<hbm>>) target_semaphore(%arg10 : memref<!tpu.dma_semaphore, #tpu.memory_space<semaphore_mem>>)
      %mul3A_442 = arith.constant 1024 : i32
      %mul3A_443 = arith.muli %add3A_324, %mul3A_442 : i32
      %add3A_444 = arith.addi %mul3A_2, %mul3A_443 : i32
      %dma_start3A_445 = arith.constant 0 : i32
      %dma_start3A_446 = arith.constant 3 : i32
      %dma_start3A_447 = arith.constant 3 : i32
      %dma_start3A_448 = arith.constant 0 : i32
      %dma_start3A_449 = arith.constant 0 : i32
      %dma_start3A_450 = tpu.memref_slice %arg8[%dma_start3A_445, %dma_start3A_448, %dma_start3A_449] : memref<2x4x1024xf32, #tpu.memory_space<vmem>> -> memref<1x4x1024xf32, #tpu.memory_space<vmem>>
      %dma_start3A_451 = tpu.memref_squeeze %dma_start3A_450 : memref<1x4x1024xf32, #tpu.memory_space<vmem>> -> memref<4x1024xf32, #tpu.memory_space<vmem>>
      %dma_start3A_452 = arith.constant 0 : i32
      %dma_start3A_453 = tpu.memref_slice %dma_start3A_451[%dma_start3A_446, %dma_start3A_452] : memref<4x1024xf32, #tpu.memory_space<vmem>> -> memref<1x1024xf32, #tpu.memory_space<vmem>>
      %dma_start3A_454 = tpu.memref_squeeze %dma_start3A_453 : memref<1x1024xf32, #tpu.memory_space<vmem>> -> memref<1024xf32, #tpu.memory_space<vmem>>
      %dma_start3A_455 = arith.constant 0 : i32
      %dma_start3A_456 = tpu.memref_slice %arg4[%dma_start3A_447, %dma_start3A_455] : memref<4x8388608xf32, #tpu.memory_space<hbm>> -> memref<1x8388608xf32, #tpu.memory_space<hbm>>
      %dma_start3A_457 = tpu.memref_squeeze %dma_start3A_456 : memref<1x8388608xf32, #tpu.memory_space<hbm>> -> memref<8388608xf32, #tpu.memory_space<hbm>>
      %dma_start3A_458 = tpu.memref_slice %dma_start3A_457[%add3A_444] : memref<8388608xf32, #tpu.memory_space<hbm>> -> memref<1024xf32, #tpu.memory_space<hbm>>
      %dma_start3A_459 = arith.constant 0 : i32
      %dma_start3A_460 = tpu.memref_slice %arg4[%dma_start3A_447, %dma_start3A_459] : memref<4x8388608xf32, #tpu.memory_space<hbm>> -> memref<1x8388608xf32, #tpu.memory_space<hbm>>
      %dma_start3A_461 = tpu.memref_squeeze %dma_start3A_460 : memref<1x8388608xf32, #tpu.memory_space<hbm>> -> memref<8388608xf32, #tpu.memory_space<hbm>>
      %dma_start3A_462 = tpu.memref_slice %dma_start3A_461[%add3A_444] : memref<8388608xf32, #tpu.memory_space<hbm>> -> memref<1024xf32, #tpu.memory_space<hbm>>
      %dma_start3A_463 = arith.constant 0 : i32
      %dma_start3A_464 = arith.constant 0 : i32
      %dma_start3A_465 = tpu.memref_slice %arg8[%dma_start3A_445, %dma_start3A_463, %dma_start3A_464] : memref<2x4x1024xf32, #tpu.memory_space<vmem>> -> memref<1x4x1024xf32, #tpu.memory_space<vmem>>
      %dma_start3A_466 = tpu.memref_squeeze %dma_start3A_465 : memref<1x4x1024xf32, #tpu.memory_space<vmem>> -> memref<4x1024xf32, #tpu.memory_space<vmem>>
      %dma_start3A_467 = arith.constant 0 : i32
      %dma_start3A_468 = tpu.memref_slice %dma_start3A_466[%dma_start3A_446, %dma_start3A_467] : memref<4x1024xf32, #tpu.memory_space<vmem>> -> memref<1x1024xf32, #tpu.memory_space<vmem>>
      %dma_start3A_469 = tpu.memref_squeeze %dma_start3A_468 : memref<1x1024xf32, #tpu.memory_space<vmem>> -> memref<1024xf32, #tpu.memory_space<vmem>>
      tpu.enqueue_dma source(%dma_start3A_469 : memref<1024xf32, #tpu.memory_space<vmem>>) target(%dma_start3A_462 : memref<1024xf32, #tpu.memory_space<hbm>>) target_semaphore(%arg10 : memref<!tpu.dma_semaphore, #tpu.memory_space<semaphore_mem>>)
      %add3A_470 = arith.constant 4 : i32
      %add3A_471 = arith.addi %add3A_324, %add3A_470 : i32
      %lt3A_472 = arith.constant 256 : i32
      %lt3A_473 = arith.cmpi slt, %add3A_471, %lt3A_472 : i32
      %convert_element_type3A_474 = arith.extui %lt3A_473 : i1 to i32
      %cond3A_475 = arith.constant 0 : i32
      %cond3A_476 = arith.cmpi ne, %convert_element_type3A_474, %cond3A_475 : i32
      scf.if %cond3A_476 {
        %add3A_957 = arith.constant 4 : i32
        %add3A_958 = arith.addi %add3A_324, %add3A_957 : i32
        %mul3A_959 = arith.constant 1024 : i32
        %mul3A_960 = arith.muli %add3A_958, %mul3A_959 : i32
        %add3A_961 = arith.addi %mul3A_2, %mul3A_960 : i32
        %dma_start3A_962 = arith.constant 0 : i32
        %dma_start3A_963 = arith.constant 0 : i32
        %dma_start3A_964 = tpu.memref_slice %arg5[%dma_start3A_962, %dma_start3A_963] : memref<4x1024xi32, #tpu.memory_space<vmem>> -> memref<1x1024xi32, #tpu.memory_space<vmem>>
        %dma_start3A_965 = tpu.memref_squeeze %dma_start3A_964 : memref<1x1024xi32, #tpu.memory_space<vmem>> -> memref<1024xi32, #tpu.memory_space<vmem>>
        %dma_start3A_966 = tpu.memref_slice %arg3[%add3A_961] : memref<8388608xi32, #tpu.memory_space<hbm>> -> memref<1024xi32, #tpu.memory_space<hbm>>
        %dma_start3A_967 = arith.constant 0 : i32
        %dma_start3A_968 = tpu.memref_slice %arg5[%dma_start3A_962, %dma_start3A_967] : memref<4x1024xi32, #tpu.memory_space<vmem>> -> memref<1x1024xi32, #tpu.memory_space<vmem>>
        %dma_start3A_969 = tpu.memref_squeeze %dma_start3A_968 : memref<1x1024xi32, #tpu.memory_space<vmem>> -> memref<1024xi32, #tpu.memory_space<vmem>>
        %dma_start3A_970 = tpu.memref_slice %arg3[%add3A_961] : memref<8388608xi32, #tpu.memory_space<hbm>> -> memref<1024xi32, #tpu.memory_space<hbm>>
        tpu.enqueue_dma source(%dma_start3A_970 : memref<1024xi32, #tpu.memory_space<hbm>>) target(%dma_start3A_969 : memref<1024xi32, #tpu.memory_space<vmem>>) target_semaphore(%arg11 : memref<!tpu.dma_semaphore, #tpu.memory_space<semaphore_mem>>)
      } else {
      }
      %mul3A_477 = arith.constant 4 : i32
      %mul3A_478 = arith.muli %mul3A_477, %add3A_320 : i32
      %add3A_479 = arith.constant 1 : i32
      %add3A_480 = arith.addi %mul3A_478, %add3A_479 : i32
      %add3A_481 = arith.constant 2 : i32
      %add3A_482 = arith.addi %add3A_480, %add3A_481 : i32
      %lt3A_483 = arith.constant 256 : i32
      %lt3A_484 = arith.cmpi slt, %add3A_482, %lt3A_483 : i32
      %convert_element_type3A_485 = arith.extui %lt3A_484 : i1 to i32
      %cond3A_486 = arith.constant 0 : i32
      %cond3A_487 = arith.cmpi ne, %convert_element_type3A_485, %cond3A_486 : i32
      scf.if %cond3A_487 {
        %add3A_957 = arith.constant 2 : i32
        %add3A_958 = arith.addi %add3A_480, %add3A_957 : i32
        %mul3A_959 = arith.constant 1024 : i32
        %mul3A_960 = arith.muli %add3A_958, %mul3A_959 : i32
        %add3A_961 = arith.addi %mul3A_2, %mul3A_960 : i32
        %dma_wait3A_962 = arith.constant 3 : i32
        %dma_wait3A_963 = arith.constant 0 : i32
        %dma_wait3A_964 = tpu.memref_slice %arg5[%dma_wait3A_962, %dma_wait3A_963] : memref<4x1024xi32, #tpu.memory_space<vmem>> -> memref<1x1024xi32, #tpu.memory_space<vmem>>
        %dma_wait3A_965 = tpu.memref_squeeze %dma_wait3A_964 : memref<1x1024xi32, #tpu.memory_space<vmem>> -> memref<1024xi32, #tpu.memory_space<vmem>>
        %dma_wait3A_966 = tpu.memref_slice %arg3[%add3A_961] : memref<8388608xi32, #tpu.memory_space<hbm>> -> memref<1024xi32, #tpu.memory_space<hbm>>
        %dma_wait3A_967 = arith.constant 0 : i32
        %dma_wait3A_968 = tpu.memref_slice %arg5[%dma_wait3A_962, %dma_wait3A_967] : memref<4x1024xi32, #tpu.memory_space<vmem>> -> memref<1x1024xi32, #tpu.memory_space<vmem>>
        %dma_wait3A_969 = tpu.memref_squeeze %dma_wait3A_968 : memref<1x1024xi32, #tpu.memory_space<vmem>> -> memref<1024xi32, #tpu.memory_space<vmem>>
        %dma_wait3A_970 = tpu.memref_slice %arg3[%add3A_961] : memref<8388608xi32, #tpu.memory_space<hbm>> -> memref<1024xi32, #tpu.memory_space<hbm>>
        tpu.wait_dma2 semaphore(%arg11 : memref<!tpu.dma_semaphore, #tpu.memory_space<semaphore_mem>>) src(%dma_wait3A_970 : memref<1024xi32, #tpu.memory_space<hbm>>) dst(%dma_wait3A_969 : memref<1024xi32, #tpu.memory_space<vmem>>)
      } else {
      }
      %parallel_loop3A_488 = arith.constant 0 : i32
      %parallel_loop3A_489 = arith.constant 64 : i32
      %parallel_loop3A_490 = arith.constant 1 : i32
      scf.for %parallel_loop3A_957 = %parallel_loop3A_488 to %parallel_loop3A_489 step %parallel_loop3A_490  : i32 {
        %parallel_loop3A_958 = arith.constant 16 : i32
        %parallel_loop3A_959 = arith.muli %parallel_loop3A_957, %parallel_loop3A_958 : i32
        %parallel_loop3A_960 = arith.constant 3 : i32
        %parallel_loop3A_961 = arith.index_cast %parallel_loop3A_960 : i32 to index
        %parallel_loop3A_962 = arith.index_cast %parallel_loop3A_959 : i32 to index
        %parallel_loop3A_963 = tpu.vector_load %arg5[%parallel_loop3A_961, %parallel_loop3A_962] {strides = array<i32>} : memref<4x1024xi32, #tpu.memory_space<vmem>>, vector<16xi32>,
        %parallel_loop3A_964 = arith.constant 2 : i32
        %parallel_loop3A_965 = vector.broadcast %parallel_loop3A_964 : i32 to vector<16xi32>
        %parallel_loop3A_966 = arith.shrui %parallel_loop3A_963, %parallel_loop3A_965 : vector<16xi32>
        %parallel_loop3A_967 = arith.constant 3 : i32
        %parallel_loop3A_968 = arith.index_cast %parallel_loop3A_967 : i32 to index
        %parallel_loop3A_969 = arith.index_cast %parallel_loop3A_959 : i32 to index
        %parallel_loop3A_970 = tpu.vector_load %arg6[%parallel_loop3A_968, %parallel_loop3A_969] {strides = array<i32>} : memref<4x1024xi32, #tpu.memory_space<vmem>>, vector<16xi32>,
        tpu.vector_store %arg6[%parallel_loop3A_968, %parallel_loop3A_969], %parallel_loop3A_966 {strides = array<i32>} : memref<4x1024xi32, #tpu.memory_space<vmem>>, vector<16xi32>,
      } {sc.loop_unroll_factor = 8 : i64, sc.parallel_access}
      %add3A_491 = arith.constant 2 : i32
      %add3A_492 = arith.addi %add3A_480, %add3A_491 : i32
      %lt3A_493 = arith.constant 256 : i32
      %lt3A_494 = arith.cmpi slt, %add3A_492, %lt3A_493 : i32
      %convert_element_type3A_495 = arith.extui %lt3A_494 : i1 to i32
      %cond3A_496 = arith.constant 0 : i32
      %cond3A_497 = arith.cmpi ne, %convert_element_type3A_495, %cond3A_496 : i32
      scf.if %cond3A_497 {
        %dma_start3A_957 = arith.constant 3 : i32
        %dma_start3A_958 = arith.constant 3 : i32
        %dma_start3A_959 = arith.constant 0 : i32
        %dma_start3A_960 = arith.constant 0 : i32
        %dma_start3A_961 = tpu.memref_slice %arg7[%dma_start3A_958, %dma_start3A_959, %dma_start3A_960] : memref<4x1024x16xf32, #tpu.memory_space<vmem>> -> memref<1x1024x16xf32, #tpu.memory_space<vmem>>
        %dma_start3A_962 = tpu.memref_squeeze %dma_start3A_961 : memref<1x1024x16xf32, #tpu.memory_space<vmem>> -> memref<1024x16xf32, #tpu.memory_space<vmem>>
        %dma_start3A_963 = arith.constant 0 : i32
        %dma_start3A_964 = tpu.memref_slice %arg6[%dma_start3A_957, %dma_start3A_963] : memref<4x1024xi32, #tpu.memory_space<vmem>> -> memref<1x1024xi32, #tpu.memory_space<vmem>>
        %dma_start3A_965 = tpu.memref_squeeze %dma_start3A_964 : memref<1x1024xi32, #tpu.memory_space<vmem>> -> memref<1024xi32, #tpu.memory_space<vmem>>
        %dma_start3A_966 = arith.constant 0 : i32
        %dma_start3A_967 = arith.constant 0 : i32
        %dma_start3A_968 = tpu.memref_slice %arg2[%dma_start3A_966, %dma_start3A_967] : memref<2097152x16xf32, #tpu.memory_space<hbm>> -> memref<2097152x16xf32, #tpu.memory_space<hbm>>
        tpu.enqueue_indirect_dma source(%dma_start3A_968 : memref<2097152x16xf32, #tpu.memory_space<hbm>>) target(%dma_start3A_962 : memref<1024x16xf32, #tpu.memory_space<vmem>>) offsets(%dma_start3A_965 : memref<1024xi32, #tpu.memory_space<vmem>>) semaphore(%arg9 : memref<!tpu.dma_semaphore, #tpu.memory_space<semaphore_mem>>)
      } else {
      }
      %dma_wait3A_498 = arith.constant 1 : i32
      %dma_wait3A_499 = arith.constant 1 : i32
      %dma_wait3A_500 = arith.constant 0 : i32
      %dma_wait3A_501 = arith.constant 0 : i32
      %dma_wait3A_502 = tpu.memref_slice %arg7[%dma_wait3A_499, %dma_wait3A_500, %dma_wait3A_501] : memref<4x1024x16xf32, #tpu.memory_space<vmem>> -> memref<1x1024x16xf32, #tpu.memory_space<vmem>>
      %dma_wait3A_503 = tpu.memref_squeeze %dma_wait3A_502 : memref<1x1024x16xf32, #tpu.memory_space<vmem>> -> memref<1024x16xf32, #tpu.memory_space<vmem>>
      %dma_wait3A_504 = arith.constant 0 : i32
      %dma_wait3A_505 = tpu.memref_slice %arg6[%dma_wait3A_498, %dma_wait3A_504] : memref<4x1024xi32, #tpu.memory_space<vmem>> -> memref<1x1024xi32, #tpu.memory_space<vmem>>
      %dma_wait3A_506 = tpu.memref_squeeze %dma_wait3A_505 : memref<1x1024xi32, #tpu.memory_space<vmem>> -> memref<1024xi32, #tpu.memory_space<vmem>>
      %dma_wait3A_507 = arith.constant 0 : i32
      %dma_wait3A_508 = arith.constant 0 : i32
      %dma_wait3A_509 = tpu.memref_slice %arg2[%dma_wait3A_507, %dma_wait3A_508] : memref<2097152x16xf32, #tpu.memory_space<hbm>> -> memref<2097152x16xf32, #tpu.memory_space<hbm>>
      tpu.wait_indirect_dma semaphore(%arg9 : memref<!tpu.dma_semaphore, #tpu.memory_space<semaphore_mem>>) src(%dma_wait3A_509 : memref<2097152x16xf32, #tpu.memory_space<hbm>>) dst(%dma_wait3A_503 : memref<1024x16xf32, #tpu.memory_space<vmem>>)
      %ge3A_510 = arith.constant 2 : i32
      %ge3A_511 = arith.cmpi sge, %add3A_480, %ge3A_510 : i32
      %convert_element_type3A_512 = arith.extui %ge3A_511 : i1 to i32
      %cond3A_513 = arith.constant 0 : i32
      %cond3A_514 = arith.cmpi ne, %convert_element_type3A_512, %cond3A_513 : i32
      scf.if %cond3A_514 {
        %sub3A = arith.constant 2 : i32
        %sub3A_957 = arith.subi %add3A_480, %sub3A : i32
        %mul3A_958 = arith.constant 1024 : i32
        %mul3A_959 = arith.muli %sub3A_957, %mul3A_958 : i32
        %add3A_960 = arith.addi %mul3A_2, %mul3A_959 : i32
        %dma_wait3A_961 = arith.constant 1 : i32
        %dma_wait3A_962 = arith.constant 0 : i32
        %dma_wait3A_963 = arith.constant 0 : i32
        %dma_wait3A_964 = arith.constant 0 : i32
        %dma_wait3A_965 = arith.constant 0 : i32
        %dma_wait3A_966 = tpu.memref_slice %arg8[%dma_wait3A_961, %dma_wait3A_964, %dma_wait3A_965] : memref<2x4x1024xf32, #tpu.memory_space<vmem>> -> memref<1x4x1024xf32, #tpu.memory_space<vmem>>
        %dma_wait3A_967 = tpu.memref_squeeze %dma_wait3A_966 : memref<1x4x1024xf32, #tpu.memory_space<vmem>> -> memref<4x1024xf32, #tpu.memory_space<vmem>>
        %dma_wait3A_968 = arith.constant 0 : i32
        %dma_wait3A_969 = tpu.memref_slice %dma_wait3A_967[%dma_wait3A_962, %dma_wait3A_968] : memref<4x1024xf32, #tpu.memory_space<vmem>> -> memref<1x1024xf32, #tpu.memory_space<vmem>>
        %dma_wait3A_970 = tpu.memref_squeeze %dma_wait3A_969 : memref<1x1024xf32, #tpu.memory_space<vmem>> -> memref<1024xf32, #tpu.memory_space<vmem>>
        %dma_wait3A_971 = arith.constant 0 : i32
        %dma_wait3A_972 = tpu.memref_slice %arg4[%dma_wait3A_963, %dma_wait3A_971] : memref<4x8388608xf32, #tpu.memory_space<hbm>> -> memref<1x8388608xf32, #tpu.memory_space<hbm>>
        %dma_wait3A_973 = tpu.memref_squeeze %dma_wait3A_972 : memref<1x8388608xf32, #tpu.memory_space<hbm>> -> memref<8388608xf32, #tpu.memory_space<hbm>>
        %dma_wait3A_974 = tpu.memref_slice %dma_wait3A_973[%add3A_960] : memref<8388608xf32, #tpu.memory_space<hbm>> -> memref<1024xf32, #tpu.memory_space<hbm>>
        %dma_wait3A_975 = arith.constant 0 : i32
        %dma_wait3A_976 = tpu.memref_slice %arg4[%dma_wait3A_963, %dma_wait3A_975] : memref<4x8388608xf32, #tpu.memory_space<hbm>> -> memref<1x8388608xf32, #tpu.memory_space<hbm>>
        %dma_wait3A_977 = tpu.memref_squeeze %dma_wait3A_976 : memref<1x8388608xf32, #tpu.memory_space<hbm>> -> memref<8388608xf32, #tpu.memory_space<hbm>>
        %dma_wait3A_978 = tpu.memref_slice %dma_wait3A_977[%add3A_960] : memref<8388608xf32, #tpu.memory_space<hbm>> -> memref<1024xf32, #tpu.memory_space<hbm>>
        %dma_wait3A_979 = arith.constant 0 : i32
        %dma_wait3A_980 = arith.constant 0 : i32
        %dma_wait3A_981 = tpu.memref_slice %arg8[%dma_wait3A_961, %dma_wait3A_979, %dma_wait3A_980] : memref<2x4x1024xf32, #tpu.memory_space<vmem>> -> memref<1x4x1024xf32, #tpu.memory_space<vmem>>
        %dma_wait3A_982 = tpu.memref_squeeze %dma_wait3A_981 : memref<1x4x1024xf32, #tpu.memory_space<vmem>> -> memref<4x1024xf32, #tpu.memory_space<vmem>>
        %dma_wait3A_983 = arith.constant 0 : i32
        %dma_wait3A_984 = tpu.memref_slice %dma_wait3A_982[%dma_wait3A_962, %dma_wait3A_983] : memref<4x1024xf32, #tpu.memory_space<vmem>> -> memref<1x1024xf32, #tpu.memory_space<vmem>>
        %dma_wait3A_985 = tpu.memref_squeeze %dma_wait3A_984 : memref<1x1024xf32, #tpu.memory_space<vmem>> -> memref<1024xf32, #tpu.memory_space<vmem>>
        tpu.wait_dma2 semaphore(%arg10 : memref<!tpu.dma_semaphore, #tpu.memory_space<semaphore_mem>>) src(%dma_wait3A_985 : memref<1024xf32, #tpu.memory_space<vmem>>) dst(%dma_wait3A_978 : memref<1024xf32, #tpu.memory_space<hbm>>)
        %sub3A_986 = arith.constant 2 : i32
        %sub3A_987 = arith.subi %add3A_480, %sub3A_986 : i32
        %mul3A_988 = arith.constant 1024 : i32
        %mul3A_989 = arith.muli %sub3A_987, %mul3A_988 : i32
        %add3A_990 = arith.addi %mul3A_2, %mul3A_989 : i32
        %dma_wait3A_991 = arith.constant 1 : i32
        %dma_wait3A_992 = arith.constant 1 : i32
        %dma_wait3A_993 = arith.constant 1 : i32
        %dma_wait3A_994 = arith.constant 0 : i32
        %dma_wait3A_995 = arith.constant 0 : i32
        %dma_wait3A_996 = tpu.memref_slice %arg8[%dma_wait3A_991, %dma_wait3A_994, %dma_wait3A_995] : memref<2x4x1024xf32, #tpu.memory_space<vmem>> -> memref<1x4x1024xf32, #tpu.memory_space<vmem>>
        %dma_wait3A_997 = tpu.memref_squeeze %dma_wait3A_996 : memref<1x4x1024xf32, #tpu.memory_space<vmem>> -> memref<4x1024xf32, #tpu.memory_space<vmem>>
        %dma_wait3A_998 = arith.constant 0 : i32
        %dma_wait3A_999 = tpu.memref_slice %dma_wait3A_997[%dma_wait3A_992, %dma_wait3A_998] : memref<4x1024xf32, #tpu.memory_space<vmem>> -> memref<1x1024xf32, #tpu.memory_space<vmem>>
        %dma_wait3A_1000 = tpu.memref_squeeze %dma_wait3A_999 : memref<1x1024xf32, #tpu.memory_space<vmem>> -> memref<1024xf32, #tpu.memory_space<vmem>>
        %dma_wait3A_1001 = arith.constant 0 : i32
        %dma_wait3A_1002 = tpu.memref_slice %arg4[%dma_wait3A_993, %dma_wait3A_1001] : memref<4x8388608xf32, #tpu.memory_space<hbm>> -> memref<1x8388608xf32, #tpu.memory_space<hbm>>
        %dma_wait3A_1003 = tpu.memref_squeeze %dma_wait3A_1002 : memref<1x8388608xf32, #tpu.memory_space<hbm>> -> memref<8388608xf32, #tpu.memory_space<hbm>>
        %dma_wait3A_1004 = tpu.memref_slice %dma_wait3A_1003[%add3A_990] : memref<8388608xf32, #tpu.memory_space<hbm>> -> memref<1024xf32, #tpu.memory_space<hbm>>
        %dma_wait3A_1005 = arith.constant 0 : i32
        %dma_wait3A_1006 = tpu.memref_slice %arg4[%dma_wait3A_993, %dma_wait3A_1005] : memref<4x8388608xf32, #tpu.memory_space<hbm>> -> memref<1x8388608xf32, #tpu.memory_space<hbm>>
        %dma_wait3A_1007 = tpu.memref_squeeze %dma_wait3A_1006 : memref<1x8388608xf32, #tpu.memory_space<hbm>> -> memref<8388608xf32, #tpu.memory_space<hbm>>
        %dma_wait3A_1008 = tpu.memref_slice %dma_wait3A_1007[%add3A_990] : memref<8388608xf32, #tpu.memory_space<hbm>> -> memref<1024xf32, #tpu.memory_space<hbm>>
        %dma_wait3A_1009 = arith.constant 0 : i32
        %dma_wait3A_1010 = arith.constant 0 : i32
        %dma_wait3A_1011 = tpu.memref_slice %arg8[%dma_wait3A_991, %dma_wait3A_1009, %dma_wait3A_1010] : memref<2x4x1024xf32, #tpu.memory_space<vmem>> -> memref<1x4x1024xf32, #tpu.memory_space<vmem>>
        %dma_wait3A_1012 = tpu.memref_squeeze %dma_wait3A_1011 : memref<1x4x1024xf32, #tpu.memory_space<vmem>> -> memref<4x1024xf32, #tpu.memory_space<vmem>>
        %dma_wait3A_1013 = arith.constant 0 : i32
        %dma_wait3A_1014 = tpu.memref_slice %dma_wait3A_1012[%dma_wait3A_992, %dma_wait3A_1013] : memref<4x1024xf32, #tpu.memory_space<vmem>> -> memref<1x1024xf32, #tpu.memory_space<vmem>>
        %dma_wait3A_1015 = tpu.memref_squeeze %dma_wait3A_1014 : memref<1x1024xf32, #tpu.memory_space<vmem>> -> memref<1024xf32, #tpu.memory_space<vmem>>
        tpu.wait_dma2 semaphore(%arg10 : memref<!tpu.dma_semaphore, #tpu.memory_space<semaphore_mem>>) src(%dma_wait3A_1015 : memref<1024xf32, #tpu.memory_space<vmem>>) dst(%dma_wait3A_1008 : memref<1024xf32, #tpu.memory_space<hbm>>)
        %sub3A_1016 = arith.constant 2 : i32
        %sub3A_1017 = arith.subi %add3A_480, %sub3A_1016 : i32
        %mul3A_1018 = arith.constant 1024 : i32
        %mul3A_1019 = arith.muli %sub3A_1017, %mul3A_1018 : i32
        %add3A_1020 = arith.addi %mul3A_2, %mul3A_1019 : i32
        %dma_wait3A_1021 = arith.constant 1 : i32
        %dma_wait3A_1022 = arith.constant 2 : i32
        %dma_wait3A_1023 = arith.constant 2 : i32
        %dma_wait3A_1024 = arith.constant 0 : i32
        %dma_wait3A_1025 = arith.constant 0 : i32
        %dma_wait3A_1026 = tpu.memref_slice %arg8[%dma_wait3A_1021, %dma_wait3A_1024, %dma_wait3A_1025] : memref<2x4x1024xf32, #tpu.memory_space<vmem>> -> memref<1x4x1024xf32, #tpu.memory_space<vmem>>
        %dma_wait3A_1027 = tpu.memref_squeeze %dma_wait3A_1026 : memref<1x4x1024xf32, #tpu.memory_space<vmem>> -> memref<4x1024xf32, #tpu.memory_space<vmem>>
        %dma_wait3A_1028 = arith.constant 0 : i32
        %dma_wait3A_1029 = tpu.memref_slice %dma_wait3A_1027[%dma_wait3A_1022, %dma_wait3A_1028] : memref<4x1024xf32, #tpu.memory_space<vmem>> -> memref<1x1024xf32, #tpu.memory_space<vmem>>
        %dma_wait3A_1030 = tpu.memref_squeeze %dma_wait3A_1029 : memref<1x1024xf32, #tpu.memory_space<vmem>> -> memref<1024xf32, #tpu.memory_space<vmem>>
        %dma_wait3A_1031 = arith.constant 0 : i32
        %dma_wait3A_1032 = tpu.memref_slice %arg4[%dma_wait3A_1023, %dma_wait3A_1031] : memref<4x8388608xf32, #tpu.memory_space<hbm>> -> memref<1x8388608xf32, #tpu.memory_space<hbm>>
        %dma_wait3A_1033 = tpu.memref_squeeze %dma_wait3A_1032 : memref<1x8388608xf32, #tpu.memory_space<hbm>> -> memref<8388608xf32, #tpu.memory_space<hbm>>
        %dma_wait3A_1034 = tpu.memref_slice %dma_wait3A_1033[%add3A_1020] : memref<8388608xf32, #tpu.memory_space<hbm>> -> memref<1024xf32, #tpu.memory_space<hbm>>
        %dma_wait3A_1035 = arith.constant 0 : i32
        %dma_wait3A_1036 = tpu.memref_slice %arg4[%dma_wait3A_1023, %dma_wait3A_1035] : memref<4x8388608xf32, #tpu.memory_space<hbm>> -> memref<1x8388608xf32, #tpu.memory_space<hbm>>
        %dma_wait3A_1037 = tpu.memref_squeeze %dma_wait3A_1036 : memref<1x8388608xf32, #tpu.memory_space<hbm>> -> memref<8388608xf32, #tpu.memory_space<hbm>>
        %dma_wait3A_1038 = tpu.memref_slice %dma_wait3A_1037[%add3A_1020] : memref<8388608xf32, #tpu.memory_space<hbm>> -> memref<1024xf32, #tpu.memory_space<hbm>>
        %dma_wait3A_1039 = arith.constant 0 : i32
        %dma_wait3A_1040 = arith.constant 0 : i32
        %dma_wait3A_1041 = tpu.memref_slice %arg8[%dma_wait3A_1021, %dma_wait3A_1039, %dma_wait3A_1040] : memref<2x4x1024xf32, #tpu.memory_space<vmem>> -> memref<1x4x1024xf32, #tpu.memory_space<vmem>>
        %dma_wait3A_1042 = tpu.memref_squeeze %dma_wait3A_1041 : memref<1x4x1024xf32, #tpu.memory_space<vmem>> -> memref<4x1024xf32, #tpu.memory_space<vmem>>
        %dma_wait3A_1043 = arith.constant 0 : i32
        %dma_wait3A_1044 = tpu.memref_slice %dma_wait3A_1042[%dma_wait3A_1022, %dma_wait3A_1043] : memref<4x1024xf32, #tpu.memory_space<vmem>> -> memref<1x1024xf32, #tpu.memory_space<vmem>>
        %dma_wait3A_1045 = tpu.memref_squeeze %dma_wait3A_1044 : memref<1x1024xf32, #tpu.memory_space<vmem>> -> memref<1024xf32, #tpu.memory_space<vmem>>
        tpu.wait_dma2 semaphore(%arg10 : memref<!tpu.dma_semaphore, #tpu.memory_space<semaphore_mem>>) src(%dma_wait3A_1045 : memref<1024xf32, #tpu.memory_space<vmem>>) dst(%dma_wait3A_1038 : memref<1024xf32, #tpu.memory_space<hbm>>)
        %sub3A_1046 = arith.constant 2 : i32
        %sub3A_1047 = arith.subi %add3A_480, %sub3A_1046 : i32
        %mul3A_1048 = arith.constant 1024 : i32
        %mul3A_1049 = arith.muli %sub3A_1047, %mul3A_1048 : i32
        %add3A_1050 = arith.addi %mul3A_2, %mul3A_1049 : i32
        %dma_wait3A_1051 = arith.constant 1 : i32
        %dma_wait3A_1052 = arith.constant 3 : i32
        %dma_wait3A_1053 = arith.constant 3 : i32
        %dma_wait3A_1054 = arith.constant 0 : i32
        %dma_wait3A_1055 = arith.constant 0 : i32
        %dma_wait3A_1056 = tpu.memref_slice %arg8[%dma_wait3A_1051, %dma_wait3A_1054, %dma_wait3A_1055] : memref<2x4x1024xf32, #tpu.memory_space<vmem>> -> memref<1x4x1024xf32, #tpu.memory_space<vmem>>
        %dma_wait3A_1057 = tpu.memref_squeeze %dma_wait3A_1056 : memref<1x4x1024xf32, #tpu.memory_space<vmem>> -> memref<4x1024xf32, #tpu.memory_space<vmem>>
        %dma_wait3A_1058 = arith.constant 0 : i32
        %dma_wait3A_1059 = tpu.memref_slice %dma_wait3A_1057[%dma_wait3A_1052, %dma_wait3A_1058] : memref<4x1024xf32, #tpu.memory_space<vmem>> -> memref<1x1024xf32, #tpu.memory_space<vmem>>
        %dma_wait3A_1060 = tpu.memref_squeeze %dma_wait3A_1059 : memref<1x1024xf32, #tpu.memory_space<vmem>> -> memref<1024xf32, #tpu.memory_space<vmem>>
        %dma_wait3A_1061 = arith.constant 0 : i32
        %dma_wait3A_1062 = tpu.memref_slice %arg4[%dma_wait3A_1053, %dma_wait3A_1061] : memref<4x8388608xf32, #tpu.memory_space<hbm>> -> memref<1x8388608xf32, #tpu.memory_space<hbm>>
        %dma_wait3A_1063 = tpu.memref_squeeze %dma_wait3A_1062 : memref<1x8388608xf32, #tpu.memory_space<hbm>> -> memref<8388608xf32, #tpu.memory_space<hbm>>
        %dma_wait3A_1064 = tpu.memref_slice %dma_wait3A_1063[%add3A_1050] : memref<8388608xf32, #tpu.memory_space<hbm>> -> memref<1024xf32, #tpu.memory_space<hbm>>
        %dma_wait3A_1065 = arith.constant 0 : i32
        %dma_wait3A_1066 = tpu.memref_slice %arg4[%dma_wait3A_1053, %dma_wait3A_1065] : memref<4x8388608xf32, #tpu.memory_space<hbm>> -> memref<1x8388608xf32, #tpu.memory_space<hbm>>
        %dma_wait3A_1067 = tpu.memref_squeeze %dma_wait3A_1066 : memref<1x8388608xf32, #tpu.memory_space<hbm>> -> memref<8388608xf32, #tpu.memory_space<hbm>>
        %dma_wait3A_1068 = tpu.memref_slice %dma_wait3A_1067[%add3A_1050] : memref<8388608xf32, #tpu.memory_space<hbm>> -> memref<1024xf32, #tpu.memory_space<hbm>>
        %dma_wait3A_1069 = arith.constant 0 : i32
        %dma_wait3A_1070 = arith.constant 0 : i32
        %dma_wait3A_1071 = tpu.memref_slice %arg8[%dma_wait3A_1051, %dma_wait3A_1069, %dma_wait3A_1070] : memref<2x4x1024xf32, #tpu.memory_space<vmem>> -> memref<1x4x1024xf32, #tpu.memory_space<vmem>>
        %dma_wait3A_1072 = tpu.memref_squeeze %dma_wait3A_1071 : memref<1x4x1024xf32, #tpu.memory_space<vmem>> -> memref<4x1024xf32, #tpu.memory_space<vmem>>
        %dma_wait3A_1073 = arith.constant 0 : i32
        %dma_wait3A_1074 = tpu.memref_slice %dma_wait3A_1072[%dma_wait3A_1052, %dma_wait3A_1073] : memref<4x1024xf32, #tpu.memory_space<vmem>> -> memref<1x1024xf32, #tpu.memory_space<vmem>>
        %dma_wait3A_1075 = tpu.memref_squeeze %dma_wait3A_1074 : memref<1x1024xf32, #tpu.memory_space<vmem>> -> memref<1024xf32, #tpu.memory_space<vmem>>
        tpu.wait_dma2 semaphore(%arg10 : memref<!tpu.dma_semaphore, #tpu.memory_space<semaphore_mem>>) src(%dma_wait3A_1075 : memref<1024xf32, #tpu.memory_space<vmem>>) dst(%dma_wait3A_1068 : memref<1024xf32, #tpu.memory_space<hbm>>)
      } else {
      }
      %parallel_loop3A_515 = arith.constant 0 : i32
      %parallel_loop3A_516 = arith.constant 64 : i32
      %parallel_loop3A_517 = arith.constant 1 : i32
      scf.for %parallel_loop3A_957 = %parallel_loop3A_515 to %parallel_loop3A_516 step %parallel_loop3A_517  : i32 {
        %parallel_loop3A_958 = arith.constant 16 : i32
        %parallel_loop3A_959 = arith.muli %parallel_loop3A_957, %parallel_loop3A_958 : i32
        %parallel_loop3A_960 = arith.constant 1 : i32
        %parallel_loop3A_961 = arith.index_cast %parallel_loop3A_960 : i32 to index
        %parallel_loop3A_962 = arith.index_cast %parallel_loop3A_959 : i32 to index
        %parallel_loop3A_963 = tpu.vector_load %arg5[%parallel_loop3A_961, %parallel_loop3A_962] {strides = array<i32>} : memref<4x1024xi32, #tpu.memory_space<vmem>>, vector<16xi32>,
        %parallel_loop3A_964 = arith.constant 3 : i32
        %parallel_loop3A_965 = vector.broadcast %parallel_loop3A_964 : i32 to vector<16xi32>
        %parallel_loop3A_966 = arith.andi %parallel_loop3A_963, %parallel_loop3A_965 : vector<16xi32>
        %parallel_loop3A_967 = arith.constant 2 : i32
        %parallel_loop3A_968 = vector.broadcast %parallel_loop3A_967 : i32 to vector<16xi32>
        %parallel_loop3A_969 = arith.shli %parallel_loop3A_966, %parallel_loop3A_968 : vector<16xi32>
        %parallel_loop3A_970 = vector.broadcast %parallel_loop3A_959 : i32 to vector<16xi32>
        %parallel_loop3A_971 = arith.addi %parallel_loop3A_970, %iota3A : vector<16xi32>
        %parallel_loop3A_972 = arith.constant 0 : i32
        %parallel_loop3A_973 = vector.broadcast %parallel_loop3A_972 : i32 to vector<16xi32>
        %parallel_loop3A_974 = arith.addi %parallel_loop3A_969, %parallel_loop3A_973 : vector<16xi32>
        %parallel_loop3A_975 = arith.constant 1 : i32
        %parallel_loop3A_976 = arith.constant 0 : i32
        %parallel_loop3A_977 = arith.constant 0 : i32
        %parallel_loop3A_978 = tpu.memref_slice %arg7[%parallel_loop3A_975, %parallel_loop3A_976, %parallel_loop3A_977] : memref<4x1024x16xf32, #tpu.memory_space<vmem>> -> memref<1x1024x16xf32, #tpu.memory_space<vmem>>
        %parallel_loop3A_979 = tpu.memref_squeeze %parallel_loop3A_978 : memref<1x1024x16xf32, #tpu.memory_space<vmem>> -> memref<1024x16xf32, #tpu.memory_space<vmem>>
        %parallel_loop3A_980 = tpu.vector_load_idx %parallel_loop3A_979[%parallel_loop3A_971, %parallel_loop3A_974] : memref<1024x16xf32, #tpu.memory_space<vmem>>[vector<16xi32>, vector<16xi32>], vector<16xf32>,
        %parallel_loop3A_981 = arith.constant 1 : i32
        %parallel_loop3A_982 = arith.constant 0 : i32
        %parallel_loop3A_983 = arith.index_cast %parallel_loop3A_981 : i32 to index
        %parallel_loop3A_984 = arith.index_cast %parallel_loop3A_982 : i32 to index
        %parallel_loop3A_985 = arith.index_cast %parallel_loop3A_959 : i32 to index
        %parallel_loop3A_986 = tpu.vector_load %arg8[%parallel_loop3A_983, %parallel_loop3A_984, %parallel_loop3A_985] {strides = array<i32>} : memref<2x4x1024xf32, #tpu.memory_space<vmem>>, vector<16xf32>,
        tpu.vector_store %arg8[%parallel_loop3A_983, %parallel_loop3A_984, %parallel_loop3A_985], %parallel_loop3A_980 {strides = array<i32>} : memref<2x4x1024xf32, #tpu.memory_space<vmem>>, vector<16xf32>,
        %parallel_loop3A_987 = arith.constant 1 : i32
        %parallel_loop3A_988 = vector.broadcast %parallel_loop3A_987 : i32 to vector<16xi32>
        %parallel_loop3A_989 = arith.addi %parallel_loop3A_969, %parallel_loop3A_988 : vector<16xi32>
        %parallel_loop3A_990 = arith.constant 1 : i32
        %parallel_loop3A_991 = arith.constant 0 : i32
        %parallel_loop3A_992 = arith.constant 0 : i32
        %parallel_loop3A_993 = tpu.memref_slice %arg7[%parallel_loop3A_990, %parallel_loop3A_991, %parallel_loop3A_992] : memref<4x1024x16xf32, #tpu.memory_space<vmem>> -> memref<1x1024x16xf32, #tpu.memory_space<vmem>>
        %parallel_loop3A_994 = tpu.memref_squeeze %parallel_loop3A_993 : memref<1x1024x16xf32, #tpu.memory_space<vmem>> -> memref<1024x16xf32, #tpu.memory_space<vmem>>
        %parallel_loop3A_995 = tpu.vector_load_idx %parallel_loop3A_994[%parallel_loop3A_971, %parallel_loop3A_989] : memref<1024x16xf32, #tpu.memory_space<vmem>>[vector<16xi32>, vector<16xi32>], vector<16xf32>,
        %parallel_loop3A_996 = arith.constant 1 : i32
        %parallel_loop3A_997 = arith.constant 1 : i32
        %parallel_loop3A_998 = arith.index_cast %parallel_loop3A_996 : i32 to index
        %parallel_loop3A_999 = arith.index_cast %parallel_loop3A_997 : i32 to index
        %parallel_loop3A_1000 = arith.index_cast %parallel_loop3A_959 : i32 to index
        %parallel_loop3A_1001 = tpu.vector_load %arg8[%parallel_loop3A_998, %parallel_loop3A_999, %parallel_loop3A_1000] {strides = array<i32>} : memref<2x4x1024xf32, #tpu.memory_space<vmem>>, vector<16xf32>,
        tpu.vector_store %arg8[%parallel_loop3A_998, %parallel_loop3A_999, %parallel_loop3A_1000], %parallel_loop3A_995 {strides = array<i32>} : memref<2x4x1024xf32, #tpu.memory_space<vmem>>, vector<16xf32>,
        %parallel_loop3A_1002 = arith.constant 2 : i32
        %parallel_loop3A_1003 = vector.broadcast %parallel_loop3A_1002 : i32 to vector<16xi32>
        %parallel_loop3A_1004 = arith.addi %parallel_loop3A_969, %parallel_loop3A_1003 : vector<16xi32>
        %parallel_loop3A_1005 = arith.constant 1 : i32
        %parallel_loop3A_1006 = arith.constant 0 : i32
        %parallel_loop3A_1007 = arith.constant 0 : i32
        %parallel_loop3A_1008 = tpu.memref_slice %arg7[%parallel_loop3A_1005, %parallel_loop3A_1006, %parallel_loop3A_1007] : memref<4x1024x16xf32, #tpu.memory_space<vmem>> -> memref<1x1024x16xf32, #tpu.memory_space<vmem>>
        %parallel_loop3A_1009 = tpu.memref_squeeze %parallel_loop3A_1008 : memref<1x1024x16xf32, #tpu.memory_space<vmem>> -> memref<1024x16xf32, #tpu.memory_space<vmem>>
        %parallel_loop3A_1010 = tpu.vector_load_idx %parallel_loop3A_1009[%parallel_loop3A_971, %parallel_loop3A_1004] : memref<1024x16xf32, #tpu.memory_space<vmem>>[vector<16xi32>, vector<16xi32>], vector<16xf32>,
        %parallel_loop3A_1011 = arith.constant 1 : i32
        %parallel_loop3A_1012 = arith.constant 2 : i32
        %parallel_loop3A_1013 = arith.index_cast %parallel_loop3A_1011 : i32 to index
        %parallel_loop3A_1014 = arith.index_cast %parallel_loop3A_1012 : i32 to index
        %parallel_loop3A_1015 = arith.index_cast %parallel_loop3A_959 : i32 to index
        %parallel_loop3A_1016 = tpu.vector_load %arg8[%parallel_loop3A_1013, %parallel_loop3A_1014, %parallel_loop3A_1015] {strides = array<i32>} : memref<2x4x1024xf32, #tpu.memory_space<vmem>>, vector<16xf32>,
        tpu.vector_store %arg8[%parallel_loop3A_1013, %parallel_loop3A_1014, %parallel_loop3A_1015], %parallel_loop3A_1010 {strides = array<i32>} : memref<2x4x1024xf32, #tpu.memory_space<vmem>>, vector<16xf32>,
        %parallel_loop3A_1017 = arith.constant 3 : i32
        %parallel_loop3A_1018 = vector.broadcast %parallel_loop3A_1017 : i32 to vector<16xi32>
        %parallel_loop3A_1019 = arith.addi %parallel_loop3A_969, %parallel_loop3A_1018 : vector<16xi32>
        %parallel_loop3A_1020 = arith.constant 1 : i32
        %parallel_loop3A_1021 = arith.constant 0 : i32
        %parallel_loop3A_1022 = arith.constant 0 : i32
        %parallel_loop3A_1023 = tpu.memref_slice %arg7[%parallel_loop3A_1020, %parallel_loop3A_1021, %parallel_loop3A_1022] : memref<4x1024x16xf32, #tpu.memory_space<vmem>> -> memref<1x1024x16xf32, #tpu.memory_space<vmem>>
        %parallel_loop3A_1024 = tpu.memref_squeeze %parallel_loop3A_1023 : memref<1x1024x16xf32, #tpu.memory_space<vmem>> -> memref<1024x16xf32, #tpu.memory_space<vmem>>
        %parallel_loop3A_1025 = tpu.vector_load_idx %parallel_loop3A_1024[%parallel_loop3A_971, %parallel_loop3A_1019] : memref<1024x16xf32, #tpu.memory_space<vmem>>[vector<16xi32>, vector<16xi32>], vector<16xf32>,
        %parallel_loop3A_1026 = arith.constant 1 : i32
        %parallel_loop3A_1027 = arith.constant 3 : i32
        %parallel_loop3A_1028 = arith.index_cast %parallel_loop3A_1026 : i32 to index
        %parallel_loop3A_1029 = arith.index_cast %parallel_loop3A_1027 : i32 to index
        %parallel_loop3A_1030 = arith.index_cast %parallel_loop3A_959 : i32 to index
        %parallel_loop3A_1031 = tpu.vector_load %arg8[%parallel_loop3A_1028, %parallel_loop3A_1029, %parallel_loop3A_1030] {strides = array<i32>} : memref<2x4x1024xf32, #tpu.memory_space<vmem>>, vector<16xf32>,
        tpu.vector_store %arg8[%parallel_loop3A_1028, %parallel_loop3A_1029, %parallel_loop3A_1030], %parallel_loop3A_1025 {strides = array<i32>} : memref<2x4x1024xf32, #tpu.memory_space<vmem>>, vector<16xf32>,
      } {sc.loop_unroll_factor = 4 : i64, sc.parallel_access}
      %mul3A_518 = arith.constant 1024 : i32
      %mul3A_519 = arith.muli %add3A_480, %mul3A_518 : i32
      %add3A_520 = arith.addi %mul3A_2, %mul3A_519 : i32
      %dma_start3A_521 = arith.constant 1 : i32
      %dma_start3A_522 = arith.constant 0 : i32
      %dma_start3A_523 = arith.constant 0 : i32
      %dma_start3A_524 = arith.constant 0 : i32
      %dma_start3A_525 = arith.constant 0 : i32
      %dma_start3A_526 = tpu.memref_slice %arg8[%dma_start3A_521, %dma_start3A_524, %dma_start3A_525] : memref<2x4x1024xf32, #tpu.memory_space<vmem>> -> memref<1x4x1024xf32, #tpu.memory_space<vmem>>
      %dma_start3A_527 = tpu.memref_squeeze %dma_start3A_526 : memref<1x4x1024xf32, #tpu.memory_space<vmem>> -> memref<4x1024xf32, #tpu.memory_space<vmem>>
      %dma_start3A_528 = arith.constant 0 : i32
      %dma_start3A_529 = tpu.memref_slice %dma_start3A_527[%dma_start3A_522, %dma_start3A_528] : memref<4x1024xf32, #tpu.memory_space<vmem>> -> memref<1x1024xf32, #tpu.memory_space<vmem>>
      %dma_start3A_530 = tpu.memref_squeeze %dma_start3A_529 : memref<1x1024xf32, #tpu.memory_space<vmem>> -> memref<1024xf32, #tpu.memory_space<vmem>>
      %dma_start3A_531 = arith.constant 0 : i32
      %dma_start3A_532 = tpu.memref_slice %arg4[%dma_start3A_523, %dma_start3A_531] : memref<4x8388608xf32, #tpu.memory_space<hbm>> -> memref<1x8388608xf32, #tpu.memory_space<hbm>>
      %dma_start3A_533 = tpu.memref_squeeze %dma_start3A_532 : memref<1x8388608xf32, #tpu.memory_space<hbm>> -> memref<8388608xf32, #tpu.memory_space<hbm>>
      %dma_start3A_534 = tpu.memref_slice %dma_start3A_533[%add3A_520] : memref<8388608xf32, #tpu.memory_space<hbm>> -> memref<1024xf32, #tpu.memory_space<hbm>>
      %dma_start3A_535 = arith.constant 0 : i32
      %dma_start3A_536 = tpu.memref_slice %arg4[%dma_start3A_523, %dma_start3A_535] : memref<4x8388608xf32, #tpu.memory_space<hbm>> -> memref<1x8388608xf32, #tpu.memory_space<hbm>>
      %dma_start3A_537 = tpu.memref_squeeze %dma_start3A_536 : memref<1x8388608xf32, #tpu.memory_space<hbm>> -> memref<8388608xf32, #tpu.memory_space<hbm>>
      %dma_start3A_538 = tpu.memref_slice %dma_start3A_537[%add3A_520] : memref<8388608xf32, #tpu.memory_space<hbm>> -> memref<1024xf32, #tpu.memory_space<hbm>>
      %dma_start3A_539 = arith.constant 0 : i32
      %dma_start3A_540 = arith.constant 0 : i32
      %dma_start3A_541 = tpu.memref_slice %arg8[%dma_start3A_521, %dma_start3A_539, %dma_start3A_540] : memref<2x4x1024xf32, #tpu.memory_space<vmem>> -> memref<1x4x1024xf32, #tpu.memory_space<vmem>>
      %dma_start3A_542 = tpu.memref_squeeze %dma_start3A_541 : memref<1x4x1024xf32, #tpu.memory_space<vmem>> -> memref<4x1024xf32, #tpu.memory_space<vmem>>
      %dma_start3A_543 = arith.constant 0 : i32
      %dma_start3A_544 = tpu.memref_slice %dma_start3A_542[%dma_start3A_522, %dma_start3A_543] : memref<4x1024xf32, #tpu.memory_space<vmem>> -> memref<1x1024xf32, #tpu.memory_space<vmem>>
      %dma_start3A_545 = tpu.memref_squeeze %dma_start3A_544 : memref<1x1024xf32, #tpu.memory_space<vmem>> -> memref<1024xf32, #tpu.memory_space<vmem>>
      tpu.enqueue_dma source(%dma_start3A_545 : memref<1024xf32, #tpu.memory_space<vmem>>) target(%dma_start3A_538 : memref<1024xf32, #tpu.memory_space<hbm>>) target_semaphore(%arg10 : memref<!tpu.dma_semaphore, #tpu.memory_space<semaphore_mem>>)
      %mul3A_546 = arith.constant 1024 : i32
      %mul3A_547 = arith.muli %add3A_480, %mul3A_546 : i32
      %add3A_548 = arith.addi %mul3A_2, %mul3A_547 : i32
      %dma_start3A_549 = arith.constant 1 : i32
      %dma_start3A_550 = arith.constant 1 : i32
      %dma_start3A_551 = arith.constant 1 : i32
      %dma_start3A_552 = arith.constant 0 : i32
      %dma_start3A_553 = arith.constant 0 : i32
      %dma_start3A_554 = tpu.memref_slice %arg8[%dma_start3A_549, %dma_start3A_552, %dma_start3A_553] : memref<2x4x1024xf32, #tpu.memory_space<vmem>> -> memref<1x4x1024xf32, #tpu.memory_space<vmem>>
      %dma_start3A_555 = tpu.memref_squeeze %dma_start3A_554 : memref<1x4x1024xf32, #tpu.memory_space<vmem>> -> memref<4x1024xf32, #tpu.memory_space<vmem>>
      %dma_start3A_556 = arith.constant 0 : i32
      %dma_start3A_557 = tpu.memref_slice %dma_start3A_555[%dma_start3A_550, %dma_start3A_556] : memref<4x1024xf32, #tpu.memory_space<vmem>> -> memref<1x1024xf32, #tpu.memory_space<vmem>>
      %dma_start3A_558 = tpu.memref_squeeze %dma_start3A_557 : memref<1x1024xf32, #tpu.memory_space<vmem>> -> memref<1024xf32, #tpu.memory_space<vmem>>
      %dma_start3A_559 = arith.constant 0 : i32
      %dma_start3A_560 = tpu.memref_slice %arg4[%dma_start3A_551, %dma_start3A_559] : memref<4x8388608xf32, #tpu.memory_space<hbm>> -> memref<1x8388608xf32, #tpu.memory_space<hbm>>
      %dma_start3A_561 = tpu.memref_squeeze %dma_start3A_560 : memref<1x8388608xf32, #tpu.memory_space<hbm>> -> memref<8388608xf32, #tpu.memory_space<hbm>>
      %dma_start3A_562 = tpu.memref_slice %dma_start3A_561[%add3A_548] : memref<8388608xf32, #tpu.memory_space<hbm>> -> memref<1024xf32, #tpu.memory_space<hbm>>
      %dma_start3A_563 = arith.constant 0 : i32
      %dma_start3A_564 = tpu.memref_slice %arg4[%dma_start3A_551, %dma_start3A_563] : memref<4x8388608xf32, #tpu.memory_space<hbm>> -> memref<1x8388608xf32, #tpu.memory_space<hbm>>
      %dma_start3A_565 = tpu.memref_squeeze %dma_start3A_564 : memref<1x8388608xf32, #tpu.memory_space<hbm>> -> memref<8388608xf32, #tpu.memory_space<hbm>>
      %dma_start3A_566 = tpu.memref_slice %dma_start3A_565[%add3A_548] : memref<8388608xf32, #tpu.memory_space<hbm>> -> memref<1024xf32, #tpu.memory_space<hbm>>
      %dma_start3A_567 = arith.constant 0 : i32
      %dma_start3A_568 = arith.constant 0 : i32
      %dma_start3A_569 = tpu.memref_slice %arg8[%dma_start3A_549, %dma_start3A_567, %dma_start3A_568] : memref<2x4x1024xf32, #tpu.memory_space<vmem>> -> memref<1x4x1024xf32, #tpu.memory_space<vmem>>
      %dma_start3A_570 = tpu.memref_squeeze %dma_start3A_569 : memref<1x4x1024xf32, #tpu.memory_space<vmem>> -> memref<4x1024xf32, #tpu.memory_space<vmem>>
      %dma_start3A_571 = arith.constant 0 : i32
      %dma_start3A_572 = tpu.memref_slice %dma_start3A_570[%dma_start3A_550, %dma_start3A_571] : memref<4x1024xf32, #tpu.memory_space<vmem>> -> memref<1x1024xf32, #tpu.memory_space<vmem>>
      %dma_start3A_573 = tpu.memref_squeeze %dma_start3A_572 : memref<1x1024xf32, #tpu.memory_space<vmem>> -> memref<1024xf32, #tpu.memory_space<vmem>>
      tpu.enqueue_dma source(%dma_start3A_573 : memref<1024xf32, #tpu.memory_space<vmem>>) target(%dma_start3A_566 : memref<1024xf32, #tpu.memory_space<hbm>>) target_semaphore(%arg10 : memref<!tpu.dma_semaphore, #tpu.memory_space<semaphore_mem>>)
      %mul3A_574 = arith.constant 1024 : i32
      %mul3A_575 = arith.muli %add3A_480, %mul3A_574 : i32
      %add3A_576 = arith.addi %mul3A_2, %mul3A_575 : i32
      %dma_start3A_577 = arith.constant 1 : i32
      %dma_start3A_578 = arith.constant 2 : i32
      %dma_start3A_579 = arith.constant 2 : i32
      %dma_start3A_580 = arith.constant 0 : i32
      %dma_start3A_581 = arith.constant 0 : i32
      %dma_start3A_582 = tpu.memref_slice %arg8[%dma_start3A_577, %dma_start3A_580, %dma_start3A_581] : memref<2x4x1024xf32, #tpu.memory_space<vmem>> -> memref<1x4x1024xf32, #tpu.memory_space<vmem>>
      %dma_start3A_583 = tpu.memref_squeeze %dma_start3A_582 : memref<1x4x1024xf32, #tpu.memory_space<vmem>> -> memref<4x1024xf32, #tpu.memory_space<vmem>>
      %dma_start3A_584 = arith.constant 0 : i32
      %dma_start3A_585 = tpu.memref_slice %dma_start3A_583[%dma_start3A_578, %dma_start3A_584] : memref<4x1024xf32, #tpu.memory_space<vmem>> -> memref<1x1024xf32, #tpu.memory_space<vmem>>
      %dma_start3A_586 = tpu.memref_squeeze %dma_start3A_585 : memref<1x1024xf32, #tpu.memory_space<vmem>> -> memref<1024xf32, #tpu.memory_space<vmem>>
      %dma_start3A_587 = arith.constant 0 : i32
      %dma_start3A_588 = tpu.memref_slice %arg4[%dma_start3A_579, %dma_start3A_587] : memref<4x8388608xf32, #tpu.memory_space<hbm>> -> memref<1x8388608xf32, #tpu.memory_space<hbm>>
      %dma_start3A_589 = tpu.memref_squeeze %dma_start3A_588 : memref<1x8388608xf32, #tpu.memory_space<hbm>> -> memref<8388608xf32, #tpu.memory_space<hbm>>
      %dma_start3A_590 = tpu.memref_slice %dma_start3A_589[%add3A_576] : memref<8388608xf32, #tpu.memory_space<hbm>> -> memref<1024xf32, #tpu.memory_space<hbm>>
      %dma_start3A_591 = arith.constant 0 : i32
      %dma_start3A_592 = tpu.memref_slice %arg4[%dma_start3A_579, %dma_start3A_591] : memref<4x8388608xf32, #tpu.memory_space<hbm>> -> memref<1x8388608xf32, #tpu.memory_space<hbm>>
      %dma_start3A_593 = tpu.memref_squeeze %dma_start3A_592 : memref<1x8388608xf32, #tpu.memory_space<hbm>> -> memref<8388608xf32, #tpu.memory_space<hbm>>
      %dma_start3A_594 = tpu.memref_slice %dma_start3A_593[%add3A_576] : memref<8388608xf32, #tpu.memory_space<hbm>> -> memref<1024xf32, #tpu.memory_space<hbm>>
      %dma_start3A_595 = arith.constant 0 : i32
      %dma_start3A_596 = arith.constant 0 : i32
      %dma_start3A_597 = tpu.memref_slice %arg8[%dma_start3A_577, %dma_start3A_595, %dma_start3A_596] : memref<2x4x1024xf32, #tpu.memory_space<vmem>> -> memref<1x4x1024xf32, #tpu.memory_space<vmem>>
      %dma_start3A_598 = tpu.memref_squeeze %dma_start3A_597 : memref<1x4x1024xf32, #tpu.memory_space<vmem>> -> memref<4x1024xf32, #tpu.memory_space<vmem>>
      %dma_start3A_599 = arith.constant 0 : i32
      %dma_start3A_600 = tpu.memref_slice %dma_start3A_598[%dma_start3A_578, %dma_start3A_599] : memref<4x1024xf32, #tpu.memory_space<vmem>> -> memref<1x1024xf32, #tpu.memory_space<vmem>>
      %dma_start3A_601 = tpu.memref_squeeze %dma_start3A_600 : memref<1x1024xf32, #tpu.memory_space<vmem>> -> memref<1024xf32, #tpu.memory_space<vmem>>
      tpu.enqueue_dma source(%dma_start3A_601 : memref<1024xf32, #tpu.memory_space<vmem>>) target(%dma_start3A_594 : memref<1024xf32, #tpu.memory_space<hbm>>) target_semaphore(%arg10 : memref<!tpu.dma_semaphore, #tpu.memory_space<semaphore_mem>>)
      %mul3A_602 = arith.constant 1024 : i32
      %mul3A_603 = arith.muli %add3A_480, %mul3A_602 : i32
      %add3A_604 = arith.addi %mul3A_2, %mul3A_603 : i32
      %dma_start3A_605 = arith.constant 1 : i32
      %dma_start3A_606 = arith.constant 3 : i32
      %dma_start3A_607 = arith.constant 3 : i32
      %dma_start3A_608 = arith.constant 0 : i32
      %dma_start3A_609 = arith.constant 0 : i32
      %dma_start3A_610 = tpu.memref_slice %arg8[%dma_start3A_605, %dma_start3A_608, %dma_start3A_609] : memref<2x4x1024xf32, #tpu.memory_space<vmem>> -> memref<1x4x1024xf32, #tpu.memory_space<vmem>>
      %dma_start3A_611 = tpu.memref_squeeze %dma_start3A_610 : memref<1x4x1024xf32, #tpu.memory_space<vmem>> -> memref<4x1024xf32, #tpu.memory_space<vmem>>
      %dma_start3A_612 = arith.constant 0 : i32
      %dma_start3A_613 = tpu.memref_slice %dma_start3A_611[%dma_start3A_606, %dma_start3A_612] : memref<4x1024xf32, #tpu.memory_space<vmem>> -> memref<1x1024xf32, #tpu.memory_space<vmem>>
      %dma_start3A_614 = tpu.memref_squeeze %dma_start3A_613 : memref<1x1024xf32, #tpu.memory_space<vmem>> -> memref<1024xf32, #tpu.memory_space<vmem>>
      %dma_start3A_615 = arith.constant 0 : i32
      %dma_start3A_616 = tpu.memref_slice %arg4[%dma_start3A_607, %dma_start3A_615] : memref<4x8388608xf32, #tpu.memory_space<hbm>> -> memref<1x8388608xf32, #tpu.memory_space<hbm>>
      %dma_start3A_617 = tpu.memref_squeeze %dma_start3A_616 : memref<1x8388608xf32, #tpu.memory_space<hbm>> -> memref<8388608xf32, #tpu.memory_space<hbm>>
      %dma_start3A_618 = tpu.memref_slice %dma_start3A_617[%add3A_604] : memref<8388608xf32, #tpu.memory_space<hbm>> -> memref<1024xf32, #tpu.memory_space<hbm>>
      %dma_start3A_619 = arith.constant 0 : i32
      %dma_start3A_620 = tpu.memref_slice %arg4[%dma_start3A_607, %dma_start3A_619] : memref<4x8388608xf32, #tpu.memory_space<hbm>> -> memref<1x8388608xf32, #tpu.memory_space<hbm>>
      %dma_start3A_621 = tpu.memref_squeeze %dma_start3A_620 : memref<1x8388608xf32, #tpu.memory_space<hbm>> -> memref<8388608xf32, #tpu.memory_space<hbm>>
      %dma_start3A_622 = tpu.memref_slice %dma_start3A_621[%add3A_604] : memref<8388608xf32, #tpu.memory_space<hbm>> -> memref<1024xf32, #tpu.memory_space<hbm>>
      %dma_start3A_623 = arith.constant 0 : i32
      %dma_start3A_624 = arith.constant 0 : i32
      %dma_start3A_625 = tpu.memref_slice %arg8[%dma_start3A_605, %dma_start3A_623, %dma_start3A_624] : memref<2x4x1024xf32, #tpu.memory_space<vmem>> -> memref<1x4x1024xf32, #tpu.memory_space<vmem>>
      %dma_start3A_626 = tpu.memref_squeeze %dma_start3A_625 : memref<1x4x1024xf32, #tpu.memory_space<vmem>> -> memref<4x1024xf32, #tpu.memory_space<vmem>>
      %dma_start3A_627 = arith.constant 0 : i32
      %dma_start3A_628 = tpu.memref_slice %dma_start3A_626[%dma_start3A_606, %dma_start3A_627] : memref<4x1024xf32, #tpu.memory_space<vmem>> -> memref<1x1024xf32, #tpu.memory_space<vmem>>
      %dma_start3A_629 = tpu.memref_squeeze %dma_start3A_628 : memref<1x1024xf32, #tpu.memory_space<vmem>> -> memref<1024xf32, #tpu.memory_space<vmem>>
      tpu.enqueue_dma source(%dma_start3A_629 : memref<1024xf32, #tpu.memory_space<vmem>>) target(%dma_start3A_622 : memref<1024xf32, #tpu.memory_space<hbm>>) target_semaphore(%arg10 : memref<!tpu.dma_semaphore, #tpu.memory_space<semaphore_mem>>)
      %add3A_630 = arith.constant 4 : i32
      %add3A_631 = arith.addi %add3A_480, %add3A_630 : i32
      %lt3A_632 = arith.constant 256 : i32
      %lt3A_633 = arith.cmpi slt, %add3A_631, %lt3A_632 : i32
      %convert_element_type3A_634 = arith.extui %lt3A_633 : i1 to i32
      %cond3A_635 = arith.constant 0 : i32
      %cond3A_636 = arith.cmpi ne, %convert_element_type3A_634, %cond3A_635 : i32
      scf.if %cond3A_636 {
        %add3A_957 = arith.constant 4 : i32
        %add3A_958 = arith.addi %add3A_480, %add3A_957 : i32
        %mul3A_959 = arith.constant 1024 : i32
        %mul3A_960 = arith.muli %add3A_958, %mul3A_959 : i32
        %add3A_961 = arith.addi %mul3A_2, %mul3A_960 : i32
        %dma_start3A_962 = arith.constant 1 : i32
        %dma_start3A_963 = arith.constant 0 : i32
        %dma_start3A_964 = tpu.memref_slice %arg5[%dma_start3A_962, %dma_start3A_963] : memref<4x1024xi32, #tpu.memory_space<vmem>> -> memref<1x1024xi32, #tpu.memory_space<vmem>>
        %dma_start3A_965 = tpu.memref_squeeze %dma_start3A_964 : memref<1x1024xi32, #tpu.memory_space<vmem>> -> memref<1024xi32, #tpu.memory_space<vmem>>
        %dma_start3A_966 = tpu.memref_slice %arg3[%add3A_961] : memref<8388608xi32, #tpu.memory_space<hbm>> -> memref<1024xi32, #tpu.memory_space<hbm>>
        %dma_start3A_967 = arith.constant 0 : i32
        %dma_start3A_968 = tpu.memref_slice %arg5[%dma_start3A_962, %dma_start3A_967] : memref<4x1024xi32, #tpu.memory_space<vmem>> -> memref<1x1024xi32, #tpu.memory_space<vmem>>
        %dma_start3A_969 = tpu.memref_squeeze %dma_start3A_968 : memref<1x1024xi32, #tpu.memory_space<vmem>> -> memref<1024xi32, #tpu.memory_space<vmem>>
        %dma_start3A_970 = tpu.memref_slice %arg3[%add3A_961] : memref<8388608xi32, #tpu.memory_space<hbm>> -> memref<1024xi32, #tpu.memory_space<hbm>>
        tpu.enqueue_dma source(%dma_start3A_970 : memref<1024xi32, #tpu.memory_space<hbm>>) target(%dma_start3A_969 : memref<1024xi32, #tpu.memory_space<vmem>>) target_semaphore(%arg11 : memref<!tpu.dma_semaphore, #tpu.memory_space<semaphore_mem>>)
      } else {
      }
      %mul3A_637 = arith.constant 4 : i32
      %mul3A_638 = arith.muli %mul3A_637, %add3A_320 : i32
      %add3A_639 = arith.constant 2 : i32
      %add3A_640 = arith.addi %mul3A_638, %add3A_639 : i32
      %add3A_641 = arith.constant 2 : i32
      %add3A_642 = arith.addi %add3A_640, %add3A_641 : i32
      %lt3A_643 = arith.constant 256 : i32
      %lt3A_644 = arith.cmpi slt, %add3A_642, %lt3A_643 : i32
      %convert_element_type3A_645 = arith.extui %lt3A_644 : i1 to i32
      %cond3A_646 = arith.constant 0 : i32
      %cond3A_647 = arith.cmpi ne, %convert_element_type3A_645, %cond3A_646 : i32
      scf.if %cond3A_647 {
        %add3A_957 = arith.constant 2 : i32
        %add3A_958 = arith.addi %add3A_640, %add3A_957 : i32
        %mul3A_959 = arith.constant 1024 : i32
        %mul3A_960 = arith.muli %add3A_958, %mul3A_959 : i32
        %add3A_961 = arith.addi %mul3A_2, %mul3A_960 : i32
        %dma_wait3A_962 = arith.constant 0 : i32
        %dma_wait3A_963 = arith.constant 0 : i32
        %dma_wait3A_964 = tpu.memref_slice %arg5[%dma_wait3A_962, %dma_wait3A_963] : memref<4x1024xi32, #tpu.memory_space<vmem>> -> memref<1x1024xi32, #tpu.memory_space<vmem>>
        %dma_wait3A_965 = tpu.memref_squeeze %dma_wait3A_964 : memref<1x1024xi32, #tpu.memory_space<vmem>> -> memref<1024xi32, #tpu.memory_space<vmem>>
        %dma_wait3A_966 = tpu.memref_slice %arg3[%add3A_961] : memref<8388608xi32, #tpu.memory_space<hbm>> -> memref<1024xi32, #tpu.memory_space<hbm>>
        %dma_wait3A_967 = arith.constant 0 : i32
        %dma_wait3A_968 = tpu.memref_slice %arg5[%dma_wait3A_962, %dma_wait3A_967] : memref<4x1024xi32, #tpu.memory_space<vmem>> -> memref<1x1024xi32, #tpu.memory_space<vmem>>
        %dma_wait3A_969 = tpu.memref_squeeze %dma_wait3A_968 : memref<1x1024xi32, #tpu.memory_space<vmem>> -> memref<1024xi32, #tpu.memory_space<vmem>>
        %dma_wait3A_970 = tpu.memref_slice %arg3[%add3A_961] : memref<8388608xi32, #tpu.memory_space<hbm>> -> memref<1024xi32, #tpu.memory_space<hbm>>
        tpu.wait_dma2 semaphore(%arg11 : memref<!tpu.dma_semaphore, #tpu.memory_space<semaphore_mem>>) src(%dma_wait3A_970 : memref<1024xi32, #tpu.memory_space<hbm>>) dst(%dma_wait3A_969 : memref<1024xi32, #tpu.memory_space<vmem>>)
      } else {
      }
      %parallel_loop3A_648 = arith.constant 0 : i32
      %parallel_loop3A_649 = arith.constant 64 : i32
      %parallel_loop3A_650 = arith.constant 1 : i32
      scf.for %parallel_loop3A_957 = %parallel_loop3A_648 to %parallel_loop3A_649 step %parallel_loop3A_650  : i32 {
        %parallel_loop3A_958 = arith.constant 16 : i32
        %parallel_loop3A_959 = arith.muli %parallel_loop3A_957, %parallel_loop3A_958 : i32
        %parallel_loop3A_960 = arith.constant 0 : i32
        %parallel_loop3A_961 = arith.index_cast %parallel_loop3A_960 : i32 to index
        %parallel_loop3A_962 = arith.index_cast %parallel_loop3A_959 : i32 to index
        %parallel_loop3A_963 = tpu.vector_load %arg5[%parallel_loop3A_961, %parallel_loop3A_962] {strides = array<i32>} : memref<4x1024xi32, #tpu.memory_space<vmem>>, vector<16xi32>,
        %parallel_loop3A_964 = arith.constant 2 : i32
        %parallel_loop3A_965 = vector.broadcast %parallel_loop3A_964 : i32 to vector<16xi32>
        %parallel_loop3A_966 = arith.shrui %parallel_loop3A_963, %parallel_loop3A_965 : vector<16xi32>
        %parallel_loop3A_967 = arith.constant 0 : i32
        %parallel_loop3A_968 = arith.index_cast %parallel_loop3A_967 : i32 to index
        %parallel_loop3A_969 = arith.index_cast %parallel_loop3A_959 : i32 to index
        %parallel_loop3A_970 = tpu.vector_load %arg6[%parallel_loop3A_968, %parallel_loop3A_969] {strides = array<i32>} : memref<4x1024xi32, #tpu.memory_space<vmem>>, vector<16xi32>,
        tpu.vector_store %arg6[%parallel_loop3A_968, %parallel_loop3A_969], %parallel_loop3A_966 {strides = array<i32>} : memref<4x1024xi32, #tpu.memory_space<vmem>>, vector<16xi32>,
      } {sc.loop_unroll_factor = 8 : i64, sc.parallel_access}
      %add3A_651 = arith.constant 2 : i32
      %add3A_652 = arith.addi %add3A_640, %add3A_651 : i32
      %lt3A_653 = arith.constant 256 : i32
      %lt3A_654 = arith.cmpi slt, %add3A_652, %lt3A_653 : i32
      %convert_element_type3A_655 = arith.extui %lt3A_654 : i1 to i32
      %cond3A_656 = arith.constant 0 : i32
      %cond3A_657 = arith.cmpi ne, %convert_element_type3A_655, %cond3A_656 : i32
      scf.if %cond3A_657 {
        %dma_start3A_957 = arith.constant 0 : i32
        %dma_start3A_958 = arith.constant 0 : i32
        %dma_start3A_959 = arith.constant 0 : i32
        %dma_start3A_960 = arith.constant 0 : i32
        %dma_start3A_961 = tpu.memref_slice %arg7[%dma_start3A_958, %dma_start3A_959, %dma_start3A_960] : memref<4x1024x16xf32, #tpu.memory_space<vmem>> -> memref<1x1024x16xf32, #tpu.memory_space<vmem>>
        %dma_start3A_962 = tpu.memref_squeeze %dma_start3A_961 : memref<1x1024x16xf32, #tpu.memory_space<vmem>> -> memref<1024x16xf32, #tpu.memory_space<vmem>>
        %dma_start3A_963 = arith.constant 0 : i32
        %dma_start3A_964 = tpu.memref_slice %arg6[%dma_start3A_957, %dma_start3A_963] : memref<4x1024xi32, #tpu.memory_space<vmem>> -> memref<1x1024xi32, #tpu.memory_space<vmem>>
        %dma_start3A_965 = tpu.memref_squeeze %dma_start3A_964 : memref<1x1024xi32, #tpu.memory_space<vmem>> -> memref<1024xi32, #tpu.memory_space<vmem>>
        %dma_start3A_966 = arith.constant 0 : i32
        %dma_start3A_967 = arith.constant 0 : i32
        %dma_start3A_968 = tpu.memref_slice %arg2[%dma_start3A_966, %dma_start3A_967] : memref<2097152x16xf32, #tpu.memory_space<hbm>> -> memref<2097152x16xf32, #tpu.memory_space<hbm>>
        tpu.enqueue_indirect_dma source(%dma_start3A_968 : memref<2097152x16xf32, #tpu.memory_space<hbm>>) target(%dma_start3A_962 : memref<1024x16xf32, #tpu.memory_space<vmem>>) offsets(%dma_start3A_965 : memref<1024xi32, #tpu.memory_space<vmem>>) semaphore(%arg9 : memref<!tpu.dma_semaphore, #tpu.memory_space<semaphore_mem>>)
      } else {
      }
      %dma_wait3A_658 = arith.constant 2 : i32
      %dma_wait3A_659 = arith.constant 2 : i32
      %dma_wait3A_660 = arith.constant 0 : i32
      %dma_wait3A_661 = arith.constant 0 : i32
      %dma_wait3A_662 = tpu.memref_slice %arg7[%dma_wait3A_659, %dma_wait3A_660, %dma_wait3A_661] : memref<4x1024x16xf32, #tpu.memory_space<vmem>> -> memref<1x1024x16xf32, #tpu.memory_space<vmem>>
      %dma_wait3A_663 = tpu.memref_squeeze %dma_wait3A_662 : memref<1x1024x16xf32, #tpu.memory_space<vmem>> -> memref<1024x16xf32, #tpu.memory_space<vmem>>
      %dma_wait3A_664 = arith.constant 0 : i32
      %dma_wait3A_665 = tpu.memref_slice %arg6[%dma_wait3A_658, %dma_wait3A_664] : memref<4x1024xi32, #tpu.memory_space<vmem>> -> memref<1x1024xi32, #tpu.memory_space<vmem>>
      %dma_wait3A_666 = tpu.memref_squeeze %dma_wait3A_665 : memref<1x1024xi32, #tpu.memory_space<vmem>> -> memref<1024xi32, #tpu.memory_space<vmem>>
      %dma_wait3A_667 = arith.constant 0 : i32
      %dma_wait3A_668 = arith.constant 0 : i32
      %dma_wait3A_669 = tpu.memref_slice %arg2[%dma_wait3A_667, %dma_wait3A_668] : memref<2097152x16xf32, #tpu.memory_space<hbm>> -> memref<2097152x16xf32, #tpu.memory_space<hbm>>
      tpu.wait_indirect_dma semaphore(%arg9 : memref<!tpu.dma_semaphore, #tpu.memory_space<semaphore_mem>>) src(%dma_wait3A_669 : memref<2097152x16xf32, #tpu.memory_space<hbm>>) dst(%dma_wait3A_663 : memref<1024x16xf32, #tpu.memory_space<vmem>>)
      %ge3A_670 = arith.constant 2 : i32
      %ge3A_671 = arith.cmpi sge, %add3A_640, %ge3A_670 : i32
      %convert_element_type3A_672 = arith.extui %ge3A_671 : i1 to i32
      %cond3A_673 = arith.constant 0 : i32
      %cond3A_674 = arith.cmpi ne, %convert_element_type3A_672, %cond3A_673 : i32
      scf.if %cond3A_674 {
        %sub3A = arith.constant 2 : i32
        %sub3A_957 = arith.subi %add3A_640, %sub3A : i32
        %mul3A_958 = arith.constant 1024 : i32
        %mul3A_959 = arith.muli %sub3A_957, %mul3A_958 : i32
        %add3A_960 = arith.addi %mul3A_2, %mul3A_959 : i32
        %dma_wait3A_961 = arith.constant 0 : i32
        %dma_wait3A_962 = arith.constant 0 : i32
        %dma_wait3A_963 = arith.constant 0 : i32
        %dma_wait3A_964 = arith.constant 0 : i32
        %dma_wait3A_965 = arith.constant 0 : i32
        %dma_wait3A_966 = tpu.memref_slice %arg8[%dma_wait3A_961, %dma_wait3A_964, %dma_wait3A_965] : memref<2x4x1024xf32, #tpu.memory_space<vmem>> -> memref<1x4x1024xf32, #tpu.memory_space<vmem>>
        %dma_wait3A_967 = tpu.memref_squeeze %dma_wait3A_966 : memref<1x4x1024xf32, #tpu.memory_space<vmem>> -> memref<4x1024xf32, #tpu.memory_space<vmem>>
        %dma_wait3A_968 = arith.constant 0 : i32
        %dma_wait3A_969 = tpu.memref_slice %dma_wait3A_967[%dma_wait3A_962, %dma_wait3A_968] : memref<4x1024xf32, #tpu.memory_space<vmem>> -> memref<1x1024xf32, #tpu.memory_space<vmem>>
        %dma_wait3A_970 = tpu.memref_squeeze %dma_wait3A_969 : memref<1x1024xf32, #tpu.memory_space<vmem>> -> memref<1024xf32, #tpu.memory_space<vmem>>
        %dma_wait3A_971 = arith.constant 0 : i32
        %dma_wait3A_972 = tpu.memref_slice %arg4[%dma_wait3A_963, %dma_wait3A_971] : memref<4x8388608xf32, #tpu.memory_space<hbm>> -> memref<1x8388608xf32, #tpu.memory_space<hbm>>
        %dma_wait3A_973 = tpu.memref_squeeze %dma_wait3A_972 : memref<1x8388608xf32, #tpu.memory_space<hbm>> -> memref<8388608xf32, #tpu.memory_space<hbm>>
        %dma_wait3A_974 = tpu.memref_slice %dma_wait3A_973[%add3A_960] : memref<8388608xf32, #tpu.memory_space<hbm>> -> memref<1024xf32, #tpu.memory_space<hbm>>
        %dma_wait3A_975 = arith.constant 0 : i32
        %dma_wait3A_976 = tpu.memref_slice %arg4[%dma_wait3A_963, %dma_wait3A_975] : memref<4x8388608xf32, #tpu.memory_space<hbm>> -> memref<1x8388608xf32, #tpu.memory_space<hbm>>
        %dma_wait3A_977 = tpu.memref_squeeze %dma_wait3A_976 : memref<1x8388608xf32, #tpu.memory_space<hbm>> -> memref<8388608xf32, #tpu.memory_space<hbm>>
        %dma_wait3A_978 = tpu.memref_slice %dma_wait3A_977[%add3A_960] : memref<8388608xf32, #tpu.memory_space<hbm>> -> memref<1024xf32, #tpu.memory_space<hbm>>
        %dma_wait3A_979 = arith.constant 0 : i32
        %dma_wait3A_980 = arith.constant 0 : i32
        %dma_wait3A_981 = tpu.memref_slice %arg8[%dma_wait3A_961, %dma_wait3A_979, %dma_wait3A_980] : memref<2x4x1024xf32, #tpu.memory_space<vmem>> -> memref<1x4x1024xf32, #tpu.memory_space<vmem>>
        %dma_wait3A_982 = tpu.memref_squeeze %dma_wait3A_981 : memref<1x4x1024xf32, #tpu.memory_space<vmem>> -> memref<4x1024xf32, #tpu.memory_space<vmem>>
        %dma_wait3A_983 = arith.constant 0 : i32
        %dma_wait3A_984 = tpu.memref_slice %dma_wait3A_982[%dma_wait3A_962, %dma_wait3A_983] : memref<4x1024xf32, #tpu.memory_space<vmem>> -> memref<1x1024xf32, #tpu.memory_space<vmem>>
        %dma_wait3A_985 = tpu.memref_squeeze %dma_wait3A_984 : memref<1x1024xf32, #tpu.memory_space<vmem>> -> memref<1024xf32, #tpu.memory_space<vmem>>
        tpu.wait_dma2 semaphore(%arg10 : memref<!tpu.dma_semaphore, #tpu.memory_space<semaphore_mem>>) src(%dma_wait3A_985 : memref<1024xf32, #tpu.memory_space<vmem>>) dst(%dma_wait3A_978 : memref<1024xf32, #tpu.memory_space<hbm>>)
        %sub3A_986 = arith.constant 2 : i32
        %sub3A_987 = arith.subi %add3A_640, %sub3A_986 : i32
        %mul3A_988 = arith.constant 1024 : i32
        %mul3A_989 = arith.muli %sub3A_987, %mul3A_988 : i32
        %add3A_990 = arith.addi %mul3A_2, %mul3A_989 : i32
        %dma_wait3A_991 = arith.constant 0 : i32
        %dma_wait3A_992 = arith.constant 1 : i32
        %dma_wait3A_993 = arith.constant 1 : i32
        %dma_wait3A_994 = arith.constant 0 : i32
        %dma_wait3A_995 = arith.constant 0 : i32
        %dma_wait3A_996 = tpu.memref_slice %arg8[%dma_wait3A_991, %dma_wait3A_994, %dma_wait3A_995] : memref<2x4x1024xf32, #tpu.memory_space<vmem>> -> memref<1x4x1024xf32, #tpu.memory_space<vmem>>
        %dma_wait3A_997 = tpu.memref_squeeze %dma_wait3A_996 : memref<1x4x1024xf32, #tpu.memory_space<vmem>> -> memref<4x1024xf32, #tpu.memory_space<vmem>>
        %dma_wait3A_998 = arith.constant 0 : i32
        %dma_wait3A_999 = tpu.memref_slice %dma_wait3A_997[%dma_wait3A_992, %dma_wait3A_998] : memref<4x1024xf32, #tpu.memory_space<vmem>> -> memref<1x1024xf32, #tpu.memory_space<vmem>>
        %dma_wait3A_1000 = tpu.memref_squeeze %dma_wait3A_999 : memref<1x1024xf32, #tpu.memory_space<vmem>> -> memref<1024xf32, #tpu.memory_space<vmem>>
        %dma_wait3A_1001 = arith.constant 0 : i32
        %dma_wait3A_1002 = tpu.memref_slice %arg4[%dma_wait3A_993, %dma_wait3A_1001] : memref<4x8388608xf32, #tpu.memory_space<hbm>> -> memref<1x8388608xf32, #tpu.memory_space<hbm>>
        %dma_wait3A_1003 = tpu.memref_squeeze %dma_wait3A_1002 : memref<1x8388608xf32, #tpu.memory_space<hbm>> -> memref<8388608xf32, #tpu.memory_space<hbm>>
        %dma_wait3A_1004 = tpu.memref_slice %dma_wait3A_1003[%add3A_990] : memref<8388608xf32, #tpu.memory_space<hbm>> -> memref<1024xf32, #tpu.memory_space<hbm>>
        %dma_wait3A_1005 = arith.constant 0 : i32
        %dma_wait3A_1006 = tpu.memref_slice %arg4[%dma_wait3A_993, %dma_wait3A_1005] : memref<4x8388608xf32, #tpu.memory_space<hbm>> -> memref<1x8388608xf32, #tpu.memory_space<hbm>>
        %dma_wait3A_1007 = tpu.memref_squeeze %dma_wait3A_1006 : memref<1x8388608xf32, #tpu.memory_space<hbm>> -> memref<8388608xf32, #tpu.memory_space<hbm>>
        %dma_wait3A_1008 = tpu.memref_slice %dma_wait3A_1007[%add3A_990] : memref<8388608xf32, #tpu.memory_space<hbm>> -> memref<1024xf32, #tpu.memory_space<hbm>>
        %dma_wait3A_1009 = arith.constant 0 : i32
        %dma_wait3A_1010 = arith.constant 0 : i32
        %dma_wait3A_1011 = tpu.memref_slice %arg8[%dma_wait3A_991, %dma_wait3A_1009, %dma_wait3A_1010] : memref<2x4x1024xf32, #tpu.memory_space<vmem>> -> memref<1x4x1024xf32, #tpu.memory_space<vmem>>
        %dma_wait3A_1012 = tpu.memref_squeeze %dma_wait3A_1011 : memref<1x4x1024xf32, #tpu.memory_space<vmem>> -> memref<4x1024xf32, #tpu.memory_space<vmem>>
        %dma_wait3A_1013 = arith.constant 0 : i32
        %dma_wait3A_1014 = tpu.memref_slice %dma_wait3A_1012[%dma_wait3A_992, %dma_wait3A_1013] : memref<4x1024xf32, #tpu.memory_space<vmem>> -> memref<1x1024xf32, #tpu.memory_space<vmem>>
        %dma_wait3A_1015 = tpu.memref_squeeze %dma_wait3A_1014 : memref<1x1024xf32, #tpu.memory_space<vmem>> -> memref<1024xf32, #tpu.memory_space<vmem>>
        tpu.wait_dma2 semaphore(%arg10 : memref<!tpu.dma_semaphore, #tpu.memory_space<semaphore_mem>>) src(%dma_wait3A_1015 : memref<1024xf32, #tpu.memory_space<vmem>>) dst(%dma_wait3A_1008 : memref<1024xf32, #tpu.memory_space<hbm>>)
        %sub3A_1016 = arith.constant 2 : i32
        %sub3A_1017 = arith.subi %add3A_640, %sub3A_1016 : i32
        %mul3A_1018 = arith.constant 1024 : i32
        %mul3A_1019 = arith.muli %sub3A_1017, %mul3A_1018 : i32
        %add3A_1020 = arith.addi %mul3A_2, %mul3A_1019 : i32
        %dma_wait3A_1021 = arith.constant 0 : i32
        %dma_wait3A_1022 = arith.constant 2 : i32
        %dma_wait3A_1023 = arith.constant 2 : i32
        %dma_wait3A_1024 = arith.constant 0 : i32
        %dma_wait3A_1025 = arith.constant 0 : i32
        %dma_wait3A_1026 = tpu.memref_slice %arg8[%dma_wait3A_1021, %dma_wait3A_1024, %dma_wait3A_1025] : memref<2x4x1024xf32, #tpu.memory_space<vmem>> -> memref<1x4x1024xf32, #tpu.memory_space<vmem>>
        %dma_wait3A_1027 = tpu.memref_squeeze %dma_wait3A_1026 : memref<1x4x1024xf32, #tpu.memory_space<vmem>> -> memref<4x1024xf32, #tpu.memory_space<vmem>>
        %dma_wait3A_1028 = arith.constant 0 : i32
        %dma_wait3A_1029 = tpu.memref_slice %dma_wait3A_1027[%dma_wait3A_1022, %dma_wait3A_1028] : memref<4x1024xf32, #tpu.memory_space<vmem>> -> memref<1x1024xf32, #tpu.memory_space<vmem>>
        %dma_wait3A_1030 = tpu.memref_squeeze %dma_wait3A_1029 : memref<1x1024xf32, #tpu.memory_space<vmem>> -> memref<1024xf32, #tpu.memory_space<vmem>>
        %dma_wait3A_1031 = arith.constant 0 : i32
        %dma_wait3A_1032 = tpu.memref_slice %arg4[%dma_wait3A_1023, %dma_wait3A_1031] : memref<4x8388608xf32, #tpu.memory_space<hbm>> -> memref<1x8388608xf32, #tpu.memory_space<hbm>>
        %dma_wait3A_1033 = tpu.memref_squeeze %dma_wait3A_1032 : memref<1x8388608xf32, #tpu.memory_space<hbm>> -> memref<8388608xf32, #tpu.memory_space<hbm>>
        %dma_wait3A_1034 = tpu.memref_slice %dma_wait3A_1033[%add3A_1020] : memref<8388608xf32, #tpu.memory_space<hbm>> -> memref<1024xf32, #tpu.memory_space<hbm>>
        %dma_wait3A_1035 = arith.constant 0 : i32
        %dma_wait3A_1036 = tpu.memref_slice %arg4[%dma_wait3A_1023, %dma_wait3A_1035] : memref<4x8388608xf32, #tpu.memory_space<hbm>> -> memref<1x8388608xf32, #tpu.memory_space<hbm>>
        %dma_wait3A_1037 = tpu.memref_squeeze %dma_wait3A_1036 : memref<1x8388608xf32, #tpu.memory_space<hbm>> -> memref<8388608xf32, #tpu.memory_space<hbm>>
        %dma_wait3A_1038 = tpu.memref_slice %dma_wait3A_1037[%add3A_1020] : memref<8388608xf32, #tpu.memory_space<hbm>> -> memref<1024xf32, #tpu.memory_space<hbm>>
        %dma_wait3A_1039 = arith.constant 0 : i32
        %dma_wait3A_1040 = arith.constant 0 : i32
        %dma_wait3A_1041 = tpu.memref_slice %arg8[%dma_wait3A_1021, %dma_wait3A_1039, %dma_wait3A_1040] : memref<2x4x1024xf32, #tpu.memory_space<vmem>> -> memref<1x4x1024xf32, #tpu.memory_space<vmem>>
        %dma_wait3A_1042 = tpu.memref_squeeze %dma_wait3A_1041 : memref<1x4x1024xf32, #tpu.memory_space<vmem>> -> memref<4x1024xf32, #tpu.memory_space<vmem>>
        %dma_wait3A_1043 = arith.constant 0 : i32
        %dma_wait3A_1044 = tpu.memref_slice %dma_wait3A_1042[%dma_wait3A_1022, %dma_wait3A_1043] : memref<4x1024xf32, #tpu.memory_space<vmem>> -> memref<1x1024xf32, #tpu.memory_space<vmem>>
        %dma_wait3A_1045 = tpu.memref_squeeze %dma_wait3A_1044 : memref<1x1024xf32, #tpu.memory_space<vmem>> -> memref<1024xf32, #tpu.memory_space<vmem>>
        tpu.wait_dma2 semaphore(%arg10 : memref<!tpu.dma_semaphore, #tpu.memory_space<semaphore_mem>>) src(%dma_wait3A_1045 : memref<1024xf32, #tpu.memory_space<vmem>>) dst(%dma_wait3A_1038 : memref<1024xf32, #tpu.memory_space<hbm>>)
        %sub3A_1046 = arith.constant 2 : i32
        %sub3A_1047 = arith.subi %add3A_640, %sub3A_1046 : i32
        %mul3A_1048 = arith.constant 1024 : i32
        %mul3A_1049 = arith.muli %sub3A_1047, %mul3A_1048 : i32
        %add3A_1050 = arith.addi %mul3A_2, %mul3A_1049 : i32
        %dma_wait3A_1051 = arith.constant 0 : i32
        %dma_wait3A_1052 = arith.constant 3 : i32
        %dma_wait3A_1053 = arith.constant 3 : i32
        %dma_wait3A_1054 = arith.constant 0 : i32
        %dma_wait3A_1055 = arith.constant 0 : i32
        %dma_wait3A_1056 = tpu.memref_slice %arg8[%dma_wait3A_1051, %dma_wait3A_1054, %dma_wait3A_1055] : memref<2x4x1024xf32, #tpu.memory_space<vmem>> -> memref<1x4x1024xf32, #tpu.memory_space<vmem>>
        %dma_wait3A_1057 = tpu.memref_squeeze %dma_wait3A_1056 : memref<1x4x1024xf32, #tpu.memory_space<vmem>> -> memref<4x1024xf32, #tpu.memory_space<vmem>>
        %dma_wait3A_1058 = arith.constant 0 : i32
        %dma_wait3A_1059 = tpu.memref_slice %dma_wait3A_1057[%dma_wait3A_1052, %dma_wait3A_1058] : memref<4x1024xf32, #tpu.memory_space<vmem>> -> memref<1x1024xf32, #tpu.memory_space<vmem>>
        %dma_wait3A_1060 = tpu.memref_squeeze %dma_wait3A_1059 : memref<1x1024xf32, #tpu.memory_space<vmem>> -> memref<1024xf32, #tpu.memory_space<vmem>>
        %dma_wait3A_1061 = arith.constant 0 : i32
        %dma_wait3A_1062 = tpu.memref_slice %arg4[%dma_wait3A_1053, %dma_wait3A_1061] : memref<4x8388608xf32, #tpu.memory_space<hbm>> -> memref<1x8388608xf32, #tpu.memory_space<hbm>>
        %dma_wait3A_1063 = tpu.memref_squeeze %dma_wait3A_1062 : memref<1x8388608xf32, #tpu.memory_space<hbm>> -> memref<8388608xf32, #tpu.memory_space<hbm>>
        %dma_wait3A_1064 = tpu.memref_slice %dma_wait3A_1063[%add3A_1050] : memref<8388608xf32, #tpu.memory_space<hbm>> -> memref<1024xf32, #tpu.memory_space<hbm>>
        %dma_wait3A_1065 = arith.constant 0 : i32
        %dma_wait3A_1066 = tpu.memref_slice %arg4[%dma_wait3A_1053, %dma_wait3A_1065] : memref<4x8388608xf32, #tpu.memory_space<hbm>> -> memref<1x8388608xf32, #tpu.memory_space<hbm>>
        %dma_wait3A_1067 = tpu.memref_squeeze %dma_wait3A_1066 : memref<1x8388608xf32, #tpu.memory_space<hbm>> -> memref<8388608xf32, #tpu.memory_space<hbm>>
        %dma_wait3A_1068 = tpu.memref_slice %dma_wait3A_1067[%add3A_1050] : memref<8388608xf32, #tpu.memory_space<hbm>> -> memref<1024xf32, #tpu.memory_space<hbm>>
        %dma_wait3A_1069 = arith.constant 0 : i32
        %dma_wait3A_1070 = arith.constant 0 : i32
        %dma_wait3A_1071 = tpu.memref_slice %arg8[%dma_wait3A_1051, %dma_wait3A_1069, %dma_wait3A_1070] : memref<2x4x1024xf32, #tpu.memory_space<vmem>> -> memref<1x4x1024xf32, #tpu.memory_space<vmem>>
        %dma_wait3A_1072 = tpu.memref_squeeze %dma_wait3A_1071 : memref<1x4x1024xf32, #tpu.memory_space<vmem>> -> memref<4x1024xf32, #tpu.memory_space<vmem>>
        %dma_wait3A_1073 = arith.constant 0 : i32
        %dma_wait3A_1074 = tpu.memref_slice %dma_wait3A_1072[%dma_wait3A_1052, %dma_wait3A_1073] : memref<4x1024xf32, #tpu.memory_space<vmem>> -> memref<1x1024xf32, #tpu.memory_space<vmem>>
        %dma_wait3A_1075 = tpu.memref_squeeze %dma_wait3A_1074 : memref<1x1024xf32, #tpu.memory_space<vmem>> -> memref<1024xf32, #tpu.memory_space<vmem>>
        tpu.wait_dma2 semaphore(%arg10 : memref<!tpu.dma_semaphore, #tpu.memory_space<semaphore_mem>>) src(%dma_wait3A_1075 : memref<1024xf32, #tpu.memory_space<vmem>>) dst(%dma_wait3A_1068 : memref<1024xf32, #tpu.memory_space<hbm>>)
      } else {
      }
      %parallel_loop3A_675 = arith.constant 0 : i32
      %parallel_loop3A_676 = arith.constant 64 : i32
      %parallel_loop3A_677 = arith.constant 1 : i32
      scf.for %parallel_loop3A_957 = %parallel_loop3A_675 to %parallel_loop3A_676 step %parallel_loop3A_677  : i32 {
        %parallel_loop3A_958 = arith.constant 16 : i32
        %parallel_loop3A_959 = arith.muli %parallel_loop3A_957, %parallel_loop3A_958 : i32
        %parallel_loop3A_960 = arith.constant 2 : i32
        %parallel_loop3A_961 = arith.index_cast %parallel_loop3A_960 : i32 to index
        %parallel_loop3A_962 = arith.index_cast %parallel_loop3A_959 : i32 to index
        %parallel_loop3A_963 = tpu.vector_load %arg5[%parallel_loop3A_961, %parallel_loop3A_962] {strides = array<i32>} : memref<4x1024xi32, #tpu.memory_space<vmem>>, vector<16xi32>,
        %parallel_loop3A_964 = arith.constant 3 : i32
        %parallel_loop3A_965 = vector.broadcast %parallel_loop3A_964 : i32 to vector<16xi32>
        %parallel_loop3A_966 = arith.andi %parallel_loop3A_963, %parallel_loop3A_965 : vector<16xi32>
        %parallel_loop3A_967 = arith.constant 2 : i32
        %parallel_loop3A_968 = vector.broadcast %parallel_loop3A_967 : i32 to vector<16xi32>
        %parallel_loop3A_969 = arith.shli %parallel_loop3A_966, %parallel_loop3A_968 : vector<16xi32>
        %parallel_loop3A_970 = vector.broadcast %parallel_loop3A_959 : i32 to vector<16xi32>
        %parallel_loop3A_971 = arith.addi %parallel_loop3A_970, %iota3A : vector<16xi32>
        %parallel_loop3A_972 = arith.constant 0 : i32
        %parallel_loop3A_973 = vector.broadcast %parallel_loop3A_972 : i32 to vector<16xi32>
        %parallel_loop3A_974 = arith.addi %parallel_loop3A_969, %parallel_loop3A_973 : vector<16xi32>
        %parallel_loop3A_975 = arith.constant 2 : i32
        %parallel_loop3A_976 = arith.constant 0 : i32
        %parallel_loop3A_977 = arith.constant 0 : i32
        %parallel_loop3A_978 = tpu.memref_slice %arg7[%parallel_loop3A_975, %parallel_loop3A_976, %parallel_loop3A_977] : memref<4x1024x16xf32, #tpu.memory_space<vmem>> -> memref<1x1024x16xf32, #tpu.memory_space<vmem>>
        %parallel_loop3A_979 = tpu.memref_squeeze %parallel_loop3A_978 : memref<1x1024x16xf32, #tpu.memory_space<vmem>> -> memref<1024x16xf32, #tpu.memory_space<vmem>>
        %parallel_loop3A_980 = tpu.vector_load_idx %parallel_loop3A_979[%parallel_loop3A_971, %parallel_loop3A_974] : memref<1024x16xf32, #tpu.memory_space<vmem>>[vector<16xi32>, vector<16xi32>], vector<16xf32>,
        %parallel_loop3A_981 = arith.constant 0 : i32
        %parallel_loop3A_982 = arith.constant 0 : i32
        %parallel_loop3A_983 = arith.index_cast %parallel_loop3A_981 : i32 to index
        %parallel_loop3A_984 = arith.index_cast %parallel_loop3A_982 : i32 to index
        %parallel_loop3A_985 = arith.index_cast %parallel_loop3A_959 : i32 to index
        %parallel_loop3A_986 = tpu.vector_load %arg8[%parallel_loop3A_983, %parallel_loop3A_984, %parallel_loop3A_985] {strides = array<i32>} : memref<2x4x1024xf32, #tpu.memory_space<vmem>>, vector<16xf32>,
        tpu.vector_store %arg8[%parallel_loop3A_983, %parallel_loop3A_984, %parallel_loop3A_985], %parallel_loop3A_980 {strides = array<i32>} : memref<2x4x1024xf32, #tpu.memory_space<vmem>>, vector<16xf32>,
        %parallel_loop3A_987 = arith.constant 1 : i32
        %parallel_loop3A_988 = vector.broadcast %parallel_loop3A_987 : i32 to vector<16xi32>
        %parallel_loop3A_989 = arith.addi %parallel_loop3A_969, %parallel_loop3A_988 : vector<16xi32>
        %parallel_loop3A_990 = arith.constant 2 : i32
        %parallel_loop3A_991 = arith.constant 0 : i32
        %parallel_loop3A_992 = arith.constant 0 : i32
        %parallel_loop3A_993 = tpu.memref_slice %arg7[%parallel_loop3A_990, %parallel_loop3A_991, %parallel_loop3A_992] : memref<4x1024x16xf32, #tpu.memory_space<vmem>> -> memref<1x1024x16xf32, #tpu.memory_space<vmem>>
        %parallel_loop3A_994 = tpu.memref_squeeze %parallel_loop3A_993 : memref<1x1024x16xf32, #tpu.memory_space<vmem>> -> memref<1024x16xf32, #tpu.memory_space<vmem>>
        %parallel_loop3A_995 = tpu.vector_load_idx %parallel_loop3A_994[%parallel_loop3A_971, %parallel_loop3A_989] : memref<1024x16xf32, #tpu.memory_space<vmem>>[vector<16xi32>, vector<16xi32>], vector<16xf32>,
        %parallel_loop3A_996 = arith.constant 0 : i32
        %parallel_loop3A_997 = arith.constant 1 : i32
        %parallel_loop3A_998 = arith.index_cast %parallel_loop3A_996 : i32 to index
        %parallel_loop3A_999 = arith.index_cast %parallel_loop3A_997 : i32 to index
        %parallel_loop3A_1000 = arith.index_cast %parallel_loop3A_959 : i32 to index
        %parallel_loop3A_1001 = tpu.vector_load %arg8[%parallel_loop3A_998, %parallel_loop3A_999, %parallel_loop3A_1000] {strides = array<i32>} : memref<2x4x1024xf32, #tpu.memory_space<vmem>>, vector<16xf32>,
        tpu.vector_store %arg8[%parallel_loop3A_998, %parallel_loop3A_999, %parallel_loop3A_1000], %parallel_loop3A_995 {strides = array<i32>} : memref<2x4x1024xf32, #tpu.memory_space<vmem>>, vector<16xf32>,
        %parallel_loop3A_1002 = arith.constant 2 : i32
        %parallel_loop3A_1003 = vector.broadcast %parallel_loop3A_1002 : i32 to vector<16xi32>
        %parallel_loop3A_1004 = arith.addi %parallel_loop3A_969, %parallel_loop3A_1003 : vector<16xi32>
        %parallel_loop3A_1005 = arith.constant 2 : i32
        %parallel_loop3A_1006 = arith.constant 0 : i32
        %parallel_loop3A_1007 = arith.constant 0 : i32
        %parallel_loop3A_1008 = tpu.memref_slice %arg7[%parallel_loop3A_1005, %parallel_loop3A_1006, %parallel_loop3A_1007] : memref<4x1024x16xf32, #tpu.memory_space<vmem>> -> memref<1x1024x16xf32, #tpu.memory_space<vmem>>
        %parallel_loop3A_1009 = tpu.memref_squeeze %parallel_loop3A_1008 : memref<1x1024x16xf32, #tpu.memory_space<vmem>> -> memref<1024x16xf32, #tpu.memory_space<vmem>>
        %parallel_loop3A_1010 = tpu.vector_load_idx %parallel_loop3A_1009[%parallel_loop3A_971, %parallel_loop3A_1004] : memref<1024x16xf32, #tpu.memory_space<vmem>>[vector<16xi32>, vector<16xi32>], vector<16xf32>,
        %parallel_loop3A_1011 = arith.constant 0 : i32
        %parallel_loop3A_1012 = arith.constant 2 : i32
        %parallel_loop3A_1013 = arith.index_cast %parallel_loop3A_1011 : i32 to index
        %parallel_loop3A_1014 = arith.index_cast %parallel_loop3A_1012 : i32 to index
        %parallel_loop3A_1015 = arith.index_cast %parallel_loop3A_959 : i32 to index
        %parallel_loop3A_1016 = tpu.vector_load %arg8[%parallel_loop3A_1013, %parallel_loop3A_1014, %parallel_loop3A_1015] {strides = array<i32>} : memref<2x4x1024xf32, #tpu.memory_space<vmem>>, vector<16xf32>,
        tpu.vector_store %arg8[%parallel_loop3A_1013, %parallel_loop3A_1014, %parallel_loop3A_1015], %parallel_loop3A_1010 {strides = array<i32>} : memref<2x4x1024xf32, #tpu.memory_space<vmem>>, vector<16xf32>,
        %parallel_loop3A_1017 = arith.constant 3 : i32
        %parallel_loop3A_1018 = vector.broadcast %parallel_loop3A_1017 : i32 to vector<16xi32>
        %parallel_loop3A_1019 = arith.addi %parallel_loop3A_969, %parallel_loop3A_1018 : vector<16xi32>
        %parallel_loop3A_1020 = arith.constant 2 : i32
        %parallel_loop3A_1021 = arith.constant 0 : i32
        %parallel_loop3A_1022 = arith.constant 0 : i32
        %parallel_loop3A_1023 = tpu.memref_slice %arg7[%parallel_loop3A_1020, %parallel_loop3A_1021, %parallel_loop3A_1022] : memref<4x1024x16xf32, #tpu.memory_space<vmem>> -> memref<1x1024x16xf32, #tpu.memory_space<vmem>>
        %parallel_loop3A_1024 = tpu.memref_squeeze %parallel_loop3A_1023 : memref<1x1024x16xf32, #tpu.memory_space<vmem>> -> memref<1024x16xf32, #tpu.memory_space<vmem>>
        %parallel_loop3A_1025 = tpu.vector_load_idx %parallel_loop3A_1024[%parallel_loop3A_971, %parallel_loop3A_1019] : memref<1024x16xf32, #tpu.memory_space<vmem>>[vector<16xi32>, vector<16xi32>], vector<16xf32>,
        %parallel_loop3A_1026 = arith.constant 0 : i32
        %parallel_loop3A_1027 = arith.constant 3 : i32
        %parallel_loop3A_1028 = arith.index_cast %parallel_loop3A_1026 : i32 to index
        %parallel_loop3A_1029 = arith.index_cast %parallel_loop3A_1027 : i32 to index
        %parallel_loop3A_1030 = arith.index_cast %parallel_loop3A_959 : i32 to index
        %parallel_loop3A_1031 = tpu.vector_load %arg8[%parallel_loop3A_1028, %parallel_loop3A_1029, %parallel_loop3A_1030] {strides = array<i32>} : memref<2x4x1024xf32, #tpu.memory_space<vmem>>, vector<16xf32>,
        tpu.vector_store %arg8[%parallel_loop3A_1028, %parallel_loop3A_1029, %parallel_loop3A_1030], %parallel_loop3A_1025 {strides = array<i32>} : memref<2x4x1024xf32, #tpu.memory_space<vmem>>, vector<16xf32>,
      } {sc.loop_unroll_factor = 4 : i64, sc.parallel_access}
      %mul3A_678 = arith.constant 1024 : i32
      %mul3A_679 = arith.muli %add3A_640, %mul3A_678 : i32
      %add3A_680 = arith.addi %mul3A_2, %mul3A_679 : i32
      %dma_start3A_681 = arith.constant 0 : i32
      %dma_start3A_682 = arith.constant 0 : i32
      %dma_start3A_683 = arith.constant 0 : i32
      %dma_start3A_684 = arith.constant 0 : i32
      %dma_start3A_685 = arith.constant 0 : i32
      %dma_start3A_686 = tpu.memref_slice %arg8[%dma_start3A_681, %dma_start3A_684, %dma_start3A_685] : memref<2x4x1024xf32, #tpu.memory_space<vmem>> -> memref<1x4x1024xf32, #tpu.memory_space<vmem>>
      %dma_start3A_687 = tpu.memref_squeeze %dma_start3A_686 : memref<1x4x1024xf32, #tpu.memory_space<vmem>> -> memref<4x1024xf32, #tpu.memory_space<vmem>>
      %dma_start3A_688 = arith.constant 0 : i32
      %dma_start3A_689 = tpu.memref_slice %dma_start3A_687[%dma_start3A_682, %dma_start3A_688] : memref<4x1024xf32, #tpu.memory_space<vmem>> -> memref<1x1024xf32, #tpu.memory_space<vmem>>
      %dma_start3A_690 = tpu.memref_squeeze %dma_start3A_689 : memref<1x1024xf32, #tpu.memory_space<vmem>> -> memref<1024xf32, #tpu.memory_space<vmem>>
      %dma_start3A_691 = arith.constant 0 : i32
      %dma_start3A_692 = tpu.memref_slice %arg4[%dma_start3A_683, %dma_start3A_691] : memref<4x8388608xf32, #tpu.memory_space<hbm>> -> memref<1x8388608xf32, #tpu.memory_space<hbm>>
      %dma_start3A_693 = tpu.memref_squeeze %dma_start3A_692 : memref<1x8388608xf32, #tpu.memory_space<hbm>> -> memref<8388608xf32, #tpu.memory_space<hbm>>
      %dma_start3A_694 = tpu.memref_slice %dma_start3A_693[%add3A_680] : memref<8388608xf32, #tpu.memory_space<hbm>> -> memref<1024xf32, #tpu.memory_space<hbm>>
      %dma_start3A_695 = arith.constant 0 : i32
      %dma_start3A_696 = tpu.memref_slice %arg4[%dma_start3A_683, %dma_start3A_695] : memref<4x8388608xf32, #tpu.memory_space<hbm>> -> memref<1x8388608xf32, #tpu.memory_space<hbm>>
      %dma_start3A_697 = tpu.memref_squeeze %dma_start3A_696 : memref<1x8388608xf32, #tpu.memory_space<hbm>> -> memref<8388608xf32, #tpu.memory_space<hbm>>
      %dma_start3A_698 = tpu.memref_slice %dma_start3A_697[%add3A_680] : memref<8388608xf32, #tpu.memory_space<hbm>> -> memref<1024xf32, #tpu.memory_space<hbm>>
      %dma_start3A_699 = arith.constant 0 : i32
      %dma_start3A_700 = arith.constant 0 : i32
      %dma_start3A_701 = tpu.memref_slice %arg8[%dma_start3A_681, %dma_start3A_699, %dma_start3A_700] : memref<2x4x1024xf32, #tpu.memory_space<vmem>> -> memref<1x4x1024xf32, #tpu.memory_space<vmem>>
      %dma_start3A_702 = tpu.memref_squeeze %dma_start3A_701 : memref<1x4x1024xf32, #tpu.memory_space<vmem>> -> memref<4x1024xf32, #tpu.memory_space<vmem>>
      %dma_start3A_703 = arith.constant 0 : i32
      %dma_start3A_704 = tpu.memref_slice %dma_start3A_702[%dma_start3A_682, %dma_start3A_703] : memref<4x1024xf32, #tpu.memory_space<vmem>> -> memref<1x1024xf32, #tpu.memory_space<vmem>>
      %dma_start3A_705 = tpu.memref_squeeze %dma_start3A_704 : memref<1x1024xf32, #tpu.memory_space<vmem>> -> memref<1024xf32, #tpu.memory_space<vmem>>
      tpu.enqueue_dma source(%dma_start3A_705 : memref<1024xf32, #tpu.memory_space<vmem>>) target(%dma_start3A_698 : memref<1024xf32, #tpu.memory_space<hbm>>) target_semaphore(%arg10 : memref<!tpu.dma_semaphore, #tpu.memory_space<semaphore_mem>>)
      %mul3A_706 = arith.constant 1024 : i32
      %mul3A_707 = arith.muli %add3A_640, %mul3A_706 : i32
      %add3A_708 = arith.addi %mul3A_2, %mul3A_707 : i32
      %dma_start3A_709 = arith.constant 0 : i32
      %dma_start3A_710 = arith.constant 1 : i32
      %dma_start3A_711 = arith.constant 1 : i32
      %dma_start3A_712 = arith.constant 0 : i32
      %dma_start3A_713 = arith.constant 0 : i32
      %dma_start3A_714 = tpu.memref_slice %arg8[%dma_start3A_709, %dma_start3A_712, %dma_start3A_713] : memref<2x4x1024xf32, #tpu.memory_space<vmem>> -> memref<1x4x1024xf32, #tpu.memory_space<vmem>>
      %dma_start3A_715 = tpu.memref_squeeze %dma_start3A_714 : memref<1x4x1024xf32, #tpu.memory_space<vmem>> -> memref<4x1024xf32, #tpu.memory_space<vmem>>
      %dma_start3A_716 = arith.constant 0 : i32
      %dma_start3A_717 = tpu.memref_slice %dma_start3A_715[%dma_start3A_710, %dma_start3A_716] : memref<4x1024xf32, #tpu.memory_space<vmem>> -> memref<1x1024xf32, #tpu.memory_space<vmem>>
      %dma_start3A_718 = tpu.memref_squeeze %dma_start3A_717 : memref<1x1024xf32, #tpu.memory_space<vmem>> -> memref<1024xf32, #tpu.memory_space<vmem>>
      %dma_start3A_719 = arith.constant 0 : i32
      %dma_start3A_720 = tpu.memref_slice %arg4[%dma_start3A_711, %dma_start3A_719] : memref<4x8388608xf32, #tpu.memory_space<hbm>> -> memref<1x8388608xf32, #tpu.memory_space<hbm>>
      %dma_start3A_721 = tpu.memref_squeeze %dma_start3A_720 : memref<1x8388608xf32, #tpu.memory_space<hbm>> -> memref<8388608xf32, #tpu.memory_space<hbm>>
      %dma_start3A_722 = tpu.memref_slice %dma_start3A_721[%add3A_708] : memref<8388608xf32, #tpu.memory_space<hbm>> -> memref<1024xf32, #tpu.memory_space<hbm>>
      %dma_start3A_723 = arith.constant 0 : i32
      %dma_start3A_724 = tpu.memref_slice %arg4[%dma_start3A_711, %dma_start3A_723] : memref<4x8388608xf32, #tpu.memory_space<hbm>> -> memref<1x8388608xf32, #tpu.memory_space<hbm>>
      %dma_start3A_725 = tpu.memref_squeeze %dma_start3A_724 : memref<1x8388608xf32, #tpu.memory_space<hbm>> -> memref<8388608xf32, #tpu.memory_space<hbm>>
      %dma_start3A_726 = tpu.memref_slice %dma_start3A_725[%add3A_708] : memref<8388608xf32, #tpu.memory_space<hbm>> -> memref<1024xf32, #tpu.memory_space<hbm>>
      %dma_start3A_727 = arith.constant 0 : i32
      %dma_start3A_728 = arith.constant 0 : i32
      %dma_start3A_729 = tpu.memref_slice %arg8[%dma_start3A_709, %dma_start3A_727, %dma_start3A_728] : memref<2x4x1024xf32, #tpu.memory_space<vmem>> -> memref<1x4x1024xf32, #tpu.memory_space<vmem>>
      %dma_start3A_730 = tpu.memref_squeeze %dma_start3A_729 : memref<1x4x1024xf32, #tpu.memory_space<vmem>> -> memref<4x1024xf32, #tpu.memory_space<vmem>>
      %dma_start3A_731 = arith.constant 0 : i32
      %dma_start3A_732 = tpu.memref_slice %dma_start3A_730[%dma_start3A_710, %dma_start3A_731] : memref<4x1024xf32, #tpu.memory_space<vmem>> -> memref<1x1024xf32, #tpu.memory_space<vmem>>
      %dma_start3A_733 = tpu.memref_squeeze %dma_start3A_732 : memref<1x1024xf32, #tpu.memory_space<vmem>> -> memref<1024xf32, #tpu.memory_space<vmem>>
      tpu.enqueue_dma source(%dma_start3A_733 : memref<1024xf32, #tpu.memory_space<vmem>>) target(%dma_start3A_726 : memref<1024xf32, #tpu.memory_space<hbm>>) target_semaphore(%arg10 : memref<!tpu.dma_semaphore, #tpu.memory_space<semaphore_mem>>)
      %mul3A_734 = arith.constant 1024 : i32
      %mul3A_735 = arith.muli %add3A_640, %mul3A_734 : i32
      %add3A_736 = arith.addi %mul3A_2, %mul3A_735 : i32
      %dma_start3A_737 = arith.constant 0 : i32
      %dma_start3A_738 = arith.constant 2 : i32
      %dma_start3A_739 = arith.constant 2 : i32
      %dma_start3A_740 = arith.constant 0 : i32
      %dma_start3A_741 = arith.constant 0 : i32
      %dma_start3A_742 = tpu.memref_slice %arg8[%dma_start3A_737, %dma_start3A_740, %dma_start3A_741] : memref<2x4x1024xf32, #tpu.memory_space<vmem>> -> memref<1x4x1024xf32, #tpu.memory_space<vmem>>
      %dma_start3A_743 = tpu.memref_squeeze %dma_start3A_742 : memref<1x4x1024xf32, #tpu.memory_space<vmem>> -> memref<4x1024xf32, #tpu.memory_space<vmem>>
      %dma_start3A_744 = arith.constant 0 : i32
      %dma_start3A_745 = tpu.memref_slice %dma_start3A_743[%dma_start3A_738, %dma_start3A_744] : memref<4x1024xf32, #tpu.memory_space<vmem>> -> memref<1x1024xf32, #tpu.memory_space<vmem>>
      %dma_start3A_746 = tpu.memref_squeeze %dma_start3A_745 : memref<1x1024xf32, #tpu.memory_space<vmem>> -> memref<1024xf32, #tpu.memory_space<vmem>>
      %dma_start3A_747 = arith.constant 0 : i32
      %dma_start3A_748 = tpu.memref_slice %arg4[%dma_start3A_739, %dma_start3A_747] : memref<4x8388608xf32, #tpu.memory_space<hbm>> -> memref<1x8388608xf32, #tpu.memory_space<hbm>>
      %dma_start3A_749 = tpu.memref_squeeze %dma_start3A_748 : memref<1x8388608xf32, #tpu.memory_space<hbm>> -> memref<8388608xf32, #tpu.memory_space<hbm>>
      %dma_start3A_750 = tpu.memref_slice %dma_start3A_749[%add3A_736] : memref<8388608xf32, #tpu.memory_space<hbm>> -> memref<1024xf32, #tpu.memory_space<hbm>>
      %dma_start3A_751 = arith.constant 0 : i32
      %dma_start3A_752 = tpu.memref_slice %arg4[%dma_start3A_739, %dma_start3A_751] : memref<4x8388608xf32, #tpu.memory_space<hbm>> -> memref<1x8388608xf32, #tpu.memory_space<hbm>>
      %dma_start3A_753 = tpu.memref_squeeze %dma_start3A_752 : memref<1x8388608xf32, #tpu.memory_space<hbm>> -> memref<8388608xf32, #tpu.memory_space<hbm>>
      %dma_start3A_754 = tpu.memref_slice %dma_start3A_753[%add3A_736] : memref<8388608xf32, #tpu.memory_space<hbm>> -> memref<1024xf32, #tpu.memory_space<hbm>>
      %dma_start3A_755 = arith.constant 0 : i32
      %dma_start3A_756 = arith.constant 0 : i32
      %dma_start3A_757 = tpu.memref_slice %arg8[%dma_start3A_737, %dma_start3A_755, %dma_start3A_756] : memref<2x4x1024xf32, #tpu.memory_space<vmem>> -> memref<1x4x1024xf32, #tpu.memory_space<vmem>>
      %dma_start3A_758 = tpu.memref_squeeze %dma_start3A_757 : memref<1x4x1024xf32, #tpu.memory_space<vmem>> -> memref<4x1024xf32, #tpu.memory_space<vmem>>
      %dma_start3A_759 = arith.constant 0 : i32
      %dma_start3A_760 = tpu.memref_slice %dma_start3A_758[%dma_start3A_738, %dma_start3A_759] : memref<4x1024xf32, #tpu.memory_space<vmem>> -> memref<1x1024xf32, #tpu.memory_space<vmem>>
      %dma_start3A_761 = tpu.memref_squeeze %dma_start3A_760 : memref<1x1024xf32, #tpu.memory_space<vmem>> -> memref<1024xf32, #tpu.memory_space<vmem>>
      tpu.enqueue_dma source(%dma_start3A_761 : memref<1024xf32, #tpu.memory_space<vmem>>) target(%dma_start3A_754 : memref<1024xf32, #tpu.memory_space<hbm>>) target_semaphore(%arg10 : memref<!tpu.dma_semaphore, #tpu.memory_space<semaphore_mem>>)
      %mul3A_762 = arith.constant 1024 : i32
      %mul3A_763 = arith.muli %add3A_640, %mul3A_762 : i32
      %add3A_764 = arith.addi %mul3A_2, %mul3A_763 : i32
      %dma_start3A_765 = arith.constant 0 : i32
      %dma_start3A_766 = arith.constant 3 : i32
      %dma_start3A_767 = arith.constant 3 : i32
      %dma_start3A_768 = arith.constant 0 : i32
      %dma_start3A_769 = arith.constant 0 : i32
      %dma_start3A_770 = tpu.memref_slice %arg8[%dma_start3A_765, %dma_start3A_768, %dma_start3A_769] : memref<2x4x1024xf32, #tpu.memory_space<vmem>> -> memref<1x4x1024xf32, #tpu.memory_space<vmem>>
      %dma_start3A_771 = tpu.memref_squeeze %dma_start3A_770 : memref<1x4x1024xf32, #tpu.memory_space<vmem>> -> memref<4x1024xf32, #tpu.memory_space<vmem>>
      %dma_start3A_772 = arith.constant 0 : i32
      %dma_start3A_773 = tpu.memref_slice %dma_start3A_771[%dma_start3A_766, %dma_start3A_772] : memref<4x1024xf32, #tpu.memory_space<vmem>> -> memref<1x1024xf32, #tpu.memory_space<vmem>>
      %dma_start3A_774 = tpu.memref_squeeze %dma_start3A_773 : memref<1x1024xf32, #tpu.memory_space<vmem>> -> memref<1024xf32, #tpu.memory_space<vmem>>
      %dma_start3A_775 = arith.constant 0 : i32
      %dma_start3A_776 = tpu.memref_slice %arg4[%dma_start3A_767, %dma_start3A_775] : memref<4x8388608xf32, #tpu.memory_space<hbm>> -> memref<1x8388608xf32, #tpu.memory_space<hbm>>
      %dma_start3A_777 = tpu.memref_squeeze %dma_start3A_776 : memref<1x8388608xf32, #tpu.memory_space<hbm>> -> memref<8388608xf32, #tpu.memory_space<hbm>>
      %dma_start3A_778 = tpu.memref_slice %dma_start3A_777[%add3A_764] : memref<8388608xf32, #tpu.memory_space<hbm>> -> memref<1024xf32, #tpu.memory_space<hbm>>
      %dma_start3A_779 = arith.constant 0 : i32
      %dma_start3A_780 = tpu.memref_slice %arg4[%dma_start3A_767, %dma_start3A_779] : memref<4x8388608xf32, #tpu.memory_space<hbm>> -> memref<1x8388608xf32, #tpu.memory_space<hbm>>
      %dma_start3A_781 = tpu.memref_squeeze %dma_start3A_780 : memref<1x8388608xf32, #tpu.memory_space<hbm>> -> memref<8388608xf32, #tpu.memory_space<hbm>>
      %dma_start3A_782 = tpu.memref_slice %dma_start3A_781[%add3A_764] : memref<8388608xf32, #tpu.memory_space<hbm>> -> memref<1024xf32, #tpu.memory_space<hbm>>
      %dma_start3A_783 = arith.constant 0 : i32
      %dma_start3A_784 = arith.constant 0 : i32
      %dma_start3A_785 = tpu.memref_slice %arg8[%dma_start3A_765, %dma_start3A_783, %dma_start3A_784] : memref<2x4x1024xf32, #tpu.memory_space<vmem>> -> memref<1x4x1024xf32, #tpu.memory_space<vmem>>
      %dma_start3A_786 = tpu.memref_squeeze %dma_start3A_785 : memref<1x4x1024xf32, #tpu.memory_space<vmem>> -> memref<4x1024xf32, #tpu.memory_space<vmem>>
      %dma_start3A_787 = arith.constant 0 : i32
      %dma_start3A_788 = tpu.memref_slice %dma_start3A_786[%dma_start3A_766, %dma_start3A_787] : memref<4x1024xf32, #tpu.memory_space<vmem>> -> memref<1x1024xf32, #tpu.memory_space<vmem>>
      %dma_start3A_789 = tpu.memref_squeeze %dma_start3A_788 : memref<1x1024xf32, #tpu.memory_space<vmem>> -> memref<1024xf32, #tpu.memory_space<vmem>>
      tpu.enqueue_dma source(%dma_start3A_789 : memref<1024xf32, #tpu.memory_space<vmem>>) target(%dma_start3A_782 : memref<1024xf32, #tpu.memory_space<hbm>>) target_semaphore(%arg10 : memref<!tpu.dma_semaphore, #tpu.memory_space<semaphore_mem>>)
      %add3A_790 = arith.constant 4 : i32
      %add3A_791 = arith.addi %add3A_640, %add3A_790 : i32
      %lt3A_792 = arith.constant 256 : i32
      %lt3A_793 = arith.cmpi slt, %add3A_791, %lt3A_792 : i32
      %convert_element_type3A_794 = arith.extui %lt3A_793 : i1 to i32
      %cond3A_795 = arith.constant 0 : i32
      %cond3A_796 = arith.cmpi ne, %convert_element_type3A_794, %cond3A_795 : i32
      scf.if %cond3A_796 {
        %add3A_957 = arith.constant 4 : i32
        %add3A_958 = arith.addi %add3A_640, %add3A_957 : i32
        %mul3A_959 = arith.constant 1024 : i32
        %mul3A_960 = arith.muli %add3A_958, %mul3A_959 : i32
        %add3A_961 = arith.addi %mul3A_2, %mul3A_960 : i32
        %dma_start3A_962 = arith.constant 2 : i32
        %dma_start3A_963 = arith.constant 0 : i32
        %dma_start3A_964 = tpu.memref_slice %arg5[%dma_start3A_962, %dma_start3A_963] : memref<4x1024xi32, #tpu.memory_space<vmem>> -> memref<1x1024xi32, #tpu.memory_space<vmem>>
        %dma_start3A_965 = tpu.memref_squeeze %dma_start3A_964 : memref<1x1024xi32, #tpu.memory_space<vmem>> -> memref<1024xi32, #tpu.memory_space<vmem>>
        %dma_start3A_966 = tpu.memref_slice %arg3[%add3A_961] : memref<8388608xi32, #tpu.memory_space<hbm>> -> memref<1024xi32, #tpu.memory_space<hbm>>
        %dma_start3A_967 = arith.constant 0 : i32
        %dma_start3A_968 = tpu.memref_slice %arg5[%dma_start3A_962, %dma_start3A_967] : memref<4x1024xi32, #tpu.memory_space<vmem>> -> memref<1x1024xi32, #tpu.memory_space<vmem>>
        %dma_start3A_969 = tpu.memref_squeeze %dma_start3A_968 : memref<1x1024xi32, #tpu.memory_space<vmem>> -> memref<1024xi32, #tpu.memory_space<vmem>>
        %dma_start3A_970 = tpu.memref_slice %arg3[%add3A_961] : memref<8388608xi32, #tpu.memory_space<hbm>> -> memref<1024xi32, #tpu.memory_space<hbm>>
        tpu.enqueue_dma source(%dma_start3A_970 : memref<1024xi32, #tpu.memory_space<hbm>>) target(%dma_start3A_969 : memref<1024xi32, #tpu.memory_space<vmem>>) target_semaphore(%arg11 : memref<!tpu.dma_semaphore, #tpu.memory_space<semaphore_mem>>)
      } else {
      }
      %mul3A_797 = arith.constant 4 : i32
      %mul3A_798 = arith.muli %mul3A_797, %add3A_320 : i32
      %add3A_799 = arith.constant 3 : i32
      %add3A_800 = arith.addi %mul3A_798, %add3A_799 : i32
      %add3A_801 = arith.constant 2 : i32
      %add3A_802 = arith.addi %add3A_800, %add3A_801 : i32
      %lt3A_803 = arith.constant 256 : i32
      %lt3A_804 = arith.cmpi slt, %add3A_802, %lt3A_803 : i32
      %convert_element_type3A_805 = arith.extui %lt3A_804 : i1 to i32
      %cond3A_806 = arith.constant 0 : i32
      %cond3A_807 = arith.cmpi ne, %convert_element_type3A_805, %cond3A_806 : i32
      scf.if %cond3A_807 {
        %add3A_957 = arith.constant 2 : i32
        %add3A_958 = arith.addi %add3A_800, %add3A_957 : i32
        %mul3A_959 = arith.constant 1024 : i32
        %mul3A_960 = arith.muli %add3A_958, %mul3A_959 : i32
        %add3A_961 = arith.addi %mul3A_2, %mul3A_960 : i32
        %dma_wait3A_962 = arith.constant 1 : i32
        %dma_wait3A_963 = arith.constant 0 : i32
        %dma_wait3A_964 = tpu.memref_slice %arg5[%dma_wait3A_962, %dma_wait3A_963] : memref<4x1024xi32, #tpu.memory_space<vmem>> -> memref<1x1024xi32, #tpu.memory_space<vmem>>
        %dma_wait3A_965 = tpu.memref_squeeze %dma_wait3A_964 : memref<1x1024xi32, #tpu.memory_space<vmem>> -> memref<1024xi32, #tpu.memory_space<vmem>>
        %dma_wait3A_966 = tpu.memref_slice %arg3[%add3A_961] : memref<8388608xi32, #tpu.memory_space<hbm>> -> memref<1024xi32, #tpu.memory_space<hbm>>
        %dma_wait3A_967 = arith.constant 0 : i32
        %dma_wait3A_968 = tpu.memref_slice %arg5[%dma_wait3A_962, %dma_wait3A_967] : memref<4x1024xi32, #tpu.memory_space<vmem>> -> memref<1x1024xi32, #tpu.memory_space<vmem>>
        %dma_wait3A_969 = tpu.memref_squeeze %dma_wait3A_968 : memref<1x1024xi32, #tpu.memory_space<vmem>> -> memref<1024xi32, #tpu.memory_space<vmem>>
        %dma_wait3A_970 = tpu.memref_slice %arg3[%add3A_961] : memref<8388608xi32, #tpu.memory_space<hbm>> -> memref<1024xi32, #tpu.memory_space<hbm>>
        tpu.wait_dma2 semaphore(%arg11 : memref<!tpu.dma_semaphore, #tpu.memory_space<semaphore_mem>>) src(%dma_wait3A_970 : memref<1024xi32, #tpu.memory_space<hbm>>) dst(%dma_wait3A_969 : memref<1024xi32, #tpu.memory_space<vmem>>)
      } else {
      }
      %parallel_loop3A_808 = arith.constant 0 : i32
      %parallel_loop3A_809 = arith.constant 64 : i32
      %parallel_loop3A_810 = arith.constant 1 : i32
      scf.for %parallel_loop3A_957 = %parallel_loop3A_808 to %parallel_loop3A_809 step %parallel_loop3A_810  : i32 {
        %parallel_loop3A_958 = arith.constant 16 : i32
        %parallel_loop3A_959 = arith.muli %parallel_loop3A_957, %parallel_loop3A_958 : i32
        %parallel_loop3A_960 = arith.constant 1 : i32
        %parallel_loop3A_961 = arith.index_cast %parallel_loop3A_960 : i32 to index
        %parallel_loop3A_962 = arith.index_cast %parallel_loop3A_959 : i32 to index
        %parallel_loop3A_963 = tpu.vector_load %arg5[%parallel_loop3A_961, %parallel_loop3A_962] {strides = array<i32>} : memref<4x1024xi32, #tpu.memory_space<vmem>>, vector<16xi32>,
        %parallel_loop3A_964 = arith.constant 2 : i32
        %parallel_loop3A_965 = vector.broadcast %parallel_loop3A_964 : i32 to vector<16xi32>
        %parallel_loop3A_966 = arith.shrui %parallel_loop3A_963, %parallel_loop3A_965 : vector<16xi32>
        %parallel_loop3A_967 = arith.constant 1 : i32
        %parallel_loop3A_968 = arith.index_cast %parallel_loop3A_967 : i32 to index
        %parallel_loop3A_969 = arith.index_cast %parallel_loop3A_959 : i32 to index
        %parallel_loop3A_970 = tpu.vector_load %arg6[%parallel_loop3A_968, %parallel_loop3A_969] {strides = array<i32>} : memref<4x1024xi32, #tpu.memory_space<vmem>>, vector<16xi32>,
        tpu.vector_store %arg6[%parallel_loop3A_968, %parallel_loop3A_969], %parallel_loop3A_966 {strides = array<i32>} : memref<4x1024xi32, #tpu.memory_space<vmem>>, vector<16xi32>,
      } {sc.loop_unroll_factor = 8 : i64, sc.parallel_access}
      %add3A_811 = arith.constant 2 : i32
      %add3A_812 = arith.addi %add3A_800, %add3A_811 : i32
      %lt3A_813 = arith.constant 256 : i32
      %lt3A_814 = arith.cmpi slt, %add3A_812, %lt3A_813 : i32
      %convert_element_type3A_815 = arith.extui %lt3A_814 : i1 to i32
      %cond3A_816 = arith.constant 0 : i32
      %cond3A_817 = arith.cmpi ne, %convert_element_type3A_815, %cond3A_816 : i32
      scf.if %cond3A_817 {
        %dma_start3A_957 = arith.constant 1 : i32
        %dma_start3A_958 = arith.constant 1 : i32
        %dma_start3A_959 = arith.constant 0 : i32
        %dma_start3A_960 = arith.constant 0 : i32
        %dma_start3A_961 = tpu.memref_slice %arg7[%dma_start3A_958, %dma_start3A_959, %dma_start3A_960] : memref<4x1024x16xf32, #tpu.memory_space<vmem>> -> memref<1x1024x16xf32, #tpu.memory_space<vmem>>
        %dma_start3A_962 = tpu.memref_squeeze %dma_start3A_961 : memref<1x1024x16xf32, #tpu.memory_space<vmem>> -> memref<1024x16xf32, #tpu.memory_space<vmem>>
        %dma_start3A_963 = arith.constant 0 : i32
        %dma_start3A_964 = tpu.memref_slice %arg6[%dma_start3A_957, %dma_start3A_963] : memref<4x1024xi32, #tpu.memory_space<vmem>> -> memref<1x1024xi32, #tpu.memory_space<vmem>>
        %dma_start3A_965 = tpu.memref_squeeze %dma_start3A_964 : memref<1x1024xi32, #tpu.memory_space<vmem>> -> memref<1024xi32, #tpu.memory_space<vmem>>
        %dma_start3A_966 = arith.constant 0 : i32
        %dma_start3A_967 = arith.constant 0 : i32
        %dma_start3A_968 = tpu.memref_slice %arg2[%dma_start3A_966, %dma_start3A_967] : memref<2097152x16xf32, #tpu.memory_space<hbm>> -> memref<2097152x16xf32, #tpu.memory_space<hbm>>
        tpu.enqueue_indirect_dma source(%dma_start3A_968 : memref<2097152x16xf32, #tpu.memory_space<hbm>>) target(%dma_start3A_962 : memref<1024x16xf32, #tpu.memory_space<vmem>>) offsets(%dma_start3A_965 : memref<1024xi32, #tpu.memory_space<vmem>>) semaphore(%arg9 : memref<!tpu.dma_semaphore, #tpu.memory_space<semaphore_mem>>)
      } else {
      }
      %dma_wait3A_818 = arith.constant 3 : i32
      %dma_wait3A_819 = arith.constant 3 : i32
      %dma_wait3A_820 = arith.constant 0 : i32
      %dma_wait3A_821 = arith.constant 0 : i32
      %dma_wait3A_822 = tpu.memref_slice %arg7[%dma_wait3A_819, %dma_wait3A_820, %dma_wait3A_821] : memref<4x1024x16xf32, #tpu.memory_space<vmem>> -> memref<1x1024x16xf32, #tpu.memory_space<vmem>>
      %dma_wait3A_823 = tpu.memref_squeeze %dma_wait3A_822 : memref<1x1024x16xf32, #tpu.memory_space<vmem>> -> memref<1024x16xf32, #tpu.memory_space<vmem>>
      %dma_wait3A_824 = arith.constant 0 : i32
      %dma_wait3A_825 = tpu.memref_slice %arg6[%dma_wait3A_818, %dma_wait3A_824] : memref<4x1024xi32, #tpu.memory_space<vmem>> -> memref<1x1024xi32, #tpu.memory_space<vmem>>
      %dma_wait3A_826 = tpu.memref_squeeze %dma_wait3A_825 : memref<1x1024xi32, #tpu.memory_space<vmem>> -> memref<1024xi32, #tpu.memory_space<vmem>>
      %dma_wait3A_827 = arith.constant 0 : i32
      %dma_wait3A_828 = arith.constant 0 : i32
      %dma_wait3A_829 = tpu.memref_slice %arg2[%dma_wait3A_827, %dma_wait3A_828] : memref<2097152x16xf32, #tpu.memory_space<hbm>> -> memref<2097152x16xf32, #tpu.memory_space<hbm>>
      tpu.wait_indirect_dma semaphore(%arg9 : memref<!tpu.dma_semaphore, #tpu.memory_space<semaphore_mem>>) src(%dma_wait3A_829 : memref<2097152x16xf32, #tpu.memory_space<hbm>>) dst(%dma_wait3A_823 : memref<1024x16xf32, #tpu.memory_space<vmem>>)
      %ge3A_830 = arith.constant 2 : i32
      %ge3A_831 = arith.cmpi sge, %add3A_800, %ge3A_830 : i32
      %convert_element_type3A_832 = arith.extui %ge3A_831 : i1 to i32
      %cond3A_833 = arith.constant 0 : i32
      %cond3A_834 = arith.cmpi ne, %convert_element_type3A_832, %cond3A_833 : i32
      scf.if %cond3A_834 {
        %sub3A = arith.constant 2 : i32
        %sub3A_957 = arith.subi %add3A_800, %sub3A : i32
        %mul3A_958 = arith.constant 1024 : i32
        %mul3A_959 = arith.muli %sub3A_957, %mul3A_958 : i32
        %add3A_960 = arith.addi %mul3A_2, %mul3A_959 : i32
        %dma_wait3A_961 = arith.constant 1 : i32
        %dma_wait3A_962 = arith.constant 0 : i32
        %dma_wait3A_963 = arith.constant 0 : i32
        %dma_wait3A_964 = arith.constant 0 : i32
        %dma_wait3A_965 = arith.constant 0 : i32
        %dma_wait3A_966 = tpu.memref_slice %arg8[%dma_wait3A_961, %dma_wait3A_964, %dma_wait3A_965] : memref<2x4x1024xf32, #tpu.memory_space<vmem>> -> memref<1x4x1024xf32, #tpu.memory_space<vmem>>
        %dma_wait3A_967 = tpu.memref_squeeze %dma_wait3A_966 : memref<1x4x1024xf32, #tpu.memory_space<vmem>> -> memref<4x1024xf32, #tpu.memory_space<vmem>>
        %dma_wait3A_968 = arith.constant 0 : i32
        %dma_wait3A_969 = tpu.memref_slice %dma_wait3A_967[%dma_wait3A_962, %dma_wait3A_968] : memref<4x1024xf32, #tpu.memory_space<vmem>> -> memref<1x1024xf32, #tpu.memory_space<vmem>>
        %dma_wait3A_970 = tpu.memref_squeeze %dma_wait3A_969 : memref<1x1024xf32, #tpu.memory_space<vmem>> -> memref<1024xf32, #tpu.memory_space<vmem>>
        %dma_wait3A_971 = arith.constant 0 : i32
        %dma_wait3A_972 = tpu.memref_slice %arg4[%dma_wait3A_963, %dma_wait3A_971] : memref<4x8388608xf32, #tpu.memory_space<hbm>> -> memref<1x8388608xf32, #tpu.memory_space<hbm>>
        %dma_wait3A_973 = tpu.memref_squeeze %dma_wait3A_972 : memref<1x8388608xf32, #tpu.memory_space<hbm>> -> memref<8388608xf32, #tpu.memory_space<hbm>>
        %dma_wait3A_974 = tpu.memref_slice %dma_wait3A_973[%add3A_960] : memref<8388608xf32, #tpu.memory_space<hbm>> -> memref<1024xf32, #tpu.memory_space<hbm>>
        %dma_wait3A_975 = arith.constant 0 : i32
        %dma_wait3A_976 = tpu.memref_slice %arg4[%dma_wait3A_963, %dma_wait3A_975] : memref<4x8388608xf32, #tpu.memory_space<hbm>> -> memref<1x8388608xf32, #tpu.memory_space<hbm>>
        %dma_wait3A_977 = tpu.memref_squeeze %dma_wait3A_976 : memref<1x8388608xf32, #tpu.memory_space<hbm>> -> memref<8388608xf32, #tpu.memory_space<hbm>>
        %dma_wait3A_978 = tpu.memref_slice %dma_wait3A_977[%add3A_960] : memref<8388608xf32, #tpu.memory_space<hbm>> -> memref<1024xf32, #tpu.memory_space<hbm>>
        %dma_wait3A_979 = arith.constant 0 : i32
        %dma_wait3A_980 = arith.constant 0 : i32
        %dma_wait3A_981 = tpu.memref_slice %arg8[%dma_wait3A_961, %dma_wait3A_979, %dma_wait3A_980] : memref<2x4x1024xf32, #tpu.memory_space<vmem>> -> memref<1x4x1024xf32, #tpu.memory_space<vmem>>
        %dma_wait3A_982 = tpu.memref_squeeze %dma_wait3A_981 : memref<1x4x1024xf32, #tpu.memory_space<vmem>> -> memref<4x1024xf32, #tpu.memory_space<vmem>>
        %dma_wait3A_983 = arith.constant 0 : i32
        %dma_wait3A_984 = tpu.memref_slice %dma_wait3A_982[%dma_wait3A_962, %dma_wait3A_983] : memref<4x1024xf32, #tpu.memory_space<vmem>> -> memref<1x1024xf32, #tpu.memory_space<vmem>>
        %dma_wait3A_985 = tpu.memref_squeeze %dma_wait3A_984 : memref<1x1024xf32, #tpu.memory_space<vmem>> -> memref<1024xf32, #tpu.memory_space<vmem>>
        tpu.wait_dma2 semaphore(%arg10 : memref<!tpu.dma_semaphore, #tpu.memory_space<semaphore_mem>>) src(%dma_wait3A_985 : memref<1024xf32, #tpu.memory_space<vmem>>) dst(%dma_wait3A_978 : memref<1024xf32, #tpu.memory_space<hbm>>)
        %sub3A_986 = arith.constant 2 : i32
        %sub3A_987 = arith.subi %add3A_800, %sub3A_986 : i32
        %mul3A_988 = arith.constant 1024 : i32
        %mul3A_989 = arith.muli %sub3A_987, %mul3A_988 : i32
        %add3A_990 = arith.addi %mul3A_2, %mul3A_989 : i32
        %dma_wait3A_991 = arith.constant 1 : i32
        %dma_wait3A_992 = arith.constant 1 : i32
        %dma_wait3A_993 = arith.constant 1 : i32
        %dma_wait3A_994 = arith.constant 0 : i32
        %dma_wait3A_995 = arith.constant 0 : i32
        %dma_wait3A_996 = tpu.memref_slice %arg8[%dma_wait3A_991, %dma_wait3A_994, %dma_wait3A_995] : memref<2x4x1024xf32, #tpu.memory_space<vmem>> -> memref<1x4x1024xf32, #tpu.memory_space<vmem>>
        %dma_wait3A_997 = tpu.memref_squeeze %dma_wait3A_996 : memref<1x4x1024xf32, #tpu.memory_space<vmem>> -> memref<4x1024xf32, #tpu.memory_space<vmem>>
        %dma_wait3A_998 = arith.constant 0 : i32
        %dma_wait3A_999 = tpu.memref_slice %dma_wait3A_997[%dma_wait3A_992, %dma_wait3A_998] : memref<4x1024xf32, #tpu.memory_space<vmem>> -> memref<1x1024xf32, #tpu.memory_space<vmem>>
        %dma_wait3A_1000 = tpu.memref_squeeze %dma_wait3A_999 : memref<1x1024xf32, #tpu.memory_space<vmem>> -> memref<1024xf32, #tpu.memory_space<vmem>>
        %dma_wait3A_1001 = arith.constant 0 : i32
        %dma_wait3A_1002 = tpu.memref_slice %arg4[%dma_wait3A_993, %dma_wait3A_1001] : memref<4x8388608xf32, #tpu.memory_space<hbm>> -> memref<1x8388608xf32, #tpu.memory_space<hbm>>
        %dma_wait3A_1003 = tpu.memref_squeeze %dma_wait3A_1002 : memref<1x8388608xf32, #tpu.memory_space<hbm>> -> memref<8388608xf32, #tpu.memory_space<hbm>>
        %dma_wait3A_1004 = tpu.memref_slice %dma_wait3A_1003[%add3A_990] : memref<8388608xf32, #tpu.memory_space<hbm>> -> memref<1024xf32, #tpu.memory_space<hbm>>
        %dma_wait3A_1005 = arith.constant 0 : i32
        %dma_wait3A_1006 = tpu.memref_slice %arg4[%dma_wait3A_993, %dma_wait3A_1005] : memref<4x8388608xf32, #tpu.memory_space<hbm>> -> memref<1x8388608xf32, #tpu.memory_space<hbm>>
        %dma_wait3A_1007 = tpu.memref_squeeze %dma_wait3A_1006 : memref<1x8388608xf32, #tpu.memory_space<hbm>> -> memref<8388608xf32, #tpu.memory_space<hbm>>
        %dma_wait3A_1008 = tpu.memref_slice %dma_wait3A_1007[%add3A_990] : memref<8388608xf32, #tpu.memory_space<hbm>> -> memref<1024xf32, #tpu.memory_space<hbm>>
        %dma_wait3A_1009 = arith.constant 0 : i32
        %dma_wait3A_1010 = arith.constant 0 : i32
        %dma_wait3A_1011 = tpu.memref_slice %arg8[%dma_wait3A_991, %dma_wait3A_1009, %dma_wait3A_1010] : memref<2x4x1024xf32, #tpu.memory_space<vmem>> -> memref<1x4x1024xf32, #tpu.memory_space<vmem>>
        %dma_wait3A_1012 = tpu.memref_squeeze %dma_wait3A_1011 : memref<1x4x1024xf32, #tpu.memory_space<vmem>> -> memref<4x1024xf32, #tpu.memory_space<vmem>>
        %dma_wait3A_1013 = arith.constant 0 : i32
        %dma_wait3A_1014 = tpu.memref_slice %dma_wait3A_1012[%dma_wait3A_992, %dma_wait3A_1013] : memref<4x1024xf32, #tpu.memory_space<vmem>> -> memref<1x1024xf32, #tpu.memory_space<vmem>>
        %dma_wait3A_1015 = tpu.memref_squeeze %dma_wait3A_1014 : memref<1x1024xf32, #tpu.memory_space<vmem>> -> memref<1024xf32, #tpu.memory_space<vmem>>
        tpu.wait_dma2 semaphore(%arg10 : memref<!tpu.dma_semaphore, #tpu.memory_space<semaphore_mem>>) src(%dma_wait3A_1015 : memref<1024xf32, #tpu.memory_space<vmem>>) dst(%dma_wait3A_1008 : memref<1024xf32, #tpu.memory_space<hbm>>)
        %sub3A_1016 = arith.constant 2 : i32
        %sub3A_1017 = arith.subi %add3A_800, %sub3A_1016 : i32
        %mul3A_1018 = arith.constant 1024 : i32
        %mul3A_1019 = arith.muli %sub3A_1017, %mul3A_1018 : i32
        %add3A_1020 = arith.addi %mul3A_2, %mul3A_1019 : i32
        %dma_wait3A_1021 = arith.constant 1 : i32
        %dma_wait3A_1022 = arith.constant 2 : i32
        %dma_wait3A_1023 = arith.constant 2 : i32
        %dma_wait3A_1024 = arith.constant 0 : i32
        %dma_wait3A_1025 = arith.constant 0 : i32
        %dma_wait3A_1026 = tpu.memref_slice %arg8[%dma_wait3A_1021, %dma_wait3A_1024, %dma_wait3A_1025] : memref<2x4x1024xf32, #tpu.memory_space<vmem>> -> memref<1x4x1024xf32, #tpu.memory_space<vmem>>
        %dma_wait3A_1027 = tpu.memref_squeeze %dma_wait3A_1026 : memref<1x4x1024xf32, #tpu.memory_space<vmem>> -> memref<4x1024xf32, #tpu.memory_space<vmem>>
        %dma_wait3A_1028 = arith.constant 0 : i32
        %dma_wait3A_1029 = tpu.memref_slice %dma_wait3A_1027[%dma_wait3A_1022, %dma_wait3A_1028] : memref<4x1024xf32, #tpu.memory_space<vmem>> -> memref<1x1024xf32, #tpu.memory_space<vmem>>
        %dma_wait3A_1030 = tpu.memref_squeeze %dma_wait3A_1029 : memref<1x1024xf32, #tpu.memory_space<vmem>> -> memref<1024xf32, #tpu.memory_space<vmem>>
        %dma_wait3A_1031 = arith.constant 0 : i32
        %dma_wait3A_1032 = tpu.memref_slice %arg4[%dma_wait3A_1023, %dma_wait3A_1031] : memref<4x8388608xf32, #tpu.memory_space<hbm>> -> memref<1x8388608xf32, #tpu.memory_space<hbm>>
        %dma_wait3A_1033 = tpu.memref_squeeze %dma_wait3A_1032 : memref<1x8388608xf32, #tpu.memory_space<hbm>> -> memref<8388608xf32, #tpu.memory_space<hbm>>
        %dma_wait3A_1034 = tpu.memref_slice %dma_wait3A_1033[%add3A_1020] : memref<8388608xf32, #tpu.memory_space<hbm>> -> memref<1024xf32, #tpu.memory_space<hbm>>
        %dma_wait3A_1035 = arith.constant 0 : i32
        %dma_wait3A_1036 = tpu.memref_slice %arg4[%dma_wait3A_1023, %dma_wait3A_1035] : memref<4x8388608xf32, #tpu.memory_space<hbm>> -> memref<1x8388608xf32, #tpu.memory_space<hbm>>
        %dma_wait3A_1037 = tpu.memref_squeeze %dma_wait3A_1036 : memref<1x8388608xf32, #tpu.memory_space<hbm>> -> memref<8388608xf32, #tpu.memory_space<hbm>>
        %dma_wait3A_1038 = tpu.memref_slice %dma_wait3A_1037[%add3A_1020] : memref<8388608xf32, #tpu.memory_space<hbm>> -> memref<1024xf32, #tpu.memory_space<hbm>>
        %dma_wait3A_1039 = arith.constant 0 : i32
        %dma_wait3A_1040 = arith.constant 0 : i32
        %dma_wait3A_1041 = tpu.memref_slice %arg8[%dma_wait3A_1021, %dma_wait3A_1039, %dma_wait3A_1040] : memref<2x4x1024xf32, #tpu.memory_space<vmem>> -> memref<1x4x1024xf32, #tpu.memory_space<vmem>>
        %dma_wait3A_1042 = tpu.memref_squeeze %dma_wait3A_1041 : memref<1x4x1024xf32, #tpu.memory_space<vmem>> -> memref<4x1024xf32, #tpu.memory_space<vmem>>
        %dma_wait3A_1043 = arith.constant 0 : i32
        %dma_wait3A_1044 = tpu.memref_slice %dma_wait3A_1042[%dma_wait3A_1022, %dma_wait3A_1043] : memref<4x1024xf32, #tpu.memory_space<vmem>> -> memref<1x1024xf32, #tpu.memory_space<vmem>>
        %dma_wait3A_1045 = tpu.memref_squeeze %dma_wait3A_1044 : memref<1x1024xf32, #tpu.memory_space<vmem>> -> memref<1024xf32, #tpu.memory_space<vmem>>
        tpu.wait_dma2 semaphore(%arg10 : memref<!tpu.dma_semaphore, #tpu.memory_space<semaphore_mem>>) src(%dma_wait3A_1045 : memref<1024xf32, #tpu.memory_space<vmem>>) dst(%dma_wait3A_1038 : memref<1024xf32, #tpu.memory_space<hbm>>)
        %sub3A_1046 = arith.constant 2 : i32
        %sub3A_1047 = arith.subi %add3A_800, %sub3A_1046 : i32
        %mul3A_1048 = arith.constant 1024 : i32
        %mul3A_1049 = arith.muli %sub3A_1047, %mul3A_1048 : i32
        %add3A_1050 = arith.addi %mul3A_2, %mul3A_1049 : i32
        %dma_wait3A_1051 = arith.constant 1 : i32
        %dma_wait3A_1052 = arith.constant 3 : i32
        %dma_wait3A_1053 = arith.constant 3 : i32
        %dma_wait3A_1054 = arith.constant 0 : i32
        %dma_wait3A_1055 = arith.constant 0 : i32
        %dma_wait3A_1056 = tpu.memref_slice %arg8[%dma_wait3A_1051, %dma_wait3A_1054, %dma_wait3A_1055] : memref<2x4x1024xf32, #tpu.memory_space<vmem>> -> memref<1x4x1024xf32, #tpu.memory_space<vmem>>
        %dma_wait3A_1057 = tpu.memref_squeeze %dma_wait3A_1056 : memref<1x4x1024xf32, #tpu.memory_space<vmem>> -> memref<4x1024xf32, #tpu.memory_space<vmem>>
        %dma_wait3A_1058 = arith.constant 0 : i32
        %dma_wait3A_1059 = tpu.memref_slice %dma_wait3A_1057[%dma_wait3A_1052, %dma_wait3A_1058] : memref<4x1024xf32, #tpu.memory_space<vmem>> -> memref<1x1024xf32, #tpu.memory_space<vmem>>
        %dma_wait3A_1060 = tpu.memref_squeeze %dma_wait3A_1059 : memref<1x1024xf32, #tpu.memory_space<vmem>> -> memref<1024xf32, #tpu.memory_space<vmem>>
        %dma_wait3A_1061 = arith.constant 0 : i32
        %dma_wait3A_1062 = tpu.memref_slice %arg4[%dma_wait3A_1053, %dma_wait3A_1061] : memref<4x8388608xf32, #tpu.memory_space<hbm>> -> memref<1x8388608xf32, #tpu.memory_space<hbm>>
        %dma_wait3A_1063 = tpu.memref_squeeze %dma_wait3A_1062 : memref<1x8388608xf32, #tpu.memory_space<hbm>> -> memref<8388608xf32, #tpu.memory_space<hbm>>
        %dma_wait3A_1064 = tpu.memref_slice %dma_wait3A_1063[%add3A_1050] : memref<8388608xf32, #tpu.memory_space<hbm>> -> memref<1024xf32, #tpu.memory_space<hbm>>
        %dma_wait3A_1065 = arith.constant 0 : i32
        %dma_wait3A_1066 = tpu.memref_slice %arg4[%dma_wait3A_1053, %dma_wait3A_1065] : memref<4x8388608xf32, #tpu.memory_space<hbm>> -> memref<1x8388608xf32, #tpu.memory_space<hbm>>
        %dma_wait3A_1067 = tpu.memref_squeeze %dma_wait3A_1066 : memref<1x8388608xf32, #tpu.memory_space<hbm>> -> memref<8388608xf32, #tpu.memory_space<hbm>>
        %dma_wait3A_1068 = tpu.memref_slice %dma_wait3A_1067[%add3A_1050] : memref<8388608xf32, #tpu.memory_space<hbm>> -> memref<1024xf32, #tpu.memory_space<hbm>>
        %dma_wait3A_1069 = arith.constant 0 : i32
        %dma_wait3A_1070 = arith.constant 0 : i32
        %dma_wait3A_1071 = tpu.memref_slice %arg8[%dma_wait3A_1051, %dma_wait3A_1069, %dma_wait3A_1070] : memref<2x4x1024xf32, #tpu.memory_space<vmem>> -> memref<1x4x1024xf32, #tpu.memory_space<vmem>>
        %dma_wait3A_1072 = tpu.memref_squeeze %dma_wait3A_1071 : memref<1x4x1024xf32, #tpu.memory_space<vmem>> -> memref<4x1024xf32, #tpu.memory_space<vmem>>
        %dma_wait3A_1073 = arith.constant 0 : i32
        %dma_wait3A_1074 = tpu.memref_slice %dma_wait3A_1072[%dma_wait3A_1052, %dma_wait3A_1073] : memref<4x1024xf32, #tpu.memory_space<vmem>> -> memref<1x1024xf32, #tpu.memory_space<vmem>>
        %dma_wait3A_1075 = tpu.memref_squeeze %dma_wait3A_1074 : memref<1x1024xf32, #tpu.memory_space<vmem>> -> memref<1024xf32, #tpu.memory_space<vmem>>
        tpu.wait_dma2 semaphore(%arg10 : memref<!tpu.dma_semaphore, #tpu.memory_space<semaphore_mem>>) src(%dma_wait3A_1075 : memref<1024xf32, #tpu.memory_space<vmem>>) dst(%dma_wait3A_1068 : memref<1024xf32, #tpu.memory_space<hbm>>)
      } else {
      }
      %parallel_loop3A_835 = arith.constant 0 : i32
      %parallel_loop3A_836 = arith.constant 64 : i32
      %parallel_loop3A_837 = arith.constant 1 : i32
      scf.for %parallel_loop3A_957 = %parallel_loop3A_835 to %parallel_loop3A_836 step %parallel_loop3A_837  : i32 {
        %parallel_loop3A_958 = arith.constant 16 : i32
        %parallel_loop3A_959 = arith.muli %parallel_loop3A_957, %parallel_loop3A_958 : i32
        %parallel_loop3A_960 = arith.constant 3 : i32
        %parallel_loop3A_961 = arith.index_cast %parallel_loop3A_960 : i32 to index
        %parallel_loop3A_962 = arith.index_cast %parallel_loop3A_959 : i32 to index
        %parallel_loop3A_963 = tpu.vector_load %arg5[%parallel_loop3A_961, %parallel_loop3A_962] {strides = array<i32>} : memref<4x1024xi32, #tpu.memory_space<vmem>>, vector<16xi32>,
        %parallel_loop3A_964 = arith.constant 3 : i32
        %parallel_loop3A_965 = vector.broadcast %parallel_loop3A_964 : i32 to vector<16xi32>
        %parallel_loop3A_966 = arith.andi %parallel_loop3A_963, %parallel_loop3A_965 : vector<16xi32>
        %parallel_loop3A_967 = arith.constant 2 : i32
        %parallel_loop3A_968 = vector.broadcast %parallel_loop3A_967 : i32 to vector<16xi32>
        %parallel_loop3A_969 = arith.shli %parallel_loop3A_966, %parallel_loop3A_968 : vector<16xi32>
        %parallel_loop3A_970 = vector.broadcast %parallel_loop3A_959 : i32 to vector<16xi32>
        %parallel_loop3A_971 = arith.addi %parallel_loop3A_970, %iota3A : vector<16xi32>
        %parallel_loop3A_972 = arith.constant 0 : i32
        %parallel_loop3A_973 = vector.broadcast %parallel_loop3A_972 : i32 to vector<16xi32>
        %parallel_loop3A_974 = arith.addi %parallel_loop3A_969, %parallel_loop3A_973 : vector<16xi32>
        %parallel_loop3A_975 = arith.constant 3 : i32
        %parallel_loop3A_976 = arith.constant 0 : i32
        %parallel_loop3A_977 = arith.constant 0 : i32
        %parallel_loop3A_978 = tpu.memref_slice %arg7[%parallel_loop3A_975, %parallel_loop3A_976, %parallel_loop3A_977] : memref<4x1024x16xf32, #tpu.memory_space<vmem>> -> memref<1x1024x16xf32, #tpu.memory_space<vmem>>
        %parallel_loop3A_979 = tpu.memref_squeeze %parallel_loop3A_978 : memref<1x1024x16xf32, #tpu.memory_space<vmem>> -> memref<1024x16xf32, #tpu.memory_space<vmem>>
        %parallel_loop3A_980 = tpu.vector_load_idx %parallel_loop3A_979[%parallel_loop3A_971, %parallel_loop3A_974] : memref<1024x16xf32, #tpu.memory_space<vmem>>[vector<16xi32>, vector<16xi32>], vector<16xf32>,
        %parallel_loop3A_981 = arith.constant 1 : i32
        %parallel_loop3A_982 = arith.constant 0 : i32
        %parallel_loop3A_983 = arith.index_cast %parallel_loop3A_981 : i32 to index
        %parallel_loop3A_984 = arith.index_cast %parallel_loop3A_982 : i32 to index
        %parallel_loop3A_985 = arith.index_cast %parallel_loop3A_959 : i32 to index
        %parallel_loop3A_986 = tpu.vector_load %arg8[%parallel_loop3A_983, %parallel_loop3A_984, %parallel_loop3A_985] {strides = array<i32>} : memref<2x4x1024xf32, #tpu.memory_space<vmem>>, vector<16xf32>,
        tpu.vector_store %arg8[%parallel_loop3A_983, %parallel_loop3A_984, %parallel_loop3A_985], %parallel_loop3A_980 {strides = array<i32>} : memref<2x4x1024xf32, #tpu.memory_space<vmem>>, vector<16xf32>,
        %parallel_loop3A_987 = arith.constant 1 : i32
        %parallel_loop3A_988 = vector.broadcast %parallel_loop3A_987 : i32 to vector<16xi32>
        %parallel_loop3A_989 = arith.addi %parallel_loop3A_969, %parallel_loop3A_988 : vector<16xi32>
        %parallel_loop3A_990 = arith.constant 3 : i32
        %parallel_loop3A_991 = arith.constant 0 : i32
        %parallel_loop3A_992 = arith.constant 0 : i32
        %parallel_loop3A_993 = tpu.memref_slice %arg7[%parallel_loop3A_990, %parallel_loop3A_991, %parallel_loop3A_992] : memref<4x1024x16xf32, #tpu.memory_space<vmem>> -> memref<1x1024x16xf32, #tpu.memory_space<vmem>>
        %parallel_loop3A_994 = tpu.memref_squeeze %parallel_loop3A_993 : memref<1x1024x16xf32, #tpu.memory_space<vmem>> -> memref<1024x16xf32, #tpu.memory_space<vmem>>
        %parallel_loop3A_995 = tpu.vector_load_idx %parallel_loop3A_994[%parallel_loop3A_971, %parallel_loop3A_989] : memref<1024x16xf32, #tpu.memory_space<vmem>>[vector<16xi32>, vector<16xi32>], vector<16xf32>,
        %parallel_loop3A_996 = arith.constant 1 : i32
        %parallel_loop3A_997 = arith.constant 1 : i32
        %parallel_loop3A_998 = arith.index_cast %parallel_loop3A_996 : i32 to index
        %parallel_loop3A_999 = arith.index_cast %parallel_loop3A_997 : i32 to index
        %parallel_loop3A_1000 = arith.index_cast %parallel_loop3A_959 : i32 to index
        %parallel_loop3A_1001 = tpu.vector_load %arg8[%parallel_loop3A_998, %parallel_loop3A_999, %parallel_loop3A_1000] {strides = array<i32>} : memref<2x4x1024xf32, #tpu.memory_space<vmem>>, vector<16xf32>,
        tpu.vector_store %arg8[%parallel_loop3A_998, %parallel_loop3A_999, %parallel_loop3A_1000], %parallel_loop3A_995 {strides = array<i32>} : memref<2x4x1024xf32, #tpu.memory_space<vmem>>, vector<16xf32>,
        %parallel_loop3A_1002 = arith.constant 2 : i32
        %parallel_loop3A_1003 = vector.broadcast %parallel_loop3A_1002 : i32 to vector<16xi32>
        %parallel_loop3A_1004 = arith.addi %parallel_loop3A_969, %parallel_loop3A_1003 : vector<16xi32>
        %parallel_loop3A_1005 = arith.constant 3 : i32
        %parallel_loop3A_1006 = arith.constant 0 : i32
        %parallel_loop3A_1007 = arith.constant 0 : i32
        %parallel_loop3A_1008 = tpu.memref_slice %arg7[%parallel_loop3A_1005, %parallel_loop3A_1006, %parallel_loop3A_1007] : memref<4x1024x16xf32, #tpu.memory_space<vmem>> -> memref<1x1024x16xf32, #tpu.memory_space<vmem>>
        %parallel_loop3A_1009 = tpu.memref_squeeze %parallel_loop3A_1008 : memref<1x1024x16xf32, #tpu.memory_space<vmem>> -> memref<1024x16xf32, #tpu.memory_space<vmem>>
        %parallel_loop3A_1010 = tpu.vector_load_idx %parallel_loop3A_1009[%parallel_loop3A_971, %parallel_loop3A_1004] : memref<1024x16xf32, #tpu.memory_space<vmem>>[vector<16xi32>, vector<16xi32>], vector<16xf32>,
        %parallel_loop3A_1011 = arith.constant 1 : i32
        %parallel_loop3A_1012 = arith.constant 2 : i32
        %parallel_loop3A_1013 = arith.index_cast %parallel_loop3A_1011 : i32 to index
        %parallel_loop3A_1014 = arith.index_cast %parallel_loop3A_1012 : i32 to index
        %parallel_loop3A_1015 = arith.index_cast %parallel_loop3A_959 : i32 to index
        %parallel_loop3A_1016 = tpu.vector_load %arg8[%parallel_loop3A_1013, %parallel_loop3A_1014, %parallel_loop3A_1015] {strides = array<i32>} : memref<2x4x1024xf32, #tpu.memory_space<vmem>>, vector<16xf32>,
        tpu.vector_store %arg8[%parallel_loop3A_1013, %parallel_loop3A_1014, %parallel_loop3A_1015], %parallel_loop3A_1010 {strides = array<i32>} : memref<2x4x1024xf32, #tpu.memory_space<vmem>>, vector<16xf32>,
        %parallel_loop3A_1017 = arith.constant 3 : i32
        %parallel_loop3A_1018 = vector.broadcast %parallel_loop3A_1017 : i32 to vector<16xi32>
        %parallel_loop3A_1019 = arith.addi %parallel_loop3A_969, %parallel_loop3A_1018 : vector<16xi32>
        %parallel_loop3A_1020 = arith.constant 3 : i32
        %parallel_loop3A_1021 = arith.constant 0 : i32
        %parallel_loop3A_1022 = arith.constant 0 : i32
        %parallel_loop3A_1023 = tpu.memref_slice %arg7[%parallel_loop3A_1020, %parallel_loop3A_1021, %parallel_loop3A_1022] : memref<4x1024x16xf32, #tpu.memory_space<vmem>> -> memref<1x1024x16xf32, #tpu.memory_space<vmem>>
        %parallel_loop3A_1024 = tpu.memref_squeeze %parallel_loop3A_1023 : memref<1x1024x16xf32, #tpu.memory_space<vmem>> -> memref<1024x16xf32, #tpu.memory_space<vmem>>
        %parallel_loop3A_1025 = tpu.vector_load_idx %parallel_loop3A_1024[%parallel_loop3A_971, %parallel_loop3A_1019] : memref<1024x16xf32, #tpu.memory_space<vmem>>[vector<16xi32>, vector<16xi32>], vector<16xf32>,
        %parallel_loop3A_1026 = arith.constant 1 : i32
        %parallel_loop3A_1027 = arith.constant 3 : i32
        %parallel_loop3A_1028 = arith.index_cast %parallel_loop3A_1026 : i32 to index
        %parallel_loop3A_1029 = arith.index_cast %parallel_loop3A_1027 : i32 to index
        %parallel_loop3A_1030 = arith.index_cast %parallel_loop3A_959 : i32 to index
        %parallel_loop3A_1031 = tpu.vector_load %arg8[%parallel_loop3A_1028, %parallel_loop3A_1029, %parallel_loop3A_1030] {strides = array<i32>} : memref<2x4x1024xf32, #tpu.memory_space<vmem>>, vector<16xf32>,
        tpu.vector_store %arg8[%parallel_loop3A_1028, %parallel_loop3A_1029, %parallel_loop3A_1030], %parallel_loop3A_1025 {strides = array<i32>} : memref<2x4x1024xf32, #tpu.memory_space<vmem>>, vector<16xf32>,
      } {sc.loop_unroll_factor = 4 : i64, sc.parallel_access}
      %mul3A_838 = arith.constant 1024 : i32
      %mul3A_839 = arith.muli %add3A_800, %mul3A_838 : i32
      %add3A_840 = arith.addi %mul3A_2, %mul3A_839 : i32
      %dma_start3A_841 = arith.constant 1 : i32
      %dma_start3A_842 = arith.constant 0 : i32
      %dma_start3A_843 = arith.constant 0 : i32
      %dma_start3A_844 = arith.constant 0 : i32
      %dma_start3A_845 = arith.constant 0 : i32
      %dma_start3A_846 = tpu.memref_slice %arg8[%dma_start3A_841, %dma_start3A_844, %dma_start3A_845] : memref<2x4x1024xf32, #tpu.memory_space<vmem>> -> memref<1x4x1024xf32, #tpu.memory_space<vmem>>
      %dma_start3A_847 = tpu.memref_squeeze %dma_start3A_846 : memref<1x4x1024xf32, #tpu.memory_space<vmem>> -> memref<4x1024xf32, #tpu.memory_space<vmem>>
      %dma_start3A_848 = arith.constant 0 : i32
      %dma_start3A_849 = tpu.memref_slice %dma_start3A_847[%dma_start3A_842, %dma_start3A_848] : memref<4x1024xf32, #tpu.memory_space<vmem>> -> memref<1x1024xf32, #tpu.memory_space<vmem>>
      %dma_start3A_850 = tpu.memref_squeeze %dma_start3A_849 : memref<1x1024xf32, #tpu.memory_space<vmem>> -> memref<1024xf32, #tpu.memory_space<vmem>>
      %dma_start3A_851 = arith.constant 0 : i32
      %dma_start3A_852 = tpu.memref_slice %arg4[%dma_start3A_843, %dma_start3A_851] : memref<4x8388608xf32, #tpu.memory_space<hbm>> -> memref<1x8388608xf32, #tpu.memory_space<hbm>>
      %dma_start3A_853 = tpu.memref_squeeze %dma_start3A_852 : memref<1x8388608xf32, #tpu.memory_space<hbm>> -> memref<8388608xf32, #tpu.memory_space<hbm>>
      %dma_start3A_854 = tpu.memref_slice %dma_start3A_853[%add3A_840] : memref<8388608xf32, #tpu.memory_space<hbm>> -> memref<1024xf32, #tpu.memory_space<hbm>>
      %dma_start3A_855 = arith.constant 0 : i32
      %dma_start3A_856 = tpu.memref_slice %arg4[%dma_start3A_843, %dma_start3A_855] : memref<4x8388608xf32, #tpu.memory_space<hbm>> -> memref<1x8388608xf32, #tpu.memory_space<hbm>>
      %dma_start3A_857 = tpu.memref_squeeze %dma_start3A_856 : memref<1x8388608xf32, #tpu.memory_space<hbm>> -> memref<8388608xf32, #tpu.memory_space<hbm>>
      %dma_start3A_858 = tpu.memref_slice %dma_start3A_857[%add3A_840] : memref<8388608xf32, #tpu.memory_space<hbm>> -> memref<1024xf32, #tpu.memory_space<hbm>>
      %dma_start3A_859 = arith.constant 0 : i32
      %dma_start3A_860 = arith.constant 0 : i32
      %dma_start3A_861 = tpu.memref_slice %arg8[%dma_start3A_841, %dma_start3A_859, %dma_start3A_860] : memref<2x4x1024xf32, #tpu.memory_space<vmem>> -> memref<1x4x1024xf32, #tpu.memory_space<vmem>>
      %dma_start3A_862 = tpu.memref_squeeze %dma_start3A_861 : memref<1x4x1024xf32, #tpu.memory_space<vmem>> -> memref<4x1024xf32, #tpu.memory_space<vmem>>
      %dma_start3A_863 = arith.constant 0 : i32
      %dma_start3A_864 = tpu.memref_slice %dma_start3A_862[%dma_start3A_842, %dma_start3A_863] : memref<4x1024xf32, #tpu.memory_space<vmem>> -> memref<1x1024xf32, #tpu.memory_space<vmem>>
      %dma_start3A_865 = tpu.memref_squeeze %dma_start3A_864 : memref<1x1024xf32, #tpu.memory_space<vmem>> -> memref<1024xf32, #tpu.memory_space<vmem>>
      tpu.enqueue_dma source(%dma_start3A_865 : memref<1024xf32, #tpu.memory_space<vmem>>) target(%dma_start3A_858 : memref<1024xf32, #tpu.memory_space<hbm>>) target_semaphore(%arg10 : memref<!tpu.dma_semaphore, #tpu.memory_space<semaphore_mem>>)
      %mul3A_866 = arith.constant 1024 : i32
      %mul3A_867 = arith.muli %add3A_800, %mul3A_866 : i32
      %add3A_868 = arith.addi %mul3A_2, %mul3A_867 : i32
      %dma_start3A_869 = arith.constant 1 : i32
      %dma_start3A_870 = arith.constant 1 : i32
      %dma_start3A_871 = arith.constant 1 : i32
      %dma_start3A_872 = arith.constant 0 : i32
      %dma_start3A_873 = arith.constant 0 : i32
      %dma_start3A_874 = tpu.memref_slice %arg8[%dma_start3A_869, %dma_start3A_872, %dma_start3A_873] : memref<2x4x1024xf32, #tpu.memory_space<vmem>> -> memref<1x4x1024xf32, #tpu.memory_space<vmem>>
      %dma_start3A_875 = tpu.memref_squeeze %dma_start3A_874 : memref<1x4x1024xf32, #tpu.memory_space<vmem>> -> memref<4x1024xf32, #tpu.memory_space<vmem>>
      %dma_start3A_876 = arith.constant 0 : i32
      %dma_start3A_877 = tpu.memref_slice %dma_start3A_875[%dma_start3A_870, %dma_start3A_876] : memref<4x1024xf32, #tpu.memory_space<vmem>> -> memref<1x1024xf32, #tpu.memory_space<vmem>>
      %dma_start3A_878 = tpu.memref_squeeze %dma_start3A_877 : memref<1x1024xf32, #tpu.memory_space<vmem>> -> memref<1024xf32, #tpu.memory_space<vmem>>
      %dma_start3A_879 = arith.constant 0 : i32
      %dma_start3A_880 = tpu.memref_slice %arg4[%dma_start3A_871, %dma_start3A_879] : memref<4x8388608xf32, #tpu.memory_space<hbm>> -> memref<1x8388608xf32, #tpu.memory_space<hbm>>
      %dma_start3A_881 = tpu.memref_squeeze %dma_start3A_880 : memref<1x8388608xf32, #tpu.memory_space<hbm>> -> memref<8388608xf32, #tpu.memory_space<hbm>>
      %dma_start3A_882 = tpu.memref_slice %dma_start3A_881[%add3A_868] : memref<8388608xf32, #tpu.memory_space<hbm>> -> memref<1024xf32, #tpu.memory_space<hbm>>
      %dma_start3A_883 = arith.constant 0 : i32
      %dma_start3A_884 = tpu.memref_slice %arg4[%dma_start3A_871, %dma_start3A_883] : memref<4x8388608xf32, #tpu.memory_space<hbm>> -> memref<1x8388608xf32, #tpu.memory_space<hbm>>
      %dma_start3A_885 = tpu.memref_squeeze %dma_start3A_884 : memref<1x8388608xf32, #tpu.memory_space<hbm>> -> memref<8388608xf32, #tpu.memory_space<hbm>>
      %dma_start3A_886 = tpu.memref_slice %dma_start3A_885[%add3A_868] : memref<8388608xf32, #tpu.memory_space<hbm>> -> memref<1024xf32, #tpu.memory_space<hbm>>
      %dma_start3A_887 = arith.constant 0 : i32
      %dma_start3A_888 = arith.constant 0 : i32
      %dma_start3A_889 = tpu.memref_slice %arg8[%dma_start3A_869, %dma_start3A_887, %dma_start3A_888] : memref<2x4x1024xf32, #tpu.memory_space<vmem>> -> memref<1x4x1024xf32, #tpu.memory_space<vmem>>
      %dma_start3A_890 = tpu.memref_squeeze %dma_start3A_889 : memref<1x4x1024xf32, #tpu.memory_space<vmem>> -> memref<4x1024xf32, #tpu.memory_space<vmem>>
      %dma_start3A_891 = arith.constant 0 : i32
      %dma_start3A_892 = tpu.memref_slice %dma_start3A_890[%dma_start3A_870, %dma_start3A_891] : memref<4x1024xf32, #tpu.memory_space<vmem>> -> memref<1x1024xf32, #tpu.memory_space<vmem>>
      %dma_start3A_893 = tpu.memref_squeeze %dma_start3A_892 : memref<1x1024xf32, #tpu.memory_space<vmem>> -> memref<1024xf32, #tpu.memory_space<vmem>>
      tpu.enqueue_dma source(%dma_start3A_893 : memref<1024xf32, #tpu.memory_space<vmem>>) target(%dma_start3A_886 : memref<1024xf32, #tpu.memory_space<hbm>>) target_semaphore(%arg10 : memref<!tpu.dma_semaphore, #tpu.memory_space<semaphore_mem>>)
      %mul3A_894 = arith.constant 1024 : i32
      %mul3A_895 = arith.muli %add3A_800, %mul3A_894 : i32
      %add3A_896 = arith.addi %mul3A_2, %mul3A_895 : i32
      %dma_start3A_897 = arith.constant 1 : i32
      %dma_start3A_898 = arith.constant 2 : i32
      %dma_start3A_899 = arith.constant 2 : i32
      %dma_start3A_900 = arith.constant 0 : i32
      %dma_start3A_901 = arith.constant 0 : i32
      %dma_start3A_902 = tpu.memref_slice %arg8[%dma_start3A_897, %dma_start3A_900, %dma_start3A_901] : memref<2x4x1024xf32, #tpu.memory_space<vmem>> -> memref<1x4x1024xf32, #tpu.memory_space<vmem>>
      %dma_start3A_903 = tpu.memref_squeeze %dma_start3A_902 : memref<1x4x1024xf32, #tpu.memory_space<vmem>> -> memref<4x1024xf32, #tpu.memory_space<vmem>>
      %dma_start3A_904 = arith.constant 0 : i32
      %dma_start3A_905 = tpu.memref_slice %dma_start3A_903[%dma_start3A_898, %dma_start3A_904] : memref<4x1024xf32, #tpu.memory_space<vmem>> -> memref<1x1024xf32, #tpu.memory_space<vmem>>
      %dma_start3A_906 = tpu.memref_squeeze %dma_start3A_905 : memref<1x1024xf32, #tpu.memory_space<vmem>> -> memref<1024xf32, #tpu.memory_space<vmem>>
      %dma_start3A_907 = arith.constant 0 : i32
      %dma_start3A_908 = tpu.memref_slice %arg4[%dma_start3A_899, %dma_start3A_907] : memref<4x8388608xf32, #tpu.memory_space<hbm>> -> memref<1x8388608xf32, #tpu.memory_space<hbm>>
      %dma_start3A_909 = tpu.memref_squeeze %dma_start3A_908 : memref<1x8388608xf32, #tpu.memory_space<hbm>> -> memref<8388608xf32, #tpu.memory_space<hbm>>
      %dma_start3A_910 = tpu.memref_slice %dma_start3A_909[%add3A_896] : memref<8388608xf32, #tpu.memory_space<hbm>> -> memref<1024xf32, #tpu.memory_space<hbm>>
      %dma_start3A_911 = arith.constant 0 : i32
      %dma_start3A_912 = tpu.memref_slice %arg4[%dma_start3A_899, %dma_start3A_911] : memref<4x8388608xf32, #tpu.memory_space<hbm>> -> memref<1x8388608xf32, #tpu.memory_space<hbm>>
      %dma_start3A_913 = tpu.memref_squeeze %dma_start3A_912 : memref<1x8388608xf32, #tpu.memory_space<hbm>> -> memref<8388608xf32, #tpu.memory_space<hbm>>
      %dma_start3A_914 = tpu.memref_slice %dma_start3A_913[%add3A_896] : memref<8388608xf32, #tpu.memory_space<hbm>> -> memref<1024xf32, #tpu.memory_space<hbm>>
      %dma_start3A_915 = arith.constant 0 : i32
      %dma_start3A_916 = arith.constant 0 : i32
      %dma_start3A_917 = tpu.memref_slice %arg8[%dma_start3A_897, %dma_start3A_915, %dma_start3A_916] : memref<2x4x1024xf32, #tpu.memory_space<vmem>> -> memref<1x4x1024xf32, #tpu.memory_space<vmem>>
      %dma_start3A_918 = tpu.memref_squeeze %dma_start3A_917 : memref<1x4x1024xf32, #tpu.memory_space<vmem>> -> memref<4x1024xf32, #tpu.memory_space<vmem>>
      %dma_start3A_919 = arith.constant 0 : i32
      %dma_start3A_920 = tpu.memref_slice %dma_start3A_918[%dma_start3A_898, %dma_start3A_919] : memref<4x1024xf32, #tpu.memory_space<vmem>> -> memref<1x1024xf32, #tpu.memory_space<vmem>>
      %dma_start3A_921 = tpu.memref_squeeze %dma_start3A_920 : memref<1x1024xf32, #tpu.memory_space<vmem>> -> memref<1024xf32, #tpu.memory_space<vmem>>
      tpu.enqueue_dma source(%dma_start3A_921 : memref<1024xf32, #tpu.memory_space<vmem>>) target(%dma_start3A_914 : memref<1024xf32, #tpu.memory_space<hbm>>) target_semaphore(%arg10 : memref<!tpu.dma_semaphore, #tpu.memory_space<semaphore_mem>>)
      %mul3A_922 = arith.constant 1024 : i32
      %mul3A_923 = arith.muli %add3A_800, %mul3A_922 : i32
      %add3A_924 = arith.addi %mul3A_2, %mul3A_923 : i32
      %dma_start3A_925 = arith.constant 1 : i32
      %dma_start3A_926 = arith.constant 3 : i32
      %dma_start3A_927 = arith.constant 3 : i32
      %dma_start3A_928 = arith.constant 0 : i32
      %dma_start3A_929 = arith.constant 0 : i32
      %dma_start3A_930 = tpu.memref_slice %arg8[%dma_start3A_925, %dma_start3A_928, %dma_start3A_929] : memref<2x4x1024xf32, #tpu.memory_space<vmem>> -> memref<1x4x1024xf32, #tpu.memory_space<vmem>>
      %dma_start3A_931 = tpu.memref_squeeze %dma_start3A_930 : memref<1x4x1024xf32, #tpu.memory_space<vmem>> -> memref<4x1024xf32, #tpu.memory_space<vmem>>
      %dma_start3A_932 = arith.constant 0 : i32
      %dma_start3A_933 = tpu.memref_slice %dma_start3A_931[%dma_start3A_926, %dma_start3A_932] : memref<4x1024xf32, #tpu.memory_space<vmem>> -> memref<1x1024xf32, #tpu.memory_space<vmem>>
      %dma_start3A_934 = tpu.memref_squeeze %dma_start3A_933 : memref<1x1024xf32, #tpu.memory_space<vmem>> -> memref<1024xf32, #tpu.memory_space<vmem>>
      %dma_start3A_935 = arith.constant 0 : i32
      %dma_start3A_936 = tpu.memref_slice %arg4[%dma_start3A_927, %dma_start3A_935] : memref<4x8388608xf32, #tpu.memory_space<hbm>> -> memref<1x8388608xf32, #tpu.memory_space<hbm>>
      %dma_start3A_937 = tpu.memref_squeeze %dma_start3A_936 : memref<1x8388608xf32, #tpu.memory_space<hbm>> -> memref<8388608xf32, #tpu.memory_space<hbm>>
      %dma_start3A_938 = tpu.memref_slice %dma_start3A_937[%add3A_924] : memref<8388608xf32, #tpu.memory_space<hbm>> -> memref<1024xf32, #tpu.memory_space<hbm>>
      %dma_start3A_939 = arith.constant 0 : i32
      %dma_start3A_940 = tpu.memref_slice %arg4[%dma_start3A_927, %dma_start3A_939] : memref<4x8388608xf32, #tpu.memory_space<hbm>> -> memref<1x8388608xf32, #tpu.memory_space<hbm>>
      %dma_start3A_941 = tpu.memref_squeeze %dma_start3A_940 : memref<1x8388608xf32, #tpu.memory_space<hbm>> -> memref<8388608xf32, #tpu.memory_space<hbm>>
      %dma_start3A_942 = tpu.memref_slice %dma_start3A_941[%add3A_924] : memref<8388608xf32, #tpu.memory_space<hbm>> -> memref<1024xf32, #tpu.memory_space<hbm>>
      %dma_start3A_943 = arith.constant 0 : i32
      %dma_start3A_944 = arith.constant 0 : i32
      %dma_start3A_945 = tpu.memref_slice %arg8[%dma_start3A_925, %dma_start3A_943, %dma_start3A_944] : memref<2x4x1024xf32, #tpu.memory_space<vmem>> -> memref<1x4x1024xf32, #tpu.memory_space<vmem>>
      %dma_start3A_946 = tpu.memref_squeeze %dma_start3A_945 : memref<1x4x1024xf32, #tpu.memory_space<vmem>> -> memref<4x1024xf32, #tpu.memory_space<vmem>>
      %dma_start3A_947 = arith.constant 0 : i32
      %dma_start3A_948 = tpu.memref_slice %dma_start3A_946[%dma_start3A_926, %dma_start3A_947] : memref<4x1024xf32, #tpu.memory_space<vmem>> -> memref<1x1024xf32, #tpu.memory_space<vmem>>
      %dma_start3A_949 = tpu.memref_squeeze %dma_start3A_948 : memref<1x1024xf32, #tpu.memory_space<vmem>> -> memref<1024xf32, #tpu.memory_space<vmem>>
      tpu.enqueue_dma source(%dma_start3A_949 : memref<1024xf32, #tpu.memory_space<vmem>>) target(%dma_start3A_942 : memref<1024xf32, #tpu.memory_space<hbm>>) target_semaphore(%arg10 : memref<!tpu.dma_semaphore, #tpu.memory_space<semaphore_mem>>)
      %add3A_950 = arith.constant 4 : i32
      %add3A_951 = arith.addi %add3A_800, %add3A_950 : i32
      %lt3A_952 = arith.constant 256 : i32
      %lt3A_953 = arith.cmpi slt, %add3A_951, %lt3A_952 : i32
      %convert_element_type3A_954 = arith.extui %lt3A_953 : i1 to i32
      %cond3A_955 = arith.constant 0 : i32
      %cond3A_956 = arith.cmpi ne, %convert_element_type3A_954, %cond3A_955 : i32
      scf.if %cond3A_956 {
        %add3A_957 = arith.constant 4 : i32
        %add3A_958 = arith.addi %add3A_800, %add3A_957 : i32
        %mul3A_959 = arith.constant 1024 : i32
        %mul3A_960 = arith.muli %add3A_958, %mul3A_959 : i32
        %add3A_961 = arith.addi %mul3A_2, %mul3A_960 : i32
        %dma_start3A_962 = arith.constant 3 : i32
        %dma_start3A_963 = arith.constant 0 : i32
        %dma_start3A_964 = tpu.memref_slice %arg5[%dma_start3A_962, %dma_start3A_963] : memref<4x1024xi32, #tpu.memory_space<vmem>> -> memref<1x1024xi32, #tpu.memory_space<vmem>>
        %dma_start3A_965 = tpu.memref_squeeze %dma_start3A_964 : memref<1x1024xi32, #tpu.memory_space<vmem>> -> memref<1024xi32, #tpu.memory_space<vmem>>
        %dma_start3A_966 = tpu.memref_slice %arg3[%add3A_961] : memref<8388608xi32, #tpu.memory_space<hbm>> -> memref<1024xi32, #tpu.memory_space<hbm>>
        %dma_start3A_967 = arith.constant 0 : i32
        %dma_start3A_968 = tpu.memref_slice %arg5[%dma_start3A_962, %dma_start3A_967] : memref<4x1024xi32, #tpu.memory_space<vmem>> -> memref<1x1024xi32, #tpu.memory_space<vmem>>
        %dma_start3A_969 = tpu.memref_squeeze %dma_start3A_968 : memref<1x1024xi32, #tpu.memory_space<vmem>> -> memref<1024xi32, #tpu.memory_space<vmem>>
        %dma_start3A_970 = tpu.memref_slice %arg3[%add3A_961] : memref<8388608xi32, #tpu.memory_space<hbm>> -> memref<1024xi32, #tpu.memory_space<hbm>>
        tpu.enqueue_dma source(%dma_start3A_970 : memref<1024xi32, #tpu.memory_space<hbm>>) target(%dma_start3A_969 : memref<1024xi32, #tpu.memory_space<vmem>>) target_semaphore(%arg11 : memref<!tpu.dma_semaphore, #tpu.memory_space<semaphore_mem>>)
      } else {
      }
    }
    %scan3A_99 = arith.constant 64 : i32
    %add3A_100 = arith.constant 260096 : i32
    %add3A_101 = arith.addi %mul3A_2, %add3A_100 : i32
    %dma_wait3A_102 = arith.constant 0 : i32
    %dma_wait3A_103 = arith.constant 0 : i32
    %dma_wait3A_104 = arith.constant 0 : i32
    %dma_wait3A_105 = arith.constant 0 : i32
    %dma_wait3A_106 = arith.constant 0 : i32
    %dma_wait3A_107 = tpu.memref_slice %arg8[%dma_wait3A_102, %dma_wait3A_105, %dma_wait3A_106] : memref<2x4x1024xf32, #tpu.memory_space<vmem>> -> memref<1x4x1024xf32, #tpu.memory_space<vmem>>
    %dma_wait3A_108 = tpu.memref_squeeze %dma_wait3A_107 : memref<1x4x1024xf32, #tpu.memory_space<vmem>> -> memref<4x1024xf32, #tpu.memory_space<vmem>>
    %dma_wait3A_109 = arith.constant 0 : i32
    %dma_wait3A_110 = tpu.memref_slice %dma_wait3A_108[%dma_wait3A_103, %dma_wait3A_109] : memref<4x1024xf32, #tpu.memory_space<vmem>> -> memref<1x1024xf32, #tpu.memory_space<vmem>>
    %dma_wait3A_111 = tpu.memref_squeeze %dma_wait3A_110 : memref<1x1024xf32, #tpu.memory_space<vmem>> -> memref<1024xf32, #tpu.memory_space<vmem>>
    %dma_wait3A_112 = arith.constant 0 : i32
    %dma_wait3A_113 = tpu.memref_slice %arg4[%dma_wait3A_104, %dma_wait3A_112] : memref<4x8388608xf32, #tpu.memory_space<hbm>> -> memref<1x8388608xf32, #tpu.memory_space<hbm>>
    %dma_wait3A_114 = tpu.memref_squeeze %dma_wait3A_113 : memref<1x8388608xf32, #tpu.memory_space<hbm>> -> memref<8388608xf32, #tpu.memory_space<hbm>>
    %dma_wait3A_115 = tpu.memref_slice %dma_wait3A_114[%add3A_101] : memref<8388608xf32, #tpu.memory_space<hbm>> -> memref<1024xf32, #tpu.memory_space<hbm>>
    %dma_wait3A_116 = arith.constant 0 : i32
    %dma_wait3A_117 = tpu.memref_slice %arg4[%dma_wait3A_104, %dma_wait3A_116] : memref<4x8388608xf32, #tpu.memory_space<hbm>> -> memref<1x8388608xf32, #tpu.memory_space<hbm>>
    %dma_wait3A_118 = tpu.memref_squeeze %dma_wait3A_117 : memref<1x8388608xf32, #tpu.memory_space<hbm>> -> memref<8388608xf32, #tpu.memory_space<hbm>>
    %dma_wait3A_119 = tpu.memref_slice %dma_wait3A_118[%add3A_101] : memref<8388608xf32, #tpu.memory_space<hbm>> -> memref<1024xf32, #tpu.memory_space<hbm>>
    %dma_wait3A_120 = arith.constant 0 : i32
    %dma_wait3A_121 = arith.constant 0 : i32
    %dma_wait3A_122 = tpu.memref_slice %arg8[%dma_wait3A_102, %dma_wait3A_120, %dma_wait3A_121] : memref<2x4x1024xf32, #tpu.memory_space<vmem>> -> memref<1x4x1024xf32, #tpu.memory_space<vmem>>
    %dma_wait3A_123 = tpu.memref_squeeze %dma_wait3A_122 : memref<1x4x1024xf32, #tpu.memory_space<vmem>> -> memref<4x1024xf32, #tpu.memory_space<vmem>>
    %dma_wait3A_124 = arith.constant 0 : i32
    %dma_wait3A_125 = tpu.memref_slice %dma_wait3A_123[%dma_wait3A_103, %dma_wait3A_124] : memref<4x1024xf32, #tpu.memory_space<vmem>> -> memref<1x1024xf32, #tpu.memory_space<vmem>>
    %dma_wait3A_126 = tpu.memref_squeeze %dma_wait3A_125 : memref<1x1024xf32, #tpu.memory_space<vmem>> -> memref<1024xf32, #tpu.memory_space<vmem>>
    tpu.wait_dma2 semaphore(%arg10 : memref<!tpu.dma_semaphore, #tpu.memory_space<semaphore_mem>>) src(%dma_wait3A_126 : memref<1024xf32, #tpu.memory_space<vmem>>) dst(%dma_wait3A_119 : memref<1024xf32, #tpu.memory_space<hbm>>)
    %add3A_127 = arith.constant 260096 : i32
    %add3A_128 = arith.addi %mul3A_2, %add3A_127 : i32
    %dma_wait3A_129 = arith.constant 0 : i32
    %dma_wait3A_130 = arith.constant 1 : i32
    %dma_wait3A_131 = arith.constant 1 : i32
    %dma_wait3A_132 = arith.constant 0 : i32
    %dma_wait3A_133 = arith.constant 0 : i32
    %dma_wait3A_134 = tpu.memref_slice %arg8[%dma_wait3A_129, %dma_wait3A_132, %dma_wait3A_133] : memref<2x4x1024xf32, #tpu.memory_space<vmem>> -> memref<1x4x1024xf32, #tpu.memory_space<vmem>>
    %dma_wait3A_135 = tpu.memref_squeeze %dma_wait3A_134 : memref<1x4x1024xf32, #tpu.memory_space<vmem>> -> memref<4x1024xf32, #tpu.memory_space<vmem>>
    %dma_wait3A_136 = arith.constant 0 : i32
    %dma_wait3A_137 = tpu.memref_slice %dma_wait3A_135[%dma_wait3A_130, %dma_wait3A_136] : memref<4x1024xf32, #tpu.memory_space<vmem>> -> memref<1x1024xf32, #tpu.memory_space<vmem>>
    %dma_wait3A_138 = tpu.memref_squeeze %dma_wait3A_137 : memref<1x1024xf32, #tpu.memory_space<vmem>> -> memref<1024xf32, #tpu.memory_space<vmem>>
    %dma_wait3A_139 = arith.constant 0 : i32
    %dma_wait3A_140 = tpu.memref_slice %arg4[%dma_wait3A_131, %dma_wait3A_139] : memref<4x8388608xf32, #tpu.memory_space<hbm>> -> memref<1x8388608xf32, #tpu.memory_space<hbm>>
    %dma_wait3A_141 = tpu.memref_squeeze %dma_wait3A_140 : memref<1x8388608xf32, #tpu.memory_space<hbm>> -> memref<8388608xf32, #tpu.memory_space<hbm>>
    %dma_wait3A_142 = tpu.memref_slice %dma_wait3A_141[%add3A_128] : memref<8388608xf32, #tpu.memory_space<hbm>> -> memref<1024xf32, #tpu.memory_space<hbm>>
    %dma_wait3A_143 = arith.constant 0 : i32
    %dma_wait3A_144 = tpu.memref_slice %arg4[%dma_wait3A_131, %dma_wait3A_143] : memref<4x8388608xf32, #tpu.memory_space<hbm>> -> memref<1x8388608xf32, #tpu.memory_space<hbm>>
    %dma_wait3A_145 = tpu.memref_squeeze %dma_wait3A_144 : memref<1x8388608xf32, #tpu.memory_space<hbm>> -> memref<8388608xf32, #tpu.memory_space<hbm>>
    %dma_wait3A_146 = tpu.memref_slice %dma_wait3A_145[%add3A_128] : memref<8388608xf32, #tpu.memory_space<hbm>> -> memref<1024xf32, #tpu.memory_space<hbm>>
    %dma_wait3A_147 = arith.constant 0 : i32
    %dma_wait3A_148 = arith.constant 0 : i32
    %dma_wait3A_149 = tpu.memref_slice %arg8[%dma_wait3A_129, %dma_wait3A_147, %dma_wait3A_148] : memref<2x4x1024xf32, #tpu.memory_space<vmem>> -> memref<1x4x1024xf32, #tpu.memory_space<vmem>>
    %dma_wait3A_150 = tpu.memref_squeeze %dma_wait3A_149 : memref<1x4x1024xf32, #tpu.memory_space<vmem>> -> memref<4x1024xf32, #tpu.memory_space<vmem>>
    %dma_wait3A_151 = arith.constant 0 : i32
    %dma_wait3A_152 = tpu.memref_slice %dma_wait3A_150[%dma_wait3A_130, %dma_wait3A_151] : memref<4x1024xf32, #tpu.memory_space<vmem>> -> memref<1x1024xf32, #tpu.memory_space<vmem>>
    %dma_wait3A_153 = tpu.memref_squeeze %dma_wait3A_152 : memref<1x1024xf32, #tpu.memory_space<vmem>> -> memref<1024xf32, #tpu.memory_space<vmem>>
    tpu.wait_dma2 semaphore(%arg10 : memref<!tpu.dma_semaphore, #tpu.memory_space<semaphore_mem>>) src(%dma_wait3A_153 : memref<1024xf32, #tpu.memory_space<vmem>>) dst(%dma_wait3A_146 : memref<1024xf32, #tpu.memory_space<hbm>>)
    %add3A_154 = arith.constant 260096 : i32
    %add3A_155 = arith.addi %mul3A_2, %add3A_154 : i32
    %dma_wait3A_156 = arith.constant 0 : i32
    %dma_wait3A_157 = arith.constant 2 : i32
    %dma_wait3A_158 = arith.constant 2 : i32
    %dma_wait3A_159 = arith.constant 0 : i32
    %dma_wait3A_160 = arith.constant 0 : i32
    %dma_wait3A_161 = tpu.memref_slice %arg8[%dma_wait3A_156, %dma_wait3A_159, %dma_wait3A_160] : memref<2x4x1024xf32, #tpu.memory_space<vmem>> -> memref<1x4x1024xf32, #tpu.memory_space<vmem>>
    %dma_wait3A_162 = tpu.memref_squeeze %dma_wait3A_161 : memref<1x4x1024xf32, #tpu.memory_space<vmem>> -> memref<4x1024xf32, #tpu.memory_space<vmem>>
    %dma_wait3A_163 = arith.constant 0 : i32
    %dma_wait3A_164 = tpu.memref_slice %dma_wait3A_162[%dma_wait3A_157, %dma_wait3A_163] : memref<4x1024xf32, #tpu.memory_space<vmem>> -> memref<1x1024xf32, #tpu.memory_space<vmem>>
    %dma_wait3A_165 = tpu.memref_squeeze %dma_wait3A_164 : memref<1x1024xf32, #tpu.memory_space<vmem>> -> memref<1024xf32, #tpu.memory_space<vmem>>
    %dma_wait3A_166 = arith.constant 0 : i32
    %dma_wait3A_167 = tpu.memref_slice %arg4[%dma_wait3A_158, %dma_wait3A_166] : memref<4x8388608xf32, #tpu.memory_space<hbm>> -> memref<1x8388608xf32, #tpu.memory_space<hbm>>
    %dma_wait3A_168 = tpu.memref_squeeze %dma_wait3A_167 : memref<1x8388608xf32, #tpu.memory_space<hbm>> -> memref<8388608xf32, #tpu.memory_space<hbm>>
    %dma_wait3A_169 = tpu.memref_slice %dma_wait3A_168[%add3A_155] : memref<8388608xf32, #tpu.memory_space<hbm>> -> memref<1024xf32, #tpu.memory_space<hbm>>
    %dma_wait3A_170 = arith.constant 0 : i32
    %dma_wait3A_171 = tpu.memref_slice %arg4[%dma_wait3A_158, %dma_wait3A_170] : memref<4x8388608xf32, #tpu.memory_space<hbm>> -> memref<1x8388608xf32, #tpu.memory_space<hbm>>
    %dma_wait3A_172 = tpu.memref_squeeze %dma_wait3A_171 : memref<1x8388608xf32, #tpu.memory_space<hbm>> -> memref<8388608xf32, #tpu.memory_space<hbm>>
    %dma_wait3A_173 = tpu.memref_slice %dma_wait3A_172[%add3A_155] : memref<8388608xf32, #tpu.memory_space<hbm>> -> memref<1024xf32, #tpu.memory_space<hbm>>
    %dma_wait3A_174 = arith.constant 0 : i32
    %dma_wait3A_175 = arith.constant 0 : i32
    %dma_wait3A_176 = tpu.memref_slice %arg8[%dma_wait3A_156, %dma_wait3A_174, %dma_wait3A_175] : memref<2x4x1024xf32, #tpu.memory_space<vmem>> -> memref<1x4x1024xf32, #tpu.memory_space<vmem>>
    %dma_wait3A_177 = tpu.memref_squeeze %dma_wait3A_176 : memref<1x4x1024xf32, #tpu.memory_space<vmem>> -> memref<4x1024xf32, #tpu.memory_space<vmem>>
    %dma_wait3A_178 = arith.constant 0 : i32
    %dma_wait3A_179 = tpu.memref_slice %dma_wait3A_177[%dma_wait3A_157, %dma_wait3A_178] : memref<4x1024xf32, #tpu.memory_space<vmem>> -> memref<1x1024xf32, #tpu.memory_space<vmem>>
    %dma_wait3A_180 = tpu.memref_squeeze %dma_wait3A_179 : memref<1x1024xf32, #tpu.memory_space<vmem>> -> memref<1024xf32, #tpu.memory_space<vmem>>
    tpu.wait_dma2 semaphore(%arg10 : memref<!tpu.dma_semaphore, #tpu.memory_space<semaphore_mem>>) src(%dma_wait3A_180 : memref<1024xf32, #tpu.memory_space<vmem>>) dst(%dma_wait3A_173 : memref<1024xf32, #tpu.memory_space<hbm>>)
    %add3A_181 = arith.constant 260096 : i32
    %add3A_182 = arith.addi %mul3A_2, %add3A_181 : i32
    %dma_wait3A_183 = arith.constant 0 : i32
    %dma_wait3A_184 = arith.constant 3 : i32
    %dma_wait3A_185 = arith.constant 3 : i32
    %dma_wait3A_186 = arith.constant 0 : i32
    %dma_wait3A_187 = arith.constant 0 : i32
    %dma_wait3A_188 = tpu.memref_slice %arg8[%dma_wait3A_183, %dma_wait3A_186, %dma_wait3A_187] : memref<2x4x1024xf32, #tpu.memory_space<vmem>> -> memref<1x4x1024xf32, #tpu.memory_space<vmem>>
    %dma_wait3A_189 = tpu.memref_squeeze %dma_wait3A_188 : memref<1x4x1024xf32, #tpu.memory_space<vmem>> -> memref<4x1024xf32, #tpu.memory_space<vmem>>
    %dma_wait3A_190 = arith.constant 0 : i32
    %dma_wait3A_191 = tpu.memref_slice %dma_wait3A_189[%dma_wait3A_184, %dma_wait3A_190] : memref<4x1024xf32, #tpu.memory_space<vmem>> -> memref<1x1024xf32, #tpu.memory_space<vmem>>
    %dma_wait3A_192 = tpu.memref_squeeze %dma_wait3A_191 : memref<1x1024xf32, #tpu.memory_space<vmem>> -> memref<1024xf32, #tpu.memory_space<vmem>>
    %dma_wait3A_193 = arith.constant 0 : i32
    %dma_wait3A_194 = tpu.memref_slice %arg4[%dma_wait3A_185, %dma_wait3A_193] : memref<4x8388608xf32, #tpu.memory_space<hbm>> -> memref<1x8388608xf32, #tpu.memory_space<hbm>>
    %dma_wait3A_195 = tpu.memref_squeeze %dma_wait3A_194 : memref<1x8388608xf32, #tpu.memory_space<hbm>> -> memref<8388608xf32, #tpu.memory_space<hbm>>
    %dma_wait3A_196 = tpu.memref_slice %dma_wait3A_195[%add3A_182] : memref<8388608xf32, #tpu.memory_space<hbm>> -> memref<1024xf32, #tpu.memory_space<hbm>>
    %dma_wait3A_197 = arith.constant 0 : i32
    %dma_wait3A_198 = tpu.memref_slice %arg4[%dma_wait3A_185, %dma_wait3A_197] : memref<4x8388608xf32, #tpu.memory_space<hbm>> -> memref<1x8388608xf32, #tpu.memory_space<hbm>>
    %dma_wait3A_199 = tpu.memref_squeeze %dma_wait3A_198 : memref<1x8388608xf32, #tpu.memory_space<hbm>> -> memref<8388608xf32, #tpu.memory_space<hbm>>
    %dma_wait3A_200 = tpu.memref_slice %dma_wait3A_199[%add3A_182] : memref<8388608xf32, #tpu.memory_space<hbm>> -> memref<1024xf32, #tpu.memory_space<hbm>>
    %dma_wait3A_201 = arith.constant 0 : i32
    %dma_wait3A_202 = arith.constant 0 : i32
    %dma_wait3A_203 = tpu.memref_slice %arg8[%dma_wait3A_183, %dma_wait3A_201, %dma_wait3A_202] : memref<2x4x1024xf32, #tpu.memory_space<vmem>> -> memref<1x4x1024xf32, #tpu.memory_space<vmem>>
    %dma_wait3A_204 = tpu.memref_squeeze %dma_wait3A_203 : memref<1x4x1024xf32, #tpu.memory_space<vmem>> -> memref<4x1024xf32, #tpu.memory_space<vmem>>
    %dma_wait3A_205 = arith.constant 0 : i32
    %dma_wait3A_206 = tpu.memref_slice %dma_wait3A_204[%dma_wait3A_184, %dma_wait3A_205] : memref<4x1024xf32, #tpu.memory_space<vmem>> -> memref<1x1024xf32, #tpu.memory_space<vmem>>
    %dma_wait3A_207 = tpu.memref_squeeze %dma_wait3A_206 : memref<1x1024xf32, #tpu.memory_space<vmem>> -> memref<1024xf32, #tpu.memory_space<vmem>>
    tpu.wait_dma2 semaphore(%arg10 : memref<!tpu.dma_semaphore, #tpu.memory_space<semaphore_mem>>) src(%dma_wait3A_207 : memref<1024xf32, #tpu.memory_space<vmem>>) dst(%dma_wait3A_200 : memref<1024xf32, #tpu.memory_space<hbm>>)
    %add3A_208 = arith.constant 261120 : i32
    %add3A_209 = arith.addi %mul3A_2, %add3A_208 : i32
    %dma_wait3A_210 = arith.constant 1 : i32
    %dma_wait3A_211 = arith.constant 0 : i32
    %dma_wait3A_212 = arith.constant 0 : i32
    %dma_wait3A_213 = arith.constant 0 : i32
    %dma_wait3A_214 = arith.constant 0 : i32
    %dma_wait3A_215 = tpu.memref_slice %arg8[%dma_wait3A_210, %dma_wait3A_213, %dma_wait3A_214] : memref<2x4x1024xf32, #tpu.memory_space<vmem>> -> memref<1x4x1024xf32, #tpu.memory_space<vmem>>
    %dma_wait3A_216 = tpu.memref_squeeze %dma_wait3A_215 : memref<1x4x1024xf32, #tpu.memory_space<vmem>> -> memref<4x1024xf32, #tpu.memory_space<vmem>>
    %dma_wait3A_217 = arith.constant 0 : i32
    %dma_wait3A_218 = tpu.memref_slice %dma_wait3A_216[%dma_wait3A_211, %dma_wait3A_217] : memref<4x1024xf32, #tpu.memory_space<vmem>> -> memref<1x1024xf32, #tpu.memory_space<vmem>>
    %dma_wait3A_219 = tpu.memref_squeeze %dma_wait3A_218 : memref<1x1024xf32, #tpu.memory_space<vmem>> -> memref<1024xf32, #tpu.memory_space<vmem>>
    %dma_wait3A_220 = arith.constant 0 : i32
    %dma_wait3A_221 = tpu.memref_slice %arg4[%dma_wait3A_212, %dma_wait3A_220] : memref<4x8388608xf32, #tpu.memory_space<hbm>> -> memref<1x8388608xf32, #tpu.memory_space<hbm>>
    %dma_wait3A_222 = tpu.memref_squeeze %dma_wait3A_221 : memref<1x8388608xf32, #tpu.memory_space<hbm>> -> memref<8388608xf32, #tpu.memory_space<hbm>>
    %dma_wait3A_223 = tpu.memref_slice %dma_wait3A_222[%add3A_209] : memref<8388608xf32, #tpu.memory_space<hbm>> -> memref<1024xf32, #tpu.memory_space<hbm>>
    %dma_wait3A_224 = arith.constant 0 : i32
    %dma_wait3A_225 = tpu.memref_slice %arg4[%dma_wait3A_212, %dma_wait3A_224] : memref<4x8388608xf32, #tpu.memory_space<hbm>> -> memref<1x8388608xf32, #tpu.memory_space<hbm>>
    %dma_wait3A_226 = tpu.memref_squeeze %dma_wait3A_225 : memref<1x8388608xf32, #tpu.memory_space<hbm>> -> memref<8388608xf32, #tpu.memory_space<hbm>>
    %dma_wait3A_227 = tpu.memref_slice %dma_wait3A_226[%add3A_209] : memref<8388608xf32, #tpu.memory_space<hbm>> -> memref<1024xf32, #tpu.memory_space<hbm>>
    %dma_wait3A_228 = arith.constant 0 : i32
    %dma_wait3A_229 = arith.constant 0 : i32
    %dma_wait3A_230 = tpu.memref_slice %arg8[%dma_wait3A_210, %dma_wait3A_228, %dma_wait3A_229] : memref<2x4x1024xf32, #tpu.memory_space<vmem>> -> memref<1x4x1024xf32, #tpu.memory_space<vmem>>
    %dma_wait3A_231 = tpu.memref_squeeze %dma_wait3A_230 : memref<1x4x1024xf32, #tpu.memory_space<vmem>> -> memref<4x1024xf32, #tpu.memory_space<vmem>>
    %dma_wait3A_232 = arith.constant 0 : i32
    %dma_wait3A_233 = tpu.memref_slice %dma_wait3A_231[%dma_wait3A_211, %dma_wait3A_232] : memref<4x1024xf32, #tpu.memory_space<vmem>> -> memref<1x1024xf32, #tpu.memory_space<vmem>>
    %dma_wait3A_234 = tpu.memref_squeeze %dma_wait3A_233 : memref<1x1024xf32, #tpu.memory_space<vmem>> -> memref<1024xf32, #tpu.memory_space<vmem>>
    tpu.wait_dma2 semaphore(%arg10 : memref<!tpu.dma_semaphore, #tpu.memory_space<semaphore_mem>>) src(%dma_wait3A_234 : memref<1024xf32, #tpu.memory_space<vmem>>) dst(%dma_wait3A_227 : memref<1024xf32, #tpu.memory_space<hbm>>)
    %add3A_235 = arith.constant 261120 : i32
    %add3A_236 = arith.addi %mul3A_2, %add3A_235 : i32
    %dma_wait3A_237 = arith.constant 1 : i32
    %dma_wait3A_238 = arith.constant 1 : i32
    %dma_wait3A_239 = arith.constant 1 : i32
    %dma_wait3A_240 = arith.constant 0 : i32
    %dma_wait3A_241 = arith.constant 0 : i32
    %dma_wait3A_242 = tpu.memref_slice %arg8[%dma_wait3A_237, %dma_wait3A_240, %dma_wait3A_241] : memref<2x4x1024xf32, #tpu.memory_space<vmem>> -> memref<1x4x1024xf32, #tpu.memory_space<vmem>>
    %dma_wait3A_243 = tpu.memref_squeeze %dma_wait3A_242 : memref<1x4x1024xf32, #tpu.memory_space<vmem>> -> memref<4x1024xf32, #tpu.memory_space<vmem>>
    %dma_wait3A_244 = arith.constant 0 : i32
    %dma_wait3A_245 = tpu.memref_slice %dma_wait3A_243[%dma_wait3A_238, %dma_wait3A_244] : memref<4x1024xf32, #tpu.memory_space<vmem>> -> memref<1x1024xf32, #tpu.memory_space<vmem>>
    %dma_wait3A_246 = tpu.memref_squeeze %dma_wait3A_245 : memref<1x1024xf32, #tpu.memory_space<vmem>> -> memref<1024xf32, #tpu.memory_space<vmem>>
    %dma_wait3A_247 = arith.constant 0 : i32
    %dma_wait3A_248 = tpu.memref_slice %arg4[%dma_wait3A_239, %dma_wait3A_247] : memref<4x8388608xf32, #tpu.memory_space<hbm>> -> memref<1x8388608xf32, #tpu.memory_space<hbm>>
    %dma_wait3A_249 = tpu.memref_squeeze %dma_wait3A_248 : memref<1x8388608xf32, #tpu.memory_space<hbm>> -> memref<8388608xf32, #tpu.memory_space<hbm>>
    %dma_wait3A_250 = tpu.memref_slice %dma_wait3A_249[%add3A_236] : memref<8388608xf32, #tpu.memory_space<hbm>> -> memref<1024xf32, #tpu.memory_space<hbm>>
    %dma_wait3A_251 = arith.constant 0 : i32
    %dma_wait3A_252 = tpu.memref_slice %arg4[%dma_wait3A_239, %dma_wait3A_251] : memref<4x8388608xf32, #tpu.memory_space<hbm>> -> memref<1x8388608xf32, #tpu.memory_space<hbm>>
    %dma_wait3A_253 = tpu.memref_squeeze %dma_wait3A_252 : memref<1x8388608xf32, #tpu.memory_space<hbm>> -> memref<8388608xf32, #tpu.memory_space<hbm>>
    %dma_wait3A_254 = tpu.memref_slice %dma_wait3A_253[%add3A_236] : memref<8388608xf32, #tpu.memory_space<hbm>> -> memref<1024xf32, #tpu.memory_space<hbm>>
    %dma_wait3A_255 = arith.constant 0 : i32
    %dma_wait3A_256 = arith.constant 0 : i32
    %dma_wait3A_257 = tpu.memref_slice %arg8[%dma_wait3A_237, %dma_wait3A_255, %dma_wait3A_256] : memref<2x4x1024xf32, #tpu.memory_space<vmem>> -> memref<1x4x1024xf32, #tpu.memory_space<vmem>>
    %dma_wait3A_258 = tpu.memref_squeeze %dma_wait3A_257 : memref<1x4x1024xf32, #tpu.memory_space<vmem>> -> memref<4x1024xf32, #tpu.memory_space<vmem>>
    %dma_wait3A_259 = arith.constant 0 : i32
    %dma_wait3A_260 = tpu.memref_slice %dma_wait3A_258[%dma_wait3A_238, %dma_wait3A_259] : memref<4x1024xf32, #tpu.memory_space<vmem>> -> memref<1x1024xf32, #tpu.memory_space<vmem>>
    %dma_wait3A_261 = tpu.memref_squeeze %dma_wait3A_260 : memref<1x1024xf32, #tpu.memory_space<vmem>> -> memref<1024xf32, #tpu.memory_space<vmem>>
    tpu.wait_dma2 semaphore(%arg10 : memref<!tpu.dma_semaphore, #tpu.memory_space<semaphore_mem>>) src(%dma_wait3A_261 : memref<1024xf32, #tpu.memory_space<vmem>>) dst(%dma_wait3A_254 : memref<1024xf32, #tpu.memory_space<hbm>>)
    %add3A_262 = arith.constant 261120 : i32
    %add3A_263 = arith.addi %mul3A_2, %add3A_262 : i32
    %dma_wait3A_264 = arith.constant 1 : i32
    %dma_wait3A_265 = arith.constant 2 : i32
    %dma_wait3A_266 = arith.constant 2 : i32
    %dma_wait3A_267 = arith.constant 0 : i32
    %dma_wait3A_268 = arith.constant 0 : i32
    %dma_wait3A_269 = tpu.memref_slice %arg8[%dma_wait3A_264, %dma_wait3A_267, %dma_wait3A_268] : memref<2x4x1024xf32, #tpu.memory_space<vmem>> -> memref<1x4x1024xf32, #tpu.memory_space<vmem>>
    %dma_wait3A_270 = tpu.memref_squeeze %dma_wait3A_269 : memref<1x4x1024xf32, #tpu.memory_space<vmem>> -> memref<4x1024xf32, #tpu.memory_space<vmem>>
    %dma_wait3A_271 = arith.constant 0 : i32
    %dma_wait3A_272 = tpu.memref_slice %dma_wait3A_270[%dma_wait3A_265, %dma_wait3A_271] : memref<4x1024xf32, #tpu.memory_space<vmem>> -> memref<1x1024xf32, #tpu.memory_space<vmem>>
    %dma_wait3A_273 = tpu.memref_squeeze %dma_wait3A_272 : memref<1x1024xf32, #tpu.memory_space<vmem>> -> memref<1024xf32, #tpu.memory_space<vmem>>
    %dma_wait3A_274 = arith.constant 0 : i32
    %dma_wait3A_275 = tpu.memref_slice %arg4[%dma_wait3A_266, %dma_wait3A_274] : memref<4x8388608xf32, #tpu.memory_space<hbm>> -> memref<1x8388608xf32, #tpu.memory_space<hbm>>
    %dma_wait3A_276 = tpu.memref_squeeze %dma_wait3A_275 : memref<1x8388608xf32, #tpu.memory_space<hbm>> -> memref<8388608xf32, #tpu.memory_space<hbm>>
    %dma_wait3A_277 = tpu.memref_slice %dma_wait3A_276[%add3A_263] : memref<8388608xf32, #tpu.memory_space<hbm>> -> memref<1024xf32, #tpu.memory_space<hbm>>
    %dma_wait3A_278 = arith.constant 0 : i32
    %dma_wait3A_279 = tpu.memref_slice %arg4[%dma_wait3A_266, %dma_wait3A_278] : memref<4x8388608xf32, #tpu.memory_space<hbm>> -> memref<1x8388608xf32, #tpu.memory_space<hbm>>
    %dma_wait3A_280 = tpu.memref_squeeze %dma_wait3A_279 : memref<1x8388608xf32, #tpu.memory_space<hbm>> -> memref<8388608xf32, #tpu.memory_space<hbm>>
    %dma_wait3A_281 = tpu.memref_slice %dma_wait3A_280[%add3A_263] : memref<8388608xf32, #tpu.memory_space<hbm>> -> memref<1024xf32, #tpu.memory_space<hbm>>
    %dma_wait3A_282 = arith.constant 0 : i32
    %dma_wait3A_283 = arith.constant 0 : i32
    %dma_wait3A_284 = tpu.memref_slice %arg8[%dma_wait3A_264, %dma_wait3A_282, %dma_wait3A_283] : memref<2x4x1024xf32, #tpu.memory_space<vmem>> -> memref<1x4x1024xf32, #tpu.memory_space<vmem>>
    %dma_wait3A_285 = tpu.memref_squeeze %dma_wait3A_284 : memref<1x4x1024xf32, #tpu.memory_space<vmem>> -> memref<4x1024xf32, #tpu.memory_space<vmem>>
    %dma_wait3A_286 = arith.constant 0 : i32
    %dma_wait3A_287 = tpu.memref_slice %dma_wait3A_285[%dma_wait3A_265, %dma_wait3A_286] : memref<4x1024xf32, #tpu.memory_space<vmem>> -> memref<1x1024xf32, #tpu.memory_space<vmem>>
    %dma_wait3A_288 = tpu.memref_squeeze %dma_wait3A_287 : memref<1x1024xf32, #tpu.memory_space<vmem>> -> memref<1024xf32, #tpu.memory_space<vmem>>
    tpu.wait_dma2 semaphore(%arg10 : memref<!tpu.dma_semaphore, #tpu.memory_space<semaphore_mem>>) src(%dma_wait3A_288 : memref<1024xf32, #tpu.memory_space<vmem>>) dst(%dma_wait3A_281 : memref<1024xf32, #tpu.memory_space<hbm>>)
    %add3A_289 = arith.constant 261120 : i32
    %add3A_290 = arith.addi %mul3A_2, %add3A_289 : i32
    %dma_wait3A_291 = arith.constant 1 : i32
    %dma_wait3A_292 = arith.constant 3 : i32
    %dma_wait3A_293 = arith.constant 3 : i32
    %dma_wait3A_294 = arith.constant 0 : i32
    %dma_wait3A_295 = arith.constant 0 : i32
    %dma_wait3A_296 = tpu.memref_slice %arg8[%dma_wait3A_291, %dma_wait3A_294, %dma_wait3A_295] : memref<2x4x1024xf32, #tpu.memory_space<vmem>> -> memref<1x4x1024xf32, #tpu.memory_space<vmem>>
    %dma_wait3A_297 = tpu.memref_squeeze %dma_wait3A_296 : memref<1x4x1024xf32, #tpu.memory_space<vmem>> -> memref<4x1024xf32, #tpu.memory_space<vmem>>
    %dma_wait3A_298 = arith.constant 0 : i32
    %dma_wait3A_299 = tpu.memref_slice %dma_wait3A_297[%dma_wait3A_292, %dma_wait3A_298] : memref<4x1024xf32, #tpu.memory_space<vmem>> -> memref<1x1024xf32, #tpu.memory_space<vmem>>
    %dma_wait3A_300 = tpu.memref_squeeze %dma_wait3A_299 : memref<1x1024xf32, #tpu.memory_space<vmem>> -> memref<1024xf32, #tpu.memory_space<vmem>>
    %dma_wait3A_301 = arith.constant 0 : i32
    %dma_wait3A_302 = tpu.memref_slice %arg4[%dma_wait3A_293, %dma_wait3A_301] : memref<4x8388608xf32, #tpu.memory_space<hbm>> -> memref<1x8388608xf32, #tpu.memory_space<hbm>>
    %dma_wait3A_303 = tpu.memref_squeeze %dma_wait3A_302 : memref<1x8388608xf32, #tpu.memory_space<hbm>> -> memref<8388608xf32, #tpu.memory_space<hbm>>
    %dma_wait3A_304 = tpu.memref_slice %dma_wait3A_303[%add3A_290] : memref<8388608xf32, #tpu.memory_space<hbm>> -> memref<1024xf32, #tpu.memory_space<hbm>>
    %dma_wait3A_305 = arith.constant 0 : i32
    %dma_wait3A_306 = tpu.memref_slice %arg4[%dma_wait3A_293, %dma_wait3A_305] : memref<4x8388608xf32, #tpu.memory_space<hbm>> -> memref<1x8388608xf32, #tpu.memory_space<hbm>>
    %dma_wait3A_307 = tpu.memref_squeeze %dma_wait3A_306 : memref<1x8388608xf32, #tpu.memory_space<hbm>> -> memref<8388608xf32, #tpu.memory_space<hbm>>
    %dma_wait3A_308 = tpu.memref_slice %dma_wait3A_307[%add3A_290] : memref<8388608xf32, #tpu.memory_space<hbm>> -> memref<1024xf32, #tpu.memory_space<hbm>>
    %dma_wait3A_309 = arith.constant 0 : i32
    %dma_wait3A_310 = arith.constant 0 : i32
    %dma_wait3A_311 = tpu.memref_slice %arg8[%dma_wait3A_291, %dma_wait3A_309, %dma_wait3A_310] : memref<2x4x1024xf32, #tpu.memory_space<vmem>> -> memref<1x4x1024xf32, #tpu.memory_space<vmem>>
    %dma_wait3A_312 = tpu.memref_squeeze %dma_wait3A_311 : memref<1x4x1024xf32, #tpu.memory_space<vmem>> -> memref<4x1024xf32, #tpu.memory_space<vmem>>
    %dma_wait3A_313 = arith.constant 0 : i32
    %dma_wait3A_314 = tpu.memref_slice %dma_wait3A_312[%dma_wait3A_292, %dma_wait3A_313] : memref<4x1024xf32, #tpu.memory_space<vmem>> -> memref<1x1024xf32, #tpu.memory_space<vmem>>
    %dma_wait3A_315 = tpu.memref_squeeze %dma_wait3A_314 : memref<1x1024xf32, #tpu.memory_space<vmem>> -> memref<1024xf32, #tpu.memory_space<vmem>>
    tpu.wait_dma2 semaphore(%arg10 : memref<!tpu.dma_semaphore, #tpu.memory_space<semaphore_mem>>) src(%dma_wait3A_315 : memref<1024xf32, #tpu.memory_space<vmem>>) dst(%dma_wait3A_308 : memref<1024xf32, #tpu.memory_space<hbm>>)
    return
  }
}

#map = affine_map<(d0, d1) -> (0, 0, 0)>
#map1 = affine_map<(d0, d1) -> (0)>
module attributes {stable_mosaic.version = 14 : i64} {
  func.func @k(%arg0: i32, %arg1: i32, %arg2: memref<4x8192x1024xf32, #tpu.memory_space<hbm>>, %arg3: memref<33554432xf32, #tpu.memory_space<hbm>>, %arg4: memref<2x4x8x1024xf32, #tpu.memory_space<vmem>>, %arg5: memref<32768xf32, #tpu.memory_space<vmem>>, %arg6: memref<32768xf32, #tpu.memory_space<vmem>>, %arg7: memref<!tpu.dma_semaphore, #tpu.memory_space<semaphore_mem>>, %arg8: memref<!tpu.dma_semaphore, #tpu.memory_space<semaphore_mem>>) attributes {dimension_semantics = [#tpu.dimension_semantics<core_parallel>, #tpu.dimension_semantics<subcore_parallel>], iteration_bounds = array<i64: 2, 16>, scalar_prefetch = 0 : i64, scratch_operands = 5 : i64, tpu.core_type = #tpu.core_type<sc_vector_subcore>, window_params = [{transform_indices = #map}, {transform_indices = #map1}]} {
    %mul3A = arith.constant 2 : i32
    %mul3A_0 = arith.muli %arg1, %mul3A : i32
    %add3A = arith.addi %mul3A_0, %arg0 : i32
    %mul3A_1 = arith.constant 256 : i32
    %mul3A_2 = arith.muli %add3A, %mul3A_1 : i32
    %mul3A_3 = arith.constant 1048576 : i32
    %mul3A_4 = arith.muli %add3A, %mul3A_3 : i32
    %iota3A = tpu.iota {dimensions = array<i32: 0>} : vector<16xi32>
    %shift_right_logical3A = arith.constant 2 : i32
    %shift_right_logical3A_5 = vector.broadcast %shift_right_logical3A : i32 to vector<16xi32>
    %shift_right_logical3A_6 = arith.shrui %iota3A, %shift_right_logical3A_5 : vector<16xi32>
    %mul3A_7 = arith.constant 16 : i32
    %mul3A_8 = vector.broadcast %mul3A_7 : i32 to vector<16xi32>
    %mul3A_9 = arith.muli %shift_right_logical3A_6, %mul3A_8 : vector<16xi32>
    %and3A = arith.constant 3 : i32
    %and3A_10 = vector.broadcast %and3A : i32 to vector<16xi32>
    %and3A_11 = arith.andi %iota3A, %and3A_10 : vector<16xi32>
    %shift_left3A = arith.constant 2 : i32
    %shift_left3A_12 = vector.broadcast %shift_left3A : i32 to vector<16xi32>
    %shift_left3A_13 = arith.shli %and3A_11, %shift_left3A_12 : vector<16xi32>
    %add3A_14 = arith.addi %mul3A_9, %shift_left3A_13 : vector<16xi32>
    %add3A_15 = arith.constant 0 : i32
    %add3A_16 = arith.addi %mul3A_2, %add3A_15 : i32
    %add3A_17 = arith.constant 0 : i32
    %add3A_18 = arith.addi %mul3A_2, %add3A_17 : i32
    %add3A_19 = arith.constant 0 : i32
    %add3A_20 = arith.addi %mul3A_2, %add3A_19 : i32
    %add3A_21 = arith.constant 0 : i32
    %add3A_22 = arith.addi %mul3A_2, %add3A_21 : i32
    %dma_start3A = arith.constant 0 : i32
    %dma_start3A_23 = arith.constant 0 : i32
    %dma_start3A_24 = arith.constant 0 : i32
    %dma_start3A_25 = arith.constant 0 : i32
    %dma_start3A_26 = arith.constant 0 : i32
    %dma_start3A_27 = arith.constant 0 : i32
    %dma_start3A_28 = tpu.memref_slice %arg4[%dma_start3A_23, %dma_start3A_25, %dma_start3A_26, %dma_start3A_27] : memref<2x4x8x1024xf32, #tpu.memory_space<vmem>> -> memref<1x4x8x1024xf32, #tpu.memory_space<vmem>>
    %dma_start3A_29 = tpu.memref_squeeze %dma_start3A_28 : memref<1x4x8x1024xf32, #tpu.memory_space<vmem>> -> memref<4x8x1024xf32, #tpu.memory_space<vmem>>
    %dma_start3A_30 = arith.constant 0 : i32
    %dma_start3A_31 = arith.constant 0 : i32
    %dma_start3A_32 = tpu.memref_slice %dma_start3A_29[%dma_start3A_24, %dma_start3A_30, %dma_start3A_31] : memref<4x8x1024xf32, #tpu.memory_space<vmem>> -> memref<1x8x1024xf32, #tpu.memory_space<vmem>>
    %dma_start3A_33 = tpu.memref_squeeze %dma_start3A_32 : memref<1x8x1024xf32, #tpu.memory_space<vmem>> -> memref<8x1024xf32, #tpu.memory_space<vmem>>
    %dma_start3A_34 = arith.constant 0 : i32
    %dma_start3A_35 = arith.constant 0 : i32
    %dma_start3A_36 = tpu.memref_slice %arg2[%dma_start3A, %dma_start3A_34, %dma_start3A_35] : memref<4x8192x1024xf32, #tpu.memory_space<hbm>> -> memref<1x8192x1024xf32, #tpu.memory_space<hbm>>
    %dma_start3A_37 = tpu.memref_squeeze %dma_start3A_36 : memref<1x8192x1024xf32, #tpu.memory_space<hbm>> -> memref<8192x1024xf32, #tpu.memory_space<hbm>>
    %dma_start3A_38 = arith.constant 0 : i32
    %dma_start3A_39 = tpu.memref_slice %dma_start3A_37[%add3A_16, %dma_start3A_38] : memref<8192x1024xf32, #tpu.memory_space<hbm>> -> memref<8x1024xf32, #tpu.memory_space<hbm>>
    %dma_start3A_40 = arith.constant 0 : i32
    %dma_start3A_41 = arith.constant 0 : i32
    %dma_start3A_42 = arith.constant 0 : i32
    %dma_start3A_43 = tpu.memref_slice %arg4[%dma_start3A_23, %dma_start3A_40, %dma_start3A_41, %dma_start3A_42] : memref<2x4x8x1024xf32, #tpu.memory_space<vmem>> -> memref<1x4x8x1024xf32, #tpu.memory_space<vmem>>
    %dma_start3A_44 = tpu.memref_squeeze %dma_start3A_43 : memref<1x4x8x1024xf32, #tpu.memory_space<vmem>> -> memref<4x8x1024xf32, #tpu.memory_space<vmem>>
    %dma_start3A_45 = arith.constant 0 : i32
    %dma_start3A_46 = arith.constant 0 : i32
    %dma_start3A_47 = tpu.memref_slice %dma_start3A_44[%dma_start3A_24, %dma_start3A_45, %dma_start3A_46] : memref<4x8x1024xf32, #tpu.memory_space<vmem>> -> memref<1x8x1024xf32, #tpu.memory_space<vmem>>
    %dma_start3A_48 = tpu.memref_squeeze %dma_start3A_47 : memref<1x8x1024xf32, #tpu.memory_space<vmem>> -> memref<8x1024xf32, #tpu.memory_space<vmem>>
    %dma_start3A_49 = arith.constant 0 : i32
    %dma_start3A_50 = arith.constant 0 : i32
    %dma_start3A_51 = tpu.memref_slice %arg2[%dma_start3A, %dma_start3A_49, %dma_start3A_50] : memref<4x8192x1024xf32, #tpu.memory_space<hbm>> -> memref<1x8192x1024xf32, #tpu.memory_space<hbm>>
    %dma_start3A_52 = tpu.memref_squeeze %dma_start3A_51 : memref<1x8192x1024xf32, #tpu.memory_space<hbm>> -> memref<8192x1024xf32, #tpu.memory_space<hbm>>
    %dma_start3A_53 = arith.constant 0 : i32
    %dma_start3A_54 = tpu.memref_slice %dma_start3A_52[%add3A_16, %dma_start3A_53] : memref<8192x1024xf32, #tpu.memory_space<hbm>> -> memref<8x1024xf32, #tpu.memory_space<hbm>>
    tpu.enqueue_dma source(%dma_start3A_54 : memref<8x1024xf32, #tpu.memory_space<hbm>>) target(%dma_start3A_48 : memref<8x1024xf32, #tpu.memory_space<vmem>>) target_semaphore(%arg7 : memref<!tpu.dma_semaphore, #tpu.memory_space<semaphore_mem>>)
    %dma_start3A_55 = arith.constant 1 : i32
    %dma_start3A_56 = arith.constant 0 : i32
    %dma_start3A_57 = arith.constant 1 : i32
    %dma_start3A_58 = arith.constant 0 : i32
    %dma_start3A_59 = arith.constant 0 : i32
    %dma_start3A_60 = arith.constant 0 : i32
    %dma_start3A_61 = tpu.memref_slice %arg4[%dma_start3A_56, %dma_start3A_58, %dma_start3A_59, %dma_start3A_60] : memref<2x4x8x1024xf32, #tpu.memory_space<vmem>> -> memref<1x4x8x1024xf32, #tpu.memory_space<vmem>>
    %dma_start3A_62 = tpu.memref_squeeze %dma_start3A_61 : memref<1x4x8x1024xf32, #tpu.memory_space<vmem>> -> memref<4x8x1024xf32, #tpu.memory_space<vmem>>
    %dma_start3A_63 = arith.constant 0 : i32
    %dma_start3A_64 = arith.constant 0 : i32
    %dma_start3A_65 = tpu.memref_slice %dma_start3A_62[%dma_start3A_57, %dma_start3A_63, %dma_start3A_64] : memref<4x8x1024xf32, #tpu.memory_space<vmem>> -> memref<1x8x1024xf32, #tpu.memory_space<vmem>>
    %dma_start3A_66 = tpu.memref_squeeze %dma_start3A_65 : memref<1x8x1024xf32, #tpu.memory_space<vmem>> -> memref<8x1024xf32, #tpu.memory_space<vmem>>
    %dma_start3A_67 = arith.constant 0 : i32
    %dma_start3A_68 = arith.constant 0 : i32
    %dma_start3A_69 = tpu.memref_slice %arg2[%dma_start3A_55, %dma_start3A_67, %dma_start3A_68] : memref<4x8192x1024xf32, #tpu.memory_space<hbm>> -> memref<1x8192x1024xf32, #tpu.memory_space<hbm>>
    %dma_start3A_70 = tpu.memref_squeeze %dma_start3A_69 : memref<1x8192x1024xf32, #tpu.memory_space<hbm>> -> memref<8192x1024xf32, #tpu.memory_space<hbm>>
    %dma_start3A_71 = arith.constant 0 : i32
    %dma_start3A_72 = tpu.memref_slice %dma_start3A_70[%add3A_18, %dma_start3A_71] : memref<8192x1024xf32, #tpu.memory_space<hbm>> -> memref<8x1024xf32, #tpu.memory_space<hbm>>
    %dma_start3A_73 = arith.constant 0 : i32
    %dma_start3A_74 = arith.constant 0 : i32
    %dma_start3A_75 = arith.constant 0 : i32
    %dma_start3A_76 = tpu.memref_slice %arg4[%dma_start3A_56, %dma_start3A_73, %dma_start3A_74, %dma_start3A_75] : memref<2x4x8x1024xf32, #tpu.memory_space<vmem>> -> memref<1x4x8x1024xf32, #tpu.memory_space<vmem>>
    %dma_start3A_77 = tpu.memref_squeeze %dma_start3A_76 : memref<1x4x8x1024xf32, #tpu.memory_space<vmem>> -> memref<4x8x1024xf32, #tpu.memory_space<vmem>>
    %dma_start3A_78 = arith.constant 0 : i32
    %dma_start3A_79 = arith.constant 0 : i32
    %dma_start3A_80 = tpu.memref_slice %dma_start3A_77[%dma_start3A_57, %dma_start3A_78, %dma_start3A_79] : memref<4x8x1024xf32, #tpu.memory_space<vmem>> -> memref<1x8x1024xf32, #tpu.memory_space<vmem>>
    %dma_start3A_81 = tpu.memref_squeeze %dma_start3A_80 : memref<1x8x1024xf32, #tpu.memory_space<vmem>> -> memref<8x1024xf32, #tpu.memory_space<vmem>>
    %dma_start3A_82 = arith.constant 0 : i32
    %dma_start3A_83 = arith.constant 0 : i32
    %dma_start3A_84 = tpu.memref_slice %arg2[%dma_start3A_55, %dma_start3A_82, %dma_start3A_83] : memref<4x8192x1024xf32, #tpu.memory_space<hbm>> -> memref<1x8192x1024xf32, #tpu.memory_space<hbm>>
    %dma_start3A_85 = tpu.memref_squeeze %dma_start3A_84 : memref<1x8192x1024xf32, #tpu.memory_space<hbm>> -> memref<8192x1024xf32, #tpu.memory_space<hbm>>
    %dma_start3A_86 = arith.constant 0 : i32
    %dma_start3A_87 = tpu.memref_slice %dma_start3A_85[%add3A_18, %dma_start3A_86] : memref<8192x1024xf32, #tpu.memory_space<hbm>> -> memref<8x1024xf32, #tpu.memory_space<hbm>>
    tpu.enqueue_dma source(%dma_start3A_87 : memref<8x1024xf32, #tpu.memory_space<hbm>>) target(%dma_start3A_81 : memref<8x1024xf32, #tpu.memory_space<vmem>>) target_semaphore(%arg7 : memref<!tpu.dma_semaphore, #tpu.memory_space<semaphore_mem>>)
    %dma_start3A_88 = arith.constant 2 : i32
    %dma_start3A_89 = arith.constant 0 : i32
    %dma_start3A_90 = arith.constant 2 : i32
    %dma_start3A_91 = arith.constant 0 : i32
    %dma_start3A_92 = arith.constant 0 : i32
    %dma_start3A_93 = arith.constant 0 : i32
    %dma_start3A_94 = tpu.memref_slice %arg4[%dma_start3A_89, %dma_start3A_91, %dma_start3A_92, %dma_start3A_93] : memref<2x4x8x1024xf32, #tpu.memory_space<vmem>> -> memref<1x4x8x1024xf32, #tpu.memory_space<vmem>>
    %dma_start3A_95 = tpu.memref_squeeze %dma_start3A_94 : memref<1x4x8x1024xf32, #tpu.memory_space<vmem>> -> memref<4x8x1024xf32, #tpu.memory_space<vmem>>
    %dma_start3A_96 = arith.constant 0 : i32
    %dma_start3A_97 = arith.constant 0 : i32
    %dma_start3A_98 = tpu.memref_slice %dma_start3A_95[%dma_start3A_90, %dma_start3A_96, %dma_start3A_97] : memref<4x8x1024xf32, #tpu.memory_space<vmem>> -> memref<1x8x1024xf32, #tpu.memory_space<vmem>>
    %dma_start3A_99 = tpu.memref_squeeze %dma_start3A_98 : memref<1x8x1024xf32, #tpu.memory_space<vmem>> -> memref<8x1024xf32, #tpu.memory_space<vmem>>
    %dma_start3A_100 = arith.constant 0 : i32
    %dma_start3A_101 = arith.constant 0 : i32
    %dma_start3A_102 = tpu.memref_slice %arg2[%dma_start3A_88, %dma_start3A_100, %dma_start3A_101] : memref<4x8192x1024xf32, #tpu.memory_space<hbm>> -> memref<1x8192x1024xf32, #tpu.memory_space<hbm>>
    %dma_start3A_103 = tpu.memref_squeeze %dma_start3A_102 : memref<1x8192x1024xf32, #tpu.memory_space<hbm>> -> memref<8192x1024xf32, #tpu.memory_space<hbm>>
    %dma_start3A_104 = arith.constant 0 : i32
    %dma_start3A_105 = tpu.memref_slice %dma_start3A_103[%add3A_20, %dma_start3A_104] : memref<8192x1024xf32, #tpu.memory_space<hbm>> -> memref<8x1024xf32, #tpu.memory_space<hbm>>
    %dma_start3A_106 = arith.constant 0 : i32
    %dma_start3A_107 = arith.constant 0 : i32
    %dma_start3A_108 = arith.constant 0 : i32
    %dma_start3A_109 = tpu.memref_slice %arg4[%dma_start3A_89, %dma_start3A_106, %dma_start3A_107, %dma_start3A_108] : memref<2x4x8x1024xf32, #tpu.memory_space<vmem>> -> memref<1x4x8x1024xf32, #tpu.memory_space<vmem>>
    %dma_start3A_110 = tpu.memref_squeeze %dma_start3A_109 : memref<1x4x8x1024xf32, #tpu.memory_space<vmem>> -> memref<4x8x1024xf32, #tpu.memory_space<vmem>>
    %dma_start3A_111 = arith.constant 0 : i32
    %dma_start3A_112 = arith.constant 0 : i32
    %dma_start3A_113 = tpu.memref_slice %dma_start3A_110[%dma_start3A_90, %dma_start3A_111, %dma_start3A_112] : memref<4x8x1024xf32, #tpu.memory_space<vmem>> -> memref<1x8x1024xf32, #tpu.memory_space<vmem>>
    %dma_start3A_114 = tpu.memref_squeeze %dma_start3A_113 : memref<1x8x1024xf32, #tpu.memory_space<vmem>> -> memref<8x1024xf32, #tpu.memory_space<vmem>>
    %dma_start3A_115 = arith.constant 0 : i32
    %dma_start3A_116 = arith.constant 0 : i32
    %dma_start3A_117 = tpu.memref_slice %arg2[%dma_start3A_88, %dma_start3A_115, %dma_start3A_116] : memref<4x8192x1024xf32, #tpu.memory_space<hbm>> -> memref<1x8192x1024xf32, #tpu.memory_space<hbm>>
    %dma_start3A_118 = tpu.memref_squeeze %dma_start3A_117 : memref<1x8192x1024xf32, #tpu.memory_space<hbm>> -> memref<8192x1024xf32, #tpu.memory_space<hbm>>
    %dma_start3A_119 = arith.constant 0 : i32
    %dma_start3A_120 = tpu.memref_slice %dma_start3A_118[%add3A_20, %dma_start3A_119] : memref<8192x1024xf32, #tpu.memory_space<hbm>> -> memref<8x1024xf32, #tpu.memory_space<hbm>>
    tpu.enqueue_dma source(%dma_start3A_120 : memref<8x1024xf32, #tpu.memory_space<hbm>>) target(%dma_start3A_114 : memref<8x1024xf32, #tpu.memory_space<vmem>>) target_semaphore(%arg7 : memref<!tpu.dma_semaphore, #tpu.memory_space<semaphore_mem>>)
    %dma_start3A_121 = arith.constant 3 : i32
    %dma_start3A_122 = arith.constant 0 : i32
    %dma_start3A_123 = arith.constant 3 : i32
    %dma_start3A_124 = arith.constant 0 : i32
    %dma_start3A_125 = arith.constant 0 : i32
    %dma_start3A_126 = arith.constant 0 : i32
    %dma_start3A_127 = tpu.memref_slice %arg4[%dma_start3A_122, %dma_start3A_124, %dma_start3A_125, %dma_start3A_126] : memref<2x4x8x1024xf32, #tpu.memory_space<vmem>> -> memref<1x4x8x1024xf32, #tpu.memory_space<vmem>>
    %dma_start3A_128 = tpu.memref_squeeze %dma_start3A_127 : memref<1x4x8x1024xf32, #tpu.memory_space<vmem>> -> memref<4x8x1024xf32, #tpu.memory_space<vmem>>
    %dma_start3A_129 = arith.constant 0 : i32
    %dma_start3A_130 = arith.constant 0 : i32
    %dma_start3A_131 = tpu.memref_slice %dma_start3A_128[%dma_start3A_123, %dma_start3A_129, %dma_start3A_130] : memref<4x8x1024xf32, #tpu.memory_space<vmem>> -> memref<1x8x1024xf32, #tpu.memory_space<vmem>>
    %dma_start3A_132 = tpu.memref_squeeze %dma_start3A_131 : memref<1x8x1024xf32, #tpu.memory_space<vmem>> -> memref<8x1024xf32, #tpu.memory_space<vmem>>
    %dma_start3A_133 = arith.constant 0 : i32
    %dma_start3A_134 = arith.constant 0 : i32
    %dma_start3A_135 = tpu.memref_slice %arg2[%dma_start3A_121, %dma_start3A_133, %dma_start3A_134] : memref<4x8192x1024xf32, #tpu.memory_space<hbm>> -> memref<1x8192x1024xf32, #tpu.memory_space<hbm>>
    %dma_start3A_136 = tpu.memref_squeeze %dma_start3A_135 : memref<1x8192x1024xf32, #tpu.memory_space<hbm>> -> memref<8192x1024xf32, #tpu.memory_space<hbm>>
    %dma_start3A_137 = arith.constant 0 : i32
    %dma_start3A_138 = tpu.memref_slice %dma_start3A_136[%add3A_22, %dma_start3A_137] : memref<8192x1024xf32, #tpu.memory_space<hbm>> -> memref<8x1024xf32, #tpu.memory_space<hbm>>
    %dma_start3A_139 = arith.constant 0 : i32
    %dma_start3A_140 = arith.constant 0 : i32
    %dma_start3A_141 = arith.constant 0 : i32
    %dma_start3A_142 = tpu.memref_slice %arg4[%dma_start3A_122, %dma_start3A_139, %dma_start3A_140, %dma_start3A_141] : memref<2x4x8x1024xf32, #tpu.memory_space<vmem>> -> memref<1x4x8x1024xf32, #tpu.memory_space<vmem>>
    %dma_start3A_143 = tpu.memref_squeeze %dma_start3A_142 : memref<1x4x8x1024xf32, #tpu.memory_space<vmem>> -> memref<4x8x1024xf32, #tpu.memory_space<vmem>>
    %dma_start3A_144 = arith.constant 0 : i32
    %dma_start3A_145 = arith.constant 0 : i32
    %dma_start3A_146 = tpu.memref_slice %dma_start3A_143[%dma_start3A_123, %dma_start3A_144, %dma_start3A_145] : memref<4x8x1024xf32, #tpu.memory_space<vmem>> -> memref<1x8x1024xf32, #tpu.memory_space<vmem>>
    %dma_start3A_147 = tpu.memref_squeeze %dma_start3A_146 : memref<1x8x1024xf32, #tpu.memory_space<vmem>> -> memref<8x1024xf32, #tpu.memory_space<vmem>>
    %dma_start3A_148 = arith.constant 0 : i32
    %dma_start3A_149 = arith.constant 0 : i32
    %dma_start3A_150 = tpu.memref_slice %arg2[%dma_start3A_121, %dma_start3A_148, %dma_start3A_149] : memref<4x8192x1024xf32, #tpu.memory_space<hbm>> -> memref<1x8192x1024xf32, #tpu.memory_space<hbm>>
    %dma_start3A_151 = tpu.memref_squeeze %dma_start3A_150 : memref<1x8192x1024xf32, #tpu.memory_space<hbm>> -> memref<8192x1024xf32, #tpu.memory_space<hbm>>
    %dma_start3A_152 = arith.constant 0 : i32
    %dma_start3A_153 = tpu.memref_slice %dma_start3A_151[%add3A_22, %dma_start3A_152] : memref<8192x1024xf32, #tpu.memory_space<hbm>> -> memref<8x1024xf32, #tpu.memory_space<hbm>>
    tpu.enqueue_dma source(%dma_start3A_153 : memref<8x1024xf32, #tpu.memory_space<hbm>>) target(%dma_start3A_147 : memref<8x1024xf32, #tpu.memory_space<vmem>>) target_semaphore(%arg7 : memref<!tpu.dma_semaphore, #tpu.memory_space<semaphore_mem>>)
    %scan3A = arith.constant 0 : i32
    %scan3A_154 = arith.constant 16 : i32
    %scan3A_155 = arith.addi %scan3A, %scan3A_154 : i32
    %scan3A_156 = arith.constant 1 : i32
    scf.for %scan3A_165 = %scan3A to %scan3A_155 step %scan3A_156  : i32 {
      %mul3A_166 = arith.constant 1 : i32
      %mul3A_167 = arith.muli %scan3A_165, %mul3A_166 : i32
      %add3A_168 = arith.constant 0 : i32
      %add3A_169 = arith.addi %add3A_168, %mul3A_167 : i32
      %mul3A_170 = arith.constant 2 : i32
      %mul3A_171 = arith.muli %mul3A_170, %add3A_169 : i32
      %add3A_172 = arith.constant 0 : i32
      %add3A_173 = arith.addi %mul3A_171, %add3A_172 : i32
      %mul3A_174 = arith.constant 8 : i32
      %mul3A_175 = arith.muli %add3A_173, %mul3A_174 : i32
      %add3A_176 = arith.addi %mul3A_2, %mul3A_175 : i32
      %mul3A_177 = arith.constant 8 : i32
      %mul3A_178 = arith.muli %add3A_173, %mul3A_177 : i32
      %add3A_179 = arith.addi %mul3A_2, %mul3A_178 : i32
      %mul3A_180 = arith.constant 8 : i32
      %mul3A_181 = arith.muli %add3A_173, %mul3A_180 : i32
      %add3A_182 = arith.addi %mul3A_2, %mul3A_181 : i32
      %mul3A_183 = arith.constant 8 : i32
      %mul3A_184 = arith.muli %add3A_173, %mul3A_183 : i32
      %add3A_185 = arith.addi %mul3A_2, %mul3A_184 : i32
      %dma_wait3A_186 = arith.constant 0 : i32
      %dma_wait3A_187 = arith.constant 0 : i32
      %dma_wait3A_188 = arith.constant 0 : i32
      %dma_wait3A_189 = arith.constant 0 : i32
      %dma_wait3A_190 = arith.constant 0 : i32
      %dma_wait3A_191 = arith.constant 0 : i32
      %dma_wait3A_192 = tpu.memref_slice %arg4[%dma_wait3A_187, %dma_wait3A_189, %dma_wait3A_190, %dma_wait3A_191] : memref<2x4x8x1024xf32, #tpu.memory_space<vmem>> -> memref<1x4x8x1024xf32, #tpu.memory_space<vmem>>
      %dma_wait3A_193 = tpu.memref_squeeze %dma_wait3A_192 : memref<1x4x8x1024xf32, #tpu.memory_space<vmem>> -> memref<4x8x1024xf32, #tpu.memory_space<vmem>>
      %dma_wait3A_194 = arith.constant 0 : i32
      %dma_wait3A_195 = arith.constant 0 : i32
      %dma_wait3A_196 = tpu.memref_slice %dma_wait3A_193[%dma_wait3A_188, %dma_wait3A_194, %dma_wait3A_195] : memref<4x8x1024xf32, #tpu.memory_space<vmem>> -> memref<1x8x1024xf32, #tpu.memory_space<vmem>>
      %dma_wait3A_197 = tpu.memref_squeeze %dma_wait3A_196 : memref<1x8x1024xf32, #tpu.memory_space<vmem>> -> memref<8x1024xf32, #tpu.memory_space<vmem>>
      %dma_wait3A_198 = arith.constant 0 : i32
      %dma_wait3A_199 = arith.constant 0 : i32
      %dma_wait3A_200 = tpu.memref_slice %arg2[%dma_wait3A_186, %dma_wait3A_198, %dma_wait3A_199] : memref<4x8192x1024xf32, #tpu.memory_space<hbm>> -> memref<1x8192x1024xf32, #tpu.memory_space<hbm>>
      %dma_wait3A_201 = tpu.memref_squeeze %dma_wait3A_200 : memref<1x8192x1024xf32, #tpu.memory_space<hbm>> -> memref<8192x1024xf32, #tpu.memory_space<hbm>>
      %dma_wait3A_202 = arith.constant 0 : i32
      %dma_wait3A_203 = tpu.memref_slice %dma_wait3A_201[%add3A_176, %dma_wait3A_202] : memref<8192x1024xf32, #tpu.memory_space<hbm>> -> memref<8x1024xf32, #tpu.memory_space<hbm>>
      %dma_wait3A_204 = arith.constant 0 : i32
      %dma_wait3A_205 = arith.constant 0 : i32
      %dma_wait3A_206 = arith.constant 0 : i32
      %dma_wait3A_207 = tpu.memref_slice %arg4[%dma_wait3A_187, %dma_wait3A_204, %dma_wait3A_205, %dma_wait3A_206] : memref<2x4x8x1024xf32, #tpu.memory_space<vmem>> -> memref<1x4x8x1024xf32, #tpu.memory_space<vmem>>
      %dma_wait3A_208 = tpu.memref_squeeze %dma_wait3A_207 : memref<1x4x8x1024xf32, #tpu.memory_space<vmem>> -> memref<4x8x1024xf32, #tpu.memory_space<vmem>>
      %dma_wait3A_209 = arith.constant 0 : i32
      %dma_wait3A_210 = arith.constant 0 : i32
      %dma_wait3A_211 = tpu.memref_slice %dma_wait3A_208[%dma_wait3A_188, %dma_wait3A_209, %dma_wait3A_210] : memref<4x8x1024xf32, #tpu.memory_space<vmem>> -> memref<1x8x1024xf32, #tpu.memory_space<vmem>>
      %dma_wait3A_212 = tpu.memref_squeeze %dma_wait3A_211 : memref<1x8x1024xf32, #tpu.memory_space<vmem>> -> memref<8x1024xf32, #tpu.memory_space<vmem>>
      %dma_wait3A_213 = arith.constant 0 : i32
      %dma_wait3A_214 = arith.constant 0 : i32
      %dma_wait3A_215 = tpu.memref_slice %arg2[%dma_wait3A_186, %dma_wait3A_213, %dma_wait3A_214] : memref<4x8192x1024xf32, #tpu.memory_space<hbm>> -> memref<1x8192x1024xf32, #tpu.memory_space<hbm>>
      %dma_wait3A_216 = tpu.memref_squeeze %dma_wait3A_215 : memref<1x8192x1024xf32, #tpu.memory_space<hbm>> -> memref<8192x1024xf32, #tpu.memory_space<hbm>>
      %dma_wait3A_217 = arith.constant 0 : i32
      %dma_wait3A_218 = tpu.memref_slice %dma_wait3A_216[%add3A_176, %dma_wait3A_217] : memref<8192x1024xf32, #tpu.memory_space<hbm>> -> memref<8x1024xf32, #tpu.memory_space<hbm>>
      tpu.wait_dma2 semaphore(%arg7 : memref<!tpu.dma_semaphore, #tpu.memory_space<semaphore_mem>>) src(%dma_wait3A_218 : memref<8x1024xf32, #tpu.memory_space<hbm>>) dst(%dma_wait3A_212 : memref<8x1024xf32, #tpu.memory_space<vmem>>)
      %dma_wait3A_219 = arith.constant 1 : i32
      %dma_wait3A_220 = arith.constant 0 : i32
      %dma_wait3A_221 = arith.constant 1 : i32
      %dma_wait3A_222 = arith.constant 0 : i32
      %dma_wait3A_223 = arith.constant 0 : i32
      %dma_wait3A_224 = arith.constant 0 : i32
      %dma_wait3A_225 = tpu.memref_slice %arg4[%dma_wait3A_220, %dma_wait3A_222, %dma_wait3A_223, %dma_wait3A_224] : memref<2x4x8x1024xf32, #tpu.memory_space<vmem>> -> memref<1x4x8x1024xf32, #tpu.memory_space<vmem>>
      %dma_wait3A_226 = tpu.memref_squeeze %dma_wait3A_225 : memref<1x4x8x1024xf32, #tpu.memory_space<vmem>> -> memref<4x8x1024xf32, #tpu.memory_space<vmem>>
      %dma_wait3A_227 = arith.constant 0 : i32
      %dma_wait3A_228 = arith.constant 0 : i32
      %dma_wait3A_229 = tpu.memref_slice %dma_wait3A_226[%dma_wait3A_221, %dma_wait3A_227, %dma_wait3A_228] : memref<4x8x1024xf32, #tpu.memory_space<vmem>> -> memref<1x8x1024xf32, #tpu.memory_space<vmem>>
      %dma_wait3A_230 = tpu.memref_squeeze %dma_wait3A_229 : memref<1x8x1024xf32, #tpu.memory_space<vmem>> -> memref<8x1024xf32, #tpu.memory_space<vmem>>
      %dma_wait3A_231 = arith.constant 0 : i32
      %dma_wait3A_232 = arith.constant 0 : i32
      %dma_wait3A_233 = tpu.memref_slice %arg2[%dma_wait3A_219, %dma_wait3A_231, %dma_wait3A_232] : memref<4x8192x1024xf32, #tpu.memory_space<hbm>> -> memref<1x8192x1024xf32, #tpu.memory_space<hbm>>
      %dma_wait3A_234 = tpu.memref_squeeze %dma_wait3A_233 : memref<1x8192x1024xf32, #tpu.memory_space<hbm>> -> memref<8192x1024xf32, #tpu.memory_space<hbm>>
      %dma_wait3A_235 = arith.constant 0 : i32
      %dma_wait3A_236 = tpu.memref_slice %dma_wait3A_234[%add3A_179, %dma_wait3A_235] : memref<8192x1024xf32, #tpu.memory_space<hbm>> -> memref<8x1024xf32, #tpu.memory_space<hbm>>
      %dma_wait3A_237 = arith.constant 0 : i32
      %dma_wait3A_238 = arith.constant 0 : i32
      %dma_wait3A_239 = arith.constant 0 : i32
      %dma_wait3A_240 = tpu.memref_slice %arg4[%dma_wait3A_220, %dma_wait3A_237, %dma_wait3A_238, %dma_wait3A_239] : memref<2x4x8x1024xf32, #tpu.memory_space<vmem>> -> memref<1x4x8x1024xf32, #tpu.memory_space<vmem>>
      %dma_wait3A_241 = tpu.memref_squeeze %dma_wait3A_240 : memref<1x4x8x1024xf32, #tpu.memory_space<vmem>> -> memref<4x8x1024xf32, #tpu.memory_space<vmem>>
      %dma_wait3A_242 = arith.constant 0 : i32
      %dma_wait3A_243 = arith.constant 0 : i32
      %dma_wait3A_244 = tpu.memref_slice %dma_wait3A_241[%dma_wait3A_221, %dma_wait3A_242, %dma_wait3A_243] : memref<4x8x1024xf32, #tpu.memory_space<vmem>> -> memref<1x8x1024xf32, #tpu.memory_space<vmem>>
      %dma_wait3A_245 = tpu.memref_squeeze %dma_wait3A_244 : memref<1x8x1024xf32, #tpu.memory_space<vmem>> -> memref<8x1024xf32, #tpu.memory_space<vmem>>
      %dma_wait3A_246 = arith.constant 0 : i32
      %dma_wait3A_247 = arith.constant 0 : i32
      %dma_wait3A_248 = tpu.memref_slice %arg2[%dma_wait3A_219, %dma_wait3A_246, %dma_wait3A_247] : memref<4x8192x1024xf32, #tpu.memory_space<hbm>> -> memref<1x8192x1024xf32, #tpu.memory_space<hbm>>
      %dma_wait3A_249 = tpu.memref_squeeze %dma_wait3A_248 : memref<1x8192x1024xf32, #tpu.memory_space<hbm>> -> memref<8192x1024xf32, #tpu.memory_space<hbm>>
      %dma_wait3A_250 = arith.constant 0 : i32
      %dma_wait3A_251 = tpu.memref_slice %dma_wait3A_249[%add3A_179, %dma_wait3A_250] : memref<8192x1024xf32, #tpu.memory_space<hbm>> -> memref<8x1024xf32, #tpu.memory_space<hbm>>
      tpu.wait_dma2 semaphore(%arg7 : memref<!tpu.dma_semaphore, #tpu.memory_space<semaphore_mem>>) src(%dma_wait3A_251 : memref<8x1024xf32, #tpu.memory_space<hbm>>) dst(%dma_wait3A_245 : memref<8x1024xf32, #tpu.memory_space<vmem>>)
      %dma_wait3A_252 = arith.constant 2 : i32
      %dma_wait3A_253 = arith.constant 0 : i32
      %dma_wait3A_254 = arith.constant 2 : i32
      %dma_wait3A_255 = arith.constant 0 : i32
      %dma_wait3A_256 = arith.constant 0 : i32
      %dma_wait3A_257 = arith.constant 0 : i32
      %dma_wait3A_258 = tpu.memref_slice %arg4[%dma_wait3A_253, %dma_wait3A_255, %dma_wait3A_256, %dma_wait3A_257] : memref<2x4x8x1024xf32, #tpu.memory_space<vmem>> -> memref<1x4x8x1024xf32, #tpu.memory_space<vmem>>
      %dma_wait3A_259 = tpu.memref_squeeze %dma_wait3A_258 : memref<1x4x8x1024xf32, #tpu.memory_space<vmem>> -> memref<4x8x1024xf32, #tpu.memory_space<vmem>>
      %dma_wait3A_260 = arith.constant 0 : i32
      %dma_wait3A_261 = arith.constant 0 : i32
      %dma_wait3A_262 = tpu.memref_slice %dma_wait3A_259[%dma_wait3A_254, %dma_wait3A_260, %dma_wait3A_261] : memref<4x8x1024xf32, #tpu.memory_space<vmem>> -> memref<1x8x1024xf32, #tpu.memory_space<vmem>>
      %dma_wait3A_263 = tpu.memref_squeeze %dma_wait3A_262 : memref<1x8x1024xf32, #tpu.memory_space<vmem>> -> memref<8x1024xf32, #tpu.memory_space<vmem>>
      %dma_wait3A_264 = arith.constant 0 : i32
      %dma_wait3A_265 = arith.constant 0 : i32
      %dma_wait3A_266 = tpu.memref_slice %arg2[%dma_wait3A_252, %dma_wait3A_264, %dma_wait3A_265] : memref<4x8192x1024xf32, #tpu.memory_space<hbm>> -> memref<1x8192x1024xf32, #tpu.memory_space<hbm>>
      %dma_wait3A_267 = tpu.memref_squeeze %dma_wait3A_266 : memref<1x8192x1024xf32, #tpu.memory_space<hbm>> -> memref<8192x1024xf32, #tpu.memory_space<hbm>>
      %dma_wait3A_268 = arith.constant 0 : i32
      %dma_wait3A_269 = tpu.memref_slice %dma_wait3A_267[%add3A_182, %dma_wait3A_268] : memref<8192x1024xf32, #tpu.memory_space<hbm>> -> memref<8x1024xf32, #tpu.memory_space<hbm>>
      %dma_wait3A_270 = arith.constant 0 : i32
      %dma_wait3A_271 = arith.constant 0 : i32
      %dma_wait3A_272 = arith.constant 0 : i32
      %dma_wait3A_273 = tpu.memref_slice %arg4[%dma_wait3A_253, %dma_wait3A_270, %dma_wait3A_271, %dma_wait3A_272] : memref<2x4x8x1024xf32, #tpu.memory_space<vmem>> -> memref<1x4x8x1024xf32, #tpu.memory_space<vmem>>
      %dma_wait3A_274 = tpu.memref_squeeze %dma_wait3A_273 : memref<1x4x8x1024xf32, #tpu.memory_space<vmem>> -> memref<4x8x1024xf32, #tpu.memory_space<vmem>>
      %dma_wait3A_275 = arith.constant 0 : i32
      %dma_wait3A_276 = arith.constant 0 : i32
      %dma_wait3A_277 = tpu.memref_slice %dma_wait3A_274[%dma_wait3A_254, %dma_wait3A_275, %dma_wait3A_276] : memref<4x8x1024xf32, #tpu.memory_space<vmem>> -> memref<1x8x1024xf32, #tpu.memory_space<vmem>>
      %dma_wait3A_278 = tpu.memref_squeeze %dma_wait3A_277 : memref<1x8x1024xf32, #tpu.memory_space<vmem>> -> memref<8x1024xf32, #tpu.memory_space<vmem>>
      %dma_wait3A_279 = arith.constant 0 : i32
      %dma_wait3A_280 = arith.constant 0 : i32
      %dma_wait3A_281 = tpu.memref_slice %arg2[%dma_wait3A_252, %dma_wait3A_279, %dma_wait3A_280] : memref<4x8192x1024xf32, #tpu.memory_space<hbm>> -> memref<1x8192x1024xf32, #tpu.memory_space<hbm>>
      %dma_wait3A_282 = tpu.memref_squeeze %dma_wait3A_281 : memref<1x8192x1024xf32, #tpu.memory_space<hbm>> -> memref<8192x1024xf32, #tpu.memory_space<hbm>>
      %dma_wait3A_283 = arith.constant 0 : i32
      %dma_wait3A_284 = tpu.memref_slice %dma_wait3A_282[%add3A_182, %dma_wait3A_283] : memref<8192x1024xf32, #tpu.memory_space<hbm>> -> memref<8x1024xf32, #tpu.memory_space<hbm>>
      tpu.wait_dma2 semaphore(%arg7 : memref<!tpu.dma_semaphore, #tpu.memory_space<semaphore_mem>>) src(%dma_wait3A_284 : memref<8x1024xf32, #tpu.memory_space<hbm>>) dst(%dma_wait3A_278 : memref<8x1024xf32, #tpu.memory_space<vmem>>)
      %dma_wait3A_285 = arith.constant 3 : i32
      %dma_wait3A_286 = arith.constant 0 : i32
      %dma_wait3A_287 = arith.constant 3 : i32
      %dma_wait3A_288 = arith.constant 0 : i32
      %dma_wait3A_289 = arith.constant 0 : i32
      %dma_wait3A_290 = arith.constant 0 : i32
      %dma_wait3A_291 = tpu.memref_slice %arg4[%dma_wait3A_286, %dma_wait3A_288, %dma_wait3A_289, %dma_wait3A_290] : memref<2x4x8x1024xf32, #tpu.memory_space<vmem>> -> memref<1x4x8x1024xf32, #tpu.memory_space<vmem>>
      %dma_wait3A_292 = tpu.memref_squeeze %dma_wait3A_291 : memref<1x4x8x1024xf32, #tpu.memory_space<vmem>> -> memref<4x8x1024xf32, #tpu.memory_space<vmem>>
      %dma_wait3A_293 = arith.constant 0 : i32
      %dma_wait3A_294 = arith.constant 0 : i32
      %dma_wait3A_295 = tpu.memref_slice %dma_wait3A_292[%dma_wait3A_287, %dma_wait3A_293, %dma_wait3A_294] : memref<4x8x1024xf32, #tpu.memory_space<vmem>> -> memref<1x8x1024xf32, #tpu.memory_space<vmem>>
      %dma_wait3A_296 = tpu.memref_squeeze %dma_wait3A_295 : memref<1x8x1024xf32, #tpu.memory_space<vmem>> -> memref<8x1024xf32, #tpu.memory_space<vmem>>
      %dma_wait3A_297 = arith.constant 0 : i32
      %dma_wait3A_298 = arith.constant 0 : i32
      %dma_wait3A_299 = tpu.memref_slice %arg2[%dma_wait3A_285, %dma_wait3A_297, %dma_wait3A_298] : memref<4x8192x1024xf32, #tpu.memory_space<hbm>> -> memref<1x8192x1024xf32, #tpu.memory_space<hbm>>
      %dma_wait3A_300 = tpu.memref_squeeze %dma_wait3A_299 : memref<1x8192x1024xf32, #tpu.memory_space<hbm>> -> memref<8192x1024xf32, #tpu.memory_space<hbm>>
      %dma_wait3A_301 = arith.constant 0 : i32
      %dma_wait3A_302 = tpu.memref_slice %dma_wait3A_300[%add3A_185, %dma_wait3A_301] : memref<8192x1024xf32, #tpu.memory_space<hbm>> -> memref<8x1024xf32, #tpu.memory_space<hbm>>
      %dma_wait3A_303 = arith.constant 0 : i32
      %dma_wait3A_304 = arith.constant 0 : i32
      %dma_wait3A_305 = arith.constant 0 : i32
      %dma_wait3A_306 = tpu.memref_slice %arg4[%dma_wait3A_286, %dma_wait3A_303, %dma_wait3A_304, %dma_wait3A_305] : memref<2x4x8x1024xf32, #tpu.memory_space<vmem>> -> memref<1x4x8x1024xf32, #tpu.memory_space<vmem>>
      %dma_wait3A_307 = tpu.memref_squeeze %dma_wait3A_306 : memref<1x4x8x1024xf32, #tpu.memory_space<vmem>> -> memref<4x8x1024xf32, #tpu.memory_space<vmem>>
      %dma_wait3A_308 = arith.constant 0 : i32
      %dma_wait3A_309 = arith.constant 0 : i32
      %dma_wait3A_310 = tpu.memref_slice %dma_wait3A_307[%dma_wait3A_287, %dma_wait3A_308, %dma_wait3A_309] : memref<4x8x1024xf32, #tpu.memory_space<vmem>> -> memref<1x8x1024xf32, #tpu.memory_space<vmem>>
      %dma_wait3A_311 = tpu.memref_squeeze %dma_wait3A_310 : memref<1x8x1024xf32, #tpu.memory_space<vmem>> -> memref<8x1024xf32, #tpu.memory_space<vmem>>
      %dma_wait3A_312 = arith.constant 0 : i32
      %dma_wait3A_313 = arith.constant 0 : i32
      %dma_wait3A_314 = tpu.memref_slice %arg2[%dma_wait3A_285, %dma_wait3A_312, %dma_wait3A_313] : memref<4x8192x1024xf32, #tpu.memory_space<hbm>> -> memref<1x8192x1024xf32, #tpu.memory_space<hbm>>
      %dma_wait3A_315 = tpu.memref_squeeze %dma_wait3A_314 : memref<1x8192x1024xf32, #tpu.memory_space<hbm>> -> memref<8192x1024xf32, #tpu.memory_space<hbm>>
      %dma_wait3A_316 = arith.constant 0 : i32
      %dma_wait3A_317 = tpu.memref_slice %dma_wait3A_315[%add3A_185, %dma_wait3A_316] : memref<8192x1024xf32, #tpu.memory_space<hbm>> -> memref<8x1024xf32, #tpu.memory_space<hbm>>
      tpu.wait_dma2 semaphore(%arg7 : memref<!tpu.dma_semaphore, #tpu.memory_space<semaphore_mem>>) src(%dma_wait3A_317 : memref<8x1024xf32, #tpu.memory_space<hbm>>) dst(%dma_wait3A_311 : memref<8x1024xf32, #tpu.memory_space<vmem>>)
      %add3A_318 = arith.constant 1 : i32
      %add3A_319 = arith.addi %add3A_173, %add3A_318 : i32
      %lt3A = arith.constant 32 : i32
      %lt3A_320 = arith.cmpi slt, %add3A_319, %lt3A : i32
      %convert_element_type3A = arith.extui %lt3A_320 : i1 to i32
      %cond3A = arith.constant 0 : i32
      %cond3A_321 = arith.cmpi ne, %convert_element_type3A, %cond3A : i32
      scf.if %cond3A_321 {
        %add3A_519 = arith.constant 1 : i32
        %add3A_520 = arith.addi %add3A_173, %add3A_519 : i32
        %mul3A_521 = arith.constant 8 : i32
        %mul3A_522 = arith.muli %add3A_520, %mul3A_521 : i32
        %add3A_523 = arith.addi %mul3A_2, %mul3A_522 : i32
        %mul3A_524 = arith.constant 8 : i32
        %mul3A_525 = arith.muli %add3A_520, %mul3A_524 : i32
        %add3A_526 = arith.addi %mul3A_2, %mul3A_525 : i32
        %mul3A_527 = arith.constant 8 : i32
        %mul3A_528 = arith.muli %add3A_520, %mul3A_527 : i32
        %add3A_529 = arith.addi %mul3A_2, %mul3A_528 : i32
        %mul3A_530 = arith.constant 8 : i32
        %mul3A_531 = arith.muli %add3A_520, %mul3A_530 : i32
        %add3A_532 = arith.addi %mul3A_2, %mul3A_531 : i32
        %dma_start3A_533 = arith.constant 0 : i32
        %dma_start3A_534 = arith.constant 1 : i32
        %dma_start3A_535 = arith.constant 0 : i32
        %dma_start3A_536 = arith.constant 0 : i32
        %dma_start3A_537 = arith.constant 0 : i32
        %dma_start3A_538 = arith.constant 0 : i32
        %dma_start3A_539 = tpu.memref_slice %arg4[%dma_start3A_534, %dma_start3A_536, %dma_start3A_537, %dma_start3A_538] : memref<2x4x8x1024xf32, #tpu.memory_space<vmem>> -> memref<1x4x8x1024xf32, #tpu.memory_space<vmem>>
        %dma_start3A_540 = tpu.memref_squeeze %dma_start3A_539 : memref<1x4x8x1024xf32, #tpu.memory_space<vmem>> -> memref<4x8x1024xf32, #tpu.memory_space<vmem>>
        %dma_start3A_541 = arith.constant 0 : i32
        %dma_start3A_542 = arith.constant 0 : i32
        %dma_start3A_543 = tpu.memref_slice %dma_start3A_540[%dma_start3A_535, %dma_start3A_541, %dma_start3A_542] : memref<4x8x1024xf32, #tpu.memory_space<vmem>> -> memref<1x8x1024xf32, #tpu.memory_space<vmem>>
        %dma_start3A_544 = tpu.memref_squeeze %dma_start3A_543 : memref<1x8x1024xf32, #tpu.memory_space<vmem>> -> memref<8x1024xf32, #tpu.memory_space<vmem>>
        %dma_start3A_545 = arith.constant 0 : i32
        %dma_start3A_546 = arith.constant 0 : i32
        %dma_start3A_547 = tpu.memref_slice %arg2[%dma_start3A_533, %dma_start3A_545, %dma_start3A_546] : memref<4x8192x1024xf32, #tpu.memory_space<hbm>> -> memref<1x8192x1024xf32, #tpu.memory_space<hbm>>
        %dma_start3A_548 = tpu.memref_squeeze %dma_start3A_547 : memref<1x8192x1024xf32, #tpu.memory_space<hbm>> -> memref<8192x1024xf32, #tpu.memory_space<hbm>>
        %dma_start3A_549 = arith.constant 0 : i32
        %dma_start3A_550 = tpu.memref_slice %dma_start3A_548[%add3A_523, %dma_start3A_549] : memref<8192x1024xf32, #tpu.memory_space<hbm>> -> memref<8x1024xf32, #tpu.memory_space<hbm>>
        %dma_start3A_551 = arith.constant 0 : i32
        %dma_start3A_552 = arith.constant 0 : i32
        %dma_start3A_553 = arith.constant 0 : i32
        %dma_start3A_554 = tpu.memref_slice %arg4[%dma_start3A_534, %dma_start3A_551, %dma_start3A_552, %dma_start3A_553] : memref<2x4x8x1024xf32, #tpu.memory_space<vmem>> -> memref<1x4x8x1024xf32, #tpu.memory_space<vmem>>
        %dma_start3A_555 = tpu.memref_squeeze %dma_start3A_554 : memref<1x4x8x1024xf32, #tpu.memory_space<vmem>> -> memref<4x8x1024xf32, #tpu.memory_space<vmem>>
        %dma_start3A_556 = arith.constant 0 : i32
        %dma_start3A_557 = arith.constant 0 : i32
        %dma_start3A_558 = tpu.memref_slice %dma_start3A_555[%dma_start3A_535, %dma_start3A_556, %dma_start3A_557] : memref<4x8x1024xf32, #tpu.memory_space<vmem>> -> memref<1x8x1024xf32, #tpu.memory_space<vmem>>
        %dma_start3A_559 = tpu.memref_squeeze %dma_start3A_558 : memref<1x8x1024xf32, #tpu.memory_space<vmem>> -> memref<8x1024xf32, #tpu.memory_space<vmem>>
        %dma_start3A_560 = arith.constant 0 : i32
        %dma_start3A_561 = arith.constant 0 : i32
        %dma_start3A_562 = tpu.memref_slice %arg2[%dma_start3A_533, %dma_start3A_560, %dma_start3A_561] : memref<4x8192x1024xf32, #tpu.memory_space<hbm>> -> memref<1x8192x1024xf32, #tpu.memory_space<hbm>>
        %dma_start3A_563 = tpu.memref_squeeze %dma_start3A_562 : memref<1x8192x1024xf32, #tpu.memory_space<hbm>> -> memref<8192x1024xf32, #tpu.memory_space<hbm>>
        %dma_start3A_564 = arith.constant 0 : i32
        %dma_start3A_565 = tpu.memref_slice %dma_start3A_563[%add3A_523, %dma_start3A_564] : memref<8192x1024xf32, #tpu.memory_space<hbm>> -> memref<8x1024xf32, #tpu.memory_space<hbm>>
        tpu.enqueue_dma source(%dma_start3A_565 : memref<8x1024xf32, #tpu.memory_space<hbm>>) target(%dma_start3A_559 : memref<8x1024xf32, #tpu.memory_space<vmem>>) target_semaphore(%arg7 : memref<!tpu.dma_semaphore, #tpu.memory_space<semaphore_mem>>)
        %dma_start3A_566 = arith.constant 1 : i32
        %dma_start3A_567 = arith.constant 1 : i32
        %dma_start3A_568 = arith.constant 1 : i32
        %dma_start3A_569 = arith.constant 0 : i32
        %dma_start3A_570 = arith.constant 0 : i32
        %dma_start3A_571 = arith.constant 0 : i32
        %dma_start3A_572 = tpu.memref_slice %arg4[%dma_start3A_567, %dma_start3A_569, %dma_start3A_570, %dma_start3A_571] : memref<2x4x8x1024xf32, #tpu.memory_space<vmem>> -> memref<1x4x8x1024xf32, #tpu.memory_space<vmem>>
        %dma_start3A_573 = tpu.memref_squeeze %dma_start3A_572 : memref<1x4x8x1024xf32, #tpu.memory_space<vmem>> -> memref<4x8x1024xf32, #tpu.memory_space<vmem>>
        %dma_start3A_574 = arith.constant 0 : i32
        %dma_start3A_575 = arith.constant 0 : i32
        %dma_start3A_576 = tpu.memref_slice %dma_start3A_573[%dma_start3A_568, %dma_start3A_574, %dma_start3A_575] : memref<4x8x1024xf32, #tpu.memory_space<vmem>> -> memref<1x8x1024xf32, #tpu.memory_space<vmem>>
        %dma_start3A_577 = tpu.memref_squeeze %dma_start3A_576 : memref<1x8x1024xf32, #tpu.memory_space<vmem>> -> memref<8x1024xf32, #tpu.memory_space<vmem>>
        %dma_start3A_578 = arith.constant 0 : i32
        %dma_start3A_579 = arith.constant 0 : i32
        %dma_start3A_580 = tpu.memref_slice %arg2[%dma_start3A_566, %dma_start3A_578, %dma_start3A_579] : memref<4x8192x1024xf32, #tpu.memory_space<hbm>> -> memref<1x8192x1024xf32, #tpu.memory_space<hbm>>
        %dma_start3A_581 = tpu.memref_squeeze %dma_start3A_580 : memref<1x8192x1024xf32, #tpu.memory_space<hbm>> -> memref<8192x1024xf32, #tpu.memory_space<hbm>>
        %dma_start3A_582 = arith.constant 0 : i32
        %dma_start3A_583 = tpu.memref_slice %dma_start3A_581[%add3A_526, %dma_start3A_582] : memref<8192x1024xf32, #tpu.memory_space<hbm>> -> memref<8x1024xf32, #tpu.memory_space<hbm>>
        %dma_start3A_584 = arith.constant 0 : i32
        %dma_start3A_585 = arith.constant 0 : i32
        %dma_start3A_586 = arith.constant 0 : i32
        %dma_start3A_587 = tpu.memref_slice %arg4[%dma_start3A_567, %dma_start3A_584, %dma_start3A_585, %dma_start3A_586] : memref<2x4x8x1024xf32, #tpu.memory_space<vmem>> -> memref<1x4x8x1024xf32, #tpu.memory_space<vmem>>
        %dma_start3A_588 = tpu.memref_squeeze %dma_start3A_587 : memref<1x4x8x1024xf32, #tpu.memory_space<vmem>> -> memref<4x8x1024xf32, #tpu.memory_space<vmem>>
        %dma_start3A_589 = arith.constant 0 : i32
        %dma_start3A_590 = arith.constant 0 : i32
        %dma_start3A_591 = tpu.memref_slice %dma_start3A_588[%dma_start3A_568, %dma_start3A_589, %dma_start3A_590] : memref<4x8x1024xf32, #tpu.memory_space<vmem>> -> memref<1x8x1024xf32, #tpu.memory_space<vmem>>
        %dma_start3A_592 = tpu.memref_squeeze %dma_start3A_591 : memref<1x8x1024xf32, #tpu.memory_space<vmem>> -> memref<8x1024xf32, #tpu.memory_space<vmem>>
        %dma_start3A_593 = arith.constant 0 : i32
        %dma_start3A_594 = arith.constant 0 : i32
        %dma_start3A_595 = tpu.memref_slice %arg2[%dma_start3A_566, %dma_start3A_593, %dma_start3A_594] : memref<4x8192x1024xf32, #tpu.memory_space<hbm>> -> memref<1x8192x1024xf32, #tpu.memory_space<hbm>>
        %dma_start3A_596 = tpu.memref_squeeze %dma_start3A_595 : memref<1x8192x1024xf32, #tpu.memory_space<hbm>> -> memref<8192x1024xf32, #tpu.memory_space<hbm>>
        %dma_start3A_597 = arith.constant 0 : i32
        %dma_start3A_598 = tpu.memref_slice %dma_start3A_596[%add3A_526, %dma_start3A_597] : memref<8192x1024xf32, #tpu.memory_space<hbm>> -> memref<8x1024xf32, #tpu.memory_space<hbm>>
        tpu.enqueue_dma source(%dma_start3A_598 : memref<8x1024xf32, #tpu.memory_space<hbm>>) target(%dma_start3A_592 : memref<8x1024xf32, #tpu.memory_space<vmem>>) target_semaphore(%arg7 : memref<!tpu.dma_semaphore, #tpu.memory_space<semaphore_mem>>)
        %dma_start3A_599 = arith.constant 2 : i32
        %dma_start3A_600 = arith.constant 1 : i32
        %dma_start3A_601 = arith.constant 2 : i32
        %dma_start3A_602 = arith.constant 0 : i32
        %dma_start3A_603 = arith.constant 0 : i32
        %dma_start3A_604 = arith.constant 0 : i32
        %dma_start3A_605 = tpu.memref_slice %arg4[%dma_start3A_600, %dma_start3A_602, %dma_start3A_603, %dma_start3A_604] : memref<2x4x8x1024xf32, #tpu.memory_space<vmem>> -> memref<1x4x8x1024xf32, #tpu.memory_space<vmem>>
        %dma_start3A_606 = tpu.memref_squeeze %dma_start3A_605 : memref<1x4x8x1024xf32, #tpu.memory_space<vmem>> -> memref<4x8x1024xf32, #tpu.memory_space<vmem>>
        %dma_start3A_607 = arith.constant 0 : i32
        %dma_start3A_608 = arith.constant 0 : i32
        %dma_start3A_609 = tpu.memref_slice %dma_start3A_606[%dma_start3A_601, %dma_start3A_607, %dma_start3A_608] : memref<4x8x1024xf32, #tpu.memory_space<vmem>> -> memref<1x8x1024xf32, #tpu.memory_space<vmem>>
        %dma_start3A_610 = tpu.memref_squeeze %dma_start3A_609 : memref<1x8x1024xf32, #tpu.memory_space<vmem>> -> memref<8x1024xf32, #tpu.memory_space<vmem>>
        %dma_start3A_611 = arith.constant 0 : i32
        %dma_start3A_612 = arith.constant 0 : i32
        %dma_start3A_613 = tpu.memref_slice %arg2[%dma_start3A_599, %dma_start3A_611, %dma_start3A_612] : memref<4x8192x1024xf32, #tpu.memory_space<hbm>> -> memref<1x8192x1024xf32, #tpu.memory_space<hbm>>
        %dma_start3A_614 = tpu.memref_squeeze %dma_start3A_613 : memref<1x8192x1024xf32, #tpu.memory_space<hbm>> -> memref<8192x1024xf32, #tpu.memory_space<hbm>>
        %dma_start3A_615 = arith.constant 0 : i32
        %dma_start3A_616 = tpu.memref_slice %dma_start3A_614[%add3A_529, %dma_start3A_615] : memref<8192x1024xf32, #tpu.memory_space<hbm>> -> memref<8x1024xf32, #tpu.memory_space<hbm>>
        %dma_start3A_617 = arith.constant 0 : i32
        %dma_start3A_618 = arith.constant 0 : i32
        %dma_start3A_619 = arith.constant 0 : i32
        %dma_start3A_620 = tpu.memref_slice %arg4[%dma_start3A_600, %dma_start3A_617, %dma_start3A_618, %dma_start3A_619] : memref<2x4x8x1024xf32, #tpu.memory_space<vmem>> -> memref<1x4x8x1024xf32, #tpu.memory_space<vmem>>
        %dma_start3A_621 = tpu.memref_squeeze %dma_start3A_620 : memref<1x4x8x1024xf32, #tpu.memory_space<vmem>> -> memref<4x8x1024xf32, #tpu.memory_space<vmem>>
        %dma_start3A_622 = arith.constant 0 : i32
        %dma_start3A_623 = arith.constant 0 : i32
        %dma_start3A_624 = tpu.memref_slice %dma_start3A_621[%dma_start3A_601, %dma_start3A_622, %dma_start3A_623] : memref<4x8x1024xf32, #tpu.memory_space<vmem>> -> memref<1x8x1024xf32, #tpu.memory_space<vmem>>
        %dma_start3A_625 = tpu.memref_squeeze %dma_start3A_624 : memref<1x8x1024xf32, #tpu.memory_space<vmem>> -> memref<8x1024xf32, #tpu.memory_space<vmem>>
        %dma_start3A_626 = arith.constant 0 : i32
        %dma_start3A_627 = arith.constant 0 : i32
        %dma_start3A_628 = tpu.memref_slice %arg2[%dma_start3A_599, %dma_start3A_626, %dma_start3A_627] : memref<4x8192x1024xf32, #tpu.memory_space<hbm>> -> memref<1x8192x1024xf32, #tpu.memory_space<hbm>>
        %dma_start3A_629 = tpu.memref_squeeze %dma_start3A_628 : memref<1x8192x1024xf32, #tpu.memory_space<hbm>> -> memref<8192x1024xf32, #tpu.memory_space<hbm>>
        %dma_start3A_630 = arith.constant 0 : i32
        %dma_start3A_631 = tpu.memref_slice %dma_start3A_629[%add3A_529, %dma_start3A_630] : memref<8192x1024xf32, #tpu.memory_space<hbm>> -> memref<8x1024xf32, #tpu.memory_space<hbm>>
        tpu.enqueue_dma source(%dma_start3A_631 : memref<8x1024xf32, #tpu.memory_space<hbm>>) target(%dma_start3A_625 : memref<8x1024xf32, #tpu.memory_space<vmem>>) target_semaphore(%arg7 : memref<!tpu.dma_semaphore, #tpu.memory_space<semaphore_mem>>)
        %dma_start3A_632 = arith.constant 3 : i32
        %dma_start3A_633 = arith.constant 1 : i32
        %dma_start3A_634 = arith.constant 3 : i32
        %dma_start3A_635 = arith.constant 0 : i32
        %dma_start3A_636 = arith.constant 0 : i32
        %dma_start3A_637 = arith.constant 0 : i32
        %dma_start3A_638 = tpu.memref_slice %arg4[%dma_start3A_633, %dma_start3A_635, %dma_start3A_636, %dma_start3A_637] : memref<2x4x8x1024xf32, #tpu.memory_space<vmem>> -> memref<1x4x8x1024xf32, #tpu.memory_space<vmem>>
        %dma_start3A_639 = tpu.memref_squeeze %dma_start3A_638 : memref<1x4x8x1024xf32, #tpu.memory_space<vmem>> -> memref<4x8x1024xf32, #tpu.memory_space<vmem>>
        %dma_start3A_640 = arith.constant 0 : i32
        %dma_start3A_641 = arith.constant 0 : i32
        %dma_start3A_642 = tpu.memref_slice %dma_start3A_639[%dma_start3A_634, %dma_start3A_640, %dma_start3A_641] : memref<4x8x1024xf32, #tpu.memory_space<vmem>> -> memref<1x8x1024xf32, #tpu.memory_space<vmem>>
        %dma_start3A_643 = tpu.memref_squeeze %dma_start3A_642 : memref<1x8x1024xf32, #tpu.memory_space<vmem>> -> memref<8x1024xf32, #tpu.memory_space<vmem>>
        %dma_start3A_644 = arith.constant 0 : i32
        %dma_start3A_645 = arith.constant 0 : i32
        %dma_start3A_646 = tpu.memref_slice %arg2[%dma_start3A_632, %dma_start3A_644, %dma_start3A_645] : memref<4x8192x1024xf32, #tpu.memory_space<hbm>> -> memref<1x8192x1024xf32, #tpu.memory_space<hbm>>
        %dma_start3A_647 = tpu.memref_squeeze %dma_start3A_646 : memref<1x8192x1024xf32, #tpu.memory_space<hbm>> -> memref<8192x1024xf32, #tpu.memory_space<hbm>>
        %dma_start3A_648 = arith.constant 0 : i32
        %dma_start3A_649 = tpu.memref_slice %dma_start3A_647[%add3A_532, %dma_start3A_648] : memref<8192x1024xf32, #tpu.memory_space<hbm>> -> memref<8x1024xf32, #tpu.memory_space<hbm>>
        %dma_start3A_650 = arith.constant 0 : i32
        %dma_start3A_651 = arith.constant 0 : i32
        %dma_start3A_652 = arith.constant 0 : i32
        %dma_start3A_653 = tpu.memref_slice %arg4[%dma_start3A_633, %dma_start3A_650, %dma_start3A_651, %dma_start3A_652] : memref<2x4x8x1024xf32, #tpu.memory_space<vmem>> -> memref<1x4x8x1024xf32, #tpu.memory_space<vmem>>
        %dma_start3A_654 = tpu.memref_squeeze %dma_start3A_653 : memref<1x4x8x1024xf32, #tpu.memory_space<vmem>> -> memref<4x8x1024xf32, #tpu.memory_space<vmem>>
        %dma_start3A_655 = arith.constant 0 : i32
        %dma_start3A_656 = arith.constant 0 : i32
        %dma_start3A_657 = tpu.memref_slice %dma_start3A_654[%dma_start3A_634, %dma_start3A_655, %dma_start3A_656] : memref<4x8x1024xf32, #tpu.memory_space<vmem>> -> memref<1x8x1024xf32, #tpu.memory_space<vmem>>
        %dma_start3A_658 = tpu.memref_squeeze %dma_start3A_657 : memref<1x8x1024xf32, #tpu.memory_space<vmem>> -> memref<8x1024xf32, #tpu.memory_space<vmem>>
        %dma_start3A_659 = arith.constant 0 : i32
        %dma_start3A_660 = arith.constant 0 : i32
        %dma_start3A_661 = tpu.memref_slice %arg2[%dma_start3A_632, %dma_start3A_659, %dma_start3A_660] : memref<4x8192x1024xf32, #tpu.memory_space<hbm>> -> memref<1x8192x1024xf32, #tpu.memory_space<hbm>>
        %dma_start3A_662 = tpu.memref_squeeze %dma_start3A_661 : memref<1x8192x1024xf32, #tpu.memory_space<hbm>> -> memref<8192x1024xf32, #tpu.memory_space<hbm>>
        %dma_start3A_663 = arith.constant 0 : i32
        %dma_start3A_664 = tpu.memref_slice %dma_start3A_662[%add3A_532, %dma_start3A_663] : memref<8192x1024xf32, #tpu.memory_space<hbm>> -> memref<8x1024xf32, #tpu.memory_space<hbm>>
        tpu.enqueue_dma source(%dma_start3A_664 : memref<8x1024xf32, #tpu.memory_space<hbm>>) target(%dma_start3A_658 : memref<8x1024xf32, #tpu.memory_space<vmem>>) target_semaphore(%arg7 : memref<!tpu.dma_semaphore, #tpu.memory_space<semaphore_mem>>)
      } else {
      }
      %ge3A = arith.constant 2 : i32
      %ge3A_322 = arith.cmpi sge, %add3A_173, %ge3A : i32
      %convert_element_type3A_323 = arith.extui %ge3A_322 : i1 to i32
      %cond3A_324 = arith.constant 0 : i32
      %cond3A_325 = arith.cmpi ne, %convert_element_type3A_323, %cond3A_324 : i32
      scf.if %cond3A_325 {
        %sub3A = arith.constant 2 : i32
        %sub3A_519 = arith.subi %add3A_173, %sub3A : i32
        %mul3A_520 = arith.constant 32768 : i32
        %mul3A_521 = arith.muli %sub3A_519, %mul3A_520 : i32
        %add3A_522 = arith.addi %mul3A_4, %mul3A_521 : i32
        %dma_wait3A_523 = tpu.memref_slice %arg3[%add3A_522] : memref<33554432xf32, #tpu.memory_space<hbm>> -> memref<32768xf32, #tpu.memory_space<hbm>>
        %dma_wait3A_524 = tpu.memref_slice %arg3[%add3A_522] : memref<33554432xf32, #tpu.memory_space<hbm>> -> memref<32768xf32, #tpu.memory_space<hbm>>
        tpu.wait_dma2 semaphore(%arg8 : memref<!tpu.dma_semaphore, #tpu.memory_space<semaphore_mem>>) src(%arg5 : memref<32768xf32, #tpu.memory_space<vmem>>) dst(%dma_wait3A_524 : memref<32768xf32, #tpu.memory_space<hbm>>)
      } else {
      }
      %parallel_loop3A = arith.constant 0 : i32
      %parallel_loop3A_326 = arith.constant 512 : i32
      %parallel_loop3A_327 = arith.constant 1 : i32
      scf.for %parallel_loop3A_519 = %parallel_loop3A to %parallel_loop3A_326 step %parallel_loop3A_327  : i32 {
        %parallel_loop3A_520 = arith.constant 6 : i32
        %parallel_loop3A_521 = arith.shrui %parallel_loop3A_519, %parallel_loop3A_520 : i32
        %parallel_loop3A_522 = arith.constant 63 : i32
        %parallel_loop3A_523 = arith.andi %parallel_loop3A_519, %parallel_loop3A_522 : i32
        %parallel_loop3A_524 = arith.constant 16 : i32
        %parallel_loop3A_525 = arith.muli %parallel_loop3A_523, %parallel_loop3A_524 : i32
        %parallel_loop3A_526 = arith.constant 0 : i32
        %parallel_loop3A_527 = arith.constant 0 : i32
        %parallel_loop3A_528 = arith.index_cast %parallel_loop3A_526 : i32 to index
        %parallel_loop3A_529 = arith.index_cast %parallel_loop3A_527 : i32 to index
        %parallel_loop3A_530 = arith.index_cast %parallel_loop3A_521 : i32 to index
        %parallel_loop3A_531 = arith.index_cast %parallel_loop3A_525 : i32 to index
        %parallel_loop3A_532 = tpu.vector_load %arg4[%parallel_loop3A_528, %parallel_loop3A_529, %parallel_loop3A_530, %parallel_loop3A_531] {strides = array<i32>} : memref<2x4x8x1024xf32, #tpu.memory_space<vmem>>, vector<16xf32>,
        %parallel_loop3A_533 = arith.constant 4096 : i32
        %parallel_loop3A_534 = arith.muli %parallel_loop3A_521, %parallel_loop3A_533 : i32
        %parallel_loop3A_535 = arith.constant 0 : i32
        %parallel_loop3A_536 = arith.addi %parallel_loop3A_534, %parallel_loop3A_535 : i32
        %parallel_loop3A_537 = arith.constant 64 : i32
        %parallel_loop3A_538 = arith.muli %parallel_loop3A_523, %parallel_loop3A_537 : i32
        %parallel_loop3A_539 = arith.addi %parallel_loop3A_536, %parallel_loop3A_538 : i32
        %parallel_loop3A_540 = vector.broadcast %parallel_loop3A_539 : i32 to vector<16xi32>
        %parallel_loop3A_541 = arith.addi %parallel_loop3A_540, %add3A_14 : vector<16xi32>
        tpu.vector_store_idx %arg5[%parallel_loop3A_541], %parallel_loop3A_532 : memref<32768xf32, #tpu.memory_space<vmem>>[vector<16xi32>], vector<16xf32>,
      } {sc.loop_unroll_factor = 8 : i64, sc.parallel_access}
      %parallel_loop3A_328 = arith.constant 0 : i32
      %parallel_loop3A_329 = arith.constant 512 : i32
      %parallel_loop3A_330 = arith.constant 1 : i32
      scf.for %parallel_loop3A_519 = %parallel_loop3A_328 to %parallel_loop3A_329 step %parallel_loop3A_330  : i32 {
        %parallel_loop3A_520 = arith.constant 6 : i32
        %parallel_loop3A_521 = arith.shrui %parallel_loop3A_519, %parallel_loop3A_520 : i32
        %parallel_loop3A_522 = arith.constant 63 : i32
        %parallel_loop3A_523 = arith.andi %parallel_loop3A_519, %parallel_loop3A_522 : i32
        %parallel_loop3A_524 = arith.constant 16 : i32
        %parallel_loop3A_525 = arith.muli %parallel_loop3A_523, %parallel_loop3A_524 : i32
        %parallel_loop3A_526 = arith.constant 0 : i32
        %parallel_loop3A_527 = arith.constant 1 : i32
        %parallel_loop3A_528 = arith.index_cast %parallel_loop3A_526 : i32 to index
        %parallel_loop3A_529 = arith.index_cast %parallel_loop3A_527 : i32 to index
        %parallel_loop3A_530 = arith.index_cast %parallel_loop3A_521 : i32 to index
        %parallel_loop3A_531 = arith.index_cast %parallel_loop3A_525 : i32 to index
        %parallel_loop3A_532 = tpu.vector_load %arg4[%parallel_loop3A_528, %parallel_loop3A_529, %parallel_loop3A_530, %parallel_loop3A_531] {strides = array<i32>} : memref<2x4x8x1024xf32, #tpu.memory_space<vmem>>, vector<16xf32>,
        %parallel_loop3A_533 = arith.constant 4096 : i32
        %parallel_loop3A_534 = arith.muli %parallel_loop3A_521, %parallel_loop3A_533 : i32
        %parallel_loop3A_535 = arith.constant 1 : i32
        %parallel_loop3A_536 = arith.addi %parallel_loop3A_534, %parallel_loop3A_535 : i32
        %parallel_loop3A_537 = arith.constant 64 : i32
        %parallel_loop3A_538 = arith.muli %parallel_loop3A_523, %parallel_loop3A_537 : i32
        %parallel_loop3A_539 = arith.addi %parallel_loop3A_536, %parallel_loop3A_538 : i32
        %parallel_loop3A_540 = vector.broadcast %parallel_loop3A_539 : i32 to vector<16xi32>
        %parallel_loop3A_541 = arith.addi %parallel_loop3A_540, %add3A_14 : vector<16xi32>
        tpu.vector_store_idx %arg5[%parallel_loop3A_541], %parallel_loop3A_532 : memref<32768xf32, #tpu.memory_space<vmem>>[vector<16xi32>], vector<16xf32>,
      } {sc.loop_unroll_factor = 8 : i64, sc.parallel_access}
      %parallel_loop3A_331 = arith.constant 0 : i32
      %parallel_loop3A_332 = arith.constant 512 : i32
      %parallel_loop3A_333 = arith.constant 1 : i32
      scf.for %parallel_loop3A_519 = %parallel_loop3A_331 to %parallel_loop3A_332 step %parallel_loop3A_333  : i32 {
        %parallel_loop3A_520 = arith.constant 6 : i32
        %parallel_loop3A_521 = arith.shrui %parallel_loop3A_519, %parallel_loop3A_520 : i32
        %parallel_loop3A_522 = arith.constant 63 : i32
        %parallel_loop3A_523 = arith.andi %parallel_loop3A_519, %parallel_loop3A_522 : i32
        %parallel_loop3A_524 = arith.constant 16 : i32
        %parallel_loop3A_525 = arith.muli %parallel_loop3A_523, %parallel_loop3A_524 : i32
        %parallel_loop3A_526 = arith.constant 0 : i32
        %parallel_loop3A_527 = arith.constant 2 : i32
        %parallel_loop3A_528 = arith.index_cast %parallel_loop3A_526 : i32 to index
        %parallel_loop3A_529 = arith.index_cast %parallel_loop3A_527 : i32 to index
        %parallel_loop3A_530 = arith.index_cast %parallel_loop3A_521 : i32 to index
        %parallel_loop3A_531 = arith.index_cast %parallel_loop3A_525 : i32 to index
        %parallel_loop3A_532 = tpu.vector_load %arg4[%parallel_loop3A_528, %parallel_loop3A_529, %parallel_loop3A_530, %parallel_loop3A_531] {strides = array<i32>} : memref<2x4x8x1024xf32, #tpu.memory_space<vmem>>, vector<16xf32>,
        %parallel_loop3A_533 = arith.constant 4096 : i32
        %parallel_loop3A_534 = arith.muli %parallel_loop3A_521, %parallel_loop3A_533 : i32
        %parallel_loop3A_535 = arith.constant 2 : i32
        %parallel_loop3A_536 = arith.addi %parallel_loop3A_534, %parallel_loop3A_535 : i32
        %parallel_loop3A_537 = arith.constant 64 : i32
        %parallel_loop3A_538 = arith.muli %parallel_loop3A_523, %parallel_loop3A_537 : i32
        %parallel_loop3A_539 = arith.addi %parallel_loop3A_536, %parallel_loop3A_538 : i32
        %parallel_loop3A_540 = vector.broadcast %parallel_loop3A_539 : i32 to vector<16xi32>
        %parallel_loop3A_541 = arith.addi %parallel_loop3A_540, %add3A_14 : vector<16xi32>
        tpu.vector_store_idx %arg5[%parallel_loop3A_541], %parallel_loop3A_532 : memref<32768xf32, #tpu.memory_space<vmem>>[vector<16xi32>], vector<16xf32>,
      } {sc.loop_unroll_factor = 8 : i64, sc.parallel_access}
      %parallel_loop3A_334 = arith.constant 0 : i32
      %parallel_loop3A_335 = arith.constant 512 : i32
      %parallel_loop3A_336 = arith.constant 1 : i32
      scf.for %parallel_loop3A_519 = %parallel_loop3A_334 to %parallel_loop3A_335 step %parallel_loop3A_336  : i32 {
        %parallel_loop3A_520 = arith.constant 6 : i32
        %parallel_loop3A_521 = arith.shrui %parallel_loop3A_519, %parallel_loop3A_520 : i32
        %parallel_loop3A_522 = arith.constant 63 : i32
        %parallel_loop3A_523 = arith.andi %parallel_loop3A_519, %parallel_loop3A_522 : i32
        %parallel_loop3A_524 = arith.constant 16 : i32
        %parallel_loop3A_525 = arith.muli %parallel_loop3A_523, %parallel_loop3A_524 : i32
        %parallel_loop3A_526 = arith.constant 0 : i32
        %parallel_loop3A_527 = arith.constant 3 : i32
        %parallel_loop3A_528 = arith.index_cast %parallel_loop3A_526 : i32 to index
        %parallel_loop3A_529 = arith.index_cast %parallel_loop3A_527 : i32 to index
        %parallel_loop3A_530 = arith.index_cast %parallel_loop3A_521 : i32 to index
        %parallel_loop3A_531 = arith.index_cast %parallel_loop3A_525 : i32 to index
        %parallel_loop3A_532 = tpu.vector_load %arg4[%parallel_loop3A_528, %parallel_loop3A_529, %parallel_loop3A_530, %parallel_loop3A_531] {strides = array<i32>} : memref<2x4x8x1024xf32, #tpu.memory_space<vmem>>, vector<16xf32>,
        %parallel_loop3A_533 = arith.constant 4096 : i32
        %parallel_loop3A_534 = arith.muli %parallel_loop3A_521, %parallel_loop3A_533 : i32
        %parallel_loop3A_535 = arith.constant 3 : i32
        %parallel_loop3A_536 = arith.addi %parallel_loop3A_534, %parallel_loop3A_535 : i32
        %parallel_loop3A_537 = arith.constant 64 : i32
        %parallel_loop3A_538 = arith.muli %parallel_loop3A_523, %parallel_loop3A_537 : i32
        %parallel_loop3A_539 = arith.addi %parallel_loop3A_536, %parallel_loop3A_538 : i32
        %parallel_loop3A_540 = vector.broadcast %parallel_loop3A_539 : i32 to vector<16xi32>
        %parallel_loop3A_541 = arith.addi %parallel_loop3A_540, %add3A_14 : vector<16xi32>
        tpu.vector_store_idx %arg5[%parallel_loop3A_541], %parallel_loop3A_532 : memref<32768xf32, #tpu.memory_space<vmem>>[vector<16xi32>], vector<16xf32>,
      } {sc.loop_unroll_factor = 8 : i64, sc.parallel_access}
      %mul3A_337 = arith.constant 32768 : i32
      %mul3A_338 = arith.muli %add3A_173, %mul3A_337 : i32
      %add3A_339 = arith.addi %mul3A_4, %mul3A_338 : i32
      %dma_start3A_340 = tpu.memref_slice %arg3[%add3A_339] : memref<33554432xf32, #tpu.memory_space<hbm>> -> memref<32768xf32, #tpu.memory_space<hbm>>
      %dma_start3A_341 = tpu.memref_slice %arg3[%add3A_339] : memref<33554432xf32, #tpu.memory_space<hbm>> -> memref<32768xf32, #tpu.memory_space<hbm>>
      tpu.enqueue_dma source(%arg5 : memref<32768xf32, #tpu.memory_space<vmem>>) target(%dma_start3A_341 : memref<32768xf32, #tpu.memory_space<hbm>>) target_semaphore(%arg8 : memref<!tpu.dma_semaphore, #tpu.memory_space<semaphore_mem>>)
      %mul3A_342 = arith.constant 2 : i32
      %mul3A_343 = arith.muli %mul3A_342, %add3A_169 : i32
      %add3A_344 = arith.constant 1 : i32
      %add3A_345 = arith.addi %mul3A_343, %add3A_344 : i32
      %mul3A_346 = arith.constant 8 : i32
      %mul3A_347 = arith.muli %add3A_345, %mul3A_346 : i32
      %add3A_348 = arith.addi %mul3A_2, %mul3A_347 : i32
      %mul3A_349 = arith.constant 8 : i32
      %mul3A_350 = arith.muli %add3A_345, %mul3A_349 : i32
      %add3A_351 = arith.addi %mul3A_2, %mul3A_350 : i32
      %mul3A_352 = arith.constant 8 : i32
      %mul3A_353 = arith.muli %add3A_345, %mul3A_352 : i32
      %add3A_354 = arith.addi %mul3A_2, %mul3A_353 : i32
      %mul3A_355 = arith.constant 8 : i32
      %mul3A_356 = arith.muli %add3A_345, %mul3A_355 : i32
      %add3A_357 = arith.addi %mul3A_2, %mul3A_356 : i32
      %dma_wait3A_358 = arith.constant 0 : i32
      %dma_wait3A_359 = arith.constant 1 : i32
      %dma_wait3A_360 = arith.constant 0 : i32
      %dma_wait3A_361 = arith.constant 0 : i32
      %dma_wait3A_362 = arith.constant 0 : i32
      %dma_wait3A_363 = arith.constant 0 : i32
      %dma_wait3A_364 = tpu.memref_slice %arg4[%dma_wait3A_359, %dma_wait3A_361, %dma_wait3A_362, %dma_wait3A_363] : memref<2x4x8x1024xf32, #tpu.memory_space<vmem>> -> memref<1x4x8x1024xf32, #tpu.memory_space<vmem>>
      %dma_wait3A_365 = tpu.memref_squeeze %dma_wait3A_364 : memref<1x4x8x1024xf32, #tpu.memory_space<vmem>> -> memref<4x8x1024xf32, #tpu.memory_space<vmem>>
      %dma_wait3A_366 = arith.constant 0 : i32
      %dma_wait3A_367 = arith.constant 0 : i32
      %dma_wait3A_368 = tpu.memref_slice %dma_wait3A_365[%dma_wait3A_360, %dma_wait3A_366, %dma_wait3A_367] : memref<4x8x1024xf32, #tpu.memory_space<vmem>> -> memref<1x8x1024xf32, #tpu.memory_space<vmem>>
      %dma_wait3A_369 = tpu.memref_squeeze %dma_wait3A_368 : memref<1x8x1024xf32, #tpu.memory_space<vmem>> -> memref<8x1024xf32, #tpu.memory_space<vmem>>
      %dma_wait3A_370 = arith.constant 0 : i32
      %dma_wait3A_371 = arith.constant 0 : i32
      %dma_wait3A_372 = tpu.memref_slice %arg2[%dma_wait3A_358, %dma_wait3A_370, %dma_wait3A_371] : memref<4x8192x1024xf32, #tpu.memory_space<hbm>> -> memref<1x8192x1024xf32, #tpu.memory_space<hbm>>
      %dma_wait3A_373 = tpu.memref_squeeze %dma_wait3A_372 : memref<1x8192x1024xf32, #tpu.memory_space<hbm>> -> memref<8192x1024xf32, #tpu.memory_space<hbm>>
      %dma_wait3A_374 = arith.constant 0 : i32
      %dma_wait3A_375 = tpu.memref_slice %dma_wait3A_373[%add3A_348, %dma_wait3A_374] : memref<8192x1024xf32, #tpu.memory_space<hbm>> -> memref<8x1024xf32, #tpu.memory_space<hbm>>
      %dma_wait3A_376 = arith.constant 0 : i32
      %dma_wait3A_377 = arith.constant 0 : i32
      %dma_wait3A_378 = arith.constant 0 : i32
      %dma_wait3A_379 = tpu.memref_slice %arg4[%dma_wait3A_359, %dma_wait3A_376, %dma_wait3A_377, %dma_wait3A_378] : memref<2x4x8x1024xf32, #tpu.memory_space<vmem>> -> memref<1x4x8x1024xf32, #tpu.memory_space<vmem>>
      %dma_wait3A_380 = tpu.memref_squeeze %dma_wait3A_379 : memref<1x4x8x1024xf32, #tpu.memory_space<vmem>> -> memref<4x8x1024xf32, #tpu.memory_space<vmem>>
      %dma_wait3A_381 = arith.constant 0 : i32
      %dma_wait3A_382 = arith.constant 0 : i32
      %dma_wait3A_383 = tpu.memref_slice %dma_wait3A_380[%dma_wait3A_360, %dma_wait3A_381, %dma_wait3A_382] : memref<4x8x1024xf32, #tpu.memory_space<vmem>> -> memref<1x8x1024xf32, #tpu.memory_space<vmem>>
      %dma_wait3A_384 = tpu.memref_squeeze %dma_wait3A_383 : memref<1x8x1024xf32, #tpu.memory_space<vmem>> -> memref<8x1024xf32, #tpu.memory_space<vmem>>
      %dma_wait3A_385 = arith.constant 0 : i32
      %dma_wait3A_386 = arith.constant 0 : i32
      %dma_wait3A_387 = tpu.memref_slice %arg2[%dma_wait3A_358, %dma_wait3A_385, %dma_wait3A_386] : memref<4x8192x1024xf32, #tpu.memory_space<hbm>> -> memref<1x8192x1024xf32, #tpu.memory_space<hbm>>
      %dma_wait3A_388 = tpu.memref_squeeze %dma_wait3A_387 : memref<1x8192x1024xf32, #tpu.memory_space<hbm>> -> memref<8192x1024xf32, #tpu.memory_space<hbm>>
      %dma_wait3A_389 = arith.constant 0 : i32
      %dma_wait3A_390 = tpu.memref_slice %dma_wait3A_388[%add3A_348, %dma_wait3A_389] : memref<8192x1024xf32, #tpu.memory_space<hbm>> -> memref<8x1024xf32, #tpu.memory_space<hbm>>
      tpu.wait_dma2 semaphore(%arg7 : memref<!tpu.dma_semaphore, #tpu.memory_space<semaphore_mem>>) src(%dma_wait3A_390 : memref<8x1024xf32, #tpu.memory_space<hbm>>) dst(%dma_wait3A_384 : memref<8x1024xf32, #tpu.memory_space<vmem>>)
      %dma_wait3A_391 = arith.constant 1 : i32
      %dma_wait3A_392 = arith.constant 1 : i32
      %dma_wait3A_393 = arith.constant 1 : i32
      %dma_wait3A_394 = arith.constant 0 : i32
      %dma_wait3A_395 = arith.constant 0 : i32
      %dma_wait3A_396 = arith.constant 0 : i32
      %dma_wait3A_397 = tpu.memref_slice %arg4[%dma_wait3A_392, %dma_wait3A_394, %dma_wait3A_395, %dma_wait3A_396] : memref<2x4x8x1024xf32, #tpu.memory_space<vmem>> -> memref<1x4x8x1024xf32, #tpu.memory_space<vmem>>
      %dma_wait3A_398 = tpu.memref_squeeze %dma_wait3A_397 : memref<1x4x8x1024xf32, #tpu.memory_space<vmem>> -> memref<4x8x1024xf32, #tpu.memory_space<vmem>>
      %dma_wait3A_399 = arith.constant 0 : i32
      %dma_wait3A_400 = arith.constant 0 : i32
      %dma_wait3A_401 = tpu.memref_slice %dma_wait3A_398[%dma_wait3A_393, %dma_wait3A_399, %dma_wait3A_400] : memref<4x8x1024xf32, #tpu.memory_space<vmem>> -> memref<1x8x1024xf32, #tpu.memory_space<vmem>>
      %dma_wait3A_402 = tpu.memref_squeeze %dma_wait3A_401 : memref<1x8x1024xf32, #tpu.memory_space<vmem>> -> memref<8x1024xf32, #tpu.memory_space<vmem>>
      %dma_wait3A_403 = arith.constant 0 : i32
      %dma_wait3A_404 = arith.constant 0 : i32
      %dma_wait3A_405 = tpu.memref_slice %arg2[%dma_wait3A_391, %dma_wait3A_403, %dma_wait3A_404] : memref<4x8192x1024xf32, #tpu.memory_space<hbm>> -> memref<1x8192x1024xf32, #tpu.memory_space<hbm>>
      %dma_wait3A_406 = tpu.memref_squeeze %dma_wait3A_405 : memref<1x8192x1024xf32, #tpu.memory_space<hbm>> -> memref<8192x1024xf32, #tpu.memory_space<hbm>>
      %dma_wait3A_407 = arith.constant 0 : i32
      %dma_wait3A_408 = tpu.memref_slice %dma_wait3A_406[%add3A_351, %dma_wait3A_407] : memref<8192x1024xf32, #tpu.memory_space<hbm>> -> memref<8x1024xf32, #tpu.memory_space<hbm>>
      %dma_wait3A_409 = arith.constant 0 : i32
      %dma_wait3A_410 = arith.constant 0 : i32
      %dma_wait3A_411 = arith.constant 0 : i32
      %dma_wait3A_412 = tpu.memref_slice %arg4[%dma_wait3A_392, %dma_wait3A_409, %dma_wait3A_410, %dma_wait3A_411] : memref<2x4x8x1024xf32, #tpu.memory_space<vmem>> -> memref<1x4x8x1024xf32, #tpu.memory_space<vmem>>
      %dma_wait3A_413 = tpu.memref_squeeze %dma_wait3A_412 : memref<1x4x8x1024xf32, #tpu.memory_space<vmem>> -> memref<4x8x1024xf32, #tpu.memory_space<vmem>>
      %dma_wait3A_414 = arith.constant 0 : i32
      %dma_wait3A_415 = arith.constant 0 : i32
      %dma_wait3A_416 = tpu.memref_slice %dma_wait3A_413[%dma_wait3A_393, %dma_wait3A_414, %dma_wait3A_415] : memref<4x8x1024xf32, #tpu.memory_space<vmem>> -> memref<1x8x1024xf32, #tpu.memory_space<vmem>>
      %dma_wait3A_417 = tpu.memref_squeeze %dma_wait3A_416 : memref<1x8x1024xf32, #tpu.memory_space<vmem>> -> memref<8x1024xf32, #tpu.memory_space<vmem>>
      %dma_wait3A_418 = arith.constant 0 : i32
      %dma_wait3A_419 = arith.constant 0 : i32
      %dma_wait3A_420 = tpu.memref_slice %arg2[%dma_wait3A_391, %dma_wait3A_418, %dma_wait3A_419] : memref<4x8192x1024xf32, #tpu.memory_space<hbm>> -> memref<1x8192x1024xf32, #tpu.memory_space<hbm>>
      %dma_wait3A_421 = tpu.memref_squeeze %dma_wait3A_420 : memref<1x8192x1024xf32, #tpu.memory_space<hbm>> -> memref<8192x1024xf32, #tpu.memory_space<hbm>>
      %dma_wait3A_422 = arith.constant 0 : i32
      %dma_wait3A_423 = tpu.memref_slice %dma_wait3A_421[%add3A_351, %dma_wait3A_422] : memref<8192x1024xf32, #tpu.memory_space<hbm>> -> memref<8x1024xf32, #tpu.memory_space<hbm>>
      tpu.wait_dma2 semaphore(%arg7 : memref<!tpu.dma_semaphore, #tpu.memory_space<semaphore_mem>>) src(%dma_wait3A_423 : memref<8x1024xf32, #tpu.memory_space<hbm>>) dst(%dma_wait3A_417 : memref<8x1024xf32, #tpu.memory_space<vmem>>)
      %dma_wait3A_424 = arith.constant 2 : i32
      %dma_wait3A_425 = arith.constant 1 : i32
      %dma_wait3A_426 = arith.constant 2 : i32
      %dma_wait3A_427 = arith.constant 0 : i32
      %dma_wait3A_428 = arith.constant 0 : i32
      %dma_wait3A_429 = arith.constant 0 : i32
      %dma_wait3A_430 = tpu.memref_slice %arg4[%dma_wait3A_425, %dma_wait3A_427, %dma_wait3A_428, %dma_wait3A_429] : memref<2x4x8x1024xf32, #tpu.memory_space<vmem>> -> memref<1x4x8x1024xf32, #tpu.memory_space<vmem>>
      %dma_wait3A_431 = tpu.memref_squeeze %dma_wait3A_430 : memref<1x4x8x1024xf32, #tpu.memory_space<vmem>> -> memref<4x8x1024xf32, #tpu.memory_space<vmem>>
      %dma_wait3A_432 = arith.constant 0 : i32
      %dma_wait3A_433 = arith.constant 0 : i32
      %dma_wait3A_434 = tpu.memref_slice %dma_wait3A_431[%dma_wait3A_426, %dma_wait3A_432, %dma_wait3A_433] : memref<4x8x1024xf32, #tpu.memory_space<vmem>> -> memref<1x8x1024xf32, #tpu.memory_space<vmem>>
      %dma_wait3A_435 = tpu.memref_squeeze %dma_wait3A_434 : memref<1x8x1024xf32, #tpu.memory_space<vmem>> -> memref<8x1024xf32, #tpu.memory_space<vmem>>
      %dma_wait3A_436 = arith.constant 0 : i32
      %dma_wait3A_437 = arith.constant 0 : i32
      %dma_wait3A_438 = tpu.memref_slice %arg2[%dma_wait3A_424, %dma_wait3A_436, %dma_wait3A_437] : memref<4x8192x1024xf32, #tpu.memory_space<hbm>> -> memref<1x8192x1024xf32, #tpu.memory_space<hbm>>
      %dma_wait3A_439 = tpu.memref_squeeze %dma_wait3A_438 : memref<1x8192x1024xf32, #tpu.memory_space<hbm>> -> memref<8192x1024xf32, #tpu.memory_space<hbm>>
      %dma_wait3A_440 = arith.constant 0 : i32
      %dma_wait3A_441 = tpu.memref_slice %dma_wait3A_439[%add3A_354, %dma_wait3A_440] : memref<8192x1024xf32, #tpu.memory_space<hbm>> -> memref<8x1024xf32, #tpu.memory_space<hbm>>
      %dma_wait3A_442 = arith.constant 0 : i32
      %dma_wait3A_443 = arith.constant 0 : i32
      %dma_wait3A_444 = arith.constant 0 : i32
      %dma_wait3A_445 = tpu.memref_slice %arg4[%dma_wait3A_425, %dma_wait3A_442, %dma_wait3A_443, %dma_wait3A_444] : memref<2x4x8x1024xf32, #tpu.memory_space<vmem>> -> memref<1x4x8x1024xf32, #tpu.memory_space<vmem>>
      %dma_wait3A_446 = tpu.memref_squeeze %dma_wait3A_445 : memref<1x4x8x1024xf32, #tpu.memory_space<vmem>> -> memref<4x8x1024xf32, #tpu.memory_space<vmem>>
      %dma_wait3A_447 = arith.constant 0 : i32
      %dma_wait3A_448 = arith.constant 0 : i32
      %dma_wait3A_449 = tpu.memref_slice %dma_wait3A_446[%dma_wait3A_426, %dma_wait3A_447, %dma_wait3A_448] : memref<4x8x1024xf32, #tpu.memory_space<vmem>> -> memref<1x8x1024xf32, #tpu.memory_space<vmem>>
      %dma_wait3A_450 = tpu.memref_squeeze %dma_wait3A_449 : memref<1x8x1024xf32, #tpu.memory_space<vmem>> -> memref<8x1024xf32, #tpu.memory_space<vmem>>
      %dma_wait3A_451 = arith.constant 0 : i32
      %dma_wait3A_452 = arith.constant 0 : i32
      %dma_wait3A_453 = tpu.memref_slice %arg2[%dma_wait3A_424, %dma_wait3A_451, %dma_wait3A_452] : memref<4x8192x1024xf32, #tpu.memory_space<hbm>> -> memref<1x8192x1024xf32, #tpu.memory_space<hbm>>
      %dma_wait3A_454 = tpu.memref_squeeze %dma_wait3A_453 : memref<1x8192x1024xf32, #tpu.memory_space<hbm>> -> memref<8192x1024xf32, #tpu.memory_space<hbm>>
      %dma_wait3A_455 = arith.constant 0 : i32
      %dma_wait3A_456 = tpu.memref_slice %dma_wait3A_454[%add3A_354, %dma_wait3A_455] : memref<8192x1024xf32, #tpu.memory_space<hbm>> -> memref<8x1024xf32, #tpu.memory_space<hbm>>
      tpu.wait_dma2 semaphore(%arg7 : memref<!tpu.dma_semaphore, #tpu.memory_space<semaphore_mem>>) src(%dma_wait3A_456 : memref<8x1024xf32, #tpu.memory_space<hbm>>) dst(%dma_wait3A_450 : memref<8x1024xf32, #tpu.memory_space<vmem>>)
      %dma_wait3A_457 = arith.constant 3 : i32
      %dma_wait3A_458 = arith.constant 1 : i32
      %dma_wait3A_459 = arith.constant 3 : i32
      %dma_wait3A_460 = arith.constant 0 : i32
      %dma_wait3A_461 = arith.constant 0 : i32
      %dma_wait3A_462 = arith.constant 0 : i32
      %dma_wait3A_463 = tpu.memref_slice %arg4[%dma_wait3A_458, %dma_wait3A_460, %dma_wait3A_461, %dma_wait3A_462] : memref<2x4x8x1024xf32, #tpu.memory_space<vmem>> -> memref<1x4x8x1024xf32, #tpu.memory_space<vmem>>
      %dma_wait3A_464 = tpu.memref_squeeze %dma_wait3A_463 : memref<1x4x8x1024xf32, #tpu.memory_space<vmem>> -> memref<4x8x1024xf32, #tpu.memory_space<vmem>>
      %dma_wait3A_465 = arith.constant 0 : i32
      %dma_wait3A_466 = arith.constant 0 : i32
      %dma_wait3A_467 = tpu.memref_slice %dma_wait3A_464[%dma_wait3A_459, %dma_wait3A_465, %dma_wait3A_466] : memref<4x8x1024xf32, #tpu.memory_space<vmem>> -> memref<1x8x1024xf32, #tpu.memory_space<vmem>>
      %dma_wait3A_468 = tpu.memref_squeeze %dma_wait3A_467 : memref<1x8x1024xf32, #tpu.memory_space<vmem>> -> memref<8x1024xf32, #tpu.memory_space<vmem>>
      %dma_wait3A_469 = arith.constant 0 : i32
      %dma_wait3A_470 = arith.constant 0 : i32
      %dma_wait3A_471 = tpu.memref_slice %arg2[%dma_wait3A_457, %dma_wait3A_469, %dma_wait3A_470] : memref<4x8192x1024xf32, #tpu.memory_space<hbm>> -> memref<1x8192x1024xf32, #tpu.memory_space<hbm>>
      %dma_wait3A_472 = tpu.memref_squeeze %dma_wait3A_471 : memref<1x8192x1024xf32, #tpu.memory_space<hbm>> -> memref<8192x1024xf32, #tpu.memory_space<hbm>>
      %dma_wait3A_473 = arith.constant 0 : i32
      %dma_wait3A_474 = tpu.memref_slice %dma_wait3A_472[%add3A_357, %dma_wait3A_473] : memref<8192x1024xf32, #tpu.memory_space<hbm>> -> memref<8x1024xf32, #tpu.memory_space<hbm>>
      %dma_wait3A_475 = arith.constant 0 : i32
      %dma_wait3A_476 = arith.constant 0 : i32
      %dma_wait3A_477 = arith.constant 0 : i32
      %dma_wait3A_478 = tpu.memref_slice %arg4[%dma_wait3A_458, %dma_wait3A_475, %dma_wait3A_476, %dma_wait3A_477] : memref<2x4x8x1024xf32, #tpu.memory_space<vmem>> -> memref<1x4x8x1024xf32, #tpu.memory_space<vmem>>
      %dma_wait3A_479 = tpu.memref_squeeze %dma_wait3A_478 : memref<1x4x8x1024xf32, #tpu.memory_space<vmem>> -> memref<4x8x1024xf32, #tpu.memory_space<vmem>>
      %dma_wait3A_480 = arith.constant 0 : i32
      %dma_wait3A_481 = arith.constant 0 : i32
      %dma_wait3A_482 = tpu.memref_slice %dma_wait3A_479[%dma_wait3A_459, %dma_wait3A_480, %dma_wait3A_481] : memref<4x8x1024xf32, #tpu.memory_space<vmem>> -> memref<1x8x1024xf32, #tpu.memory_space<vmem>>
      %dma_wait3A_483 = tpu.memref_squeeze %dma_wait3A_482 : memref<1x8x1024xf32, #tpu.memory_space<vmem>> -> memref<8x1024xf32, #tpu.memory_space<vmem>>
      %dma_wait3A_484 = arith.constant 0 : i32
      %dma_wait3A_485 = arith.constant 0 : i32
      %dma_wait3A_486 = tpu.memref_slice %arg2[%dma_wait3A_457, %dma_wait3A_484, %dma_wait3A_485] : memref<4x8192x1024xf32, #tpu.memory_space<hbm>> -> memref<1x8192x1024xf32, #tpu.memory_space<hbm>>
      %dma_wait3A_487 = tpu.memref_squeeze %dma_wait3A_486 : memref<1x8192x1024xf32, #tpu.memory_space<hbm>> -> memref<8192x1024xf32, #tpu.memory_space<hbm>>
      %dma_wait3A_488 = arith.constant 0 : i32
      %dma_wait3A_489 = tpu.memref_slice %dma_wait3A_487[%add3A_357, %dma_wait3A_488] : memref<8192x1024xf32, #tpu.memory_space<hbm>> -> memref<8x1024xf32, #tpu.memory_space<hbm>>
      tpu.wait_dma2 semaphore(%arg7 : memref<!tpu.dma_semaphore, #tpu.memory_space<semaphore_mem>>) src(%dma_wait3A_489 : memref<8x1024xf32, #tpu.memory_space<hbm>>) dst(%dma_wait3A_483 : memref<8x1024xf32, #tpu.memory_space<vmem>>)
      %add3A_490 = arith.constant 1 : i32
      %add3A_491 = arith.addi %add3A_345, %add3A_490 : i32
      %lt3A_492 = arith.constant 32 : i32
      %lt3A_493 = arith.cmpi slt, %add3A_491, %lt3A_492 : i32
      %convert_element_type3A_494 = arith.extui %lt3A_493 : i1 to i32
      %cond3A_495 = arith.constant 0 : i32
      %cond3A_496 = arith.cmpi ne, %convert_element_type3A_494, %cond3A_495 : i32
      scf.if %cond3A_496 {
        %add3A_519 = arith.constant 1 : i32
        %add3A_520 = arith.addi %add3A_345, %add3A_519 : i32
        %mul3A_521 = arith.constant 8 : i32
        %mul3A_522 = arith.muli %add3A_520, %mul3A_521 : i32
        %add3A_523 = arith.addi %mul3A_2, %mul3A_522 : i32
        %mul3A_524 = arith.constant 8 : i32
        %mul3A_525 = arith.muli %add3A_520, %mul3A_524 : i32
        %add3A_526 = arith.addi %mul3A_2, %mul3A_525 : i32
        %mul3A_527 = arith.constant 8 : i32
        %mul3A_528 = arith.muli %add3A_520, %mul3A_527 : i32
        %add3A_529 = arith.addi %mul3A_2, %mul3A_528 : i32
        %mul3A_530 = arith.constant 8 : i32
        %mul3A_531 = arith.muli %add3A_520, %mul3A_530 : i32
        %add3A_532 = arith.addi %mul3A_2, %mul3A_531 : i32
        %dma_start3A_533 = arith.constant 0 : i32
        %dma_start3A_534 = arith.constant 0 : i32
        %dma_start3A_535 = arith.constant 0 : i32
        %dma_start3A_536 = arith.constant 0 : i32
        %dma_start3A_537 = arith.constant 0 : i32
        %dma_start3A_538 = arith.constant 0 : i32
        %dma_start3A_539 = tpu.memref_slice %arg4[%dma_start3A_534, %dma_start3A_536, %dma_start3A_537, %dma_start3A_538] : memref<2x4x8x1024xf32, #tpu.memory_space<vmem>> -> memref<1x4x8x1024xf32, #tpu.memory_space<vmem>>
        %dma_start3A_540 = tpu.memref_squeeze %dma_start3A_539 : memref<1x4x8x1024xf32, #tpu.memory_space<vmem>> -> memref<4x8x1024xf32, #tpu.memory_space<vmem>>
        %dma_start3A_541 = arith.constant 0 : i32
        %dma_start3A_542 = arith.constant 0 : i32
        %dma_start3A_543 = tpu.memref_slice %dma_start3A_540[%dma_start3A_535, %dma_start3A_541, %dma_start3A_542] : memref<4x8x1024xf32, #tpu.memory_space<vmem>> -> memref<1x8x1024xf32, #tpu.memory_space<vmem>>
        %dma_start3A_544 = tpu.memref_squeeze %dma_start3A_543 : memref<1x8x1024xf32, #tpu.memory_space<vmem>> -> memref<8x1024xf32, #tpu.memory_space<vmem>>
        %dma_start3A_545 = arith.constant 0 : i32
        %dma_start3A_546 = arith.constant 0 : i32
        %dma_start3A_547 = tpu.memref_slice %arg2[%dma_start3A_533, %dma_start3A_545, %dma_start3A_546] : memref<4x8192x1024xf32, #tpu.memory_space<hbm>> -> memref<1x8192x1024xf32, #tpu.memory_space<hbm>>
        %dma_start3A_548 = tpu.memref_squeeze %dma_start3A_547 : memref<1x8192x1024xf32, #tpu.memory_space<hbm>> -> memref<8192x1024xf32, #tpu.memory_space<hbm>>
        %dma_start3A_549 = arith.constant 0 : i32
        %dma_start3A_550 = tpu.memref_slice %dma_start3A_548[%add3A_523, %dma_start3A_549] : memref<8192x1024xf32, #tpu.memory_space<hbm>> -> memref<8x1024xf32, #tpu.memory_space<hbm>>
        %dma_start3A_551 = arith.constant 0 : i32
        %dma_start3A_552 = arith.constant 0 : i32
        %dma_start3A_553 = arith.constant 0 : i32
        %dma_start3A_554 = tpu.memref_slice %arg4[%dma_start3A_534, %dma_start3A_551, %dma_start3A_552, %dma_start3A_553] : memref<2x4x8x1024xf32, #tpu.memory_space<vmem>> -> memref<1x4x8x1024xf32, #tpu.memory_space<vmem>>
        %dma_start3A_555 = tpu.memref_squeeze %dma_start3A_554 : memref<1x4x8x1024xf32, #tpu.memory_space<vmem>> -> memref<4x8x1024xf32, #tpu.memory_space<vmem>>
        %dma_start3A_556 = arith.constant 0 : i32
        %dma_start3A_557 = arith.constant 0 : i32
        %dma_start3A_558 = tpu.memref_slice %dma_start3A_555[%dma_start3A_535, %dma_start3A_556, %dma_start3A_557] : memref<4x8x1024xf32, #tpu.memory_space<vmem>> -> memref<1x8x1024xf32, #tpu.memory_space<vmem>>
        %dma_start3A_559 = tpu.memref_squeeze %dma_start3A_558 : memref<1x8x1024xf32, #tpu.memory_space<vmem>> -> memref<8x1024xf32, #tpu.memory_space<vmem>>
        %dma_start3A_560 = arith.constant 0 : i32
        %dma_start3A_561 = arith.constant 0 : i32
        %dma_start3A_562 = tpu.memref_slice %arg2[%dma_start3A_533, %dma_start3A_560, %dma_start3A_561] : memref<4x8192x1024xf32, #tpu.memory_space<hbm>> -> memref<1x8192x1024xf32, #tpu.memory_space<hbm>>
        %dma_start3A_563 = tpu.memref_squeeze %dma_start3A_562 : memref<1x8192x1024xf32, #tpu.memory_space<hbm>> -> memref<8192x1024xf32, #tpu.memory_space<hbm>>
        %dma_start3A_564 = arith.constant 0 : i32
        %dma_start3A_565 = tpu.memref_slice %dma_start3A_563[%add3A_523, %dma_start3A_564] : memref<8192x1024xf32, #tpu.memory_space<hbm>> -> memref<8x1024xf32, #tpu.memory_space<hbm>>
        tpu.enqueue_dma source(%dma_start3A_565 : memref<8x1024xf32, #tpu.memory_space<hbm>>) target(%dma_start3A_559 : memref<8x1024xf32, #tpu.memory_space<vmem>>) target_semaphore(%arg7 : memref<!tpu.dma_semaphore, #tpu.memory_space<semaphore_mem>>)
        %dma_start3A_566 = arith.constant 1 : i32
        %dma_start3A_567 = arith.constant 0 : i32
        %dma_start3A_568 = arith.constant 1 : i32
        %dma_start3A_569 = arith.constant 0 : i32
        %dma_start3A_570 = arith.constant 0 : i32
        %dma_start3A_571 = arith.constant 0 : i32
        %dma_start3A_572 = tpu.memref_slice %arg4[%dma_start3A_567, %dma_start3A_569, %dma_start3A_570, %dma_start3A_571] : memref<2x4x8x1024xf32, #tpu.memory_space<vmem>> -> memref<1x4x8x1024xf32, #tpu.memory_space<vmem>>
        %dma_start3A_573 = tpu.memref_squeeze %dma_start3A_572 : memref<1x4x8x1024xf32, #tpu.memory_space<vmem>> -> memref<4x8x1024xf32, #tpu.memory_space<vmem>>
        %dma_start3A_574 = arith.constant 0 : i32
        %dma_start3A_575 = arith.constant 0 : i32
        %dma_start3A_576 = tpu.memref_slice %dma_start3A_573[%dma_start3A_568, %dma_start3A_574, %dma_start3A_575] : memref<4x8x1024xf32, #tpu.memory_space<vmem>> -> memref<1x8x1024xf32, #tpu.memory_space<vmem>>
        %dma_start3A_577 = tpu.memref_squeeze %dma_start3A_576 : memref<1x8x1024xf32, #tpu.memory_space<vmem>> -> memref<8x1024xf32, #tpu.memory_space<vmem>>
        %dma_start3A_578 = arith.constant 0 : i32
        %dma_start3A_579 = arith.constant 0 : i32
        %dma_start3A_580 = tpu.memref_slice %arg2[%dma_start3A_566, %dma_start3A_578, %dma_start3A_579] : memref<4x8192x1024xf32, #tpu.memory_space<hbm>> -> memref<1x8192x1024xf32, #tpu.memory_space<hbm>>
        %dma_start3A_581 = tpu.memref_squeeze %dma_start3A_580 : memref<1x8192x1024xf32, #tpu.memory_space<hbm>> -> memref<8192x1024xf32, #tpu.memory_space<hbm>>
        %dma_start3A_582 = arith.constant 0 : i32
        %dma_start3A_583 = tpu.memref_slice %dma_start3A_581[%add3A_526, %dma_start3A_582] : memref<8192x1024xf32, #tpu.memory_space<hbm>> -> memref<8x1024xf32, #tpu.memory_space<hbm>>
        %dma_start3A_584 = arith.constant 0 : i32
        %dma_start3A_585 = arith.constant 0 : i32
        %dma_start3A_586 = arith.constant 0 : i32
        %dma_start3A_587 = tpu.memref_slice %arg4[%dma_start3A_567, %dma_start3A_584, %dma_start3A_585, %dma_start3A_586] : memref<2x4x8x1024xf32, #tpu.memory_space<vmem>> -> memref<1x4x8x1024xf32, #tpu.memory_space<vmem>>
        %dma_start3A_588 = tpu.memref_squeeze %dma_start3A_587 : memref<1x4x8x1024xf32, #tpu.memory_space<vmem>> -> memref<4x8x1024xf32, #tpu.memory_space<vmem>>
        %dma_start3A_589 = arith.constant 0 : i32
        %dma_start3A_590 = arith.constant 0 : i32
        %dma_start3A_591 = tpu.memref_slice %dma_start3A_588[%dma_start3A_568, %dma_start3A_589, %dma_start3A_590] : memref<4x8x1024xf32, #tpu.memory_space<vmem>> -> memref<1x8x1024xf32, #tpu.memory_space<vmem>>
        %dma_start3A_592 = tpu.memref_squeeze %dma_start3A_591 : memref<1x8x1024xf32, #tpu.memory_space<vmem>> -> memref<8x1024xf32, #tpu.memory_space<vmem>>
        %dma_start3A_593 = arith.constant 0 : i32
        %dma_start3A_594 = arith.constant 0 : i32
        %dma_start3A_595 = tpu.memref_slice %arg2[%dma_start3A_566, %dma_start3A_593, %dma_start3A_594] : memref<4x8192x1024xf32, #tpu.memory_space<hbm>> -> memref<1x8192x1024xf32, #tpu.memory_space<hbm>>
        %dma_start3A_596 = tpu.memref_squeeze %dma_start3A_595 : memref<1x8192x1024xf32, #tpu.memory_space<hbm>> -> memref<8192x1024xf32, #tpu.memory_space<hbm>>
        %dma_start3A_597 = arith.constant 0 : i32
        %dma_start3A_598 = tpu.memref_slice %dma_start3A_596[%add3A_526, %dma_start3A_597] : memref<8192x1024xf32, #tpu.memory_space<hbm>> -> memref<8x1024xf32, #tpu.memory_space<hbm>>
        tpu.enqueue_dma source(%dma_start3A_598 : memref<8x1024xf32, #tpu.memory_space<hbm>>) target(%dma_start3A_592 : memref<8x1024xf32, #tpu.memory_space<vmem>>) target_semaphore(%arg7 : memref<!tpu.dma_semaphore, #tpu.memory_space<semaphore_mem>>)
        %dma_start3A_599 = arith.constant 2 : i32
        %dma_start3A_600 = arith.constant 0 : i32
        %dma_start3A_601 = arith.constant 2 : i32
        %dma_start3A_602 = arith.constant 0 : i32
        %dma_start3A_603 = arith.constant 0 : i32
        %dma_start3A_604 = arith.constant 0 : i32
        %dma_start3A_605 = tpu.memref_slice %arg4[%dma_start3A_600, %dma_start3A_602, %dma_start3A_603, %dma_start3A_604] : memref<2x4x8x1024xf32, #tpu.memory_space<vmem>> -> memref<1x4x8x1024xf32, #tpu.memory_space<vmem>>
        %dma_start3A_606 = tpu.memref_squeeze %dma_start3A_605 : memref<1x4x8x1024xf32, #tpu.memory_space<vmem>> -> memref<4x8x1024xf32, #tpu.memory_space<vmem>>
        %dma_start3A_607 = arith.constant 0 : i32
        %dma_start3A_608 = arith.constant 0 : i32
        %dma_start3A_609 = tpu.memref_slice %dma_start3A_606[%dma_start3A_601, %dma_start3A_607, %dma_start3A_608] : memref<4x8x1024xf32, #tpu.memory_space<vmem>> -> memref<1x8x1024xf32, #tpu.memory_space<vmem>>
        %dma_start3A_610 = tpu.memref_squeeze %dma_start3A_609 : memref<1x8x1024xf32, #tpu.memory_space<vmem>> -> memref<8x1024xf32, #tpu.memory_space<vmem>>
        %dma_start3A_611 = arith.constant 0 : i32
        %dma_start3A_612 = arith.constant 0 : i32
        %dma_start3A_613 = tpu.memref_slice %arg2[%dma_start3A_599, %dma_start3A_611, %dma_start3A_612] : memref<4x8192x1024xf32, #tpu.memory_space<hbm>> -> memref<1x8192x1024xf32, #tpu.memory_space<hbm>>
        %dma_start3A_614 = tpu.memref_squeeze %dma_start3A_613 : memref<1x8192x1024xf32, #tpu.memory_space<hbm>> -> memref<8192x1024xf32, #tpu.memory_space<hbm>>
        %dma_start3A_615 = arith.constant 0 : i32
        %dma_start3A_616 = tpu.memref_slice %dma_start3A_614[%add3A_529, %dma_start3A_615] : memref<8192x1024xf32, #tpu.memory_space<hbm>> -> memref<8x1024xf32, #tpu.memory_space<hbm>>
        %dma_start3A_617 = arith.constant 0 : i32
        %dma_start3A_618 = arith.constant 0 : i32
        %dma_start3A_619 = arith.constant 0 : i32
        %dma_start3A_620 = tpu.memref_slice %arg4[%dma_start3A_600, %dma_start3A_617, %dma_start3A_618, %dma_start3A_619] : memref<2x4x8x1024xf32, #tpu.memory_space<vmem>> -> memref<1x4x8x1024xf32, #tpu.memory_space<vmem>>
        %dma_start3A_621 = tpu.memref_squeeze %dma_start3A_620 : memref<1x4x8x1024xf32, #tpu.memory_space<vmem>> -> memref<4x8x1024xf32, #tpu.memory_space<vmem>>
        %dma_start3A_622 = arith.constant 0 : i32
        %dma_start3A_623 = arith.constant 0 : i32
        %dma_start3A_624 = tpu.memref_slice %dma_start3A_621[%dma_start3A_601, %dma_start3A_622, %dma_start3A_623] : memref<4x8x1024xf32, #tpu.memory_space<vmem>> -> memref<1x8x1024xf32, #tpu.memory_space<vmem>>
        %dma_start3A_625 = tpu.memref_squeeze %dma_start3A_624 : memref<1x8x1024xf32, #tpu.memory_space<vmem>> -> memref<8x1024xf32, #tpu.memory_space<vmem>>
        %dma_start3A_626 = arith.constant 0 : i32
        %dma_start3A_627 = arith.constant 0 : i32
        %dma_start3A_628 = tpu.memref_slice %arg2[%dma_start3A_599, %dma_start3A_626, %dma_start3A_627] : memref<4x8192x1024xf32, #tpu.memory_space<hbm>> -> memref<1x8192x1024xf32, #tpu.memory_space<hbm>>
        %dma_start3A_629 = tpu.memref_squeeze %dma_start3A_628 : memref<1x8192x1024xf32, #tpu.memory_space<hbm>> -> memref<8192x1024xf32, #tpu.memory_space<hbm>>
        %dma_start3A_630 = arith.constant 0 : i32
        %dma_start3A_631 = tpu.memref_slice %dma_start3A_629[%add3A_529, %dma_start3A_630] : memref<8192x1024xf32, #tpu.memory_space<hbm>> -> memref<8x1024xf32, #tpu.memory_space<hbm>>
        tpu.enqueue_dma source(%dma_start3A_631 : memref<8x1024xf32, #tpu.memory_space<hbm>>) target(%dma_start3A_625 : memref<8x1024xf32, #tpu.memory_space<vmem>>) target_semaphore(%arg7 : memref<!tpu.dma_semaphore, #tpu.memory_space<semaphore_mem>>)
        %dma_start3A_632 = arith.constant 3 : i32
        %dma_start3A_633 = arith.constant 0 : i32
        %dma_start3A_634 = arith.constant 3 : i32
        %dma_start3A_635 = arith.constant 0 : i32
        %dma_start3A_636 = arith.constant 0 : i32
        %dma_start3A_637 = arith.constant 0 : i32
        %dma_start3A_638 = tpu.memref_slice %arg4[%dma_start3A_633, %dma_start3A_635, %dma_start3A_636, %dma_start3A_637] : memref<2x4x8x1024xf32, #tpu.memory_space<vmem>> -> memref<1x4x8x1024xf32, #tpu.memory_space<vmem>>
        %dma_start3A_639 = tpu.memref_squeeze %dma_start3A_638 : memref<1x4x8x1024xf32, #tpu.memory_space<vmem>> -> memref<4x8x1024xf32, #tpu.memory_space<vmem>>
        %dma_start3A_640 = arith.constant 0 : i32
        %dma_start3A_641 = arith.constant 0 : i32
        %dma_start3A_642 = tpu.memref_slice %dma_start3A_639[%dma_start3A_634, %dma_start3A_640, %dma_start3A_641] : memref<4x8x1024xf32, #tpu.memory_space<vmem>> -> memref<1x8x1024xf32, #tpu.memory_space<vmem>>
        %dma_start3A_643 = tpu.memref_squeeze %dma_start3A_642 : memref<1x8x1024xf32, #tpu.memory_space<vmem>> -> memref<8x1024xf32, #tpu.memory_space<vmem>>
        %dma_start3A_644 = arith.constant 0 : i32
        %dma_start3A_645 = arith.constant 0 : i32
        %dma_start3A_646 = tpu.memref_slice %arg2[%dma_start3A_632, %dma_start3A_644, %dma_start3A_645] : memref<4x8192x1024xf32, #tpu.memory_space<hbm>> -> memref<1x8192x1024xf32, #tpu.memory_space<hbm>>
        %dma_start3A_647 = tpu.memref_squeeze %dma_start3A_646 : memref<1x8192x1024xf32, #tpu.memory_space<hbm>> -> memref<8192x1024xf32, #tpu.memory_space<hbm>>
        %dma_start3A_648 = arith.constant 0 : i32
        %dma_start3A_649 = tpu.memref_slice %dma_start3A_647[%add3A_532, %dma_start3A_648] : memref<8192x1024xf32, #tpu.memory_space<hbm>> -> memref<8x1024xf32, #tpu.memory_space<hbm>>
        %dma_start3A_650 = arith.constant 0 : i32
        %dma_start3A_651 = arith.constant 0 : i32
        %dma_start3A_652 = arith.constant 0 : i32
        %dma_start3A_653 = tpu.memref_slice %arg4[%dma_start3A_633, %dma_start3A_650, %dma_start3A_651, %dma_start3A_652] : memref<2x4x8x1024xf32, #tpu.memory_space<vmem>> -> memref<1x4x8x1024xf32, #tpu.memory_space<vmem>>
        %dma_start3A_654 = tpu.memref_squeeze %dma_start3A_653 : memref<1x4x8x1024xf32, #tpu.memory_space<vmem>> -> memref<4x8x1024xf32, #tpu.memory_space<vmem>>
        %dma_start3A_655 = arith.constant 0 : i32
        %dma_start3A_656 = arith.constant 0 : i32
        %dma_start3A_657 = tpu.memref_slice %dma_start3A_654[%dma_start3A_634, %dma_start3A_655, %dma_start3A_656] : memref<4x8x1024xf32, #tpu.memory_space<vmem>> -> memref<1x8x1024xf32, #tpu.memory_space<vmem>>
        %dma_start3A_658 = tpu.memref_squeeze %dma_start3A_657 : memref<1x8x1024xf32, #tpu.memory_space<vmem>> -> memref<8x1024xf32, #tpu.memory_space<vmem>>
        %dma_start3A_659 = arith.constant 0 : i32
        %dma_start3A_660 = arith.constant 0 : i32
        %dma_start3A_661 = tpu.memref_slice %arg2[%dma_start3A_632, %dma_start3A_659, %dma_start3A_660] : memref<4x8192x1024xf32, #tpu.memory_space<hbm>> -> memref<1x8192x1024xf32, #tpu.memory_space<hbm>>
        %dma_start3A_662 = tpu.memref_squeeze %dma_start3A_661 : memref<1x8192x1024xf32, #tpu.memory_space<hbm>> -> memref<8192x1024xf32, #tpu.memory_space<hbm>>
        %dma_start3A_663 = arith.constant 0 : i32
        %dma_start3A_664 = tpu.memref_slice %dma_start3A_662[%add3A_532, %dma_start3A_663] : memref<8192x1024xf32, #tpu.memory_space<hbm>> -> memref<8x1024xf32, #tpu.memory_space<hbm>>
        tpu.enqueue_dma source(%dma_start3A_664 : memref<8x1024xf32, #tpu.memory_space<hbm>>) target(%dma_start3A_658 : memref<8x1024xf32, #tpu.memory_space<vmem>>) target_semaphore(%arg7 : memref<!tpu.dma_semaphore, #tpu.memory_space<semaphore_mem>>)
      } else {
      }
      %ge3A_497 = arith.constant 2 : i32
      %ge3A_498 = arith.cmpi sge, %add3A_345, %ge3A_497 : i32
      %convert_element_type3A_499 = arith.extui %ge3A_498 : i1 to i32
      %cond3A_500 = arith.constant 0 : i32
      %cond3A_501 = arith.cmpi ne, %convert_element_type3A_499, %cond3A_500 : i32
      scf.if %cond3A_501 {
        %sub3A = arith.constant 2 : i32
        %sub3A_519 = arith.subi %add3A_345, %sub3A : i32
        %mul3A_520 = arith.constant 32768 : i32
        %mul3A_521 = arith.muli %sub3A_519, %mul3A_520 : i32
        %add3A_522 = arith.addi %mul3A_4, %mul3A_521 : i32
        %dma_wait3A_523 = tpu.memref_slice %arg3[%add3A_522] : memref<33554432xf32, #tpu.memory_space<hbm>> -> memref<32768xf32, #tpu.memory_space<hbm>>
        %dma_wait3A_524 = tpu.memref_slice %arg3[%add3A_522] : memref<33554432xf32, #tpu.memory_space<hbm>> -> memref<32768xf32, #tpu.memory_space<hbm>>
        tpu.wait_dma2 semaphore(%arg8 : memref<!tpu.dma_semaphore, #tpu.memory_space<semaphore_mem>>) src(%arg6 : memref<32768xf32, #tpu.memory_space<vmem>>) dst(%dma_wait3A_524 : memref<32768xf32, #tpu.memory_space<hbm>>)
      } else {
      }
      %parallel_loop3A_502 = arith.constant 0 : i32
      %parallel_loop3A_503 = arith.constant 512 : i32
      %parallel_loop3A_504 = arith.constant 1 : i32
      scf.for %parallel_loop3A_519 = %parallel_loop3A_502 to %parallel_loop3A_503 step %parallel_loop3A_504  : i32 {
        %parallel_loop3A_520 = arith.constant 6 : i32
        %parallel_loop3A_521 = arith.shrui %parallel_loop3A_519, %parallel_loop3A_520 : i32
        %parallel_loop3A_522 = arith.constant 63 : i32
        %parallel_loop3A_523 = arith.andi %parallel_loop3A_519, %parallel_loop3A_522 : i32
        %parallel_loop3A_524 = arith.constant 16 : i32
        %parallel_loop3A_525 = arith.muli %parallel_loop3A_523, %parallel_loop3A_524 : i32
        %parallel_loop3A_526 = arith.constant 1 : i32
        %parallel_loop3A_527 = arith.constant 0 : i32
        %parallel_loop3A_528 = arith.index_cast %parallel_loop3A_526 : i32 to index
        %parallel_loop3A_529 = arith.index_cast %parallel_loop3A_527 : i32 to index
        %parallel_loop3A_530 = arith.index_cast %parallel_loop3A_521 : i32 to index
        %parallel_loop3A_531 = arith.index_cast %parallel_loop3A_525 : i32 to index
        %parallel_loop3A_532 = tpu.vector_load %arg4[%parallel_loop3A_528, %parallel_loop3A_529, %parallel_loop3A_530, %parallel_loop3A_531] {strides = array<i32>} : memref<2x4x8x1024xf32, #tpu.memory_space<vmem>>, vector<16xf32>,
        %parallel_loop3A_533 = arith.constant 4096 : i32
        %parallel_loop3A_534 = arith.muli %parallel_loop3A_521, %parallel_loop3A_533 : i32
        %parallel_loop3A_535 = arith.constant 0 : i32
        %parallel_loop3A_536 = arith.addi %parallel_loop3A_534, %parallel_loop3A_535 : i32
        %parallel_loop3A_537 = arith.constant 64 : i32
        %parallel_loop3A_538 = arith.muli %parallel_loop3A_523, %parallel_loop3A_537 : i32
        %parallel_loop3A_539 = arith.addi %parallel_loop3A_536, %parallel_loop3A_538 : i32
        %parallel_loop3A_540 = vector.broadcast %parallel_loop3A_539 : i32 to vector<16xi32>
        %parallel_loop3A_541 = arith.addi %parallel_loop3A_540, %add3A_14 : vector<16xi32>
        tpu.vector_store_idx %arg6[%parallel_loop3A_541], %parallel_loop3A_532 : memref<32768xf32, #tpu.memory_space<vmem>>[vector<16xi32>], vector<16xf32>,
      } {sc.loop_unroll_factor = 8 : i64, sc.parallel_access}
      %parallel_loop3A_505 = arith.constant 0 : i32
      %parallel_loop3A_506 = arith.constant 512 : i32
      %parallel_loop3A_507 = arith.constant 1 : i32
      scf.for %parallel_loop3A_519 = %parallel_loop3A_505 to %parallel_loop3A_506 step %parallel_loop3A_507  : i32 {
        %parallel_loop3A_520 = arith.constant 6 : i32
        %parallel_loop3A_521 = arith.shrui %parallel_loop3A_519, %parallel_loop3A_520 : i32
        %parallel_loop3A_522 = arith.constant 63 : i32
        %parallel_loop3A_523 = arith.andi %parallel_loop3A_519, %parallel_loop3A_522 : i32
        %parallel_loop3A_524 = arith.constant 16 : i32
        %parallel_loop3A_525 = arith.muli %parallel_loop3A_523, %parallel_loop3A_524 : i32
        %parallel_loop3A_526 = arith.constant 1 : i32
        %parallel_loop3A_527 = arith.constant 1 : i32
        %parallel_loop3A_528 = arith.index_cast %parallel_loop3A_526 : i32 to index
        %parallel_loop3A_529 = arith.index_cast %parallel_loop3A_527 : i32 to index
        %parallel_loop3A_530 = arith.index_cast %parallel_loop3A_521 : i32 to index
        %parallel_loop3A_531 = arith.index_cast %parallel_loop3A_525 : i32 to index
        %parallel_loop3A_532 = tpu.vector_load %arg4[%parallel_loop3A_528, %parallel_loop3A_529, %parallel_loop3A_530, %parallel_loop3A_531] {strides = array<i32>} : memref<2x4x8x1024xf32, #tpu.memory_space<vmem>>, vector<16xf32>,
        %parallel_loop3A_533 = arith.constant 4096 : i32
        %parallel_loop3A_534 = arith.muli %parallel_loop3A_521, %parallel_loop3A_533 : i32
        %parallel_loop3A_535 = arith.constant 1 : i32
        %parallel_loop3A_536 = arith.addi %parallel_loop3A_534, %parallel_loop3A_535 : i32
        %parallel_loop3A_537 = arith.constant 64 : i32
        %parallel_loop3A_538 = arith.muli %parallel_loop3A_523, %parallel_loop3A_537 : i32
        %parallel_loop3A_539 = arith.addi %parallel_loop3A_536, %parallel_loop3A_538 : i32
        %parallel_loop3A_540 = vector.broadcast %parallel_loop3A_539 : i32 to vector<16xi32>
        %parallel_loop3A_541 = arith.addi %parallel_loop3A_540, %add3A_14 : vector<16xi32>
        tpu.vector_store_idx %arg6[%parallel_loop3A_541], %parallel_loop3A_532 : memref<32768xf32, #tpu.memory_space<vmem>>[vector<16xi32>], vector<16xf32>,
      } {sc.loop_unroll_factor = 8 : i64, sc.parallel_access}
      %parallel_loop3A_508 = arith.constant 0 : i32
      %parallel_loop3A_509 = arith.constant 512 : i32
      %parallel_loop3A_510 = arith.constant 1 : i32
      scf.for %parallel_loop3A_519 = %parallel_loop3A_508 to %parallel_loop3A_509 step %parallel_loop3A_510  : i32 {
        %parallel_loop3A_520 = arith.constant 6 : i32
        %parallel_loop3A_521 = arith.shrui %parallel_loop3A_519, %parallel_loop3A_520 : i32
        %parallel_loop3A_522 = arith.constant 63 : i32
        %parallel_loop3A_523 = arith.andi %parallel_loop3A_519, %parallel_loop3A_522 : i32
        %parallel_loop3A_524 = arith.constant 16 : i32
        %parallel_loop3A_525 = arith.muli %parallel_loop3A_523, %parallel_loop3A_524 : i32
        %parallel_loop3A_526 = arith.constant 1 : i32
        %parallel_loop3A_527 = arith.constant 2 : i32
        %parallel_loop3A_528 = arith.index_cast %parallel_loop3A_526 : i32 to index
        %parallel_loop3A_529 = arith.index_cast %parallel_loop3A_527 : i32 to index
        %parallel_loop3A_530 = arith.index_cast %parallel_loop3A_521 : i32 to index
        %parallel_loop3A_531 = arith.index_cast %parallel_loop3A_525 : i32 to index
        %parallel_loop3A_532 = tpu.vector_load %arg4[%parallel_loop3A_528, %parallel_loop3A_529, %parallel_loop3A_530, %parallel_loop3A_531] {strides = array<i32>} : memref<2x4x8x1024xf32, #tpu.memory_space<vmem>>, vector<16xf32>,
        %parallel_loop3A_533 = arith.constant 4096 : i32
        %parallel_loop3A_534 = arith.muli %parallel_loop3A_521, %parallel_loop3A_533 : i32
        %parallel_loop3A_535 = arith.constant 2 : i32
        %parallel_loop3A_536 = arith.addi %parallel_loop3A_534, %parallel_loop3A_535 : i32
        %parallel_loop3A_537 = arith.constant 64 : i32
        %parallel_loop3A_538 = arith.muli %parallel_loop3A_523, %parallel_loop3A_537 : i32
        %parallel_loop3A_539 = arith.addi %parallel_loop3A_536, %parallel_loop3A_538 : i32
        %parallel_loop3A_540 = vector.broadcast %parallel_loop3A_539 : i32 to vector<16xi32>
        %parallel_loop3A_541 = arith.addi %parallel_loop3A_540, %add3A_14 : vector<16xi32>
        tpu.vector_store_idx %arg6[%parallel_loop3A_541], %parallel_loop3A_532 : memref<32768xf32, #tpu.memory_space<vmem>>[vector<16xi32>], vector<16xf32>,
      } {sc.loop_unroll_factor = 8 : i64, sc.parallel_access}
      %parallel_loop3A_511 = arith.constant 0 : i32
      %parallel_loop3A_512 = arith.constant 512 : i32
      %parallel_loop3A_513 = arith.constant 1 : i32
      scf.for %parallel_loop3A_519 = %parallel_loop3A_511 to %parallel_loop3A_512 step %parallel_loop3A_513  : i32 {
        %parallel_loop3A_520 = arith.constant 6 : i32
        %parallel_loop3A_521 = arith.shrui %parallel_loop3A_519, %parallel_loop3A_520 : i32
        %parallel_loop3A_522 = arith.constant 63 : i32
        %parallel_loop3A_523 = arith.andi %parallel_loop3A_519, %parallel_loop3A_522 : i32
        %parallel_loop3A_524 = arith.constant 16 : i32
        %parallel_loop3A_525 = arith.muli %parallel_loop3A_523, %parallel_loop3A_524 : i32
        %parallel_loop3A_526 = arith.constant 1 : i32
        %parallel_loop3A_527 = arith.constant 3 : i32
        %parallel_loop3A_528 = arith.index_cast %parallel_loop3A_526 : i32 to index
        %parallel_loop3A_529 = arith.index_cast %parallel_loop3A_527 : i32 to index
        %parallel_loop3A_530 = arith.index_cast %parallel_loop3A_521 : i32 to index
        %parallel_loop3A_531 = arith.index_cast %parallel_loop3A_525 : i32 to index
        %parallel_loop3A_532 = tpu.vector_load %arg4[%parallel_loop3A_528, %parallel_loop3A_529, %parallel_loop3A_530, %parallel_loop3A_531] {strides = array<i32>} : memref<2x4x8x1024xf32, #tpu.memory_space<vmem>>, vector<16xf32>,
        %parallel_loop3A_533 = arith.constant 4096 : i32
        %parallel_loop3A_534 = arith.muli %parallel_loop3A_521, %parallel_loop3A_533 : i32
        %parallel_loop3A_535 = arith.constant 3 : i32
        %parallel_loop3A_536 = arith.addi %parallel_loop3A_534, %parallel_loop3A_535 : i32
        %parallel_loop3A_537 = arith.constant 64 : i32
        %parallel_loop3A_538 = arith.muli %parallel_loop3A_523, %parallel_loop3A_537 : i32
        %parallel_loop3A_539 = arith.addi %parallel_loop3A_536, %parallel_loop3A_538 : i32
        %parallel_loop3A_540 = vector.broadcast %parallel_loop3A_539 : i32 to vector<16xi32>
        %parallel_loop3A_541 = arith.addi %parallel_loop3A_540, %add3A_14 : vector<16xi32>
        tpu.vector_store_idx %arg6[%parallel_loop3A_541], %parallel_loop3A_532 : memref<32768xf32, #tpu.memory_space<vmem>>[vector<16xi32>], vector<16xf32>,
      } {sc.loop_unroll_factor = 8 : i64, sc.parallel_access}
      %mul3A_514 = arith.constant 32768 : i32
      %mul3A_515 = arith.muli %add3A_345, %mul3A_514 : i32
      %add3A_516 = arith.addi %mul3A_4, %mul3A_515 : i32
      %dma_start3A_517 = tpu.memref_slice %arg3[%add3A_516] : memref<33554432xf32, #tpu.memory_space<hbm>> -> memref<32768xf32, #tpu.memory_space<hbm>>
      %dma_start3A_518 = tpu.memref_slice %arg3[%add3A_516] : memref<33554432xf32, #tpu.memory_space<hbm>> -> memref<32768xf32, #tpu.memory_space<hbm>>
      tpu.enqueue_dma source(%arg6 : memref<32768xf32, #tpu.memory_space<vmem>>) target(%dma_start3A_518 : memref<32768xf32, #tpu.memory_space<hbm>>) target_semaphore(%arg8 : memref<!tpu.dma_semaphore, #tpu.memory_space<semaphore_mem>>)
    }
    %scan3A_157 = arith.constant 16 : i32
    %add3A_158 = arith.constant 983040 : i32
    %add3A_159 = arith.addi %mul3A_4, %add3A_158 : i32
    %dma_wait3A = tpu.memref_slice %arg3[%add3A_159] : memref<33554432xf32, #tpu.memory_space<hbm>> -> memref<32768xf32, #tpu.memory_space<hbm>>
    %dma_wait3A_160 = tpu.memref_slice %arg3[%add3A_159] : memref<33554432xf32, #tpu.memory_space<hbm>> -> memref<32768xf32, #tpu.memory_space<hbm>>
    tpu.wait_dma2 semaphore(%arg8 : memref<!tpu.dma_semaphore, #tpu.memory_space<semaphore_mem>>) src(%arg5 : memref<32768xf32, #tpu.memory_space<vmem>>) dst(%dma_wait3A_160 : memref<32768xf32, #tpu.memory_space<hbm>>)
    %add3A_161 = arith.constant 1015808 : i32
    %add3A_162 = arith.addi %mul3A_4, %add3A_161 : i32
    %dma_wait3A_163 = tpu.memref_slice %arg3[%add3A_162] : memref<33554432xf32, #tpu.memory_space<hbm>> -> memref<32768xf32, #tpu.memory_space<hbm>>
    %dma_wait3A_164 = tpu.memref_slice %arg3[%add3A_162] : memref<33554432xf32, #tpu.memory_space<hbm>> -> memref<32768xf32, #tpu.memory_space<hbm>>
    tpu.wait_dma2 semaphore(%arg8 : memref<!tpu.dma_semaphore, #tpu.memory_space<semaphore_mem>>) src(%arg6 : memref<32768xf32, #tpu.memory_space<vmem>>) dst(%dma_wait3A_164 : memref<32768xf32, #tpu.memory_space<hbm>>)
    return
  }
}

</mosaic_0001>

<sc_bundles>
// kernel: kernel.4.cloned.1.call-start
scs
__scs_entry_jumppad:
0x0: {  	(pc) =	sbr.rel $0x88, $3  }
0x1: {  	(tag) =	ssettag $0x0;
	lr =	simm.s32 $0x1  }
0x2: {  	[smem:$0x3F9F] =	sst lr;
	_ =	strace $0xD0000000  }
0x3: {  	_ = 	snop  }
0x4: {  	_ = 	snop  }
0x5: {  	_ = 	snop  }
0x6: {  	_ = 	snop  }
0x7: {  	_ = 	snop  }
__scs_overlays_trampoline_lowered:
0x8: {  	[smem:$0x3FAE] =	sst s0  }
0x9: {  	[smem:$0x3FAF] =	sst s1  }
0xa: {  	[smem:$0x3FB0] =	sst s2  }
0xb: {  	[smem:$0x3FB1] =	sst s3  }
0xc: {  	[smem:$0x3FB2] =	sst s4  }
0xd: {  	[smem:$0x3FB3] =	sst s5  }
0xe: {  	[smem:$0x3FB4] =	sst s6  }
0xf: {  	[smem:$0x3FB5] =	sst s7  }
0x10: {  	[smem:$0x3FB6] =	sst s8  }
0x11: {  	[smem:$0x3FB7] =	sst s9;
	s0 =	simm.s32 @!p0 $0x0  }
0x12: {  	s1 =	sld [smem:$0x3F9D];
	s0 =	simm.s32 @p0 $0x1  }
0x13: {  	[smem:$0x3FB8] =	sst s0;
	s0 =	simm.s32 @!p1 $0x0  }
0x14: {  	s2 =	sld [smem:$0x3F9C];
	s0 =	simm.s32 @p1 $0x1  }
0x15: {  	[smem:$0x3FB9] =	sst s0;
	s0 =	simm.s32 @!p2 $0x0  }
0x16: {  	s3 =	sld [smem:$0x3FDB];
	s0 =	simm.s32 @p2 $0x1  }
0x17: {  	s4 =	simm.s32 $0x1BF5;
	[smem:$0x3FBB] =	sst s0  }
0x18: {  	s0 =	sld [smem:$0x3F9E];
	_ =	swait.ge [sflag:s4], $0x0  }
0x19: {  	s7 =	sld [smem:$0x3F9F]  }
0x1a: {  	s8 =	sadd.s32 $0xFFFFE003, lr  }
0x1b: {  	s9 =	sadd.s32 $0xFFFFFEF7, lr;
	s5 =	simm.s32 $0xFFFFFFFF;
	p2 =	slt.u32 s8, $0xFFFFF086  }
0x1c: {  	p1 =	slt.u32 s9, $0xF7A;
	s5 =	simm.s32 @!p2 $0x0  }
0x1d: {  	s5 =	simm.s32 @p1 $0x1;
	p0 =	seq.s32 s7, s2  }
0x1e: {  	s7 =	smul.u32 @!p0 $0xF7A, s2;
	p2 =	seq.s32 @!p0 s5, $0x0  }
0x1f: {  	s9 =	smul.u32 $0xF7A, s1;
	s8 =	simm.s32 @!p0 $0x1BF5;
	p2 =	por !p2, p0  }
0x20: {  	[sflag:s8] =	ssyncset.s32 @!p0 $0xFFFFF086;
	s6 =	sadd.s32 @!p0 s3, s7;
	s7 =	simm.s32 @!p0 $0x108  }
0x21: {  	s3 =	sadd.s32 s3, s9;
	s6 =	sadd.s32 @!p0 $0x88, s6;
	s7 =	simm.s32 @p2 $0x1082  }
0x22: {  	[simem:s7], [sflag:s8] =	dma.local @!p0 [hbm:s6], $0xF7A  }
0x23: {  	s9 =	sor.u32 $0xD0000000, s2;
	s6 =	simm.s32 $0x108;
	_ =	swait.ge @!p0 [sflag:s8], $0x0  }
0x24: {  	s3 =	sadd.s32 $0x88, s3;
	s6 =	simm.s32 @!p1 $0x1082;
	[sflag:s4] =	ssyncset.s32 $0xFFFFF086  }
0x25: {  	[simem:s6], [sflag:s4] =	dma.local [hbm:s3], $0xF7A  }
0x26: {  	[smem:$0x3F9F] =	sst s1;
	(tag) =	ssettag s2;
	_ =	strace s9  }
0x27: {  	s1 =	sld [smem:$0x3FAF]  }
0x28: {  	s2 =	sld [smem:$0x3FB0]  }
0x29: {  	s4 =	sld [smem:$0x3FB2]  }
0x2a: {  	p0 =	seq.s32 s5, $0x0;
	s5 =	sld [smem:$0x3FB3]  }
0x2b: {  	s6 =	sld [smem:$0x3FB4]  }
0x2c: {  	s7 =	sld [smem:$0x3FB5]  }
0x2d: {  	s3 =	simm.s32 $0x108;
	s8 =	sld [smem:$0x3FB6]  }
0x2e: {  	s3 =	simm.s32 @!p0 $0x1082;
	s9 =	sld [smem:$0x3FB7]  }
0x2f: {  	lr =	sadd.s32 s0, s3;
	s0 =	sld [smem:$0x3FAE]  }
0x30: {  	s3 =	sld [smem:$0x3FB1]  }
0x31: {  	[smem:$0x3FBA] =	sst s10  }
0x32: {  	s10 =	sld [smem:$0x3FB8];
	_ =	sdelay $0x3  }
0x33: {  	p0 =	seq.s32 s10, $0x1;
	s10 =	sld [smem:$0x3FBA];
	_ =	sdelay $0x3  }
0x34: {  	[smem:$0x3FBA] =	sst s10  }
0x35: {  	s10 =	sld [smem:$0x3FB9];
	_ =	sdelay $0x3  }
0x36: {  	p1 =	seq.s32 s10, $0x1;
	s10 =	sld [smem:$0x3FBA];
	_ =	sdelay $0x3  }
0x37: {  	[smem:$0x3FBA] =	sst s10  }
0x38: {  	s10 =	sld [smem:$0x3FBB]  }
0x39: {  	_ = 	snop;
	(pc) =	sbr.ind lr, $3  }
0x3a: {  	_ = 	snop  }
0x3b: {  	_ = 	snop  }
0x3c: {  	p2 =	seq.s32 s10, $0x1;
	s10 =	sld [smem:$0x3FBA]  }
0x3d: {  	_ =	shalt  }
0x3e: {  	_ =	shalt  }
0x3f: {  	_ =	shalt  }
0x40: {  	_ =	shalt  }
0x41: {  	_ =	shalt  }
0x42: {  	_ =	shalt  }
0x43: {  	_ =	shalt  }
0x44: {  	_ =	shalt  }
0x45: {  	_ =	shalt  }
0x46: {  	_ =	shalt  }
0x47: {  	_ =	shalt  }
0x48: {  	_ =	shalt  }
0x49: {  	_ =	shalt  }
0x4a: {  	_ =	shalt  }
0x4b: {  	_ =	shalt  }
0x4c: {  	_ =	shalt  }
0x4d: {  	_ =	shalt  }
0x4e: {  	_ =	shalt  }
0x4f: {  	_ =	shalt  }
0x50: {  	_ =	shalt  }
0x51: {  	_ =	shalt  }
0x52: {  	_ =	shalt  }
0x53: {  	_ =	shalt  }
0x54: {  	_ =	shalt  }
0x55: {  	_ =	shalt  }
0x56: {  	_ =	shalt  }
0x57: {  	_ =	shalt  }
0x58: {  	_ =	shalt  }
0x59: {  	_ =	shalt  }
0x5a: {  	_ =	shalt  }
0x5b: {  	_ =	shalt  }
0x5c: {  	_ =	shalt  }
0x5d: {  	_ =	shalt  }
0x5e: {  	_ =	shalt  }
0x5f: {  	_ =	shalt  }
0x60: {  	_ =	shalt  }
0x61: {  	_ =	shalt  }
0x62: {  	_ =	shalt  }
0x63: {  	_ =	shalt  }
0x64: {  	_ =	shalt  }
0x65: {  	_ =	shalt  }
0x66: {  	_ =	shalt  }
0x67: {  	_ =	shalt  }
0x68: {  	_ =	shalt  }
0x69: {  	_ =	shalt  }
0x6a: {  	_ =	shalt  }
0x6b: {  	_ =	shalt  }
0x6c: {  	_ =	shalt  }
0x6d: {  	_ =	shalt  }
0x6e: {  	_ =	shalt  }
0x6f: {  	_ =	shalt  }
0x70: {  	_ =	shalt  }
0x71: {  	_ =	shalt  }
0x72: {  	_ =	shalt  }
0x73: {  	_ =	shalt  }
0x74: {  	_ =	shalt  }
0x75: {  	_ =	shalt  }
0x76: {  	_ =	shalt  }
0x77: {  	_ =	shalt  }
0x78: {  	_ =	shalt  }
0x79: {  	_ =	shalt  }
0x7a: {  	_ =	shalt  }
0x7b: {  	_ =	shalt  }
0x7c: {  	_ =	shalt  }
0x7d: {  	_ =	shalt  }
0x7e: {  	_ =	shalt  }
0x7f: {  	_ =	shalt  }
0x80: {  	_ =	shalt  }
0x81: {  	_ =	shalt  }
0x82: {  	_ =	shalt  }
0x83: {  	_ =	shalt  }
0x84: {  	_ =	shalt  }
0x85: {  	_ =	shalt  }
0x86: {  	_ =	shalt  }
0x87: {  	_ =	shalt  }
.Lfunc_end0:
.L_simem_size_0:
called_computation_lowered:
.L_overlay_start_0:
0x88: {  	s2 =	sld [smem:$0x3FD9]  }
0x89: {  	s3 =	sld [smem:$0x3FFE];
	_ =	sdelay $0x1  }
0x8a: {  	s1 =	srdreg.scid  }
0x8b: {  	s0 =	sand.u32 $0x1, s1  }
0x8c: {  	s18 =	sshll.u32 s0, $0xA;
	s2 =	sadd.s32 s3, s2  }
0x8d: {  	s2 =	sadd.s32 s2, s18  }
0x8e: {  	[smem:$0x3FC6] =	sst s2  }
0x8f: {  	_ = 	snop  }
0x90: {  	s2 =	sld [smem:$0x3FC9]  }
0x91: {  	s19 =	sld [smem:$0x3FD0];
	(tm) =	ssettm $0x1  }
0x92: {  	s4 =	sld [smem:$0x3FFB];
	_ =	sdelay $0x3  }
0x93: {  	_ =	strace s4  }
0x94: {  	s4 =	sld [smem:$0x3FFC];
	_ =	sdelay $0x3  }
0x95: {  	_ =	strace s4  }
0x96: {  	s4 =	sld [smem:$0x3FFD];
	_ =	sdelay $0x3  }
0x97: {  	_ =	strace s4  }
0x98: {  	_ =	strace $0x8FFFFFFF  }
0x99: {  	s20 =	sld [smem:$0x3FDB];
	_ =	sdelay $0x1  }
0x9a: {  	s5 =	simm.s32 $_scs_section_size  }
0x9b: {  	s6 =	simm.s32 $_size__tile_overlayer_lowered;
	s7 =	simm.s32 $_tile_overlayer_lowered  }
0x9c: {  	s23 =	simm.s32 $0x1BFF;
	s22 =	sshll.u32 s7, $0x1;
	s4 =	sadd.s32 s5, s20  }
0x9d: {  	s8 =	simm.s32 $0x0;
	s21 =	sshll.u32 s6, $0x1;
	s6 =	sadd.s32 s22, s4  }
0x9e: {  	[timem:s8], [sflag:s23] =	dma.local [hbm:s6], s21  }
0x9f: {  	_ =	swait.ge [sflag:s23], s21  }
0xa0: {  	s5 =	ssub.s32 $0x0, s21;
	[sflag:s23] =	ssyncset.done $0x0  }
0xa1: {  	[sflag:s23] =	ssyncadd.s32 s5;
	_ =	sdelay $0x1  }
0xa2: {  	s24 =	simm.s32 $0x1B8B  }
0xa3: {  	_ =	swait.ge [sflag:s24], $0x1  }
0xa4: {  	[sflag:s24] =	ssyncset.done $0x0  }
0xa5: {  	s25 =	simm.s32 $0x1B8E;
	[sflag:s24] =	ssyncadd.s32 $0xFFFFFFFF  }
0xa6: {  	s26 =	simm.s32 $execute0_lowered;
	[smem:$0x3FD2] =	sst s25  }
0xa7: {  	s5 =	sshll.u32 s26, $0x1;
	_ =	strace $0x80000046;
	[dreg:$0x1] =	wrdreg $0xFFFFFFFF  }
0xa8: {  	s28 =	simm.s32 $_size_execute0_lowered;
	s4 =	sadd.s32 s4, s5;
	[dreg:$0x0] =	wrdreg $0x0  }
0xa9: {  	s5 =	sshll.u32 s28, $0x1;
	[dreg:$0x2] =	wrdreg s4  }
0xaa: {  	[dreg:$0x3] =	wrdreg s5  }
0xab: {  	[dreg:$0x4] =	wrdreg $0xC0  }
0xac: {  	_ =	task [dreg:s8], $0x5FFFF  }
0xad: {  	[dreg:$0x1] =	wrdreg $0xFFFFFFFF  }
0xae: {  	[dreg:$0x0] =	wrdreg $0x60  }
0xaf: {  	[dreg:$0x2] =	wrdreg s2  }
0xb0: {  	[dreg:$0x3] =	wrdreg s19  }
0xb1: {  	[dreg:$0x4] =	wrdreg $0x9  }
0xb2: {  	_ =	task.clear_ibuf [dreg:s8], $0x5FFFF;
	_ =	strace $0x90000046  }
0xb3: {  	s29 =	simm.s32 $0x9;
	_ =	strace $0x80000048  }
0xb4: {  	_ =	swait.ge [sflag:s29], $0x1  }
0xb5: {  	[sflag:s29] =	ssyncadd.s32 $0xFFFFFFFF  }
0xb6: {  	_ =	strace $0x90000048  }
0xb7: {  	_ =	sfence  }
0xb8: {  	s30 =	sld [smem:$0x0];
	_ =	sdelay $0x2  }
0xb9: {  	s31 =	sshll.u32 s1, $0xD;
	s1 =	sshrl.u32 s1, $0x2  }
0xba: {  	s3 =	sand.u32 $0x4000, s31;
	s1 =	sadd.s32 s1, s30  }
0xbb: {  	s0 =	sor.u32 s3, s0;
	s1 =	sshll.u32 s1, $0x11  }
0xbc: {  	s0 =	sor.u32 s1, s0  }
0xbd: {  	s0 =	sadd.s32 $0x8F2B, s0  }
0xbe: {  	[sflag:s0] =	ssyncadd.remote.s32 $0x1  }
0xbf: {  	_ =	sfence.sel $0xFFFF  }
0xc0: {  	[dreg:$0x0] =	wrdreg $0xFFFFFFFF;
	(pc) =	sbr.abs _section_cstart, $3  }
0xc1: {  	[dreg:$0x1] =	wrdreg $0xFFFFFFFF  }
0xc2: {  	_ =	task.clear_ibuf [dreg:s8], $0x2FFFF;
	_ =	strace $0x9FFFFFFF  }
0xc3: {  	(tm) =	ssettm $0x7FFFFFFF  }
tec
execute0_lowered:
.L_overlay_start_1:
0x0: {  	(tag) =	ssettag $0x1  }
0x1: {  	s1 =	rddreg [dreg:$0x0]  }
0x2: {  	s3 =	rddreg [dreg:$0x1]  }
0x3: {  	s0 =	srdreg.scid;
	s4 =	simm.s32 $0x0;
	s5 =	stileid.u32  }
0x4: {  	s19 =	simm.s32 $0x1;
	s21 =	simm.s32 $0xA000;
	s22 =	simm.s32 $0xC000  }
0x5: {  	s23 =	simm.s32 $0xE000;
	s24 =	simm.s32 $0x10000;
	s0 =	sand.u32 $0x1, s0  }
0x6: {  	[smem:$0x7FF] =	sst s4;
	s5 =	sshll.u32 s5, $0x1;
	s2 =	ssub.s32 $0x2, s0  }
0x7: {  	s8 =	sadd.s32 $0x100000, s1;
	s0 =	sor.u32 s0, s5;
	s6 =	sshrl.u32 s2, $0x1  }
0x8: {  	s9 =	sadd.s32 $0x200000, s1;
	s2 =	ssub.s32 s2, s6;
	s6 =	sshll.u32 s0, $0xF  }
0x9: {  	_ =	strace $0x80000047;
	s5 =	sshll.u32 s0, $0x14;
	s0 =	sadd.s32 s1, s6  }
.Ltmp0:
0xa: {  	v0 =	vlaneseq.u32;
	s28 =	sadd.s32 s6, s8;
	[dreg:$0x3] =	wrdreg s0;
	(pc) =	sbr.rel .LBB2_1-.Ltmp0, $4  }
0xb: {  	s12 =	sadd.s32 $0x300000, s1;
	v0 =	vmul.u32 $0x4, v0;
	s29 =	sadd.s32 s6, s9;
	[dreg:$0x4] =	wrdreg s28  }
0xc: {  	v1 =	vimm.s32 $0x0;
	vm0 =	vcmask $0x300;
	s25 =	simm.s32 $0x18000;
	s30 =	sadd.s32 s6, s12;
	[dreg:$0x5] =	wrdreg s29  }
0xd: {  	s26 =	simm.s32 $0x2;
	v1 =	vsel vm0, $0x7, v1;
	v2 =	vor.u32 $0x40, v0;
	s31 =	smax.u32 s2, $0x1;
	[dreg:$0x6] =	wrdreg s30  }
0xe: {  	v3 =	vor.u32 $0x41, v0;
	v4 =	vor.u32 $0x42, v0;
	v5 =	vor.u32 $0x43, v0;
	s14 =	sor.u32 $0x800, s6;
	s2 =	simm.s32 $0x0;
	[dreg:$0x7] =	wrdreg s31  }
.LBB2_27:
0xf: {  	_ =	swait.ge [sflag:s26], $0x8000  }
0x10: {  	[sflag:s26] =	ssyncset.done $0x0  }
0x11: {  	[sflag:s26] =	ssyncadd.s32 $0xFFFF8000  }
0x12: {  	_ =	swait.ge [sflag:s26], $0x8000  }
0x13: {  	s2 =	rddreg [dreg:$0x8]  }
0x14: {  	s0 =	rddreg [dreg:$0x7];
	s2 =	sadd.s32 $0x1, s2  }
0x15: {  	p0 =	sne.s32 s2, s0  }
.Ltmp1:
0x16: {  	_ = 	snop;
	(pc) =	sbr.rel @!p0 .LBB2_28-.Ltmp1, $3  }
0x17: {  	_ =	sdelay $0x1  }
0x18: {  	[sflag:s26] =	ssyncset.done $0x0  }
0x19: {  	[sflag:s26] =	ssyncadd.s32 $0xFFFF8000  }
.LBB2_1:
0x1a: {  	[dreg:$0x8] =	wrdreg s2  }
0x1b: {  	s0 =	rddreg [dreg:$0x3]  }
0x1c: {  	[tilespmem:s4], [sflag:$0x1] =	stream.linear.gather [hbm4b:s0+s4], $0x2000, $0x38;
	v63 =	vld [tilespmem:$0x0]  }
0x1d: {  	s17 =	rddreg [dreg:$0x4];
	s18 =	simm.s32 $0x2000  }
0x1e: {  	[tilespmem:s18], [sflag:$0x1] =	stream.linear.gather [hbm4b:s17+s4], $0x2000, $0x38;
	v63 =	vld [tilespmem:$0x0]  }
0x1f: {  	s20 =	rddreg [dreg:$0x5];
	s28 =	simm.s32 $0x4000  }
0x20: {  	[tilespmem:s28], [sflag:$0x1] =	stream.linear.gather [hbm4b:s20+s4], $0x2000, $0x38;
	v63 =	vld [tilespmem:$0x0]  }
0x21: {  	s30 =	rddreg [dreg:$0x6];
	s31 =	simm.s32 $0x6000;
	s29 =	simm.s32 $0x0  }
0x22: {  	[tilespmem:s31], [sflag:$0x1] =	stream.linear.gather [hbm4b:s30+s4], $0x2000, $0x38;
	v63 =	vld [tilespmem:$0x0]  }
.LBB2_2:
0x23: {  	_ =	swait.ge [sflag:s19], $0x2000  }
0x24: {  	[sflag:s19] =	ssyncset.done $0x0  }
0x25: {  	[sflag:s19] =	ssyncadd.s32 $0xFFFFE000  }
0x26: {  	_ =	swait.ge [sflag:s19], $0x2000  }
0x27: {  	[sflag:s19] =	ssyncset.done $0x0  }
0x28: {  	[sflag:s19] =	ssyncadd.s32 $0xFFFFE000  }
0x29: {  	_ =	swait.ge [sflag:s19], $0x2000  }
0x2a: {  	[sflag:s19] =	ssyncset.done $0x0  }
0x2b: {  	s30 =	sshllo.u32 s29, $0x1;
	[sflag:s19] =	ssyncadd.s32 $0xFFFFE000  }
0x2c: {  	s0 =	sshll.u32 s30, $0xA;
	_ =	swait.ge [sflag:s19], $0x2000  }
0x2d: {  	s0 =	sadd.s32 s6, s0;
	[sflag:s19] =	ssyncset.done $0x0  }
0x2e: {  	s7 =	simm.s32 $0x8000;
	s2 =	sadd.s32 s1, s0;
	[sflag:s19] =	ssyncadd.s32 $0xFFFFE000  }
0x2f: {  	[tilespmem:s7], [sflag:$0x1] =	stream.linear.gather [hbm4b:s2+s4], $0x2000, $0x38;
	v63 =	vld [tilespmem:$0x0]  }
0x30: {  	s11 =	sadd.s32 s8, s0  }
0x31: {  	[tilespmem:s21], [sflag:$0x1] =	stream.linear.gather [hbm4b:s11+s4], $0x2000, $0x38;
	v63 =	vld [tilespmem:$0x0]  }
0x32: {  	s13 =	sadd.s32 s9, s0  }
0x33: {  	[tilespmem:s22], [sflag:$0x1] =	stream.linear.gather [hbm4b:s13+s4], $0x2000, $0x38;
	v63 =	vld [tilespmem:$0x0]  }
0x34: {  	s15 =	simm.s32 $0x0;
	s0 =	sadd.s32 s12, s0  }
0x35: {  	[tilespmem:s23], [sflag:$0x1] =	stream.linear.gather [hbm4b:s0+s4], $0x2000, $0x38;
	v63 =	vld [tilespmem:$0x0]  }
0x36: {  	s16 =	simm.s32 $0x0;
	s0 =	sand.u32 $0x38, s15  }
0x37: {  	p0 =	seq.s32 s29, $0x0;
	s2 =	sand.u32 $0xFFFFF000, s16;
	s17 =	sshll.u32 s0, $0x6  }
0x38: {  	s7 =	simm.s32 @!p0 $0x2;
	s2 =	sor.u32 s17, s2  }
0x39: {  	s10 =	sor.u32 $0x80, s2;
	v6 =	vmov s2;
	s11 =	sor.u32 $0x100, s2;
	s13 =	sor.u32 $0x180, s2  }
0x3a: {  	_ =	swait.ge @!p0 [sflag:s7], $0x8000;
	v7 =	vmov s10;
	v8 =	vmov s11;
	v9 =	vmov s13  }
0x3b: {  	s15 =	simm.s32 $0x0;
	s0 =	sshll.u32 s0, $0x7;
	[sflag:s7] =	ssyncset.done @!p0 $0x0;
	v6 =	vshrl.u32 v6, $0x7;
	v11 =	vor.u32 s10, v0;
	v9 =	vshrl.u32 v9, $0x7  }
0x3c: {  	s15 =	sand.u32 $0x3FFFFF80, s15;
	[sflag:s7] =	ssyncadd.s32 @!p0 $0xFFFF8000;
	s7 =	simm.s32 $0x8;
	v12 =	vor.u32 s13, v0;
	v7 =	vshrl.u32 v7, $0x7;
	v9 =	vshll.u32 v9, v1  }
0x3d: {  	s16 =	simm.s32 $0x200;
	s0 =	sadd.s32 s15, s0;
	s18 =	sand.u32 $0x38, s7;
	v8 =	vshrl.u32 v8, $0x7;
	v10 =	vshll.u32 v6, v1;
	v9 =	vbroadcast v9, $0x0  }
0x3e: {  	s20 =	sand.u32 $0xFFFFF000, s16;
	v17 =	vld [tilespmem:s0+$0x70];
	s28 =	sshll.u32 s18, $0x6;
	v7 =	vshll.u32 v7, v1;
	v6 =	vshll.u32 v8, v1;
	v8 =	vbroadcast v10, $0x0  }
0x3f: {  	v26 =	vld [tilespmem:s0+$0x0];
	v10 =	vor.u32 s11, v0;
	s10 =	sor.u32 s28, s20;
	v7 =	vbroadcast v7, $0x0;
	v21 =	vor.u32 v2, v9  }
0x40: {  	v18 =	vld [tilespmem:s0+$0x10];
	v6 =	vbroadcast v6, $0x0;
	v22 =	vmov s10;
	s17 =	sor.u32 $0x80, s10;
	s16 =	sor.u32 $0x100, s10;
	v27 =	vor.u32 v0, v8  }
0x41: {  	v15 =	vld [tilespmem:s0+$0x20];
	s10 =	sor.u32 $0x180, s10;
	v19 =	vor.u32 v2, v8;
	v16 =	vmov s17;
	v23 =	vmov s16  }
0x42: {  	v20 =	vld [tilespmem:s0+$0x30];
	v24 =	vmov s10;
	v13 =	vor.u32 v2, v7;
	v14 =	vor.u32 v2, v6  }
0x43: {  	v25 =	vshrl.u32 v16, $0x7;
	v23 =	vshrl.u32 v23, $0x7;
	v24 =	vshrl.u32 v24, $0x7;
	v16 =	vld [tilespmem:s0+$0x40]  }
0x44: {  	s31 =	simm.s32 $0x10;
	v24 =	vshll.u32 v24, v1;
	v23 =	vshll.u32 v23, v1;
	[tilespmem:v21+s24+$0x0] =	vst.idx.msk $0xffff, v17;
	v17 =	vshrl.u32 v22, $0x7;
	v21 =	vld [tilespmem:s0+$0x50]  }
0x45: {  	s15 =	sand.u32 $0x3FFFFF80, s31;
	s13 =	sshll.u32 s18, $0x7;
	v24 =	vbroadcast v24, $0x0;
	[tilespmem:v27+s24+$0x0] =	vst.idx.msk $0xffff, v26;
	v22 =	vshll.u32 v25, v1;
	v25 =	vshll.u32 v17, v1;
	v17 =	vld [tilespmem:s0+$0x60]  }
.LBB2_3:
0x46: {  	s7 =	sadd.s32 $0x8, s7  }
0x47: {  	s11 =	sadd.s32 s15, s13;
	v26 =	vor.u32 s17, v0;
	v22 =	vbroadcast v22, $0x0;
	v23 =	vbroadcast v23, $0x0;
	[tilespmem:v19+s24+$0x0] =	vst.idx.msk $0xffff, v18;
	v27 =	vmovc v12;
	s13 =	sand.u32 $0x38, s7;
	s15 =	sshll.u32 s7, $0x6  }
0x48: {  	v19 =	vbroadcast v25, $0x0;
	v25 =	vor.u32 s16, v0;
	p0 =	slt.u32 s7, $0x1F8;
	v28 =	vld [tilespmem:s11+$0x70];
	v24 =	vor.u32 v2, v24;
	[tilespmem:v13+s24+$0x0] =	vst.idx.msk $0xffff, v20;
	s15 =	sand.u32 $0xFFFFF000, s15;
	s16 =	sshll.u32 s13, $0x6  }
0x49: {  	v12 =	vor.u32 s10, v0;
	v29 =	vld [tilespmem:s11+$0x0];
	v13 =	vor.u32 v2, v22;
	v22 =	vor.u32 v2, v23;
	[tilespmem:v11+s24+$0x0] =	vst.idx.msk $0xffff, v15;
	s10 =	sor.u32 s16, s15  }
0x4a: {  	v30 =	vor.u32 v0, v19;
	v19 =	vor.u32 v2, v19;
	v11 =	vmov v26;
	v18 =	vld [tilespmem:s11+$0x10];
	[tilespmem:v14+s24+$0x0] =	vst.idx.msk $0xffff, v21;
	s17 =	sor.u32 $0x80, s10  }
.Ltmp2:
0x4b: {  	v21 =	vmov s10;
	s16 =	sor.u32 $0x100, s10;
	s10 =	sor.u32 $0x180, s10;
	v15 =	vld [tilespmem:s11+$0x20];
	[tilespmem:v10+s24+$0x0] =	vst.idx.msk $0xffff, v16;
	(pc) =	sbr.rel @p0 .LBB2_3-.Ltmp2, $4  }
0x4c: {  	v14 =	vmovc v22;
	v10 =	vmovc v25;
	v16 =	vmov s17;
	v23 =	vmov s16;
	v26 =	vmov s10;
	v20 =	vld [tilespmem:s11+$0x30]  }
0x4d: {  	v22 =	vshrl.u32 v16, $0x7;
	v23 =	vshrl.u32 v23, $0x7;
	v25 =	vshrl.u32 v26, $0x7;
	v16 =	vld [tilespmem:s11+$0x40];
	[tilespmem:v24+s24+$0x0] =	vst.idx.msk $0xffff, v28  }
0x4e: {  	s15 =	sshll.u32 s7, $0x1;
	v24 =	vshrl.u32 v21, $0x7;
	v22 =	vshll.u32 v22, v1;
	v26 =	vshll.u32 v25, v1;
	v21 =	vld [tilespmem:s11+$0x50];
	[tilespmem:v27+s24+$0x0] =	vst.idx.msk $0xffff, v17  }
0x4f: {  	s13 =	sshll.u32 s13, $0x7;
	s15 =	sand.u32 $0x3FFFFF80, s15;
	v25 =	vshll.u32 v24, v1;
	v23 =	vshll.u32 v23, v1;
	v24 =	vbroadcast v26, $0x0;
	[tilespmem:v30+s24+$0x0] =	vst.idx.msk $0xffff, v29;
	v17 =	vld [tilespmem:s11+$0x60]  }
0x50: {  	_ =	sdelay $0x3  }
0x51: {  	s7 =	sadd.s32 s15, s13;
	[tilespmem:v19+s24+$0x0] =	vst.idx.msk $0xffff, v18;
	v18 =	vbroadcast v25, $0x0  }
0x52: {  	[tilespmem:v11+s24+$0x0] =	vst.idx.msk $0xffff, v15;
	v19 =	vld [tilespmem:s7+$0x70];
	v24 =	vor.u32 v2, v24  }
0x53: {  	[tilespmem:v13+s24+$0x0] =	vst.idx.msk $0xffff, v20;
	v20 =	vld [tilespmem:s7+$0x0];
	v11 =	vor.u32 v0, v18  }
0x54: {  	v13 =	vbroadcast v22, $0x0;
	v15 =	vld [tilespmem:s7+$0x10];
	v18 =	vor.u32 v2, v18;
	[tilespmem:v10+s24+$0x0] =	vst.idx.msk $0xffff, v16  }
0x55: {  	v58 =	vld [tilespmem:s7+$0x20];
	v16 =	vor.u32 s17, v0;
	[tilespmem:v14+s24+$0x0] =	vst.idx.msk $0xffff, v21  }
0x56: {  	v10 =	vld [tilespmem:s7+$0x30];
	v14 =	vbroadcast v23, $0x0;
	v13 =	vor.u32 v2, v13;
	[tilespmem:v12+s24+$0x0] =	vst.idx.msk $0xffff, v17  }
0x57: {  	v12 =	vor.u32 s16, v0;
	v17 =	vld [tilespmem:s7+$0x40];
	[tilespmem:v24+s24+$0x0] =	vst.idx.msk $0xffff, v19  }
0x58: {  	v14 =	vor.u32 v2, v14;
	v19 =	vld [tilespmem:s7+$0x50];
	[tilespmem:v11+s24+$0x0] =	vst.idx.msk $0xffff, v20  }
0x59: {  	v11 =	vor.u32 s10, v0;
	v20 =	vld [tilespmem:s7+$0x60];
	[tilespmem:v18+s24+$0x0] =	vst.idx.msk $0xffff, v15  }
0x5a: {  	[tilespmem:v16+s24+$0x0] =	vst.idx.msk $0xffff, v58  }
0x5b: {  	[tilespmem:v13+s24+$0x0] =	vst.idx.msk $0xffff, v10  }
0x5c: {  	[tilespmem:v12+s24+$0x0] =	vst.idx.msk $0xffff, v17  }
0x5d: {  	[tilespmem:v14+s24+$0x0] =	vst.idx.msk $0xffff, v19  }
0x5e: {  	s7 =	simm.s32 $0x8;
	[tilespmem:v11+s24+$0x0] =	vst.idx.msk $0xffff, v20  }
0x5f: {  	s20 =	sor.u32 $0x1, s2;
	s28 =	simm.s32 $0x200;
	v15 =	vor.u32 v3, v9;
	s13 =	sand.u32 $0x38, s7;
	v14 =	vld [tilespmem:s0+$0x2070]  }
0x60: {  	s18 =	sor.u32 $0x181, s2;
	v59 =	vor.u32 v3, v8;
	s15 =	sand.u32 $0xFFFFF000, s28;
	v17 =	vor.u32 s20, v0;
	s17 =	sshll.u32 s13, $0x6;
	v18 =	vld [tilespmem:s0+$0x2000]  }
0x61: {  	s11 =	sor.u32 $0x81, s2;
	s31 =	sor.u32 $0x101, s2;
	v6 =	vor.u32 v3, v6;
	v8 =	vor.u32 s18, v0;
	v9 =	vor.u32 v3, v7;
	s10 =	sor.u32 s17, s15;
	v20 =	vld [tilespmem:s0+$0x2010]  }
0x62: {  	v7 =	vor.u32 s31, v0;
	v10 =	vor.u32 s11, v0;
	v16 =	vmov s10;
	s20 =	sor.u32 $0x80, s10;
	s11 =	sor.u32 $0x100, s10;
	s28 =	sor.u32 $0x180, s10;
	v12 =	vld [tilespmem:s0+$0x2020]  }
0x63: {  	v13 =	vmov s20;
	v19 =	vmov s11;
	v60 =	vmov s28;
	v11 =	vld [tilespmem:s0+$0x2030]  }
0x64: {  	s31 =	simm.s32 $0x10;
	v61 =	vshrl.u32 v13, $0x7;
	v62 =	vshrl.u32 v19, $0x7;
	v19 =	vshrl.u32 v60, $0x7;
	v13 =	vld [tilespmem:s0+$0x2040];
	[tilespmem:v15+s24+$0x0] =	vst.idx.msk $0xffff, v14  }
0x65: {  	s13 =	sshll.u32 s13, $0x7;
	s15 =	sand.u32 $0x3FFFFF80, s31;
	s16 =	sor.u32 $0x81, s10;
	v22 =	vshll.u32 v19, v1;
	v15 =	vshrl.u32 v16, $0x7;
	v16 =	vshll.u32 v61, v1;
	[tilespmem:v17+s24+$0x0] =	vst.idx.msk $0xffff, v18;
	v14 =	vld [tilespmem:s0+$0x2050]  }
0x66: {  	s2 =	sor.u32 $0x101, s10;
	s11 =	sor.u32 $0x1, s10;
	s10 =	sor.u32 $0x181, s10;
	v17 =	vshll.u32 v62, v1;
	v18 =	vbroadcast v22, $0x0;
	[tilespmem:v59+s24+$0x0] =	vst.idx.msk $0xffff, v20;
	v19 =	vshll.u32 v15, v1;
	v15 =	vld [tilespmem:s0+$0x2060]  }
.LBB2_5:
0x67: {  	s7 =	sadd.s32 $0x8, s7  }
0x68: {  	s0 =	sadd.s32 s15, s13;
	v20 =	vor.u32 s11, v0;
	v16 =	vbroadcast v16, $0x0;
	v17 =	vbroadcast v17, $0x0;
	[tilespmem:v10+s24+$0x0] =	vst.idx.msk $0xffff, v12;
	s13 =	sand.u32 $0x38, s7;
	s11 =	sshll.u32 s7, $0x6  }
0x69: {  	v12 =	vbroadcast v19, $0x0;
	v10 =	vor.u32 s16, v0;
	p0 =	slt.u32 s7, $0x1F8;
	v19 =	vld [tilespmem:s0+$0x2070];
	v18 =	vor.u32 v3, v18;
	[tilespmem:v9+s24+$0x0] =	vst.idx.msk $0xffff, v11;
	s11 =	sand.u32 $0xFFFFF000, s11;
	s15 =	sshll.u32 s13, $0x6  }
0x6a: {  	v21 =	vld [tilespmem:s0+$0x2000];
	v9 =	vor.u32 v3, v16;
	v11 =	vor.u32 v3, v17;
	[tilespmem:v7+s24+$0x0] =	vst.idx.msk $0xffff, v13;
	v7 =	vor.u32 s2, v0;
	s15 =	sor.u32 s15, s11  }
0x6b: {  	v23 =	vor.u32 v3, v12;
	v13 =	vor.u32 s10, v0;
	v22 =	vld [tilespmem:s0+$0x2010];
	[tilespmem:v6+s24+$0x0] =	vst.idx.msk $0xffff, v14;
	v6 =	vmov v11;
	s2 =	sor.u32 $0x80, s15  }
.Ltmp3:
0x6c: {  	v14 =	vmov s15;
	s10 =	sor.u32 $0x100, s15;
	s17 =	sor.u32 $0x180, s15;
	v12 =	vld [tilespmem:s0+$0x2020];
	[tilespmem:v8+s24+$0x0] =	vst.idx.msk $0xffff, v15;
	(pc) =	sbr.rel @p0 .LBB2_5-.Ltmp3, $4  }
0x6d: {  	s11 =	sor.u32 $0x1, s15;
	s16 =	sor.u32 $0x81, s15;
	v8 =	vmovc v13;
	v15 =	vmov s2;
	s2 =	sor.u32 $0x101, s15;
	v16 =	vmov s10;
	v17 =	vmov s17;
	v11 =	vld [tilespmem:s0+$0x2030]  }
0x6e: {  	s10 =	sor.u32 $0x181, s15;
	v15 =	vshrl.u32 v15, $0x7;
	v24 =	vshrl.u32 v16, $0x7;
	v17 =	vshrl.u32 v17, $0x7;
	v13 =	vld [tilespmem:s0+$0x2040];
	[tilespmem:v18+s24+$0x0] =	vst.idx.msk $0xffff, v19  }
0x6f: {  	s15 =	sshll.u32 s7, $0x1;
	v18 =	vshrl.u32 v14, $0x7;
	v16 =	vshll.u32 v15, v1;
	v15 =	vshll.u32 v17, v1;
	[tilespmem:v20+s24+$0x0] =	vst.idx.msk $0xffff, v21;
	v14 =	vld [tilespmem:s0+$0x2050]  }
0x70: {  	s13 =	sshll.u32 s13, $0x7;
	s15 =	sand.u32 $0x3FFFFF80, s15;
	v19 =	vshll.u32 v18, v1;
	v17 =	vshll.u32 v24, v1;
	v18 =	vbroadcast v15, $0x0;
	[tilespmem:v23+s24+$0x0] =	vst.idx.msk $0xffff, v22;
	v15 =	vld [tilespmem:s0+$0x2060]  }
0x71: {  	_ =	sdelay $0x2  }
0x72: {  	s0 =	sadd.s32 s15, s13  }
0x73: {  	[tilespmem:v10+s24+$0x0] =	vst.idx.msk $0xffff, v12;
	v10 =	vbroadcast v19, $0x0;
	v55 =	vld [tilespmem:s0+$0x2070];
	v18 =	vor.u32 v3, v18  }
0x74: {  	v56 =	vor.u32 s11, v0;
	[tilespmem:v9+s24+$0x0] =	vst.idx.msk $0xffff, v11;
	v9 =	vld [tilespmem:s0+$0x2000]  }
0x75: {  	v11 =	vbroadcast v16, $0x0;
	[tilespmem:v7+s24+$0x0] =	vst.idx.msk $0xffff, v13;
	v7 =	vld [tilespmem:s0+$0x2010];
	v10 =	vor.u32 v3, v10  }
0x76: {  	v57 =	vor.u32 s16, v0;
	s7 =	simm.s32 $0x0;
	[tilespmem:v6+s24+$0x0] =	vst.idx.msk $0xffff, v14;
	v6 =	vld [tilespmem:s0+$0x2020]  }
0x77: {  	v58 =	vbroadcast v17, $0x0;
	s17 =	simm.s32 $0x0;
	s7 =	sand.u32 $0x38, s7;
	v11 =	vor.u32 v3, v11;
	[tilespmem:v8+s24+$0x0] =	vst.idx.msk $0xffff, v15;
	v8 =	vld [tilespmem:s0+$0x2030]  }
0x78: {  	v59 =	vor.u32 s2, v0;
	v60 =	vld [tilespmem:s0+$0x2040];
	s2 =	sand.u32 $0xFFFFF000, s17;
	s18 =	sshll.u32 s7, $0x6;
	[tilespmem:v18+s24+$0x0] =	vst.idx.msk $0xffff, v55  }
0x79: {  	v61 =	vor.u32 v3, v58;
	s2 =	sor.u32 s18, s2;
	[tilespmem:v56+s24+$0x0] =	vst.idx.msk $0xffff, v9;
	v9 =	vld [tilespmem:s0+$0x2050]  }
0x7a: {  	v62 =	vor.u32 s10, v0;
	p1 =	por $0x1, $0x1;
	s28 =	sor.u32 $0x100, s2;
	[tilespmem:v10+s24+$0x0] =	vst.idx.msk $0xffff, v7;
	v7 =	vld [tilespmem:s0+$0x2060]  }
.Ltmp4:
0x7b: {  	s20 =	sor.u32 $0x80, s2;
	s11 =	sor.u32 $0x180, s2;
	v10 =	vmov s28;
	[tilespmem:v57+s24+$0x0] =	vst.idx.msk $0xffff, v6;
	(pc) =	sbr.rel @!p1 .LBB2_7-.Ltmp4, $4  }
0x7c: {  	v6 =	vmov s2;
	[tilespmem:v11+s24+$0x0] =	vst.idx.msk $0xffff, v8;
	v8 =	vmov s20;
	v11 =	vmov s11  }
0x7d: {  	s31 =	simm.s32 $0x0;
	p0 =	por $0x0, $0x0;
	[tilespmem:v59+s24+$0x0] =	vst.idx.msk $0xffff, v60;
	v10 =	vshrl.u32 v10, $0x7;
	v8 =	vshrl.u32 v8, $0x7;
	v11 =	vshrl.u32 v11, $0x7  }
0x7e: {  	s15 =	sand.u32 $0x3FFFFF80, s31;
	s13 =	sshll.u32 s7, $0x7;
	s10 =	sor.u32 $0x2, s2;
	[tilespmem:v61+s24+$0x0] =	vst.idx.msk $0xffff, v9;
	v9 =	vshrl.u32 v6, $0x7;
	v6 =	vshll.u32 v8, v1;
	v8 =	vshll.u32 v11, v1  }
0x7f: {  	s18 =	sor.u32 $0x82, s2;
	s17 =	sor.u32 $0x102, s2;
	s16 =	sor.u32 $0x182, s2;
	[tilespmem:v62+s24+$0x0] =	vst.idx.msk $0xffff, v7;
	v9 =	vshll.u32 v9, v1;
	v7 =	vshll.u32 v10, v1;
	v8 =	vbroadcast v8, $0x0  }
0x80: {  	s7 =	simm.s32 $0x8  }
0x81: {  	s11 =	sadd.s32 s15, s13;
	s31 =	simm.s32 $0x200;
	s0 =	sand.u32 $0x38, s7  }
0x82: {  	v10 =	vbroadcast v6, $0x0;
	v11 =	vbroadcast v9, $0x0;
	v18 =	vld [tilespmem:s11+$0x4070];
	v19 =	vor.u32 v4, v8;
	s20 =	sand.u32 $0xFFFFF000, s31;
	s28 =	sshll.u32 s0, $0x6  }
0x83: {  	v21 =	vor.u32 s10, v0;
	v14 =	vbroadcast v7, $0x0;
	v12 =	vor.u32 s18, v0;
	v22 =	vld [tilespmem:s11+$0x4000];
	s31 =	sor.u32 s28, s20  }
0x84: {  	p3 =	por $0x1, $0x1;
	v24 =	vld [tilespmem:s11+$0x4010];
	v13 =	vor.u32 v4, v10;
	v10 =	vor.u32 s17, v0;
	v25 =	vor.u32 v4, v11;
	s10 =	sor.u32 $0x80, s31  }
.Ltmp5:
0x85: {  	v15 =	vld [tilespmem:s11+$0x4020];
	v11 =	vor.u32 v4, v14;
	v14 =	vor.u32 s16, v0;
	v20 =	vmov s31;
	s20 =	sor.u32 $0x100, s31;
	s28 =	sor.u32 $0x180, s31;
	(pc) =	sbr.rel @!p3 .LBB2_10-.Ltmp5, $4  }
0x86: {  	v16 =	vld [tilespmem:s11+$0x4030];
	v17 =	vmov s10;
	v23 =	vmov s20;
	v26 =	vmov s28  }
0x87: {  	p2 =	por $0x1, $0x1;
	s18 =	sor.u32 $0x82, s31;
	v27 =	vshrl.u32 v17, $0x7;
	v23 =	vshrl.u32 v23, $0x7;
	v26 =	vshrl.u32 v26, $0x7;
	v17 =	vld [tilespmem:s11+$0x4040];
	[tilespmem:v19+s24+$0x0] =	vst.idx.msk $0xffff, v18  }
0x88: {  	s17 =	sor.u32 $0x102, s31;
	s16 =	sor.u32 $0x182, s31;
	s28 =	simm.s32 $0x10;
	v19 =	vshrl.u32 v20, $0x7;
	[tilespmem:v21+s24+$0x0] =	vst.idx.msk $0xffff, v22;
	v18 =	vld [tilespmem:s11+$0x4050];
	v20 =	vshll.u32 v27, v1;
	v26 =	vshll.u32 v26, v1  }
0x89: {  	s10 =	sor.u32 $0x2, s31;
	s31 =	sshll.u32 s0, $0x7;
	s0 =	sand.u32 $0x3FFFFF80, s28;
	v22 =	vshll.u32 v19, v1;
	v21 =	vshll.u32 v23, v1;
	[tilespmem:v25+s24+$0x0] =	vst.idx.msk $0xffff, v24;
	v19 =	vld [tilespmem:s11+$0x4060];
	v23 =	vbroadcast v26, $0x0  }
.LBB2_9:
0x8a: {  	s7 =	sadd.s32 $0x8, s7  }
0x8b: {  	s11 =	sadd.s32 s0, s31;
	v24 =	vor.u32 s10, v0;
	v20 =	vbroadcast v20, $0x0;
	v21 =	vbroadcast v21, $0x0;
	[tilespmem:v12+s24+$0x0] =	vst.idx.msk $0xffff, v15;
	s0 =	sand.u32 $0x38, s7;
	s10 =	sshll.u32 s7, $0x6  }
0x8c: {  	v15 =	vbroadcast v22, $0x0;
	v12 =	vor.u32 s18, v0;
	p3 =	slt.u32 s7, $0x1F8;
	v22 =	vld [tilespmem:s11+$0x4070];
	v23 =	vor.u32 v4, v23;
	[tilespmem:v13+s24+$0x0] =	vst.idx.msk $0xffff, v16;
	s10 =	sand.u32 $0xFFFFF000, s10;
	s18 =	sshll.u32 s0, $0x6  }
0x8d: {  	v25 =	vld [tilespmem:s11+$0x4000];
	v13 =	vor.u32 v4, v20;
	v16 =	vor.u32 v4, v21;
	[tilespmem:v10+s24+$0x0] =	vst.idx.msk $0xffff, v17;
	v10 =	vor.u32 s17, v0;
	s28 =	sor.u32 s18, s10  }
0x8e: {  	v27 =	vor.u32 v4, v15;
	v17 =	vor.u32 s16, v0;
	v26 =	vld [tilespmem:s11+$0x4010];
	[tilespmem:v11+s24+$0x0] =	vst.idx.msk $0xffff, v18;
	v11 =	vmov v16;
	s16 =	sor.u32 $0x80, s28  }
.Ltmp6:
0x8f: {  	v18 =	vmov s28;
	s31 =	sor.u32 $0x100, s28;
	s20 =	sor.u32 $0x180, s28;
	v15 =	vld [tilespmem:s11+$0x4020];
	[tilespmem:v14+s24+$0x0] =	vst.idx.msk $0xffff, v19;
	(pc) =	sbr.rel @p3 .LBB2_9-.Ltmp6, $4  }
0x90: {  	s10 =	sor.u32 $0x2, s28;
	s18 =	sor.u32 $0x82, s28;
	s17 =	sor.u32 $0x102, s28;
	v14 =	vmovc v17;
	v19 =	vmov s16;
	v20 =	vmov s31;
	v21 =	vmov s20;
	v16 =	vld [tilespmem:s11+$0x4030]  }
0x91: {  	s16 =	sor.u32 $0x182, s28;
	v19 =	vshrl.u32 v19, $0x7;
	v28 =	vshrl.u32 v20, $0x7;
	v21 =	vshrl.u32 v21, $0x7;
	v17 =	vld [tilespmem:s11+$0x4040];
	[tilespmem:v23+s24+$0x0] =	vst.idx.msk $0xffff, v22  }
0x92: {  	s20 =	sshll.u32 s7, $0x1;
	v22 =	vshrl.u32 v18, $0x7;
	v20 =	vshll.u32 v19, v1;
	v19 =	vshll.u32 v21, v1;
	[tilespmem:v24+s24+$0x0] =	vst.idx.msk $0xffff, v25;
	v18 =	vld [tilespmem:s11+$0x4050]  }
0x93: {  	s31 =	sshll.u32 s0, $0x7;
	s0 =	sand.u32 $0x3FFFFF80, s20;
	v22 =	vshll.u32 v22, v1;
	v21 =	vshll.u32 v28, v1;
	v23 =	vbroadcast v19, $0x0;
	[tilespmem:v27+s24+$0x0] =	vst.idx.msk $0xffff, v26;
	v19 =	vld [tilespmem:s11+$0x4060]  }
.LBB2_10:
0x94: {  	_ =	sdelay $0x2  }
0x95: {  	s0 =	sadd.s32 s0, s31  }
0x96: {  	[tilespmem:v12+s24+$0x0] =	vst.idx.msk @p2 $0xffff, v15;
	v49 =	vbroadcast v22, $0x0;
	v50 =	vld [tilespmem:s0+$0x4070];
	v51 =	vor.u32 v4, v23  }
0x97: {  	v52 =	vor.u32 s10, v0;
	[tilespmem:v13+s24+$0x0] =	vst.idx.msk @p2 $0xffff, v16;
	v53 =	vld [tilespmem:s0+$0x4000]  }
0x98: {  	v54 =	vbroadcast v20, $0x0;
	[tilespmem:v10+s24+$0x0] =	vst.idx.msk @p2 $0xffff, v17;
	v10 =	vld [tilespmem:s0+$0x4010];
	v12 =	vor.u32 v4, v49  }
0x99: {  	v56 =	vbroadcast v21, $0x0;
	v58 =	vor.u32 s17, v0;
	v59 =	vld [tilespmem:s0+$0x4040];
	[tilespmem:v11+s24+$0x0] =	vst.idx.msk @p2 $0xffff, v18  }
0x9a: {  	v57 =	vld [tilespmem:s0+$0x4030];
	v16 =	vor.u32 v4, v54;
	[tilespmem:v14+s24+$0x0] =	vst.idx.msk @p2 $0xffff, v19  }
0x9b: {  	v61 =	vld [tilespmem:s0+$0x4050];
	v60 =	vor.u32 v4, v56;
	[tilespmem:v51+s24+$0x0] =	vst.idx.msk $0xffff, v50  }
0x9c: {  	v55 =	vor.u32 s18, v0;
	v11 =	vld [tilespmem:s0+$0x4020];
	[tilespmem:v52+s24+$0x0] =	vst.idx.msk $0xffff, v53  }
0x9d: {  	v62 =	vor.u32 s16, v0;
	[tilespmem:v12+s24+$0x0] =	vst.idx.msk $0xffff, v10;
	v10 =	vld [tilespmem:s0+$0x4060]  }
.Ltmp7:
0x9e: {  	[tilespmem:v58+s24+$0x0] =	vst.idx.msk $0xffff, v59;
	(pc) =	sbr.rel @!p1 .LBB2_11-.Ltmp7, $4  }
0x9f: {  	[tilespmem:v16+s24+$0x0] =	vst.idx.msk $0xffff, v57  }
0xa0: {  	[tilespmem:v60+s24+$0x0] =	vst.idx.msk $0xffff, v61  }
0xa1: {  	s17 =	sor.u32 $0x3, s2;
	[tilespmem:v55+s24+$0x0] =	vst.idx.msk $0xffff, v11  }
0xa2: {  	s10 =	sor.u32 $0x83, s2;
	s16 =	sor.u32 $0x103, s2;
	s2 =	sor.u32 $0x183, s2;
	[tilespmem:v62+s24+$0x0] =	vst.idx.msk $0xffff, v10  }
0xa3: {  	s7 =	simm.s32 $0x8  }
0xa4: {  	s0 =	sadd.s32 s15, s13;
	s15 =	simm.s32 $0x200;
	s11 =	sand.u32 $0x38, s7  }
0xa5: {  	v9 =	vbroadcast v9, $0x0;
	v8 =	vor.u32 v5, v8;
	v19 =	vor.u32 s17, v0;
	v18 =	vld [tilespmem:s0+$0x6070];
	s17 =	sand.u32 $0xFFFFF000, s15;
	s18 =	sshll.u32 s11, $0x6  }
0xa6: {  	v6 =	vbroadcast v6, $0x0;
	v7 =	vbroadcast v7, $0x0;
	v12 =	vor.u32 s10, v0;
	v20 =	vld [tilespmem:s0+$0x6000];
	s13 =	sor.u32 s18, s17  }
0xa7: {  	v10 =	vor.u32 s16, v0;
	v14 =	vor.u32 s2, v0;
	p1 =	por $0x1, $0x1;
	v21 =	vld [tilespmem:s0+$0x6010];
	v22 =	vor.u32 v5, v9;
	s20 =	sor.u32 $0x80, s13  }
.Ltmp8:
0xa8: {  	v15 =	vld [tilespmem:s0+$0x6020];
	v13 =	vor.u32 v5, v6;
	v11 =	vor.u32 v5, v7;
	v6 =	vmov s13;
	s10 =	sor.u32 $0x100, s13;
	s28 =	sor.u32 $0x180, s13;
	(pc) =	sbr.rel @!p1 .LBB2_14-.Ltmp8, $4  }
0xa9: {  	v16 =	vld [tilespmem:s0+$0x6030];
	v7 =	vmov s20;
	v9 =	vmov s10;
	v17 =	vmov s28  }
0xaa: {  	s31 =	simm.s32 $0x10;
	p0 =	por $0x1, $0x1;
	v7 =	vshrl.u32 v7, $0x7;
	v23 =	vshrl.u32 v9, $0x7;
	v9 =	vshrl.u32 v17, $0x7;
	v17 =	vld [tilespmem:s0+$0x6040];
	[tilespmem:v8+s24+$0x0] =	vst.idx.msk $0xffff, v18  }
0xab: {  	s15 =	sand.u32 $0x3FFFFF80, s31;
	s17 =	sor.u32 $0x3, s13;
	s16 =	sor.u32 $0x103, s13;
	v8 =	vshrl.u32 v6, $0x7;
	[tilespmem:v19+s24+$0x0] =	vst.idx.msk $0xffff, v20;
	v18 =	vld [tilespmem:s0+$0x6050];
	v6 =	vshll.u32 v7, v1;
	v24 =	vshll.u32 v9, v1  }
0xac: {  	s2 =	sor.u32 $0x183, s13;
	s10 =	sor.u32 $0x83, s13;
	s13 =	sshll.u32 s11, $0x7;
	v19 =	vld [tilespmem:s0+$0x6060];
	v9 =	vshll.u32 v8, v1;
	v7 =	vshll.u32 v23, v1;
	[tilespmem:v22+s24+$0x0] =	vst.idx.msk $0xffff, v21;
	v8 =	vbroadcast v24, $0x0  }
.LBB2_13:
0xad: {  	s7 =	sadd.s32 $0x8, s7  }
0xae: {  	s11 =	sadd.s32 s15, s13;
	v20 =	vor.u32 s17, v0;
	v6 =	vbroadcast v6, $0x0;
	v7 =	vbroadcast v7, $0x0;
	[tilespmem:v12+s24+$0x0] =	vst.idx.msk $0xffff, v15;
	s0 =	sand.u32 $0x38, s7;
	s13 =	sshll.u32 s7, $0x6  }
0xaf: {  	v9 =	vbroadcast v9, $0x0;
	v12 =	vor.u32 s10, v0;
	p1 =	slt.u32 s7, $0x1F8;
	v21 =	vld [tilespmem:s11+$0x6070];
	v8 =	vor.u32 v5, v8;
	[tilespmem:v13+s24+$0x0] =	vst.idx.msk $0xffff, v16;
	s10 =	sand.u32 $0xFFFFF000, s13;
	s13 =	sshll.u32 s0, $0x6  }
0xb0: {  	v22 =	vld [tilespmem:s11+$0x6000];
	v13 =	vor.u32 v5, v6;
	v6 =	vor.u32 v5, v7;
	[tilespmem:v10+s24+$0x0] =	vst.idx.msk $0xffff, v17;
	v10 =	vor.u32 s16, v0;
	s13 =	sor.u32 s13, s10  }
0xb1: {  	v24 =	vor.u32 v5, v9;
	v7 =	vor.u32 s2, v0;
	v23 =	vld [tilespmem:s11+$0x6010];
	[tilespmem:v11+s24+$0x0] =	vst.idx.msk $0xffff, v18;
	v11 =	vmov v6;
	s2 =	sor.u32 $0x80, s13  }
.Ltmp9:
0xb2: {  	v6 =	vmov s13;
	s15 =	sor.u32 $0x100, s13;
	s18 =	sor.u32 $0x180, s13;
	v15 =	vld [tilespmem:s11+$0x6020];
	[tilespmem:v14+s24+$0x0] =	vst.idx.msk $0xffff, v19;
	(pc) =	sbr.rel @p1 .LBB2_13-.Ltmp9, $4  }
0xb3: {  	s17 =	sor.u32 $0x3, s13;
	s10 =	sor.u32 $0x83, s13;
	s16 =	sor.u32 $0x103, s13;
	v14 =	vmovc v7;
	v9 =	vmov s2;
	v17 =	vmov s15;
	v18 =	vmov s18;
	v16 =	vld [tilespmem:s11+$0x6030]  }
0xb4: {  	s2 =	sor.u32 $0x183, s13;
	v7 =	vshrl.u32 v9, $0x7;
	v19 =	vshrl.u32 v17, $0x7;
	v9 =	vshrl.u32 v18, $0x7;
	v17 =	vld [tilespmem:s11+$0x6040];
	[tilespmem:v8+s24+$0x0] =	vst.idx.msk $0xffff, v21  }
0xb5: {  	s15 =	sshll.u32 s7, $0x1;
	v8 =	vshrl.u32 v6, $0x7;
	v6 =	vshll.u32 v7, v1;
	v21 =	vshll.u32 v9, v1;
	[tilespmem:v20+s24+$0x0] =	vst.idx.msk $0xffff, v22;
	v18 =	vld [tilespmem:s11+$0x6050]  }
0xb6: {  	s13 =	sshll.u32 s0, $0x7;
	s15 =	sand.u32 $0x3FFFFF80, s15;
	v9 =	vshll.u32 v8, v1;
	v7 =	vshll.u32 v19, v1;
	v8 =	vbroadcast v21, $0x0;
	[tilespmem:v24+s24+$0x0] =	vst.idx.msk $0xffff, v23;
	v19 =	vld [tilespmem:s11+$0x6060]  }
.LBB2_14:
0xb7: {  	_ =	sdelay $0x2  }
0xb8: {  	s0 =	sadd.s32 s15, s13  }
0xb9: {  	[tilespmem:v12+s24+$0x0] =	vst.idx.msk @p0 $0xffff, v15;
	v9 =	vbroadcast v9, $0x0;
	v12 =	vld [tilespmem:s0+$0x6070];
	v8 =	vor.u32 v5, v8  }
0xba: {  	v15 =	vor.u32 s17, v0;
	[tilespmem:v13+s24+$0x0] =	vst.idx.msk @p0 $0xffff, v16;
	v13 =	vld [tilespmem:s0+$0x6000]  }
0xbb: {  	[tilespmem:v10+s24+$0x0] =	vst.idx.msk @p0 $0xffff, v17;
	v10 =	vld [tilespmem:s0+$0x6010];
	v9 =	vor.u32 v5, v9  }
0xbc: {  	v6 =	vbroadcast v6, $0x0;
	v16 =	vor.u32 s10, v0;
	[tilespmem:v11+s24+$0x0] =	vst.idx.msk @p0 $0xffff, v18;
	v11 =	vld [tilespmem:s0+$0x6020]  }
0xbd: {  	v7 =	vbroadcast v7, $0x0;
	v17 =	vor.u32 s16, v0;
	v18 =	vld [tilespmem:s0+$0x6040];
	[tilespmem:v14+s24+$0x0] =	vst.idx.msk @p0 $0xffff, v19  }
0xbe: {  	v6 =	vor.u32 v5, v6;
	v14 =	vld [tilespmem:s0+$0x6030];
	[tilespmem:v8+s24+$0x0] =	vst.idx.msk $0xffff, v12  }
0xbf: {  	v7 =	vor.u32 v5, v7;
	[tilespmem:v15+s24+$0x0] =	vst.idx.msk $0xffff, v13;
	v8 =	vld [tilespmem:s0+$0x6050]  }
0xc0: {  	v12 =	vor.u32 s2, v0;
	[tilespmem:v9+s24+$0x0] =	vst.idx.msk $0xffff, v10;
	v9 =	vld [tilespmem:s0+$0x6060]  }
0xc1: {  	[tilespmem:v16+s24+$0x0] =	vst.idx.msk $0xffff, v11  }
0xc2: {  	s16 =	sshll.u32 s29, $0x10;
	[tilespmem:v17+s24+$0x0] =	vst.idx.msk $0xffff, v18  }
0xc3: {  	s0 =	sadd.s32 s5, s16;
	[tilespmem:v6+s24+$0x0] =	vst.idx.msk $0xffff, v14  }
0xc4: {  	s0 =	sshrl.u32 s0, $0x3;
	[tilespmem:v7+s24+$0x0] =	vst.idx.msk $0xffff, v8  }
0xc5: {  	s0 =	sadd.s32 s3, s0;
	[tilespmem:v12+s24+$0x0] =	vst.idx.msk $0xffff, v9  }
0xc6: {  	[hbm4b:s0+s4] =	stream.linear.scatter [tilespmem:s24], [sflag:$0x2], $0x8000, $0x38;
	v63 =	vld [tilespmem:$0x0]  }
0xc7: {  	_ =	swait.ge [sflag:s19], $0x2000  }
0xc8: {  	[sflag:s19] =	ssyncset.done $0x0  }
0xc9: {  	[sflag:s19] =	ssyncadd.s32 $0xFFFFE000  }
0xca: {  	_ =	swait.ge [sflag:s19], $0x2000  }
0xcb: {  	[sflag:s19] =	ssyncset.done $0x0  }
0xcc: {  	[sflag:s19] =	ssyncadd.s32 $0xFFFFE000  }
0xcd: {  	_ =	swait.ge [sflag:s19], $0x2000  }
0xce: {  	[sflag:s19] =	ssyncset.done $0x0  }
0xcf: {  	p0 =	seq.s32 s29, $0xF;
	[sflag:s19] =	ssyncadd.s32 $0xFFFFE000  }
0xd0: {  	s0 =	sshll.u32 @!p0 s29, $0xB;
	_ =	swait.ge [sflag:s19], $0x2000  }
0xd1: {  	s0 =	sadd.s32 @!p0 s0, s14;
	[sflag:s19] =	ssyncset.done $0x0  }
0xd2: {  	s7 =	simm.s32 @!p0 $0x0;
	s2 =	sadd.s32 @!p0 s1, s0;
	[sflag:s19] =	ssyncadd.s32 $0xFFFFE000  }
0xd3: {  	[tilespmem:s7], [sflag:$0x1] =	stream.linear.gather @!p0 [hbm4b:s2+s7], $0x2000, $0x38;
	v63 =	vld [tilespmem:$0x0]  }
0xd4: {  	s10 =	simm.s32 @!p0 $0x2000;
	s2 =	sadd.s32 @!p0 s8, s0  }
0xd5: {  	[tilespmem:s10], [sflag:$0x1] =	stream.linear.gather @!p0 [hbm4b:s2+s7], $0x2000, $0x38;
	v63 =	vld [tilespmem:$0x0]  }
0xd6: {  	s2 =	sadd.s32 @!p0 s9, s0;
	s10 =	simm.s32 @!p0 $0x4000  }
0xd7: {  	[tilespmem:s10], [sflag:$0x1] =	stream.linear.gather @!p0 [hbm4b:s2+s7], $0x2000, $0x38;
	v63 =	vld [tilespmem:$0x0]  }
0xd8: {  	s17 =	simm.s32 $0x0;
	s0 =	sadd.s32 @!p0 s12, s0;
	s2 =	simm.s32 @!p0 $0x6000  }
0xd9: {  	[tilespmem:s2], [sflag:$0x1] =	stream.linear.gather @!p0 [hbm4b:s0+s7], $0x2000, $0x38;
	v63 =	vld [tilespmem:$0x0]  }
0xda: {  	s18 =	simm.s32 $0x0;
	s0 =	sand.u32 $0x38, s17  }
0xdb: {  	s2 =	sand.u32 $0xFFFFF000, s18;
	s20 =	sshll.u32 s0, $0x6  }
0xdc: {  	p1 =	seq.s32 @!p0 s29, $0x0;
	s16 =	simm.s32 $0x0;
	s2 =	sor.u32 s20, s2  }
0xdd: {  	s28 =	sor.u32 $0x80, s2;
	v6 =	vmov s2;
	s11 =	sor.u32 $0x100, s2;
	s31 =	sor.u32 $0x180, s2  }
0xde: {  	p0 =	por p0, !p1;
	s17 =	sand.u32 $0x3FFFFF80, s16;
	s7 =	simm.s32 $0x8;
	v7 =	vmov s28;
	v8 =	vmov s11;
	v9 =	vmov s31  }
0xdf: {  	s18 =	simm.s32 $0x200;
	_ =	swait.ge @p0 [sflag:s26], $0x8000;
	s0 =	sshll.u32 s0, $0x7;
	v6 =	vshrl.u32 v6, $0x7;
	v11 =	vor.u32 s28, v0;
	v9 =	vshrl.u32 v9, $0x7  }
0xe0: {  	s15 =	sand.u32 $0x38, s7;
	[sflag:s26] =	ssyncset.done @p0 $0x0;
	s0 =	sadd.s32 s17, s0;
	v12 =	vor.u32 s31, v0;
	v7 =	vshrl.u32 v7, $0x7;
	v9 =	vshll.u32 v9, v1  }
0xe1: {  	s20 =	sand.u32 $0xFFFFF000, s18;
	[sflag:s26] =	ssyncadd.s32 @p0 $0xFFFF8000;
	s28 =	sshll.u32 s15, $0x6;
	v8 =	vshrl.u32 v8, $0x7;
	v10 =	vshll.u32 v6, v1;
	v9 =	vbroadcast v9, $0x0  }
0xe2: {  	v17 =	vld [tilespmem:s0+$0x8070];
	s10 =	sor.u32 s28, s20;
	v7 =	vshll.u32 v7, v1;
	v6 =	vshll.u32 v8, v1;
	v8 =	vbroadcast v10, $0x0  }
0xe3: {  	v26 =	vld [tilespmem:s0+$0x8000];
	v10 =	vor.u32 s11, v0;
	v22 =	vmov s10;
	v21 =	vor.u32 v2, v9  }
0xe4: {  	v18 =	vld [tilespmem:s0+$0x8010];
	s17 =	sor.u32 $0x80, s10;
	s16 =	sor.u32 $0x100, s10;
	s10 =	sor.u32 $0x180, s10;
	v7 =	vbroadcast v7, $0x0;
	v6 =	vbroadcast v6, $0x0;
	v27 =	vor.u32 v0, v8  }
0xe5: {  	v15 =	vld [tilespmem:s0+$0x8020];
	v16 =	vmov s17;
	v23 =	vmov s16;
	v24 =	vmov s10  }
0xe6: {  	v20 =	vld [tilespmem:s0+$0x8030];
	v19 =	vor.u32 v2, v8;
	v25 =	vshrl.u32 v16, $0x7;
	v23 =	vshrl.u32 v23, $0x7  }
0xe7: {  	v24 =	vshrl.u32 v24, $0x7;
	v16 =	vld [tilespmem:s0+$0x8040];
	v13 =	vor.u32 v2, v7;
	v14 =	vor.u32 v2, v6  }
0xe8: {  	s31 =	simm.s32 $0x10;
	v24 =	vshll.u32 v24, v1;
	v23 =	vshll.u32 v23, v1;
	[tilespmem:v21+s25+$0x0] =	vst.idx.msk $0xffff, v17;
	v17 =	vshrl.u32 v22, $0x7;
	v21 =	vld [tilespmem:s0+$0x8050]  }
0xe9: {  	s13 =	sshll.u32 s15, $0x7;
	s15 =	sand.u32 $0x3FFFFF80, s31;
	v24 =	vbroadcast v24, $0x0;
	[tilespmem:v27+s25+$0x0] =	vst.idx.msk $0xffff, v26;
	v22 =	vshll.u32 v25, v1;
	v25 =	vshll.u32 v17, v1;
	v17 =	vld [tilespmem:s0+$0x8060]  }
.LBB2_15:
0xea: {  	s7 =	sadd.s32 $0x8, s7  }
0xeb: {  	s11 =	sadd.s32 s15, s13;
	v26 =	vor.u32 s17, v0;
	v22 =	vbroadcast v22, $0x0;
	v23 =	vbroadcast v23, $0x0;
	[tilespmem:v19+s25+$0x0] =	vst.idx.msk $0xffff, v18;
	v27 =	vmovc v12;
	s13 =	sand.u32 $0x38, s7;
	s15 =	sshll.u32 s7, $0x6  }
0xec: {  	v19 =	vbroadcast v25, $0x0;
	v25 =	vor.u32 s16, v0;
	p0 =	slt.u32 s7, $0x1F8;
	v28 =	vld [tilespmem:s11+$0x8070];
	v24 =	vor.u32 v2, v24;
	[tilespmem:v13+s25+$0x0] =	vst.idx.msk $0xffff, v20;
	s15 =	sand.u32 $0xFFFFF000, s15;
	s16 =	sshll.u32 s13, $0x6  }
0xed: {  	v12 =	vor.u32 s10, v0;
	v29 =	vld [tilespmem:s11+$0x8000];
	v13 =	vor.u32 v2, v22;
	v22 =	vor.u32 v2, v23;
	[tilespmem:v11+s25+$0x0] =	vst.idx.msk $0xffff, v15;
	s10 =	sor.u32 s16, s15  }
0xee: {  	v30 =	vor.u32 v0, v19;
	v19 =	vor.u32 v2, v19;
	v11 =	vmov v26;
	v18 =	vld [tilespmem:s11+$0x8010];
	[tilespmem:v14+s25+$0x0] =	vst.idx.msk $0xffff, v21;
	s17 =	sor.u32 $0x80, s10  }
.Ltmp10:
0xef: {  	v21 =	vmov s10;
	s16 =	sor.u32 $0x100, s10;
	s10 =	sor.u32 $0x180, s10;
	v15 =	vld [tilespmem:s11+$0x8020];
	[tilespmem:v10+s25+$0x0] =	vst.idx.msk $0xffff, v16;
	(pc) =	sbr.rel @p0 .LBB2_15-.Ltmp10, $4  }
0xf0: {  	v14 =	vmovc v22;
	v10 =	vmovc v25;
	v16 =	vmov s17;
	v23 =	vmov s16;
	v26 =	vmov s10;
	v20 =	vld [tilespmem:s11+$0x8030]  }
0xf1: {  	v22 =	vshrl.u32 v16, $0x7;
	v23 =	vshrl.u32 v23, $0x7;
	v25 =	vshrl.u32 v26, $0x7;
	v16 =	vld [tilespmem:s11+$0x8040];
	[tilespmem:v24+s25+$0x0] =	vst.idx.msk $0xffff, v28  }
0xf2: {  	s15 =	sshll.u32 s7, $0x1;
	v24 =	vshrl.u32 v21, $0x7;
	v22 =	vshll.u32 v22, v1;
	v26 =	vshll.u32 v25, v1;
	v21 =	vld [tilespmem:s11+$0x8050];
	[tilespmem:v27+s25+$0x0] =	vst.idx.msk $0xffff, v17  }
0xf3: {  	s13 =	sshll.u32 s13, $0x7;
	s15 =	sand.u32 $0x3FFFFF80, s15;
	v25 =	vshll.u32 v24, v1;
	v23 =	vshll.u32 v23, v1;
	v24 =	vbroadcast v26, $0x0;
	[tilespmem:v30+s25+$0x0] =	vst.idx.msk $0xffff, v29;
	v17 =	vld [tilespmem:s11+$0x8060]  }
0xf4: {  	_ =	sdelay $0x3  }
0xf5: {  	s7 =	sadd.s32 s15, s13;
	[tilespmem:v19+s25+$0x0] =	vst.idx.msk $0xffff, v18;
	v18 =	vbroadcast v25, $0x0  }
0xf6: {  	[tilespmem:v11+s25+$0x0] =	vst.idx.msk $0xffff, v15;
	v19 =	vld [tilespmem:s7+$0x8070];
	v24 =	vor.u32 v2, v24  }
0xf7: {  	[tilespmem:v13+s25+$0x0] =	vst.idx.msk $0xffff, v20;
	v20 =	vld [tilespmem:s7+$0x8000];
	v11 =	vor.u32 v0, v18  }
0xf8: {  	v13 =	vbroadcast v22, $0x0;
	v15 =	vld [tilespmem:s7+$0x8010];
	v18 =	vor.u32 v2, v18;
	[tilespmem:v10+s25+$0x0] =	vst.idx.msk $0xffff, v16  }
0xf9: {  	v58 =	vld [tilespmem:s7+$0x8020];
	v16 =	vor.u32 s17, v0;
	[tilespmem:v14+s25+$0x0] =	vst.idx.msk $0xffff, v21  }
0xfa: {  	v10 =	vld [tilespmem:s7+$0x8030];
	v14 =	vbroadcast v23, $0x0;
	v13 =	vor.u32 v2, v13;
	[tilespmem:v12+s25+$0x0] =	vst.idx.msk $0xffff, v17  }
0xfb: {  	v12 =	vor.u32 s16, v0;
	v17 =	vld [tilespmem:s7+$0x8040];
	[tilespmem:v24+s25+$0x0] =	vst.idx.msk $0xffff, v19  }
0xfc: {  	v14 =	vor.u32 v2, v14;
	v19 =	vld [tilespmem:s7+$0x8050];
	[tilespmem:v11+s25+$0x0] =	vst.idx.msk $0xffff, v20  }
0xfd: {  	v11 =	vor.u32 s10, v0;
	v20 =	vld [tilespmem:s7+$0x8060];
	[tilespmem:v18+s25+$0x0] =	vst.idx.msk $0xffff, v15  }
0xfe: {  	[tilespmem:v16+s25+$0x0] =	vst.idx.msk $0xffff, v58  }
0xff: {  	[tilespmem:v13+s25+$0x0] =	vst.idx.msk $0xffff, v10  }
0x100: {  	[tilespmem:v12+s25+$0x0] =	vst.idx.msk $0xffff, v17  }
0x101: {  	[tilespmem:v14+s25+$0x0] =	vst.idx.msk $0xffff, v19  }
0x102: {  	s7 =	simm.s32 $0x8;
	[tilespmem:v11+s25+$0x0] =	vst.idx.msk $0xffff, v20  }
0x103: {  	s20 =	sor.u32 $0x1, s2;
	s28 =	simm.s32 $0x200;
	v15 =	vor.u32 v3, v9;
	s13 =	sand.u32 $0x38, s7;
	v14 =	vld [tilespmem:s0+$0xA070]  }
0x104: {  	s18 =	sor.u32 $0x181, s2;
	v59 =	vor.u32 v3, v8;
	s15 =	sand.u32 $0xFFFFF000, s28;
	v17 =	vor.u32 s20, v0;
	s17 =	sshll.u32 s13, $0x6;
	v18 =	vld [tilespmem:s0+$0xA000]  }
0x105: {  	s11 =	sor.u32 $0x81, s2;
	s31 =	sor.u32 $0x101, s2;
	v6 =	vor.u32 v3, v6;
	v8 =	vor.u32 s18, v0;
	v9 =	vor.u32 v3, v7;
	s10 =	sor.u32 s17, s15;
	v20 =	vld [tilespmem:s0+$0xA010]  }
0x106: {  	v7 =	vor.u32 s31, v0;
	v10 =	vor.u32 s11, v0;
	v16 =	vmov s10;
	s20 =	sor.u32 $0x80, s10;
	s11 =	sor.u32 $0x100, s10;
	s28 =	sor.u32 $0x180, s10;
	v12 =	vld [tilespmem:s0+$0xA020]  }
0x107: {  	v13 =	vmov s20;
	v19 =	vmov s11;
	v60 =	vmov s28;
	v11 =	vld [tilespmem:s0+$0xA030]  }
0x108: {  	s31 =	simm.s32 $0x10;
	v61 =	vshrl.u32 v13, $0x7;
	v62 =	vshrl.u32 v19, $0x7;
	v19 =	vshrl.u32 v60, $0x7;
	v13 =	vld [tilespmem:s0+$0xA040];
	[tilespmem:v15+s25+$0x0] =	vst.idx.msk $0xffff, v14  }
0x109: {  	s13 =	sshll.u32 s13, $0x7;
	s15 =	sand.u32 $0x3FFFFF80, s31;
	s16 =	sor.u32 $0x81, s10;
	v22 =	vshll.u32 v19, v1;
	v15 =	vshrl.u32 v16, $0x7;
	v16 =	vshll.u32 v61, v1;
	[tilespmem:v17+s25+$0x0] =	vst.idx.msk $0xffff, v18;
	v14 =	vld [tilespmem:s0+$0xA050]  }
0x10a: {  	s2 =	sor.u32 $0x101, s10;
	s11 =	sor.u32 $0x1, s10;
	s10 =	sor.u32 $0x181, s10;
	v17 =	vshll.u32 v62, v1;
	v18 =	vbroadcast v22, $0x0;
	[tilespmem:v59+s25+$0x0] =	vst.idx.msk $0xffff, v20;
	v19 =	vshll.u32 v15, v1;
	v15 =	vld [tilespmem:s0+$0xA060]  }
.LBB2_17:
0x10b: {  	s7 =	sadd.s32 $0x8, s7  }
0x10c: {  	s0 =	sadd.s32 s15, s13;
	v20 =	vor.u32 s11, v0;
	v16 =	vbroadcast v16, $0x0;
	v17 =	vbroadcast v17, $0x0;
	[tilespmem:v10+s25+$0x0] =	vst.idx.msk $0xffff, v12;
	s13 =	sand.u32 $0x38, s7;
	s11 =	sshll.u32 s7, $0x6  }
0x10d: {  	v12 =	vbroadcast v19, $0x0;
	v10 =	vor.u32 s16, v0;
	p0 =	slt.u32 s7, $0x1F8;
	v19 =	vld [tilespmem:s0+$0xA070];
	v18 =	vor.u32 v3, v18;
	[tilespmem:v9+s25+$0x0] =	vst.idx.msk $0xffff, v11;
	s11 =	sand.u32 $0xFFFFF000, s11;
	s15 =	sshll.u32 s13, $0x6  }
0x10e: {  	v21 =	vld [tilespmem:s0+$0xA000];
	v9 =	vor.u32 v3, v16;
	v11 =	vor.u32 v3, v17;
	[tilespmem:v7+s25+$0x0] =	vst.idx.msk $0xffff, v13;
	v7 =	vor.u32 s2, v0;
	s15 =	sor.u32 s15, s11  }
0x10f: {  	v23 =	vor.u32 v3, v12;
	v13 =	vor.u32 s10, v0;
	v22 =	vld [tilespmem:s0+$0xA010];
	[tilespmem:v6+s25+$0x0] =	vst.idx.msk $0xffff, v14;
	v6 =	vmov v11;
	s2 =	sor.u32 $0x80, s15  }
.Ltmp11:
0x110: {  	v14 =	vmov s15;
	s10 =	sor.u32 $0x100, s15;
	s17 =	sor.u32 $0x180, s15;
	v12 =	vld [tilespmem:s0+$0xA020];
	[tilespmem:v8+s25+$0x0] =	vst.idx.msk $0xffff, v15;
	(pc) =	sbr.rel @p0 .LBB2_17-.Ltmp11, $4  }
0x111: {  	s11 =	sor.u32 $0x1, s15;
	s16 =	sor.u32 $0x81, s15;
	v8 =	vmovc v13;
	v15 =	vmov s2;
	s2 =	sor.u32 $0x101, s15;
	v16 =	vmov s10;
	v17 =	vmov s17;
	v11 =	vld [tilespmem:s0+$0xA030]  }
0x112: {  	s10 =	sor.u32 $0x181, s15;
	v15 =	vshrl.u32 v15, $0x7;
	v24 =	vshrl.u32 v16, $0x7;
	v17 =	vshrl.u32 v17, $0x7;
	v13 =	vld [tilespmem:s0+$0xA040];
	[tilespmem:v18+s25+$0x0] =	vst.idx.msk $0xffff, v19  }
0x113: {  	s15 =	sshll.u32 s7, $0x1;
	v18 =	vshrl.u32 v14, $0x7;
	v16 =	vshll.u32 v15, v1;
	v15 =	vshll.u32 v17, v1;
	[tilespmem:v20+s25+$0x0] =	vst.idx.msk $0xffff, v21;
	v14 =	vld [tilespmem:s0+$0xA050]  }
0x114: {  	s13 =	sshll.u32 s13, $0x7;
	s15 =	sand.u32 $0x3FFFFF80, s15;
	v19 =	vshll.u32 v18, v1;
	v17 =	vshll.u32 v24, v1;
	v18 =	vbroadcast v15, $0x0;
	[tilespmem:v23+s25+$0x0] =	vst.idx.msk $0xffff, v22;
	v15 =	vld [tilespmem:s0+$0xA060]  }
0x115: {  	_ =	sdelay $0x2  }
0x116: {  	s0 =	sadd.s32 s15, s13  }
0x117: {  	[tilespmem:v10+s25+$0x0] =	vst.idx.msk $0xffff, v12;
	v10 =	vbroadcast v19, $0x0;
	v55 =	vld [tilespmem:s0+$0xA070];
	v18 =	vor.u32 v3, v18  }
0x118: {  	v56 =	vor.u32 s11, v0;
	[tilespmem:v9+s25+$0x0] =	vst.idx.msk $0xffff, v11;
	v9 =	vld [tilespmem:s0+$0xA000]  }
0x119: {  	v11 =	vbroadcast v16, $0x0;
	[tilespmem:v7+s25+$0x0] =	vst.idx.msk $0xffff, v13;
	v7 =	vld [tilespmem:s0+$0xA010];
	v10 =	vor.u32 v3, v10  }
0x11a: {  	v57 =	vor.u32 s16, v0;
	s7 =	simm.s32 $0x0;
	[tilespmem:v6+s25+$0x0] =	vst.idx.msk $0xffff, v14;
	v6 =	vld [tilespmem:s0+$0xA020]  }
0x11b: {  	v58 =	vbroadcast v17, $0x0;
	s16 =	simm.s32 $0x0;
	s7 =	sand.u32 $0x38, s7;
	v11 =	vor.u32 v3, v11;
	[tilespmem:v8+s25+$0x0] =	vst.idx.msk $0xffff, v15;
	v8 =	vld [tilespmem:s0+$0xA030]  }
0x11c: {  	v59 =	vor.u32 s2, v0;
	v60 =	vld [tilespmem:s0+$0xA040];
	s2 =	sand.u32 $0xFFFFF000, s16;
	s17 =	sshll.u32 s7, $0x6;
	[tilespmem:v18+s25+$0x0] =	vst.idx.msk $0xffff, v55  }
0x11d: {  	v61 =	vor.u32 v3, v58;
	s2 =	sor.u32 s17, s2;
	[tilespmem:v56+s25+$0x0] =	vst.idx.msk $0xffff, v9;
	v9 =	vld [tilespmem:s0+$0xA050]  }
0x11e: {  	v62 =	vor.u32 s10, v0;
	p1 =	por $0x1, $0x1;
	s20 =	sor.u32 $0x100, s2;
	[tilespmem:v10+s25+$0x0] =	vst.idx.msk $0xffff, v7;
	v7 =	vld [tilespmem:s0+$0xA060]  }
.Ltmp12:
0x11f: {  	s18 =	sor.u32 $0x80, s2;
	s11 =	sor.u32 $0x180, s2;
	v10 =	vmov s20;
	[tilespmem:v57+s25+$0x0] =	vst.idx.msk $0xffff, v6;
	(pc) =	sbr.rel @!p1 .LBB2_19-.Ltmp12, $4  }
0x120: {  	v6 =	vmov s2;
	[tilespmem:v11+s25+$0x0] =	vst.idx.msk $0xffff, v8;
	v8 =	vmov s18;
	v11 =	vmov s11  }
0x121: {  	s28 =	simm.s32 $0x0;
	p0 =	por $0x0, $0x0;
	[tilespmem:v59+s25+$0x0] =	vst.idx.msk $0xffff, v60;
	v10 =	vshrl.u32 v10, $0x7;
	v8 =	vshrl.u32 v8, $0x7;
	v11 =	vshrl.u32 v11, $0x7  }
0x122: {  	s31 =	sshll.u32 s7, $0x7;
	s10 =	sor.u32 $0x2, s2;
	s17 =	sor.u32 $0x102, s2;
	[tilespmem:v61+s25+$0x0] =	vst.idx.msk $0xffff, v9;
	v9 =	vshrl.u32 v6, $0x7;
	v6 =	vshll.u32 v8, v1;
	v8 =	vshll.u32 v11, v1  }
0x123: {  	s16 =	sor.u32 $0x182, s2;
	s0 =	sand.u32 $0x3FFFFF80, s28;
	s18 =	sor.u32 $0x82, s2;
	[tilespmem:v62+s25+$0x0] =	vst.idx.msk $0xffff, v7;
	v9 =	vshll.u32 v9, v1;
	v7 =	vshll.u32 v10, v1;
	v8 =	vbroadcast v8, $0x0  }
0x124: {  	s7 =	simm.s32 $0x8  }
0x125: {  	s11 =	sadd.s32 s0, s31;
	s15 =	simm.s32 $0x200;
	s13 =	sand.u32 $0x38, s7  }
0x126: {  	v10 =	vbroadcast v6, $0x0;
	v11 =	vbroadcast v9, $0x0;
	v18 =	vld [tilespmem:s11+$0xC070];
	v19 =	vor.u32 v4, v8;
	s20 =	sand.u32 $0xFFFFF000, s15;
	s28 =	sshll.u32 s13, $0x6  }
0x127: {  	v21 =	vor.u32 s10, v0;
	v14 =	vbroadcast v7, $0x0;
	v12 =	vor.u32 s18, v0;
	v22 =	vld [tilespmem:s11+$0xC000];
	s15 =	sor.u32 s28, s20  }
0x128: {  	p3 =	por $0x1, $0x1;
	v24 =	vld [tilespmem:s11+$0xC010];
	v13 =	vor.u32 v4, v10;
	v10 =	vor.u32 s17, v0;
	v25 =	vor.u32 v4, v11;
	s10 =	sor.u32 $0x80, s15  }
.Ltmp13:
0x129: {  	v15 =	vld [tilespmem:s11+$0xC020];
	v11 =	vor.u32 v4, v14;
	v14 =	vor.u32 s16, v0;
	v20 =	vmov s15;
	s18 =	sor.u32 $0x100, s15;
	s20 =	sor.u32 $0x180, s15;
	(pc) =	sbr.rel @!p3 .LBB2_22-.Ltmp13, $4  }
0x12a: {  	v16 =	vld [tilespmem:s11+$0xC030];
	v17 =	vmov s10;
	v23 =	vmov s18;
	v26 =	vmov s20  }
0x12b: {  	p2 =	por $0x1, $0x1;
	s13 =	sshll.u32 s13, $0x7;
	v27 =	vshrl.u32 v17, $0x7;
	v23 =	vshrl.u32 v23, $0x7;
	v26 =	vshrl.u32 v26, $0x7;
	v17 =	vld [tilespmem:s11+$0xC040];
	[tilespmem:v19+s25+$0x0] =	vst.idx.msk $0xffff, v18  }
0x12c: {  	s28 =	simm.s32 $0x10;
	s17 =	sor.u32 $0x102, s15;
	s16 =	sor.u32 $0x182, s15;
	v19 =	vshrl.u32 v20, $0x7;
	[tilespmem:v21+s25+$0x0] =	vst.idx.msk $0xffff, v22;
	v18 =	vld [tilespmem:s11+$0xC050];
	v20 =	vshll.u32 v27, v1;
	v26 =	vshll.u32 v26, v1  }
0x12d: {  	s10 =	sor.u32 $0x2, s15;
	s18 =	sor.u32 $0x82, s15;
	s15 =	sand.u32 $0x3FFFFF80, s28;
	v22 =	vshll.u32 v19, v1;
	v21 =	vshll.u32 v23, v1;
	[tilespmem:v25+s25+$0x0] =	vst.idx.msk $0xffff, v24;
	v19 =	vld [tilespmem:s11+$0xC060];
	v23 =	vbroadcast v26, $0x0  }
.LBB2_21:
0x12e: {  	s7 =	sadd.s32 $0x8, s7  }
0x12f: {  	s11 =	sadd.s32 s15, s13;
	v24 =	vor.u32 s10, v0;
	v20 =	vbroadcast v20, $0x0;
	v21 =	vbroadcast v21, $0x0;
	[tilespmem:v12+s25+$0x0] =	vst.idx.msk $0xffff, v15;
	s13 =	sand.u32 $0x38, s7;
	s10 =	sshll.u32 s7, $0x6  }
0x130: {  	v15 =	vbroadcast v22, $0x0;
	v12 =	vor.u32 s18, v0;
	p3 =	slt.u32 s7, $0x1F8;
	v22 =	vld [tilespmem:s11+$0xC070];
	v23 =	vor.u32 v4, v23;
	[tilespmem:v13+s25+$0x0] =	vst.idx.msk $0xffff, v16;
	s10 =	sand.u32 $0xFFFFF000, s10;
	s15 =	sshll.u32 s13, $0x6  }
0x131: {  	v25 =	vld [tilespmem:s11+$0xC000];
	v13 =	vor.u32 v4, v20;
	v16 =	vor.u32 v4, v21;
	[tilespmem:v10+s25+$0x0] =	vst.idx.msk $0xffff, v17;
	v10 =	vor.u32 s17, v0;
	s15 =	sor.u32 s15, s10  }
0x132: {  	v27 =	vor.u32 v4, v15;
	v17 =	vor.u32 s16, v0;
	v26 =	vld [tilespmem:s11+$0xC010];
	[tilespmem:v11+s25+$0x0] =	vst.idx.msk $0xffff, v18;
	v11 =	vmov v16;
	s16 =	sor.u32 $0x80, s15  }
.Ltmp14:
0x133: {  	v18 =	vmov s15;
	s20 =	sor.u32 $0x100, s15;
	s28 =	sor.u32 $0x180, s15;
	v15 =	vld [tilespmem:s11+$0xC020];
	[tilespmem:v14+s25+$0x0] =	vst.idx.msk $0xffff, v19;
	(pc) =	sbr.rel @p3 .LBB2_21-.Ltmp14, $4  }
0x134: {  	s10 =	sor.u32 $0x2, s15;
	s18 =	sor.u32 $0x82, s15;
	s17 =	sor.u32 $0x102, s15;
	v14 =	vmovc v17;
	v19 =	vmov s16;
	v20 =	vmov s20;
	v21 =	vmov s28;
	v16 =	vld [tilespmem:s11+$0xC030]  }
0x135: {  	s16 =	sor.u32 $0x182, s15;
	v19 =	vshrl.u32 v19, $0x7;
	v28 =	vshrl.u32 v20, $0x7;
	v21 =	vshrl.u32 v21, $0x7;
	v17 =	vld [tilespmem:s11+$0xC040];
	[tilespmem:v23+s25+$0x0] =	vst.idx.msk $0xffff, v22  }
0x136: {  	s15 =	sshll.u32 s7, $0x1;
	v22 =	vshrl.u32 v18, $0x7;
	v20 =	vshll.u32 v19, v1;
	v19 =	vshll.u32 v21, v1;
	[tilespmem:v24+s25+$0x0] =	vst.idx.msk $0xffff, v25;
	v18 =	vld [tilespmem:s11+$0xC050]  }
0x137: {  	s13 =	sshll.u32 s13, $0x7;
	s15 =	sand.u32 $0x3FFFFF80, s15;
	v22 =	vshll.u32 v22, v1;
	v21 =	vshll.u32 v28, v1;
	v23 =	vbroadcast v19, $0x0;
	[tilespmem:v27+s25+$0x0] =	vst.idx.msk $0xffff, v26;
	v19 =	vld [tilespmem:s11+$0xC060]  }
.LBB2_22:
0x138: {  	_ =	sdelay $0x2  }
0x139: {  	s7 =	sadd.s32 s15, s13  }
0x13a: {  	[tilespmem:v12+s25+$0x0] =	vst.idx.msk @p2 $0xffff, v15;
	v49 =	vbroadcast v22, $0x0;
	v50 =	vld [tilespmem:s7+$0xC070];
	v51 =	vor.u32 v4, v23  }
0x13b: {  	v52 =	vor.u32 s10, v0;
	[tilespmem:v13+s25+$0x0] =	vst.idx.msk @p2 $0xffff, v16;
	v53 =	vld [tilespmem:s7+$0xC000]  }
0x13c: {  	v54 =	vbroadcast v20, $0x0;
	[tilespmem:v10+s25+$0x0] =	vst.idx.msk @p2 $0xffff, v17;
	v10 =	vld [tilespmem:s7+$0xC010];
	v12 =	vor.u32 v4, v49  }
0x13d: {  	v56 =	vbroadcast v21, $0x0;
	v58 =	vor.u32 s17, v0;
	v59 =	vld [tilespmem:s7+$0xC040];
	[tilespmem:v11+s25+$0x0] =	vst.idx.msk @p2 $0xffff, v18  }
0x13e: {  	v57 =	vld [tilespmem:s7+$0xC030];
	v16 =	vor.u32 v4, v54;
	[tilespmem:v14+s25+$0x0] =	vst.idx.msk @p2 $0xffff, v19  }
0x13f: {  	v61 =	vld [tilespmem:s7+$0xC050];
	v60 =	vor.u32 v4, v56;
	[tilespmem:v51+s25+$0x0] =	vst.idx.msk $0xffff, v50  }
0x140: {  	v55 =	vor.u32 s18, v0;
	v11 =	vld [tilespmem:s7+$0xC020];
	[tilespmem:v52+s25+$0x0] =	vst.idx.msk $0xffff, v53  }
0x141: {  	v62 =	vor.u32 s16, v0;
	[tilespmem:v12+s25+$0x0] =	vst.idx.msk $0xffff, v10;
	v10 =	vld [tilespmem:s7+$0xC060]  }
.Ltmp15:
0x142: {  	[tilespmem:v58+s25+$0x0] =	vst.idx.msk $0xffff, v59;
	(pc) =	sbr.rel @!p1 .LBB2_23-.Ltmp15, $4  }
0x143: {  	[tilespmem:v16+s25+$0x0] =	vst.idx.msk $0xffff, v57  }
0x144: {  	[tilespmem:v60+s25+$0x0] =	vst.idx.msk $0xffff, v61  }
0x145: {  	s17 =	sor.u32 $0x3, s2;
	[tilespmem:v55+s25+$0x0] =	vst.idx.msk $0xffff, v11  }
0x146: {  	s10 =	sor.u32 $0x83, s2;
	s16 =	sor.u32 $0x103, s2;
	s2 =	sor.u32 $0x183, s2;
	[tilespmem:v62+s25+$0x0] =	vst.idx.msk $0xffff, v10  }
0x147: {  	s7 =	simm.s32 $0x8  }
0x148: {  	s11 =	sadd.s32 s0, s31;
	s13 =	simm.s32 $0x200;
	s0 =	sand.u32 $0x38, s7  }
0x149: {  	v9 =	vbroadcast v9, $0x0;
	v8 =	vor.u32 v5, v8;
	v19 =	vor.u32 s17, v0;
	v18 =	vld [tilespmem:s11+$0xE070];
	s17 =	sand.u32 $0xFFFFF000, s13;
	s18 =	sshll.u32 s0, $0x6  }
0x14a: {  	v6 =	vbroadcast v6, $0x0;
	v7 =	vbroadcast v7, $0x0;
	v12 =	vor.u32 s10, v0;
	v20 =	vld [tilespmem:s11+$0xE000];
	s13 =	sor.u32 s18, s17  }
0x14b: {  	v10 =	vor.u32 s16, v0;
	v14 =	vor.u32 s2, v0;
	p1 =	por $0x1, $0x1;
	v21 =	vld [tilespmem:s11+$0xE010];
	v22 =	vor.u32 v5, v9;
	s20 =	sor.u32 $0x80, s13  }
.Ltmp16:
0x14c: {  	v15 =	vld [tilespmem:s11+$0xE020];
	v13 =	vor.u32 v5, v6;
	v11 =	vor.u32 v5, v7;
	v6 =	vmov s13;
	s10 =	sor.u32 $0x100, s13;
	s15 =	sor.u32 $0x180, s13;
	(pc) =	sbr.rel @!p1 .LBB2_26-.Ltmp16, $4  }
0x14d: {  	v16 =	vld [tilespmem:s11+$0xE030];
	v7 =	vmov s20;
	v9 =	vmov s10;
	v17 =	vmov s15  }
0x14e: {  	s28 =	simm.s32 $0x10;
	p0 =	por $0x1, $0x1;
	v7 =	vshrl.u32 v7, $0x7;
	v23 =	vshrl.u32 v9, $0x7;
	v9 =	vshrl.u32 v17, $0x7;
	v17 =	vld [tilespmem:s11+$0xE040];
	[tilespmem:v8+s25+$0x0] =	vst.idx.msk $0xffff, v18  }
0x14f: {  	s31 =	sshll.u32 s0, $0x7;
	s0 =	sand.u32 $0x3FFFFF80, s28;
	s17 =	sor.u32 $0x3, s13;
	v8 =	vshrl.u32 v6, $0x7;
	[tilespmem:v19+s25+$0x0] =	vst.idx.msk $0xffff, v20;
	v18 =	vld [tilespmem:s11+$0xE050];
	v6 =	vshll.u32 v7, v1;
	v24 =	vshll.u32 v9, v1  }
0x150: {  	s16 =	sor.u32 $0x103, s13;
	s2 =	sor.u32 $0x183, s13;
	s10 =	sor.u32 $0x83, s13;
	v19 =	vld [tilespmem:s11+$0xE060];
	v9 =	vshll.u32 v8, v1;
	v7 =	vshll.u32 v23, v1;
	[tilespmem:v22+s25+$0x0] =	vst.idx.msk $0xffff, v21;
	v8 =	vbroadcast v24, $0x0  }
.LBB2_25:
0x151: {  	s7 =	sadd.s32 $0x8, s7  }
0x152: {  	s11 =	sadd.s32 s0, s31;
	v20 =	vor.u32 s17, v0;
	v6 =	vbroadcast v6, $0x0;
	v7 =	vbroadcast v7, $0x0;
	[tilespmem:v12+s25+$0x0] =	vst.idx.msk $0xffff, v15;
	s0 =	sand.u32 $0x38, s7;
	s13 =	sshll.u32 s7, $0x6  }
0x153: {  	v9 =	vbroadcast v9, $0x0;
	v12 =	vor.u32 s10, v0;
	p1 =	slt.u32 s7, $0x1F8;
	v21 =	vld [tilespmem:s11+$0xE070];
	v8 =	vor.u32 v5, v8;
	[tilespmem:v13+s25+$0x0] =	vst.idx.msk $0xffff, v16;
	s10 =	sand.u32 $0xFFFFF000, s13;
	s13 =	sshll.u32 s0, $0x6  }
0x154: {  	v22 =	vld [tilespmem:s11+$0xE000];
	v13 =	vor.u32 v5, v6;
	v6 =	vor.u32 v5, v7;
	[tilespmem:v10+s25+$0x0] =	vst.idx.msk $0xffff, v17;
	v10 =	vor.u32 s16, v0;
	s13 =	sor.u32 s13, s10  }
0x155: {  	v24 =	vor.u32 v5, v9;
	v7 =	vor.u32 s2, v0;
	v23 =	vld [tilespmem:s11+$0xE010];
	[tilespmem:v11+s25+$0x0] =	vst.idx.msk $0xffff, v18;
	v11 =	vmov v6;
	s2 =	sor.u32 $0x80, s13  }
.Ltmp17:
0x156: {  	v6 =	vmov s13;
	s15 =	sor.u32 $0x100, s13;
	s18 =	sor.u32 $0x180, s13;
	v15 =	vld [tilespmem:s11+$0xE020];
	[tilespmem:v14+s25+$0x0] =	vst.idx.msk $0xffff, v19;
	(pc) =	sbr.rel @p1 .LBB2_25-.Ltmp17, $4  }
0x157: {  	s17 =	sor.u32 $0x3, s13;
	s10 =	sor.u32 $0x83, s13;
	s16 =	sor.u32 $0x103, s13;
	v14 =	vmovc v7;
	v9 =	vmov s2;
	v17 =	vmov s15;
	v18 =	vmov s18;
	v16 =	vld [tilespmem:s11+$0xE030]  }
0x158: {  	s2 =	sor.u32 $0x183, s13;
	v7 =	vshrl.u32 v9, $0x7;
	v19 =	vshrl.u32 v17, $0x7;
	v9 =	vshrl.u32 v18, $0x7;
	v17 =	vld [tilespmem:s11+$0xE040];
	[tilespmem:v8+s25+$0x0] =	vst.idx.msk $0xffff, v21  }
0x159: {  	s13 =	sshll.u32 s7, $0x1;
	v8 =	vshrl.u32 v6, $0x7;
	v6 =	vshll.u32 v7, v1;
	v21 =	vshll.u32 v9, v1;
	[tilespmem:v20+s25+$0x0] =	vst.idx.msk $0xffff, v22;
	v18 =	vld [tilespmem:s11+$0xE050]  }
0x15a: {  	s31 =	sshll.u32 s0, $0x7;
	s0 =	sand.u32 $0x3FFFFF80, s13;
	v9 =	vshll.u32 v8, v1;
	v7 =	vshll.u32 v19, v1;
	v8 =	vbroadcast v21, $0x0;
	[tilespmem:v24+s25+$0x0] =	vst.idx.msk $0xffff, v23;
	v19 =	vld [tilespmem:s11+$0xE060]  }
.LBB2_26:
0x15b: {  	_ =	sdelay $0x2  }
0x15c: {  	s0 =	sadd.s32 s0, s31  }
0x15d: {  	[tilespmem:v12+s25+$0x0] =	vst.idx.msk @p0 $0xffff, v15;
	v51 =	vld [tilespmem:s0+$0xE070];
	v8 =	vor.u32 v5, v8  }
0x15e: {  	v52 =	vor.u32 s17, v0;
	[tilespmem:v13+s25+$0x0] =	vst.idx.msk @p0 $0xffff, v16;
	v53 =	vld [tilespmem:s0+$0xE000]  }
0x15f: {  	v55 =	vor.u32 s10, v0;
	v56 =	vld [tilespmem:s0+$0xE020];
	[tilespmem:v10+s25+$0x0] =	vst.idx.msk @p0 $0xffff, v17  }
0x160: {  	v9 =	vbroadcast v9, $0x0;
	v58 =	vor.u32 s16, v0;
	v59 =	vld [tilespmem:s0+$0xE040];
	[tilespmem:v11+s25+$0x0] =	vst.idx.msk @p0 $0xffff, v18  }
0x161: {  	v6 =	vbroadcast v6, $0x0;
	v61 =	vor.u32 s2, v0;
	v62 =	vld [tilespmem:s0+$0xE060];
	[tilespmem:v14+s25+$0x0] =	vst.idx.msk @p0 $0xffff, v19  }
0x162: {  	v7 =	vbroadcast v7, $0x0;
	v54 =	vld [tilespmem:s0+$0xE010];
	v9 =	vor.u32 v5, v9;
	[tilespmem:v8+s25+$0x0] =	vst.idx.msk $0xffff, v51  }
0x163: {  	v57 =	vld [tilespmem:s0+$0xE030];
	v6 =	vor.u32 v5, v6;
	[tilespmem:v52+s25+$0x0] =	vst.idx.msk $0xffff, v53  }
0x164: {  	s29 =	sadd.s32 $0x1, s29;
	v60 =	vld [tilespmem:s0+$0xE050];
	v7 =	vor.u32 v5, v7;
	[tilespmem:v55+s25+$0x0] =	vst.idx.msk $0xffff, v56  }
0x165: {  	p0 =	sne.s32 s29, $0x10;
	[tilespmem:v58+s25+$0x0] =	vst.idx.msk $0xffff, v59  }
.Ltmp18:
0x166: {  	s31 =	sshll.u32 s30, $0xF;
	[tilespmem:v61+s25+$0x0] =	vst.idx.msk $0xffff, v62;
	(pc) =	sbr.rel @p0 .LBB2_2-.Ltmp18, $4  }
.Ltmp19:
0x167: {  	s0 =	sadd.s32 s5, s31;
	[tilespmem:v9+s25+$0x0] =	vst.idx.msk $0xffff, v54;
	(pc) =	sbr.rel @!p0 .LBB2_27-.Ltmp19, $4  }
0x168: {  	s0 =	sshrl.u32 s0, $0x3;
	[tilespmem:v6+s25+$0x0] =	vst.idx.msk $0xffff, v57  }
0x169: {  	s0 =	sadd.s32 s3, s0;
	[tilespmem:v7+s25+$0x0] =	vst.idx.msk $0xffff, v60  }
0x16a: {  	[hbm4b:s0+s4] =	stream.linear.scatter [tilespmem:s25], [sflag:$0x2], $0x8000, $0x38;
	v63 =	vld [tilespmem:$0x0]  }
0x16b: {  	_ = 	snop  }
.LBB2_7:
.Ltmp20:
0x16c: {  	(pc) =	sbr.rel .LBB2_10-.Ltmp20, $2  }
0x16d: {  	_ =	sdelay $0x2  }
0x16e: {  	s31 =	smov.u32 s13;
	s0 =	smov.u32 s15;
	v20 =	vmovc v6;
	v21 =	vmov v7;
	v22 =	vmov v9;
	p2 =	por $0x0, $0x0;
	v23 =	vmov v8  }
.LBB2_11:
.Ltmp21:
0x16f: {  	(pc) =	sbr.rel .LBB2_14-.Ltmp21, $2  }
0x170: {  	_ =	sdelay $0x2  }
0x171: {  	_ = 	snop  }
.LBB2_19:
.Ltmp22:
0x172: {  	(pc) =	sbr.rel .LBB2_22-.Ltmp22, $2  }
0x173: {  	_ =	sdelay $0x2  }
0x174: {  	s13 =	smov.u32 s31;
	s15 =	smov.u32 s0;
	v20 =	vmovc v6;
	v21 =	vmov v7;
	v22 =	vmov v9;
	p2 =	por $0x0, $0x0;
	v23 =	vmov v8  }
.LBB2_23:
.Ltmp23:
0x175: {  	(pc) =	sbr.rel .LBB2_26-.Ltmp23, $2  }
0x176: {  	_ =	sdelay $0x2  }
0x177: {  	_ = 	snop  }
.LBB2_28:
0x178: {  	_ =	sfence.sel $0x180000  }
0x179: {  	[bflag:$0x0] =	sbarrier.arrive $0xFFFF  }
0x17a: {  	_ =	strace $0x90000047  }
0x17b: {  	s0 =	stileid.u32;
	[bflag:$0x2] =	sbarrier.arrive $0xFFFF  }
0x17c: {  	p0 =	sne.s32 s0, $0x0;
	s0 =	rddreg [dreg:$0x2]  }
0x17d: {  	s0 =	sadd.s32 @!p0 $0x100000, s0  }
0x17e: {  	[sflag:s0] =	ssyncadd.tile.s32 @!p0 $0x1;
	_ =	shalt  }
.Lfunc_end2:
_tile_overlayer_lowered:
.L_overlay_start_2:
0x17f: {  	(tag) =	ssettag $0x2  }
0x180: {  	s0 =	rddreg [dreg:$0x0];
	s2 =	stileid.u32  }
0x181: {  	s1 =	rddreg [dreg:$0x1];
	p0 =	sne.s32 s2, $0x0  }
0x182: {  	s3 =	rddreg [dreg:$0x2];
	[bflag:$0x3] =	sbarrier.arrive $0xFFFF;
	s2 =	simm.s32 @!p0 $0x1C03  }
0x183: {  	[timem:s3], [sflag:s2] =	dma.local @!p0 [hbm:s0], s1  }
0x184: {  	s0 =	simm.s32 @!p0 $0x3  }
0x185: {  	_ =	swait.ge @!p0 [sflag:s0], s1  }
0x186: {  	s1 =	ssub.s32 @!p0 $0x0, s1;
	[sflag:s0] =	ssyncset.done @!p0 $0x0  }
0x187: {  	[sflag:s0] =	ssyncadd.s32 @!p0 s1  }
0x188: {  	[bflag:$0x3] =	sbarrier.arrive $0xFFFF  }
0x189: {  	_ =	shalt  }

// kernel: kernel.7.cloned.1.call-start
scs
__scs_entry_jumppad:
0x0: {  	(pc) =	sbr.rel $0x88, $3  }
0x1: {  	(tag) =	ssettag $0x0;
	lr =	simm.s32 $0x1  }
0x2: {  	[smem:$0x3F9F] =	sst lr;
	_ =	strace $0xD0000000  }
0x3: {  	_ = 	snop  }
0x4: {  	_ = 	snop  }
0x5: {  	_ = 	snop  }
0x6: {  	_ = 	snop  }
0x7: {  	_ = 	snop  }
__scs_overlays_trampoline_lowered:
0x8: {  	[smem:$0x3FAE] =	sst s0  }
0x9: {  	[smem:$0x3FAF] =	sst s1  }
0xa: {  	[smem:$0x3FB0] =	sst s2  }
0xb: {  	[smem:$0x3FB1] =	sst s3  }
0xc: {  	[smem:$0x3FB2] =	sst s4  }
0xd: {  	[smem:$0x3FB3] =	sst s5  }
0xe: {  	[smem:$0x3FB4] =	sst s6  }
0xf: {  	[smem:$0x3FB5] =	sst s7  }
0x10: {  	[smem:$0x3FB6] =	sst s8  }
0x11: {  	[smem:$0x3FB7] =	sst s9;
	s0 =	simm.s32 @!p0 $0x0  }
0x12: {  	s1 =	sld [smem:$0x3F9D];
	s0 =	simm.s32 @p0 $0x1  }
0x13: {  	[smem:$0x3FB8] =	sst s0;
	s0 =	simm.s32 @!p1 $0x0  }
0x14: {  	s2 =	sld [smem:$0x3F9C];
	s0 =	simm.s32 @p1 $0x1  }
0x15: {  	[smem:$0x3FB9] =	sst s0;
	s0 =	simm.s32 @!p2 $0x0  }
0x16: {  	s3 =	sld [smem:$0x3FDB];
	s0 =	simm.s32 @p2 $0x1  }
0x17: {  	s4 =	simm.s32 $0x1BF5;
	[smem:$0x3FBB] =	sst s0  }
0x18: {  	s0 =	sld [smem:$0x3F9E];
	_ =	swait.ge [sflag:s4], $0x0  }
0x19: {  	s7 =	sld [smem:$0x3F9F]  }
0x1a: {  	s8 =	sadd.s32 $0xFFFFE003, lr  }
0x1b: {  	s9 =	sadd.s32 $0xFFFFFEF7, lr;
	s5 =	simm.s32 $0xFFFFFFFF;
	p2 =	slt.u32 s8, $0xFFFFF086  }
0x1c: {  	p1 =	slt.u32 s9, $0xF7A;
	s5 =	simm.s32 @!p2 $0x0  }
0x1d: {  	s5 =	simm.s32 @p1 $0x1;
	p0 =	seq.s32 s7, s2  }
0x1e: {  	s7 =	smul.u32 @!p0 $0xF7A, s2;
	p2 =	seq.s32 @!p0 s5, $0x0  }
0x1f: {  	s9 =	smul.u32 $0xF7A, s1;
	s8 =	simm.s32 @!p0 $0x1BF5;
	p2 =	por !p2, p0  }
0x20: {  	[sflag:s8] =	ssyncset.s32 @!p0 $0xFFFFF086;
	s6 =	sadd.s32 @!p0 s3, s7;
	s7 =	simm.s32 @!p0 $0x108  }
0x21: {  	s3 =	sadd.s32 s3, s9;
	s6 =	sadd.s32 @!p0 $0x88, s6;
	s7 =	simm.s32 @p2 $0x1082  }
0x22: {  	[simem:s7], [sflag:s8] =	dma.local @!p0 [hbm:s6], $0xF7A  }
0x23: {  	s9 =	sor.u32 $0xD0000000, s2;
	s6 =	simm.s32 $0x108;
	_ =	swait.ge @!p0 [sflag:s8], $0x0  }
0x24: {  	s3 =	sadd.s32 $0x88, s3;
	s6 =	simm.s32 @!p1 $0x1082;
	[sflag:s4] =	ssyncset.s32 $0xFFFFF086  }
0x25: {  	[simem:s6], [sflag:s4] =	dma.local [hbm:s3], $0xF7A  }
0x26: {  	[smem:$0x3F9F] =	sst s1;
	(tag) =	ssettag s2;
	_ =	strace s9  }
0x27: {  	s1 =	sld [smem:$0x3FAF]  }
0x28: {  	s2 =	sld [smem:$0x3FB0]  }
0x29: {  	s4 =	sld [smem:$0x3FB2]  }
0x2a: {  	p0 =	seq.s32 s5, $0x0;
	s5 =	sld [smem:$0x3FB3]  }
0x2b: {  	s6 =	sld [smem:$0x3FB4]  }
0x2c: {  	s7 =	sld [smem:$0x3FB5]  }
0x2d: {  	s3 =	simm.s32 $0x108;
	s8 =	sld [smem:$0x3FB6]  }
0x2e: {  	s3 =	simm.s32 @!p0 $0x1082;
	s9 =	sld [smem:$0x3FB7]  }
0x2f: {  	lr =	sadd.s32 s0, s3;
	s0 =	sld [smem:$0x3FAE]  }
0x30: {  	s3 =	sld [smem:$0x3FB1]  }
0x31: {  	[smem:$0x3FBA] =	sst s10  }
0x32: {  	s10 =	sld [smem:$0x3FB8];
	_ =	sdelay $0x3  }
0x33: {  	p0 =	seq.s32 s10, $0x1;
	s10 =	sld [smem:$0x3FBA];
	_ =	sdelay $0x3  }
0x34: {  	[smem:$0x3FBA] =	sst s10  }
0x35: {  	s10 =	sld [smem:$0x3FB9];
	_ =	sdelay $0x3  }
0x36: {  	p1 =	seq.s32 s10, $0x1;
	s10 =	sld [smem:$0x3FBA];
	_ =	sdelay $0x3  }
0x37: {  	[smem:$0x3FBA] =	sst s10  }
0x38: {  	s10 =	sld [smem:$0x3FBB]  }
0x39: {  	_ = 	snop;
	(pc) =	sbr.ind lr, $3  }
0x3a: {  	_ = 	snop  }
0x3b: {  	_ = 	snop  }
0x3c: {  	p2 =	seq.s32 s10, $0x1;
	s10 =	sld [smem:$0x3FBA]  }
0x3d: {  	_ =	shalt  }
0x3e: {  	_ =	shalt  }
0x3f: {  	_ =	shalt  }
0x40: {  	_ =	shalt  }
0x41: {  	_ =	shalt  }
0x42: {  	_ =	shalt  }
0x43: {  	_ =	shalt  }
0x44: {  	_ =	shalt  }
0x45: {  	_ =	shalt  }
0x46: {  	_ =	shalt  }
0x47: {  	_ =	shalt  }
0x48: {  	_ =	shalt  }
0x49: {  	_ =	shalt  }
0x4a: {  	_ =	shalt  }
0x4b: {  	_ =	shalt  }
0x4c: {  	_ =	shalt  }
0x4d: {  	_ =	shalt  }
0x4e: {  	_ =	shalt  }
0x4f: {  	_ =	shalt  }
0x50: {  	_ =	shalt  }
0x51: {  	_ =	shalt  }
0x52: {  	_ =	shalt  }
0x53: {  	_ =	shalt  }
0x54: {  	_ =	shalt  }
0x55: {  	_ =	shalt  }
0x56: {  	_ =	shalt  }
0x57: {  	_ =	shalt  }
0x58: {  	_ =	shalt  }
0x59: {  	_ =	shalt  }
0x5a: {  	_ =	shalt  }
0x5b: {  	_ =	shalt  }
0x5c: {  	_ =	shalt  }
0x5d: {  	_ =	shalt  }
0x5e: {  	_ =	shalt  }
0x5f: {  	_ =	shalt  }
0x60: {  	_ =	shalt  }
0x61: {  	_ =	shalt  }
0x62: {  	_ =	shalt  }
0x63: {  	_ =	shalt  }
0x64: {  	_ =	shalt  }
0x65: {  	_ =	shalt  }
0x66: {  	_ =	shalt  }
0x67: {  	_ =	shalt  }
0x68: {  	_ =	shalt  }
0x69: {  	_ =	shalt  }
0x6a: {  	_ =	shalt  }
0x6b: {  	_ =	shalt  }
0x6c: {  	_ =	shalt  }
0x6d: {  	_ =	shalt  }
0x6e: {  	_ =	shalt  }
0x6f: {  	_ =	shalt  }
0x70: {  	_ =	shalt  }
0x71: {  	_ =	shalt  }
0x72: {  	_ =	shalt  }
0x73: {  	_ =	shalt  }
0x74: {  	_ =	shalt  }
0x75: {  	_ =	shalt  }
0x76: {  	_ =	shalt  }
0x77: {  	_ =	shalt  }
0x78: {  	_ =	shalt  }
0x79: {  	_ =	shalt  }
0x7a: {  	_ =	shalt  }
0x7b: {  	_ =	shalt  }
0x7c: {  	_ =	shalt  }
0x7d: {  	_ =	shalt  }
0x7e: {  	_ =	shalt  }
0x7f: {  	_ =	shalt  }
0x80: {  	_ =	shalt  }
0x81: {  	_ =	shalt  }
0x82: {  	_ =	shalt  }
0x83: {  	_ =	shalt  }
0x84: {  	_ =	shalt  }
0x85: {  	_ =	shalt  }
0x86: {  	_ =	shalt  }
0x87: {  	_ =	shalt  }
.Lfunc_end0:
.L_simem_size_0:
called_computation.1_lowered:
.L_overlay_start_0:
0x88: {  	s2 =	sld [smem:$0x3FD9]  }
0x89: {  	s3 =	sld [smem:$0x3FFE];
	_ =	sdelay $0x1  }
0x8a: {  	s1 =	srdreg.scid  }
0x8b: {  	s0 =	sand.u32 $0x1, s1  }
0x8c: {  	s17 =	sshll.u32 s0, $0xA;
	s2 =	sadd.s32 s3, s2  }
0x8d: {  	s2 =	sadd.s32 s2, s17  }
0x8e: {  	[smem:$0x3FC6] =	sst s2  }
0x8f: {  	_ = 	snop  }
0x90: {  	s2 =	sld [smem:$0x3FC8]  }
0x91: {  	s18 =	sld [smem:$0x3FD0];
	(tm) =	ssettm $0x1  }
0x92: {  	s4 =	sld [smem:$0x3FFB];
	_ =	sdelay $0x3  }
0x93: {  	_ =	strace s4  }
0x94: {  	s4 =	sld [smem:$0x3FFC];
	_ =	sdelay $0x3  }
0x95: {  	_ =	strace s4  }
0x96: {  	s4 =	sld [smem:$0x3FFD];
	_ =	sdelay $0x3  }
0x97: {  	_ =	strace s4  }
0x98: {  	_ =	strace $0x8FFFFFFF  }
0x99: {  	s19 =	sld [smem:$0x3FDB];
	_ =	sdelay $0x1  }
0x9a: {  	s5 =	simm.s32 $_scs_section_size  }
0x9b: {  	s6 =	simm.s32 $_size__tile_overlayer_lowered;
	s7 =	simm.s32 $_tile_overlayer_lowered  }
0x9c: {  	s22 =	simm.s32 $0x1BFF;
	s21 =	sshll.u32 s7, $0x1;
	s4 =	sadd.s32 s5, s19  }
0x9d: {  	s8 =	simm.s32 $0x0;
	s20 =	sshll.u32 s6, $0x1;
	s6 =	sadd.s32 s21, s4  }
0x9e: {  	[timem:s8], [sflag:s22] =	dma.local [hbm:s6], s20  }
0x9f: {  	_ =	swait.ge [sflag:s22], s20  }
0xa0: {  	s5 =	ssub.s32 $0x0, s20;
	[sflag:s22] =	ssyncset.done $0x0  }
0xa1: {  	[sflag:s22] =	ssyncadd.s32 s5;
	_ =	sdelay $0x1  }
0xa2: {  	s23 =	simm.s32 $0x1B8B  }
0xa3: {  	_ =	swait.ge [sflag:s23], $0x1  }
0xa4: {  	[sflag:s23] =	ssyncset.done $0x0  }
0xa5: {  	s25 =	simm.s32 $0x1B8E;
	s24 =	sld [smem:$0x3FFE];
	[sflag:s23] =	ssyncadd.s32 $0xFFFFFFFF  }
0xa6: {  	s26 =	simm.s32 $execute0_lowered;
	[smem:$0x3FD2] =	sst s25  }
0xa7: {  	s6 =	sshll.u32 s26, $0x1;
	_ =	strace $0x80000049;
	[dreg:$0x1] =	wrdreg $0xFFFFFFFF  }
0xa8: {  	s28 =	simm.s32 $_size_execute0_lowered;
	s4 =	sadd.s32 s4, s6;
	[dreg:$0x0] =	wrdreg $0x0  }
0xa9: {  	s6 =	sshll.u32 s28, $0x1;
	[dreg:$0x2] =	wrdreg s4  }
0xaa: {  	[dreg:$0x3] =	wrdreg s6  }
0xab: {  	[dreg:$0x4] =	wrdreg $0xC0  }
0xac: {  	_ =	task [dreg:s8], $0x5FFFF  }
0xad: {  	[dreg:$0x1] =	wrdreg $0xFFFFFFFF  }
0xae: {  	[dreg:$0x0] =	wrdreg $0x60  }
0xaf: {  	[dreg:$0x2] =	wrdreg s18  }
0xb0: {  	[dreg:$0x3] =	wrdreg s2  }
0xb1: {  	[dreg:$0x4] =	wrdreg s24  }
0xb2: {  	[dreg:$0x5] =	wrdreg $0x9  }
0xb3: {  	_ =	task.clear_ibuf [dreg:s8], $0x6FFFF;
	_ =	strace $0x90000049  }
0xb4: {  	s29 =	simm.s32 $0x9;
	_ =	strace $0x8000004B  }
0xb5: {  	_ =	swait.ge [sflag:s29], $0x1  }
0xb6: {  	[sflag:s29] =	ssyncadd.s32 $0xFFFFFFFF  }
0xb7: {  	_ =	strace $0x9000004B  }
0xb8: {  	_ =	sfence  }
0xb9: {  	s30 =	sld [smem:$0x0];
	_ =	sdelay $0x2  }
0xba: {  	s31 =	sshll.u32 s1, $0xD;
	s1 =	sshrl.u32 s1, $0x2  }
0xbb: {  	s3 =	sand.u32 $0x4000, s31;
	s1 =	sadd.s32 s1, s30  }
0xbc: {  	s0 =	sor.u32 s3, s0;
	s1 =	sshll.u32 s1, $0x11  }
0xbd: {  	s0 =	sor.u32 s1, s0  }
0xbe: {  	s0 =	sadd.s32 $0x8F2B, s0  }
0xbf: {  	[sflag:s0] =	ssyncadd.remote.s32 $0x1  }
0xc0: {  	_ =	sfence.sel $0xFFFF  }
0xc1: {  	[dreg:$0x0] =	wrdreg $0xFFFFFFFF;
	(pc) =	sbr.abs _section_cstart, $3  }
0xc2: {  	[dreg:$0x1] =	wrdreg $0xFFFFFFFF  }
0xc3: {  	_ =	task.clear_ibuf [dreg:s8], $0x2FFFF;
	_ =	strace $0x9FFFFFFF  }
0xc4: {  	(tm) =	ssettm $0x7FFFFFFF  }
0xc5: {  	_ =	shalt  }
tec
execute0_lowered:
.L_overlay_start_1:
0x0: {  	(tag) =	ssettag $0x1  }
0x1: {  	s1 =	rddreg [dreg:$0x0];
	s0 =	srdreg.scid  }
0x2: {  	s3 =	rddreg [dreg:$0x1];
	s4 =	stileid.u32  }
0x3: {  	s2 =	rddreg [dreg:$0x2];
	s19 =	simm.s32 $0x400;
	s29 =	simm.s32 $0xA000  }
0x4: {  	s30 =	simm.s32 $0x1;
	s12 =	simm.s32 $0x13800;
	s18 =	simm.s32 $0x13C00  }
0x5: {  	s0 =	sand.u32 $0x1, s0;
	s5 =	sshll.u32 s4, $0x13;
	s4 =	simm.s32 $0x0  }
0x6: {  	s7 =	sadd.s32 $0x800, s2;
	s10 =	sadd.s32 $0x100800, s2;
	s11 =	sadd.s32 $0x200800, s2  }
0x7: {  	s13 =	sadd.s32 $0x300800, s2;
	s2 =	simm.s32 $0x0;
	s6 =	sshll.u32 s0, $0x12  }
0x8: {  	[smem:$0x7FF] =	sst s4;
	s0 =	ssub.s32 $0x2, s0;
	s9 =	sor.u32 s6, s5  }
0x9: {  	_ =	strace $0x8000004A;
	s22 =	sshrl.u32 s0, $0x1;
	s25 =	sor.u32 $0x1000, s9  }
0xa: {  	s6 =	simm.s32 $0x2;
	s26 =	sor.u32 $0x1400, s9;
	[dreg:$0x8] =	wrdreg s25  }
0xb: {  	s5 =	sshrl.u32 s9, $0x3;
	s28 =	sor.u32 $0x1800, s9;
	[dreg:$0x9] =	wrdreg s26  }
0xc: {  	s0 =	ssub.s32 s0, s22;
	s31 =	sor.u32 $0x1C00, s9;
	[dreg:$0xa] =	wrdreg s28  }
0xd: {  	s8 =	smov.u32 s9;
	s5 =	sadd.s32 s3, s5;
	[dreg:$0xb] =	wrdreg s31  }
.Ltmp0:
0xe: {  	s0 =	smax.u32 s0, $0x1;
	[dreg:$0x4] =	wrdreg s5;
	(pc) =	sbr.rel .LBB2_1-.Ltmp0, $4  }
0xf: {  	s22 =	simm.s32 $0x3;
	s23 =	sadd.s32 $0x80, s5;
	[dreg:$0xc] =	wrdreg s0  }
0x10: {  	v0 =	vlaneseq.u32;
	s9 =	simm.s32 $0x13400;
	s24 =	sadd.s32 $0x100, s5;
	[dreg:$0x5] =	wrdreg s23  }
0x11: {  	v0 =	vmul.u32 $0x10, v0;
	s26 =	simm.s32 $0x6000;
	s5 =	sadd.s32 $0x180, s5;
	[dreg:$0x6] =	wrdreg s24  }
0x12: {  	s25 =	simm.s32 $0xE000;
	[dreg:$0x7] =	wrdreg s5;
	s24 =	simm.s32 $0x2000  }
.LBB2_24:
0x13: {  	_ =	swait.ge [sflag:s6], $0x400  }
0x14: {  	[sflag:s6] =	ssyncset.done $0x0  }
0x15: {  	[sflag:s6] =	ssyncadd.s32 $0xFFFFFC00  }
0x16: {  	_ =	swait.ge [sflag:s6], $0x400  }
0x17: {  	[sflag:s6] =	ssyncset.done $0x0  }
0x18: {  	[sflag:s6] =	ssyncadd.s32 $0xFFFFFC00  }
0x19: {  	_ =	swait.ge [sflag:s6], $0x400  }
0x1a: {  	[sflag:s6] =	ssyncset.done $0x0  }
0x1b: {  	[sflag:s6] =	ssyncadd.s32 $0xFFFFFC00  }
0x1c: {  	_ =	swait.ge [sflag:s6], $0x400  }
0x1d: {  	[sflag:s6] =	ssyncset.done $0x0  }
0x1e: {  	[sflag:s6] =	ssyncadd.s32 $0xFFFFFC00  }
0x1f: {  	_ =	swait.ge [sflag:s6], $0x400  }
0x20: {  	[sflag:s6] =	ssyncset.done $0x0  }
0x21: {  	[sflag:s6] =	ssyncadd.s32 $0xFFFFFC00  }
0x22: {  	_ =	swait.ge [sflag:s6], $0x400  }
0x23: {  	[sflag:s6] =	ssyncset.done $0x0  }
0x24: {  	[sflag:s6] =	ssyncadd.s32 $0xFFFFFC00  }
0x25: {  	_ =	swait.ge [sflag:s6], $0x400  }
0x26: {  	[sflag:s6] =	ssyncset.done $0x0  }
0x27: {  	[sflag:s6] =	ssyncadd.s32 $0xFFFFFC00  }
0x28: {  	_ =	swait.ge [sflag:s6], $0x400  }
0x29: {  	s2 =	rddreg [dreg:$0xd]  }
0x2a: {  	s0 =	rddreg [dreg:$0xc];
	s2 =	sadd.s32 $0x1, s2  }
0x2b: {  	p0 =	sne.s32 s2, s0  }
.Ltmp1:
0x2c: {  	_ = 	snop;
	(pc) =	sbr.rel @!p0 .LBB2_25-.Ltmp1, $3  }
0x2d: {  	_ =	sdelay $0x1  }
0x2e: {  	[sflag:s6] =	ssyncset.done $0x0  }
0x2f: {  	[sflag:s6] =	ssyncadd.s32 $0xFFFFFC00  }
.LBB2_1:
0x30: {  	[dreg:$0xd] =	wrdreg s2  }
0x31: {  	s0 =	rddreg [dreg:$0x4]  }
0x32: {  	[tilespmem:s4], [sflag:$0x3] =	stream.linear.gather [hbm4b:s0+s4], $0x400, $0x38;
	[tilespmem:$0x14000] =	vst v63  }
0x33: {  	s20 =	rddreg [dreg:$0x5]  }
0x34: {  	[tilespmem:s19], [sflag:$0x3] =	stream.linear.gather [hbm4b:s20+s4], $0x400, $0x38;
	[tilespmem:$0x14000] =	vst v63  }
0x35: {  	s21 =	rddreg [dreg:$0x6];
	s23 =	simm.s32 $0x800  }
0x36: {  	[tilespmem:s23], [sflag:$0x3] =	stream.linear.gather [hbm4b:s21+s4], $0x400, $0x38;
	[tilespmem:$0x14000] =	vst v63  }
0x37: {  	s28 =	rddreg [dreg:$0x7];
	s31 =	simm.s32 $0xC00  }
0x38: {  	[tilespmem:s31], [sflag:$0x3] =	stream.linear.gather [hbm4b:s28+s4], $0x400, $0x38;
	[tilespmem:$0x14000] =	vst v63  }
0x39: {  	_ =	swait.ge [sflag:s22], $0x400  }
0x3a: {  	[sflag:s22] =	ssyncset.done $0x0  }
0x3b: {  	s15 =	simm.s32 $0x40;
	[sflag:s22] =	ssyncadd.s32 $0xFFFFFC00  }
0x3c: {  	v4 =	vld [tilespmem:s15+$0x30]  }
0x3d: {  	v5 =	vld [tilespmem:s15+$0xFFFFFFD0]  }
0x3e: {  	v6 =	vld [tilespmem:s15+$0xFFFFFFE0]  }
0x3f: {  	v3 =	vld [tilespmem:s15+$0xFFFFFFF0]  }
0x40: {  	v1 =	vld [tilespmem:s15+$0x0]  }
0x41: {  	s5 =	simm.s32 $0x1040;
	v2 =	vld [tilespmem:s15+$0x10];
	v7 =	vshrl.u32 v4, $0x2  }
0x42: {  	v8 =	vshrl.u32 v5, $0x2;
	v4 =	vld [tilespmem:s15+$0x20];
	[tilespmem:s5+$0x30] =	vst v7  }
0x43: {  	s14 =	simm.s32 $0x0;
	v5 =	vld [tilespmem:s15+$0xFFFFFFC0];
	v6 =	vshrl.u32 v6, $0x2;
	s15 =	simm.s32 $0xC0;
	[tilespmem:s5+$0xFFFFFFD0] =	vst v8  }
.LBB2_2:
0x44: {  	v7 =	vld [tilespmem:s15+$0x30];
	s14 =	sadd.s32 $0x8, s14;
	[tilespmem:s5+$0xFFFFFFE0] =	vst v6;
	v3 =	vshrl.u32 v3, $0x2  }
0x45: {  	v6 =	vld [tilespmem:s15+$0xFFFFFFD0];
	p0 =	slt.u32 s14, $0x38;
	[tilespmem:s5+$0xFFFFFFF0] =	vst v3;
	v1 =	vshrl.u32 v1, $0x2  }
0x46: {  	v8 =	vld [tilespmem:s15+$0xFFFFFFE0];
	[tilespmem:s5+$0x0] =	vst v1;
	v1 =	vshrl.u32 v2, $0x2  }
.Ltmp2:
0x47: {  	v3 =	vld [tilespmem:s15+$0xFFFFFFF0];
	[tilespmem:s5+$0x10] =	vst v1;
	v2 =	vshrl.u32 v4, $0x2;
	(pc) =	sbr.rel @p0 .LBB2_2-.Ltmp2, $4  }
0x48: {  	v1 =	vld [tilespmem:s15+$0x0];
	v4 =	vshrl.u32 v5, $0x2;
	[tilespmem:s5+$0x20] =	vst v2  }
0x49: {  	v2 =	vld [tilespmem:s15+$0x10];
	v5 =	vshrl.u32 v7, $0x2;
	[tilespmem:s5+$0xFFFFFFC0] =	vst v4;
	s5 =	sadd.s32 $0x80, s5  }
0x4a: {  	v6 =	vshrl.u32 v6, $0x2;
	v4 =	vld [tilespmem:s15+$0x20];
	[tilespmem:s5+$0x30] =	vst v5  }
0x4b: {  	v5 =	vld [tilespmem:s15+$0xFFFFFFC0];
	[tilespmem:s5+$0xFFFFFFD0] =	vst v6;
	v6 =	vshrl.u32 v8, $0x2;
	s15 =	sadd.s32 $0x80, s15  }
0x4c: {  	[tilespmem:s5+$0xFFFFFFE0] =	vst v6;
	v3 =	vshrl.u32 v3, $0x2  }
0x4d: {  	[tilespmem:s5+$0xFFFFFFF0] =	vst v3;
	v1 =	vshrl.u32 v1, $0x2  }
0x4e: {  	[tilespmem:s5+$0x0] =	vst v1;
	v1 =	vshrl.u32 v2, $0x2  }
0x4f: {  	[tilespmem:s5+$0x10] =	vst v1;
	v1 =	vshrl.u32 v4, $0x2  }
0x50: {  	v2 =	vshrl.u32 v5, $0x2;
	[tilespmem:s5+$0x20] =	vst v1  }
0x51: {  	s0 =	simm.s32 $0x1000;
	[tilespmem:s5+$0xFFFFFFC0] =	vst v2  }
0x52: {  	[tilespmem:s24], [sflag:$0x1] =	stream.indirect.gather [hbm4b:s1+s19], $0x10, s0, s19, $0xb8;
	[tilespmem:$0x14000] =	vst v63  }
0x53: {  	_ =	swait.ge [sflag:s22], $0x400  }
0x54: {  	[sflag:s22] =	ssyncset.done $0x0  }
0x55: {  	s15 =	simm.s32 $0x470;
	[sflag:s22] =	ssyncadd.s32 $0xFFFFFC00  }
0x56: {  	v4 =	vld [tilespmem:s15+$0x0]  }
0x57: {  	v5 =	vld [tilespmem:s15+$0xFFFFFFA0]  }
0x58: {  	v6 =	vld [tilespmem:s15+$0xFFFFFFB0]  }
0x59: {  	v3 =	vld [tilespmem:s15+$0xFFFFFFC0]  }
0x5a: {  	v1 =	vld [tilespmem:s15+$0xFFFFFFD0]  }
0x5b: {  	s5 =	simm.s32 $0x1470;
	v2 =	vld [tilespmem:s15+$0xFFFFFFE0];
	v7 =	vshrl.u32 v4, $0x2  }
0x5c: {  	v8 =	vshrl.u32 v5, $0x2;
	v4 =	vld [tilespmem:s15+$0xFFFFFFF0];
	[tilespmem:s5+$0x0] =	vst v7  }
0x5d: {  	s14 =	simm.s32 $0x0;
	v5 =	vld [tilespmem:s15+$0xFFFFFF90];
	v6 =	vshrl.u32 v6, $0x2;
	s15 =	simm.s32 $0x4F0;
	[tilespmem:s5+$0xFFFFFFA0] =	vst v8  }
.LBB2_4:
0x5e: {  	v7 =	vld [tilespmem:s15+$0x0];
	s14 =	sadd.s32 $0x8, s14;
	[tilespmem:s5+$0xFFFFFFB0] =	vst v6;
	v3 =	vshrl.u32 v3, $0x2  }
0x5f: {  	v6 =	vld [tilespmem:s15+$0xFFFFFFA0];
	p0 =	slt.u32 s14, $0x38;
	[tilespmem:s5+$0xFFFFFFC0] =	vst v3;
	v1 =	vshrl.u32 v1, $0x2  }
0x60: {  	v8 =	vld [tilespmem:s15+$0xFFFFFFB0];
	[tilespmem:s5+$0xFFFFFFD0] =	vst v1;
	v1 =	vshrl.u32 v2, $0x2  }
.Ltmp3:
0x61: {  	v3 =	vld [tilespmem:s15+$0xFFFFFFC0];
	[tilespmem:s5+$0xFFFFFFE0] =	vst v1;
	v2 =	vshrl.u32 v4, $0x2;
	(pc) =	sbr.rel @p0 .LBB2_4-.Ltmp3, $4  }
0x62: {  	v1 =	vld [tilespmem:s15+$0xFFFFFFD0];
	v4 =	vshrl.u32 v5, $0x2;
	[tilespmem:s5+$0xFFFFFFF0] =	vst v2  }
0x63: {  	v2 =	vld [tilespmem:s15+$0xFFFFFFE0];
	v5 =	vshrl.u32 v7, $0x2;
	[tilespmem:s5+$0xFFFFFF90] =	vst v4;
	s5 =	sadd.s32 $0x80, s5  }
0x64: {  	v6 =	vshrl.u32 v6, $0x2;
	v4 =	vld [tilespmem:s15+$0xFFFFFFF0];
	[tilespmem:s5+$0x0] =	vst v5  }
0x65: {  	v5 =	vld [tilespmem:s15+$0xFFFFFF90];
	[tilespmem:s5+$0xFFFFFFA0] =	vst v6;
	v6 =	vshrl.u32 v8, $0x2;
	s15 =	sadd.s32 $0x80, s15  }
0x66: {  	[tilespmem:s5+$0xFFFFFFB0] =	vst v6;
	v3 =	vshrl.u32 v3, $0x2  }
0x67: {  	[tilespmem:s5+$0xFFFFFFC0] =	vst v3;
	v1 =	vshrl.u32 v1, $0x2  }
0x68: {  	[tilespmem:s5+$0xFFFFFFD0] =	vst v1;
	v1 =	vshrl.u32 v2, $0x2  }
0x69: {  	[tilespmem:s5+$0xFFFFFFE0] =	vst v1;
	v1 =	vshrl.u32 v4, $0x2  }
0x6a: {  	v2 =	vshrl.u32 v5, $0x2;
	[tilespmem:s5+$0xFFFFFFF0] =	vst v1  }
0x6b: {  	s0 =	simm.s32 $0x1400;
	s21 =	simm.s32 $0x0;
	[tilespmem:s5+$0xFFFFFF90] =	vst v2  }
0x6c: {  	[tilespmem:s26], [sflag:$0x1] =	stream.indirect.gather [hbm4b:s1+s19], $0x10, s0, s19, $0xb8;
	[tilespmem:$0x14000] =	vst v63  }
.LBB2_6:
0x6d: {  	_ =	swait.ge [sflag:s22], $0x400  }
0x6e: {  	[sflag:s22] =	ssyncset.done $0x0  }
0x6f: {  	s15 =	simm.s32 $0x870;
	[sflag:s22] =	ssyncadd.s32 $0xFFFFFC00  }
0x70: {  	v4 =	vld [tilespmem:s15+$0x0]  }
0x71: {  	v5 =	vld [tilespmem:s15+$0xFFFFFFA0]  }
0x72: {  	v6 =	vld [tilespmem:s15+$0xFFFFFFB0]  }
0x73: {  	v3 =	vld [tilespmem:s15+$0xFFFFFFC0]  }
0x74: {  	v1 =	vld [tilespmem:s15+$0xFFFFFFD0]  }
0x75: {  	s5 =	simm.s32 $0x1870;
	v2 =	vld [tilespmem:s15+$0xFFFFFFE0];
	v7 =	vshrl.u32 v4, $0x2  }
0x76: {  	v8 =	vshrl.u32 v5, $0x2;
	v4 =	vld [tilespmem:s15+$0xFFFFFFF0];
	[tilespmem:s5+$0x0] =	vst v7  }
0x77: {  	s14 =	simm.s32 $0x0;
	v5 =	vld [tilespmem:s15+$0xFFFFFF90];
	v6 =	vshrl.u32 v6, $0x2;
	s15 =	simm.s32 $0x8F0;
	[tilespmem:s5+$0xFFFFFFA0] =	vst v8  }
.LBB2_7:
0x78: {  	v7 =	vld [tilespmem:s15+$0x0];
	s14 =	sadd.s32 $0x8, s14;
	[tilespmem:s5+$0xFFFFFFB0] =	vst v6;
	v3 =	vshrl.u32 v3, $0x2  }
0x79: {  	v6 =	vld [tilespmem:s15+$0xFFFFFFA0];
	p0 =	slt.u32 s14, $0x38;
	[tilespmem:s5+$0xFFFFFFC0] =	vst v3;
	v1 =	vshrl.u32 v1, $0x2  }
0x7a: {  	v8 =	vld [tilespmem:s15+$0xFFFFFFB0];
	[tilespmem:s5+$0xFFFFFFD0] =	vst v1;
	v1 =	vshrl.u32 v2, $0x2  }
.Ltmp4:
0x7b: {  	v3 =	vld [tilespmem:s15+$0xFFFFFFC0];
	[tilespmem:s5+$0xFFFFFFE0] =	vst v1;
	v2 =	vshrl.u32 v4, $0x2;
	(pc) =	sbr.rel @p0 .LBB2_7-.Ltmp4, $4  }
0x7c: {  	v1 =	vld [tilespmem:s15+$0xFFFFFFD0];
	v4 =	vshrl.u32 v5, $0x2;
	[tilespmem:s5+$0xFFFFFFF0] =	vst v2  }
0x7d: {  	v2 =	vld [tilespmem:s15+$0xFFFFFFE0];
	v5 =	vshrl.u32 v7, $0x2;
	[tilespmem:s5+$0xFFFFFF90] =	vst v4;
	s5 =	sadd.s32 $0x80, s5  }
0x7e: {  	v6 =	vshrl.u32 v6, $0x2;
	v4 =	vld [tilespmem:s15+$0xFFFFFFF0];
	[tilespmem:s5+$0x0] =	vst v5  }
0x7f: {  	v5 =	vld [tilespmem:s15+$0xFFFFFF90];
	[tilespmem:s5+$0xFFFFFFA0] =	vst v6;
	v6 =	vshrl.u32 v8, $0x2;
	s15 =	sadd.s32 $0x80, s15  }
0x80: {  	[tilespmem:s5+$0xFFFFFFB0] =	vst v6;
	v3 =	vshrl.u32 v3, $0x2  }
0x81: {  	[tilespmem:s5+$0xFFFFFFC0] =	vst v3;
	v1 =	vshrl.u32 v1, $0x2  }
0x82: {  	[tilespmem:s5+$0xFFFFFFD0] =	vst v1;
	v1 =	vshrl.u32 v2, $0x2  }
0x83: {  	[tilespmem:s5+$0xFFFFFFE0] =	vst v1;
	v1 =	vshrl.u32 v4, $0x2  }
0x84: {  	v2 =	vshrl.u32 v5, $0x2;
	[tilespmem:s5+$0xFFFFFFF0] =	vst v1  }
0x85: {  	s0 =	simm.s32 $0x1800;
	[tilespmem:s5+$0xFFFFFF90] =	vst v2  }
0x86: {  	[tilespmem:s29], [sflag:$0x1] =	stream.indirect.gather [hbm4b:s1+s19], $0x10, s0, s19, $0xb8;
	[tilespmem:$0x14000] =	vst v63  }
0x87: {  	_ =	swait.ge [sflag:s30], $0x4000  }
0x88: {  	p1 =	seq.s32 s21, $0x0;
	[sflag:s30] =	ssyncset.done $0x0  }
0x89: {  	s5 =	simm.s32 @!p1 $0x2;
	[sflag:s30] =	ssyncadd.s32 $0xFFFFC000  }
0x8a: {  	_ =	swait.ge @!p1 [sflag:s5], $0x400  }
0x8b: {  	[sflag:s5] =	ssyncset.done @!p1 $0x0  }
0x8c: {  	[sflag:s5] =	ssyncadd.s32 @!p1 $0xFFFFFC00  }
0x8d: {  	_ =	swait.ge @!p1 [sflag:s5], $0x400  }
0x8e: {  	[sflag:s5] =	ssyncset.done @!p1 $0x0  }
0x8f: {  	[sflag:s5] =	ssyncadd.s32 @!p1 $0xFFFFFC00  }
0x90: {  	_ =	swait.ge @!p1 [sflag:s5], $0x400  }
0x91: {  	[sflag:s5] =	ssyncset.done @!p1 $0x0  }
0x92: {  	[sflag:s5] =	ssyncadd.s32 @!p1 $0xFFFFFC00  }
0x93: {  	_ =	swait.ge @!p1 [sflag:s5], $0x400  }
0x94: {  	[sflag:s5] =	ssyncset.done @!p1 $0x0  }
0x95: {  	s17 =	simm.s32 $0x20;
	[sflag:s5] =	ssyncadd.s32 @!p1 $0xFFFFFC00  }
0x96: {  	v1 =	vld [tilespmem:s17+$0x10];
	_ =	sdelay $0x1  }
0x97: {  	v2 =	vld [tilespmem:s17+$0xFFFFFFF0]  }
0x98: {  	s14 =	simm.s32 $0x30  }
0x99: {  	v3 =	vmov s14;
	v4 =	vld [tilespmem:s17+$0xFFFFFFE0]  }
0x9a: {  	s20 =	simm.s32 $0x10;
	v3 =	vshll.u32 v3, $0x4;
	v1 =	vshll.u32 v1, $0x2  }
0x9b: {  	v6 =	vmov s20;
	v3 =	vor.u32 v0, v3;
	v5 =	vld [tilespmem:s17+$0x0];
	v1 =	vand.u32 $0xC, v1  }
0x9c: {  	s23 =	simm.s32 $0x0;
	v2 =	vshll.u32 v2, $0x2;
	v3 =	vor.u32 v3, v1;
	v1 =	vshll.u32 v6, $0x4  }
0x9d: {  	v2 =	vand.u32 $0xC, v2;
	v6 =	vmov s23;
	v1 =	vor.u32 v0, v1  }
0x9e: {  	s31 =	simm.s32 $0x20;
	v4 =	vshll.u32 v4, $0x2;
	v6 =	vshll.u32 v6, $0x4;
	v7 =	vor.u32 v1, v2  }
0x9f: {  	v1 =	vor.u32 v0, v6;
	v2 =	vand.u32 $0xC, v4;
	v4 =	vmov s31  }
0xa0: {  	s0 =	simm.s32 $0x60;
	v6 =	vor.u32 v1, v2;
	v1 =	vshll.u32 v5, $0x2;
	v2 =	vshll.u32 v4, $0x4  }
0xa1: {  	v5 =	vld [tilespmem:s0+$0x10];
	v2 =	vor.u32 v0, v2;
	v1 =	vand.u32 $0xC, v1  }
0xa2: {  	v4 =	vld.idx.msk [tilespmem:v3+s24+$0x0], $0xffff;
	v8 =	vor.u32 v2, v1  }
0xa3: {  	v1 =	vor.u32 $0x1, v3;
	v2 =	vld.idx.msk [tilespmem:v7+s24+$0x0], $0xffff  }
0xa4: {  	v11 =	vld [tilespmem:s0+$0xFFFFFFF0]  }
0xa5: {  	s2 =	simm.s32 $0x70;
	s20 =	simm.s32 $0xA0;
	v9 =	vor.u32 $0x1, v7;
	v10 =	vld.idx.msk [tilespmem:v6+s24+$0x0], $0xffff  }
0xa6: {  	v12 =	vmov s2;
	s17 =	simm.s32 $0x12800;
	v19 =	vld [tilespmem:s20+$0xFFFFFFF0];
	v13 =	vor.u32 $0x1, v6  }
0xa7: {  	[tilespmem:s17+$0xFFFFF830] =	vst v4;
	v4 =	vshll.u32 v5, $0x2;
	v5 =	vshll.u32 v12, $0x4;
	v12 =	vld.idx.msk [tilespmem:v8+s24+$0x0], $0xffff  }
0xa8: {  	v14 =	vld.idx.msk [tilespmem:v1+s24+$0x0], $0xffff;
	v1 =	vand.u32 $0xC, v4;
	v4 =	vor.u32 v0, v5;
	[tilespmem:s17+$0xFFFFF810] =	vst v2;
	v2 =	vor.u32 $0x1, v8  }
0xa9: {  	v5 =	vld [tilespmem:s0+$0xFFFFFFE0];
	v1 =	vor.u32 v4, v1  }
0xaa: {  	v4 =	vld.idx.msk [tilespmem:v9+s24+$0x0], $0xffff;
	[tilespmem:s17+$0xFFFFF800] =	vst v10;
	v9 =	vor.u32 $0x2, v3  }
0xab: {  	s15 =	simm.s32 $0x50;
	v15 =	vor.u32 $0x2, v7;
	v10 =	vld.idx.msk [tilespmem:v13+s24+$0x0], $0xffff  }
0xac: {  	v16 =	vor.u32 $0x2, v6;
	v13 =	vld [tilespmem:s0+$0x0];
	[tilespmem:s17+$0xFFFFF820] =	vst v12;
	v12 =	vmov s15  }
0xad: {  	s16 =	simm.s32 $0x40;
	v18 =	vor.u32 $0x2, v8;
	v17 =	vld.idx.msk [tilespmem:v2+s24+$0x0], $0xffff;
	v2 =	vshll.u32 v11, $0x2;
	v11 =	vshll.u32 v12, $0x4  }
0xae: {  	[tilespmem:s17+$0xFFFFFC30] =	vst v14;
	v14 =	vmov s16;
	v12 =	vld.idx.msk [tilespmem:v1+s24+$0x0], $0xffff;
	v2 =	vand.u32 $0xC, v2;
	v11 =	vor.u32 v0, v11  }
0xaf: {  	v9 =	vld.idx.msk [tilespmem:v9+s24+$0x0], $0xffff;
	[tilespmem:s17+$0xFFFFFC10] =	vst v4;
	v4 =	vshll.u32 v5, $0x2;
	v5 =	vshll.u32 v14, $0x4;
	v2 =	vor.u32 v11, v2  }
0xb0: {  	s23 =	simm.s32 $0x60;
	v5 =	vor.u32 v0, v5;
	v4 =	vand.u32 $0xC, v4;
	v11 =	vor.u32 $0x1, v1;
	[tilespmem:s17+$0xFFFFFC00] =	vst v10;
	v10 =	vld.idx.msk [tilespmem:v15+s24+$0x0], $0xffff  }
0xb1: {  	v15 =	vld [tilespmem:s20+$0x10];
	v4 =	vor.u32 v5, v4;
	v5 =	vmov s23  }
0xb2: {  	v13 =	vshll.u32 v13, $0x2;
	v14 =	vld.idx.msk [tilespmem:v16+s24+$0x0], $0xffff;
	v16 =	vor.u32 $0x3, v3;
	v5 =	vshll.u32 v5, $0x4;
	[tilespmem:s17+$0xFFFFFC20] =	vst v17  }
0xb3: {  	s5 =	simm.s32 $0x12840;
	v3 =	vor.u32 v0, v5;
	v5 =	vand.u32 $0xC, v13;
	v13 =	vor.u32 $0x3, v7;
	v17 =	vld.idx.msk [tilespmem:v18+s24+$0x0], $0xffff  }
0xb4: {  	[tilespmem:s5+$0xFFFFF830] =	vst v12;
	v3 =	vor.u32 v3, v5;
	v12 =	vld.idx.msk [tilespmem:v2+s24+$0x0], $0xffff  }
0xb5: {  	v6 =	vor.u32 $0x3, v6;
	v5 =	vld.idx.msk [tilespmem:v11+s24+$0x0], $0xffff  }
0xb6: {  	[tilespmem:s17+$0x30] =	vst v9;
	v9 =	vld.idx.msk [tilespmem:v4+s24+$0x0], $0xffff  }
0xb7: {  	v11 =	vor.u32 $0x1, v2;
	[tilespmem:s17+$0x10] =	vst v10;
	v7 =	vld.idx.msk [tilespmem:v16+s24+$0x0], $0xffff  }
0xb8: {  	v8 =	vor.u32 $0x3, v8;
	s15 =	simm.s32 $0xB0;
	v10 =	vld.idx.msk [tilespmem:v13+s24+$0x0], $0xffff  }
0xb9: {  	v16 =	vor.u32 $0x1, v4;
	[tilespmem:s17+$0x0] =	vst v14;
	v14 =	vshll.u32 v15, $0x2;
	v13 =	vmov s15;
	v18 =	vld.idx.msk [tilespmem:v3+s24+$0x0], $0xffff  }
0xba: {  	v13 =	vshll.u32 v13, $0x4;
	[tilespmem:s5+$0xFFFFF810] =	vst v12;
	v12 =	vld.idx.msk [tilespmem:v6+s24+$0x0], $0xffff;
	v6 =	vand.u32 $0xC, v14;
	v14 =	vor.u32 $0x1, v3  }
0xbb: {  	v15 =	vld [tilespmem:s20+$0xFFFFFFE0];
	[tilespmem:s17+$0x20] =	vst v17;
	v13 =	vor.u32 v0, v13  }
0xbc: {  	v20 =	vld.idx.msk [tilespmem:v11+s24+$0x0], $0xffff;
	v6 =	vor.u32 v13, v6;
	[tilespmem:s5+$0xFFFFF800] =	vst v9  }
0xbd: {  	v17 =	vor.u32 $0x2, v1;
	v9 =	vld.idx.msk [tilespmem:v8+s24+$0x0], $0xffff;
	[tilespmem:s17+$0x410] =	vst v10  }
0xbe: {  	v8 =	vld.idx.msk [tilespmem:v16+s24+$0x0], $0xffff;
	v10 =	vshll.u32 v19, $0x2;
	[tilespmem:s5+$0xFFFFF820] =	vst v18  }
0xbf: {  	s31 =	simm.s32 $0x90;
	[tilespmem:s5+$0xFFFFFC30] =	vst v5;
	v16 =	vand.u32 $0xC, v10;
	v10 =	vld.idx.msk [tilespmem:v14+s24+$0x0], $0xffff;
	v14 =	vor.u32 $0x2, v2  }
0xc0: {  	s28 =	sshll.u32 s21, $0xC;
	s14 =	simm.s32 $0x12880;
	v11 =	vld [tilespmem:s20+$0x0];
	v13 =	vor.u32 $0x2, v4;
	v18 =	vmov s31;
	[tilespmem:s17+$0x400] =	vst v12  }
0xc1: {  	s16 =	simm.s32 $0xE0;
	s23 =	simm.s32 $0x8;
	s15 =	simm.s32 $0x80;
	v5 =	vor.u32 $0x2, v3;
	v18 =	vshll.u32 v18, $0x4;
	v12 =	vld.idx.msk [tilespmem:v6+s24+$0x0], $0xffff;
	[tilespmem:s5+$0xFFFFFC10] =	vst v20  }
.LBB2_9:
0xc2: {  	s23 =	sadd.s32 $0x4, s23;
	v19 =	vmov s15;
	v18 =	vor.u32 v0, v18;
	v17 =	vld.idx.msk [tilespmem:v17+s24+$0x0], $0xffff;
	[tilespmem:s17+$0x430] =	vst v7  }
0xc3: {  	v7 =	vshll.u32 v15, $0x2;
	v20 =	vld [tilespmem:s16+$0xFFFFFFF0];
	p0 =	slt.u32 s23, $0x3C;
	v15 =	vshll.u32 v19, $0x4;
	v16 =	vor.u32 v18, v16;
	[tilespmem:s17+$0x420] =	vst v9;
	s17 =	smov.u32 s5;
	s5 =	smov.u32 s14  }
0xc4: {  	s31 =	sadd.s32 $0x20, s15;
	s15 =	sadd.s32 $0x40, s15;
	v7 =	vand.u32 $0xC, v7;
	v9 =	vor.u32 v0, v15;
	v15 =	vor.u32 $0x1, v6;
	[tilespmem:s17+$0xFFFFFC00] =	vst v8;
	v8 =	vld.idx.msk [tilespmem:v14+s24+$0x0], $0xffff  }
0xc5: {  	v7 =	vor.u32 v9, v7;
	v9 =	vmov s31;
	v13 =	vld.idx.msk [tilespmem:v13+s24+$0x0], $0xffff  }
0xc6: {  	v11 =	vshll.u32 v11, $0x2;
	v14 =	vld [tilespmem:s16+$0x10];
	v9 =	vshll.u32 v9, $0x4;
	[tilespmem:s17+$0xFFFFFC20] =	vst v10;
	v10 =	vor.u32 $0x3, v1;
	v1 =	vmovc v6  }
0xc7: {  	v6 =	vor.u32 v0, v9;
	v9 =	vand.u32 $0xC, v11;
	[tilespmem:s14+$0xFFFFF830] =	vst v12;
	v11 =	vor.u32 $0x3, v2;
	v12 =	vld.idx.msk [tilespmem:v5+s24+$0x0], $0xffff;
	v2 =	vmovc v16  }
0xc8: {  	v16 =	vld.idx.msk [tilespmem:v16+s24+$0x0], $0xffff;
	v6 =	vor.u32 v6, v9;
	[tilespmem:s17+$0x30] =	vst v17  }
0xc9: {  	v5 =	vor.u32 $0x2, v6;
	v9 =	vld.idx.msk [tilespmem:v15+s24+$0x0], $0xffff;
	v15 =	vor.u32 $0x3, v4;
	v4 =	vmov v7  }
0xca: {  	v18 =	vor.u32 $0x1, v2;
	v17 =	vld.idx.msk [tilespmem:v7+s24+$0x0], $0xffff  }
0xcb: {  	s31 =	sadd.s32 $0x30, s15;
	[tilespmem:s17+$0x10] =	vst v8;
	v8 =	vor.u32 $0x3, v3;
	v7 =	vld.idx.msk [tilespmem:v10+s24+$0x0], $0xffff;
	v3 =	vmov v6  }
0xcc: {  	v19 =	vor.u32 $0x1, v4;
	v10 =	vshll.u32 v14, $0x2;
	v14 =	vmov s31;
	v11 =	vld.idx.msk [tilespmem:v11+s24+$0x0], $0xffff  }
0xcd: {  	v14 =	vshll.u32 v14, $0x4;
	v10 =	vand.u32 $0xC, v10;
	v21 =	vld.idx.msk [tilespmem:v6+s24+$0x0], $0xffff;
	[tilespmem:s17+$0x0] =	vst v13  }
0xce: {  	v6 =	vor.u32 v0, v14;
	[tilespmem:s14+$0xFFFFF810] =	vst v16;
	v22 =	vld.idx.msk [tilespmem:v15+s24+$0x0], $0xffff  }
0xcf: {  	v13 =	vshll.u32 v20, $0x2;
	v6 =	vor.u32 v6, v10;
	v10 =	vor.u32 $0x1, v3;
	v20 =	vld.idx.msk [tilespmem:v18+s24+$0x0], $0xffff;
	[tilespmem:s14+$0xFFFFFC30] =	vst v9  }
0xd0: {  	v16 =	vand.u32 $0xC, v13;
	v15 =	vld [tilespmem:s16+$0xFFFFFFE0];
	[tilespmem:s17+$0x20] =	vst v12  }
.Ltmp5:
0xd1: {  	[tilespmem:s14+$0xFFFFF800] =	vst v17;
	v17 =	vor.u32 $0x2, v1;
	v9 =	vld.idx.msk [tilespmem:v8+s24+$0x0], $0xffff;
	(pc) =	sbr.rel @p0 .LBB2_9-.Ltmp5, $4  }
0xd2: {  	v8 =	vld.idx.msk [tilespmem:v19+s24+$0x0], $0xffff;
	[tilespmem:s17+$0x410] =	vst v11  }
0xd3: {  	s31 =	sadd.s32 $0x10, s15;
	v14 =	vor.u32 $0x2, v2;
	s14 =	sadd.s32 $0x40, s14;
	v11 =	vld [tilespmem:s16+$0x0];
	[tilespmem:s5+$0xFFFFF820] =	vst v21  }
0xd4: {  	v13 =	vor.u32 $0x2, v4;
	v12 =	vmov s31;
	v10 =	vld.idx.msk [tilespmem:v10+s24+$0x0], $0xffff;
	[tilespmem:s17+$0x400] =	vst v22  }
0xd5: {  	v18 =	vshll.u32 v12, $0x4;
	s16 =	sadd.s32 $0x40, s16;
	v12 =	vld.idx.msk [tilespmem:v6+s24+$0x0], $0xffff;
	[tilespmem:s5+$0xFFFFFC10] =	vst v20  }
0xd6: {  	v19 =	vmov s15  }
0xd7: {  	v18 =	vor.u32 v0, v18;
	v15 =	vshll.u32 v15, $0x2;
	s31 =	sadd.s32 $0x20, s15;
	v19 =	vshll.u32 v19, $0x4  }
0xd8: {  	v16 =	vor.u32 v18, v16;
	v15 =	vand.u32 $0xC, v15;
	v50 =	vmov s31  }
0xd9: {  	v49 =	vor.u32 v0, v19;
	v11 =	vshll.u32 v11, $0x2;
	v51 =	vshll.u32 v50, $0x4  }
0xda: {  	v15 =	vor.u32 v49, v15;
	v18 =	vor.u32 v0, v51;
	v11 =	vand.u32 $0xC, v11  }
0xdb: {  	v11 =	vor.u32 v18, v11  }
0xdc: {  	v14 =	vld.idx.msk [tilespmem:v14+s24+$0x0], $0xffff;
	[tilespmem:s5+$0xFFFFFC00] =	vst v8  }
0xdd: {  	[tilespmem:s17+$0x430] =	vst v7;
	v7 =	vor.u32 $0x1, v6;
	v13 =	vld.idx.msk [tilespmem:v13+s24+$0x0], $0xffff  }
0xde: {  	[tilespmem:s17+$0x420] =	vst v9;
	v2 =	vor.u32 $0x3, v2;
	v52 =	vld.idx.msk [tilespmem:v16+s24+$0x0], $0xffff  }
0xdf: {  	v53 =	vor.u32 $0x1, v16;
	[tilespmem:s5+$0xFFFFFC20] =	vst v10;
	v8 =	vld.idx.msk [tilespmem:v15+s24+$0x0], $0xffff  }
0xe0: {  	v54 =	vor.u32 $0x1, v15;
	[tilespmem:s14+$0xFFFFF830] =	vst v12;
	v55 =	vld.idx.msk [tilespmem:v11+s24+$0x0], $0xffff  }
0xe1: {  	v5 =	vld.idx.msk [tilespmem:v5+s24+$0x0], $0xffff;
	v56 =	vor.u32 $0x1, v11;
	[tilespmem:s5+$0x10] =	vst v14  }
0xe2: {  	v7 =	vld.idx.msk [tilespmem:v7+s24+$0x0], $0xffff;
	[tilespmem:s5+$0x0] =	vst v13  }
0xe3: {  	v4 =	vor.u32 $0x3, v4;
	v2 =	vld.idx.msk [tilespmem:v2+s24+$0x0], $0xffff;
	[tilespmem:s14+$0xFFFFF810] =	vst v52  }
0xe4: {  	v59 =	vor.u32 $0x2, v6;
	v9 =	vld.idx.msk [tilespmem:v53+s24+$0x0], $0xffff;
	[tilespmem:s14+$0xFFFFF800] =	vst v8  }
0xe5: {  	v57 =	vor.u32 $0x2, v16;
	v8 =	vld.idx.msk [tilespmem:v54+s24+$0x0], $0xffff;
	[tilespmem:s14+$0xFFFFF820] =	vst v55  }
0xe6: {  	v58 =	vor.u32 $0x2, v15;
	[tilespmem:s5+$0x20] =	vst v5;
	v60 =	vld.idx.msk [tilespmem:v56+s24+$0x0], $0xffff  }
0xe7: {  	v17 =	vld.idx.msk [tilespmem:v17+s24+$0x0], $0xffff;
	v61 =	vor.u32 $0x2, v11;
	[tilespmem:s14+$0xFFFFFC30] =	vst v7  }
0xe8: {  	v1 =	vor.u32 $0x3, v1;
	v4 =	vld.idx.msk [tilespmem:v4+s24+$0x0], $0xffff;
	[tilespmem:s5+$0x410] =	vst v2  }
0xe9: {  	v3 =	vor.u32 $0x3, v3;
	v62 =	vld.idx.msk [tilespmem:v59+s24+$0x0], $0xffff;
	[tilespmem:s14+$0xFFFFFC10] =	vst v9  }
0xea: {  	v2 =	vor.u32 $0x3, v6;
	v7 =	vld.idx.msk [tilespmem:v57+s24+$0x0], $0xffff;
	[tilespmem:s14+$0xFFFFFC00] =	vst v8  }
0xeb: {  	v8 =	vor.u32 $0x3, v16;
	v5 =	vld.idx.msk [tilespmem:v58+s24+$0x0], $0xffff;
	[tilespmem:s14+$0xFFFFFC20] =	vst v60  }
0xec: {  	v63 =	vor.u32 $0x3, v15;
	[tilespmem:s5+$0x30] =	vst v17;
	v6 =	vld.idx.msk [tilespmem:v61+s24+$0x0], $0xffff  }
0xed: {  	v1 =	vld.idx.msk [tilespmem:v1+s24+$0x0], $0xffff;
	[tilespmem:s5+$0x400] =	vst v4;
	v4 =	vor.u32 $0x3, v11  }
0xee: {  	v3 =	vld.idx.msk [tilespmem:v3+s24+$0x0], $0xffff;
	[tilespmem:s14+$0x30] =	vst v62  }
0xef: {  	v2 =	vld.idx.msk [tilespmem:v2+s24+$0x0], $0xffff;
	[tilespmem:s14+$0x10] =	vst v7  }
0xf0: {  	v7 =	vld.idx.msk [tilespmem:v8+s24+$0x0], $0xffff;
	[tilespmem:s14+$0x0] =	vst v5  }
0xf1: {  	v5 =	vld.idx.msk [tilespmem:v63+s24+$0x0], $0xffff;
	[tilespmem:s14+$0x20] =	vst v6  }
0xf2: {  	[tilespmem:s5+$0x430] =	vst v1;
	v1 =	vld.idx.msk [tilespmem:v4+s24+$0x0], $0xffff  }
0xf3: {  	[tilespmem:s5+$0x420] =	vst v3  }
0xf4: {  	[tilespmem:s14+$0x430] =	vst v2  }
0xf5: {  	s0 =	sor.u32 s8, s28;
	[tilespmem:s14+$0x410] =	vst v7  }
0xf6: {  	s23 =	sshrl.u32 s0, $0x3;
	[tilespmem:s14+$0x400] =	vst v5  }
0xf7: {  	p0 =	seq.s32 s21, $0x3F;
	s0 =	simm.s32 $0x12000;
	s5 =	sadd.s32 s7, s23;
	[tilespmem:s14+$0x420] =	vst v1  }
0xf8: {  	[hbm4b:s5+s4] =	stream.linear.scatter [tilespmem:s0], [sflag:$0x2], $0x400, $0x38;
	[tilespmem:$0x14000] =	vst v63  }
0xf9: {  	s2 =	sadd.s32 s23, s10;
	s14 =	simm.s32 $0x12400;
	s0 =	rddreg [dreg:$0x8]  }
0xfa: {  	[hbm4b:s2+s4] =	stream.linear.scatter [tilespmem:s14], [sflag:$0x2], $0x400, $0x38;
	[tilespmem:$0x14000] =	vst v63  }
0xfb: {  	s16 =	simm.s32 $0x12800;
	s15 =	sadd.s32 s23, s11;
	s5 =	sadd.s32 @!p0 s28, s0  }
0xfc: {  	[hbm4b:s15+s4] =	stream.linear.scatter [tilespmem:s16], [sflag:$0x2], $0x400, $0x38;
	[tilespmem:$0x14000] =	vst v63  }
0xfd: {  	s20 =	simm.s32 $0x12C00;
	s17 =	sadd.s32 s23, s13;
	s5 =	sshrl.u32 @!p0 s5, $0x3  }
0xfe: {  	[hbm4b:s17+s4] =	stream.linear.scatter [tilespmem:s20], [sflag:$0x2], $0x400, $0x38;
	[tilespmem:$0x14000] =	vst v63  }
0xff: {  	s14 =	simm.s32 @!p0 $0x0;
	s5 =	sadd.s32 @!p0 s3, s5  }
0x100: {  	[tilespmem:s14], [sflag:$0x3] =	stream.linear.gather @!p0 [hbm4b:s5+s14], $0x400, $0x38;
	[tilespmem:$0x14000] =	vst v63  }
0x101: {  	_ =	swait.ge [sflag:s22], $0x400  }
0x102: {  	[sflag:s22] =	ssyncset.done $0x0  }
0x103: {  	s31 =	simm.s32 $0xC70;
	[sflag:s22] =	ssyncadd.s32 $0xFFFFFC00  }
0x104: {  	v4 =	vld [tilespmem:s31+$0x0]  }
0x105: {  	v5 =	vld [tilespmem:s31+$0xFFFFFFA0]  }
0x106: {  	v6 =	vld [tilespmem:s31+$0xFFFFFFB0]  }
0x107: {  	v3 =	vld [tilespmem:s31+$0xFFFFFFC0]  }
0x108: {  	v1 =	vld [tilespmem:s31+$0xFFFFFFD0]  }
0x109: {  	s5 =	simm.s32 $0x1C70;
	v2 =	vld [tilespmem:s31+$0xFFFFFFE0];
	v7 =	vshrl.u32 v4, $0x2  }
0x10a: {  	v8 =	vshrl.u32 v5, $0x2;
	v4 =	vld [tilespmem:s31+$0xFFFFFFF0];
	[tilespmem:s5+$0x0] =	vst v7  }
0x10b: {  	s15 =	simm.s32 $0xCF0;
	s14 =	simm.s32 $0x0;
	v5 =	vld [tilespmem:s31+$0xFFFFFF90];
	v6 =	vshrl.u32 v6, $0x2;
	[tilespmem:s5+$0xFFFFFFA0] =	vst v8  }
.LBB2_11:
0x10c: {  	v7 =	vld [tilespmem:s15+$0x0];
	s14 =	sadd.s32 $0x8, s14;
	[tilespmem:s5+$0xFFFFFFB0] =	vst v6;
	v3 =	vshrl.u32 v3, $0x2  }
0x10d: {  	v6 =	vld [tilespmem:s15+$0xFFFFFFA0];
	p2 =	slt.u32 s14, $0x38;
	[tilespmem:s5+$0xFFFFFFC0] =	vst v3;
	v1 =	vshrl.u32 v1, $0x2  }
0x10e: {  	v8 =	vld [tilespmem:s15+$0xFFFFFFB0];
	[tilespmem:s5+$0xFFFFFFD0] =	vst v1;
	v1 =	vshrl.u32 v2, $0x2  }
.Ltmp6:
0x10f: {  	v3 =	vld [tilespmem:s15+$0xFFFFFFC0];
	[tilespmem:s5+$0xFFFFFFE0] =	vst v1;
	v2 =	vshrl.u32 v4, $0x2;
	(pc) =	sbr.rel @p2 .LBB2_11-.Ltmp6, $4  }
0x110: {  	v1 =	vld [tilespmem:s15+$0xFFFFFFD0];
	v4 =	vshrl.u32 v5, $0x2;
	[tilespmem:s5+$0xFFFFFFF0] =	vst v2  }
0x111: {  	v2 =	vld [tilespmem:s15+$0xFFFFFFE0];
	v5 =	vshrl.u32 v7, $0x2;
	[tilespmem:s5+$0xFFFFFF90] =	vst v4;
	s5 =	sadd.s32 $0x80, s5  }
0x112: {  	v6 =	vshrl.u32 v6, $0x2;
	v4 =	vld [tilespmem:s15+$0xFFFFFFF0];
	[tilespmem:s5+$0x0] =	vst v5  }
0x113: {  	v5 =	vld [tilespmem:s15+$0xFFFFFF90];
	[tilespmem:s5+$0xFFFFFFA0] =	vst v6;
	v6 =	vshrl.u32 v8, $0x2;
	s15 =	sadd.s32 $0x80, s15  }
0x114: {  	[tilespmem:s5+$0xFFFFFFB0] =	vst v6;
	v3 =	vshrl.u32 v3, $0x2  }
0x115: {  	[tilespmem:s5+$0xFFFFFFC0] =	vst v3;
	v1 =	vshrl.u32 v1, $0x2  }
0x116: {  	[tilespmem:s5+$0xFFFFFFD0] =	vst v1;
	v1 =	vshrl.u32 v2, $0x2  }
0x117: {  	[tilespmem:s5+$0xFFFFFFE0] =	vst v1;
	v1 =	vshrl.u32 v4, $0x2  }
0x118: {  	v2 =	vshrl.u32 v5, $0x2;
	[tilespmem:s5+$0xFFFFFFF0] =	vst v1  }
0x119: {  	s0 =	simm.s32 $0x1C00;
	[tilespmem:s5+$0xFFFFFF90] =	vst v2  }
0x11a: {  	[tilespmem:s25], [sflag:$0x1] =	stream.indirect.gather [hbm4b:s1+s19], $0x10, s0, s19, $0xb8;
	[tilespmem:$0x14000] =	vst v63  }
0x11b: {  	_ =	swait.ge [sflag:s30], $0x4000  }
0x11c: {  	[sflag:s30] =	ssyncset.done $0x0  }
0x11d: {  	s5 =	simm.s32 @!p1 $0x2;
	[sflag:s30] =	ssyncadd.s32 $0xFFFFC000  }
0x11e: {  	_ =	swait.ge @!p1 [sflag:s5], $0x400  }
0x11f: {  	[sflag:s5] =	ssyncset.done @!p1 $0x0  }
0x120: {  	[sflag:s5] =	ssyncadd.s32 @!p1 $0xFFFFFC00  }
0x121: {  	_ =	swait.ge @!p1 [sflag:s5], $0x400  }
0x122: {  	[sflag:s5] =	ssyncset.done @!p1 $0x0  }
0x123: {  	[sflag:s5] =	ssyncadd.s32 @!p1 $0xFFFFFC00  }
0x124: {  	_ =	swait.ge @!p1 [sflag:s5], $0x400  }
0x125: {  	[sflag:s5] =	ssyncset.done @!p1 $0x0  }
0x126: {  	[sflag:s5] =	ssyncadd.s32 @!p1 $0xFFFFFC00  }
0x127: {  	_ =	swait.ge @!p1 [sflag:s5], $0x400  }
0x128: {  	[sflag:s5] =	ssyncset.done @!p1 $0x0  }
0x129: {  	s16 =	simm.s32 $0x430;
	[sflag:s5] =	ssyncadd.s32 @!p1 $0xFFFFFC00  }
0x12a: {  	v1 =	vld [tilespmem:s16+$0x0];
	_ =	sdelay $0x2  }
0x12b: {  	s14 =	simm.s32 $0x30  }
0x12c: {  	v3 =	vmov s14  }
0x12d: {  	v3 =	vshll.u32 v3, $0x4;
	v2 =	vld [tilespmem:s16+$0xFFFFFFD0];
	v1 =	vshll.u32 v1, $0x2  }
0x12e: {  	v3 =	vor.u32 v0, v3;
	v1 =	vand.u32 $0xC, v1  }
0x12f: {  	v4 =	vld [tilespmem:s16+$0xFFFFFFE0];
	v1 =	vor.u32 v3, v1  }
0x130: {  	s17 =	simm.s32 $0x0  }
0x131: {  	s20 =	simm.s32 $0x10;
	v5 =	vld [tilespmem:s16+$0xFFFFFFF0];
	v3 =	vmov s17  }
0x132: {  	v6 =	vmov s20;
	s0 =	simm.s32 $0x20;
	v2 =	vshll.u32 v2, $0x2;
	v3 =	vshll.u32 v3, $0x4  }
0x133: {  	v8 =	vmov s0;
	v2 =	vand.u32 $0xC, v2;
	v3 =	vor.u32 v0, v3  }
0x134: {  	v2 =	vor.u32 v3, v2;
	v3 =	vshll.u32 v4, $0x2;
	v4 =	vshll.u32 v6, $0x4;
	v6 =	vld.idx.msk [tilespmem:v1+s26+$0x0], $0xffff  }
0x135: {  	v7 =	vor.u32 $0x1, v1;
	v3 =	vand.u32 $0xC, v3;
	v4 =	vor.u32 v0, v4  }
0x136: {  	s2 =	simm.s32 $0x470;
	v3 =	vor.u32 v4, v3;
	v4 =	vshll.u32 v5, $0x2;
	v5 =	vshll.u32 v8, $0x4  }
0x137: {  	v11 =	vld [tilespmem:s2+$0xFFFFFFD0];
	v4 =	vand.u32 $0xC, v4;
	v5 =	vor.u32 v0, v5  }
0x138: {  	s17 =	simm.s32 $0x13C30;
	v4 =	vor.u32 v5, v4;
	v5 =	vld [tilespmem:s2+$0x0]  }
0x139: {  	v8 =	vld.idx.msk [tilespmem:v2+s26+$0x0], $0xffff;
	[tilespmem:s17+$0xFFFFF400] =	vst v6  }
0x13a: {  	v6 =	vld.idx.msk [tilespmem:v7+s26+$0x0], $0xffff  }
0x13b: {  	v10 =	vor.u32 $0x1, v2;
	v7 =	vld.idx.msk [tilespmem:v3+s26+$0x0], $0xffff  }
0x13c: {  	s15 =	simm.s32 $0x70;
	s0 =	simm.s32 $0x4B0;
	v13 =	vld [tilespmem:s2+$0xFFFFFFE0];
	v9 =	vor.u32 $0x2, v1  }
0x13d: {  	v14 =	vmov s15;
	v20 =	vld [tilespmem:s0+$0xFFFFFFE0];
	v12 =	vor.u32 $0x1, v3  }
0x13e: {  	v14 =	vshll.u32 v14, $0x4;
	v15 =	vld.idx.msk [tilespmem:v4+s26+$0x0], $0xffff;
	v5 =	vshll.u32 v5, $0x2;
	[tilespmem:s17+$0xFFFFF3D0] =	vst v8  }
0x13f: {  	v22 =	vld [tilespmem:s0+$0xFFFFFFF0];
	v16 =	vor.u32 $0x1, v4;
	v5 =	vand.u32 $0xC, v5;
	[tilespmem:s17+$0xFFFFF800] =	vst v6;
	v6 =	vor.u32 v0, v14  }
0x140: {  	s16 =	simm.s32 $0x40;
	v1 =	vor.u32 $0x3, v1;
	v17 =	vor.u32 $0x2, v3;
	[tilespmem:s17+$0xFFFFF3E0] =	vst v7;
	v7 =	vld.idx.msk [tilespmem:v10+s26+$0x0], $0xffff;
	v5 =	vor.u32 v6, v5  }
0x141: {  	s15 =	simm.s32 $0x50;
	v14 =	vor.u32 $0x2, v2;
	v10 =	vshll.u32 v11, $0x2;
	v8 =	vld.idx.msk [tilespmem:v9+s26+$0x0], $0xffff;
	v6 =	vmov s16  }
0x142: {  	v9 =	vmov s15;
	v11 =	vld.idx.msk [tilespmem:v12+s26+$0x0], $0xffff;
	v12 =	vshll.u32 v13, $0x2;
	v6 =	vshll.u32 v6, $0x4  }
0x143: {  	v13 =	vld [tilespmem:s2+$0xFFFFFFF0];
	v10 =	vand.u32 $0xC, v10;
	[tilespmem:s17+$0xFFFFF3F0] =	vst v15;
	v9 =	vshll.u32 v9, $0x4;
	v6 =	vor.u32 v0, v6  }
0x144: {  	v12 =	vand.u32 $0xC, v12;
	v15 =	vld.idx.msk [tilespmem:v16+s26+$0x0], $0xffff;
	v9 =	vor.u32 v0, v9;
	v6 =	vor.u32 v6, v10  }
0x145: {  	v10 =	vor.u32 v9, v12;
	[tilespmem:s17+$0xFFFFF7D0] =	vst v7;
	v9 =	vld.idx.msk [tilespmem:v5+s26+$0x0], $0xffff  }
0x146: {  	[tilespmem:s17+$0xFFFFFC00] =	vst v8;
	v8 =	vld.idx.msk [tilespmem:v14+s26+$0x0], $0xffff  }
0x147: {  	s20 =	simm.s32 $0x60;
	[tilespmem:s17+$0xFFFFF7E0] =	vst v11;
	v7 =	vld.idx.msk [tilespmem:v1+s26+$0x0], $0xffff;
	v1 =	vor.u32 $0x1, v5  }
0x148: {  	v11 =	vmov s20;
	v12 =	vld.idx.msk [tilespmem:v17+s26+$0x0], $0xffff  }
0x149: {  	v21 =	vor.u32 $0x2, v4;
	v13 =	vshll.u32 v13, $0x2;
	v11 =	vshll.u32 v11, $0x4;
	v14 =	vld.idx.msk [tilespmem:v6+s26+$0x0], $0xffff  }
0x14a: {  	s5 =	simm.s32 $0x13C70;
	v2 =	vor.u32 $0x3, v2;
	v13 =	vand.u32 $0xC, v13;
	v11 =	vor.u32 v0, v11;
	v16 =	vld.idx.msk [tilespmem:v10+s26+$0x0], $0xffff  }
0x14b: {  	v11 =	vor.u32 v11, v13;
	v13 =	vld [tilespmem:s0+$0x0];
	[tilespmem:s5+$0xFFFFF400] =	vst v9  }
0x14c: {  	[tilespmem:s17+$0xFFFFF7F0] =	vst v15;
	v9 =	vor.u32 $0x1, v6;
	v1 =	vld.idx.msk [tilespmem:v1+s26+$0x0], $0xffff  }
0x14d: {  	v18 =	vor.u32 $0x2, v5;
	v17 =	vld [tilespmem:s0+$0xFFFFFFD0];
	[tilespmem:s17+$0xFFFFFBD0] =	vst v8  }
0x14e: {  	s14 =	simm.s32 $0xB0;
	v19 =	vor.u32 $0x1, v10;
	v21 =	vld.idx.msk [tilespmem:v21+s26+$0x0], $0xffff;
	[tilespmem:s17+$0xFFFFFBE0] =	vst v12  }
0x14f: {  	v3 =	vor.u32 $0x3, v3;
	v12 =	vld.idx.msk [tilespmem:v2+s26+$0x0], $0xffff;
	[tilespmem:s5+$0xFFFFF3D0] =	vst v14;
	v14 =	vmov s14  }
0x150: {  	v23 =	vld.idx.msk [tilespmem:v11+s26+$0x0], $0xffff;
	v13 =	vshll.u32 v13, $0x2;
	[tilespmem:s5+$0xFFFFF3E0] =	vst v16;
	v16 =	vor.u32 $0x3, v4;
	v14 =	vshll.u32 v14, $0x4  }
0x151: {  	v25 =	vor.u32 $0x1, v11;
	v24 =	vld.idx.msk [tilespmem:v9+s26+$0x0], $0xffff;
	v9 =	vand.u32 $0xC, v13;
	[tilespmem:s5+$0xFFFFF800] =	vst v1;
	v1 =	vor.u32 v0, v14  }
0x152: {  	s2 =	simm.s32 $0x80;
	s16 =	simm.s32 $0x90;
	v15 =	vor.u32 $0x2, v6;
	v8 =	vor.u32 $0x3, v5;
	v13 =	vld.idx.msk [tilespmem:v18+s26+$0x0], $0xffff;
	v1 =	vor.u32 v1, v9  }
0x153: {  	v5 =	vmov s16;
	v2 =	vshll.u32 v17, $0x2;
	v4 =	vmov s2;
	v14 =	vld.idx.msk [tilespmem:v19+s26+$0x0], $0xffff  }
0x154: {  	v17 =	vshll.u32 v20, $0x2;
	v2 =	vand.u32 $0xC, v2;
	[tilespmem:s17+$0xFFFFFBF0] =	vst v21;
	v4 =	vshll.u32 v4, $0x4;
	v9 =	vld.idx.msk [tilespmem:v3+s26+$0x0], $0xffff  }
0x155: {  	v4 =	vor.u32 v0, v4;
	v19 =	vor.u32 $0x2, v10;
	v3 =	vshll.u32 v5, $0x4;
	[tilespmem:s5+$0xFFFFF3F0] =	vst v23;
	v16 =	vld.idx.msk [tilespmem:v16+s26+$0x0], $0xffff  }
0x156: {  	[tilespmem:s17+$0x0] =	vst v7;
	v7 =	vand.u32 $0xC, v17;
	v62 =	vor.u32 v4, v2;
	v3 =	vor.u32 v0, v3;
	v23 =	vld.idx.msk [tilespmem:v25+s26+$0x0], $0xffff  }
0x157: {  	s20 =	simm.s32 $0xA0;
	v4 =	vor.u32 $0x3, v6;
	v2 =	vor.u32 $0x3, v10;
	v6 =	vor.u32 v3, v7;
	v26 =	vld.idx.msk [tilespmem:v1+s26+$0x0], $0xffff;
	[tilespmem:s5+$0xFFFFFC00] =	vst v13  }
0x158: {  	v5 =	vor.u32 $0x2, v11;
	v27 =	vor.u32 $0x1, v1;
	v7 =	vmov s20;
	[tilespmem:s5+$0xFFFFF7D0] =	vst v24;
	v63 =	vld.idx.msk [tilespmem:v8+s26+$0x0], $0xffff  }
0x159: {  	v10 =	vor.u32 $0x3, v62;
	v3 =	vor.u32 $0x3, v11;
	v7 =	vshll.u32 v7, $0x4;
	v18 =	vld.idx.msk [tilespmem:v15+s26+$0x0], $0xffff;
	[tilespmem:s5+$0xFFFFF7E0] =	vst v14  }
0x15a: {  	[tilespmem:s17+$0xFFFFFFD0] =	vst v12;
	v12 =	vor.u32 $0x3, v6;
	v7 =	vor.u32 v0, v7;
	v19 =	vld.idx.msk [tilespmem:v19+s26+$0x0], $0xffff;
	v8 =	vshll.u32 v22, $0x2  }
0x15b: {  	s15 =	simm.s32 $0x13CB0;
	v15 =	vor.u32 $0x1, v62;
	v20 =	vld.idx.msk [tilespmem:v62+s26+$0x0], $0xffff;
	v13 =	vor.u32 $0x1, v6;
	v8 =	vand.u32 $0xC, v8;
	[tilespmem:s5+$0xFFFFF7F0] =	vst v23  }
0x15c: {  	v22 =	vld.idx.msk [tilespmem:v6+s26+$0x0], $0xffff;
	v17 =	vor.u32 v7, v8;
	v7 =	vor.u32 $0x2, v62;
	v8 =	vor.u32 $0x2, v6;
	[tilespmem:s15+$0xFFFFF400] =	vst v26  }
0x15d: {  	s31 =	simm.s32 $0x4F0;
	s16 =	simm.s32 $0x8;
	v11 =	vor.u32 $0x1, v17;
	v14 =	vor.u32 $0x2, v17;
	v6 =	vor.u32 $0x3, v17;
	v21 =	vld.idx.msk [tilespmem:v27+s26+$0x0], $0xffff;
	[tilespmem:s5+$0x0] =	vst v63  }
.LBB2_13:
0x15e: {  	v23 =	vld [tilespmem:s31+$0x0];
	s16 =	sadd.s32 $0x4, s16;
	[tilespmem:s5+$0xFFFFFBD0] =	vst v18  }
0x15f: {  	v24 =	vor.u32 $0x2, v1;
	v18 =	vld [tilespmem:s31+$0xFFFFFFD0];
	p1 =	slt.u32 s16, $0x3C;
	[tilespmem:s5+$0xFFFFFBE0] =	vst v19  }
0x160: {  	v19 =	vld [tilespmem:s31+$0xFFFFFFE0];
	[tilespmem:s17+$0xFFFFFFE0] =	vst v9  }
0x161: {  	s14 =	sadd.s32 $0x40, s14;
	v9 =	vld [tilespmem:s31+$0xFFFFFFF0];
	[tilespmem:s15+$0xFFFFF3D0] =	vst v20  }
0x162: {  	s2 =	sadd.s32 $0xFFFFFFD0, s14;
	s0 =	sadd.s32 $0xFFFFFFE0, s14;
	s20 =	sadd.s32 $0xFFFFFFF0, s14;
	v20 =	vmov s14;
	[tilespmem:s15+$0xFFFFF3E0] =	vst v22;
	v17 =	vld.idx.msk [tilespmem:v17+s26+$0x0], $0xffff  }
0x163: {  	v22 =	vmov s2;
	v20 =	vshll.u32 v20, $0x4;
	v23 =	vshll.u32 v23, $0x2;
	v25 =	vld.idx.msk [tilespmem:v15+s26+$0x0], $0xffff;
	[tilespmem:s15+$0xFFFFF800] =	vst v21  }
0x164: {  	v15 =	vmov s0;
	v20 =	vor.u32 v0, v20;
	v21 =	vand.u32 $0xC, v23;
	v23 =	vld.idx.msk [tilespmem:v24+s26+$0x0], $0xffff;
	[tilespmem:s17+$0xFFFFFFF0] =	vst v16;
	s17 =	smov.u32 s5;
	s5 =	smov.u32 s15  }
0x165: {  	v16 =	vshll.u32 v18, $0x2;
	v18 =	vmov s20;
	v20 =	vor.u32 v20, v21;
	v21 =	vld.idx.msk [tilespmem:v13+s26+$0x0], $0xffff  }
0x166: {  	v13 =	vshll.u32 v19, $0x2;
	v19 =	vor.u32 $0x3, v1;
	v9 =	vshll.u32 v9, $0x2;
	v24 =	vld.idx.msk [tilespmem:v5+s26+$0x0], $0xffff;
	v1 =	vmovc v20;
	v5 =	vmovc v14  }
0x167: {  	v15 =	vshll.u32 v15, $0x4;
	v18 =	vshll.u32 v18, $0x4;
	v14 =	vshll.u32 v22, $0x4;
	v22 =	vld.idx.msk [tilespmem:v4+s26+$0x0], $0xffff;
	v4 =	vmovc v10  }
0x168: {  	v13 =	vand.u32 $0xC, v13;
	v10 =	vand.u32 $0xC, v16;
	v16 =	vand.u32 $0xC, v9;
	[tilespmem:s15+$0xFFFFF3F0] =	vst v17;
	v9 =	vld.idx.msk [tilespmem:v2+s26+$0x0], $0xffff;
	v2 =	vmovc v12  }
0x169: {  	v12 =	vor.u32 v0, v14;
	v14 =	vor.u32 v0, v15;
	v17 =	vor.u32 v0, v18;
	v26 =	vld.idx.msk [tilespmem:v11+s26+$0x0], $0xffff  }
0x16a: {  	v27 =	vor.u32 v12, v10;
	v28 =	vor.u32 v14, v13;
	v29 =	vld.idx.msk [tilespmem:v20+s26+$0x0], $0xffff;
	[tilespmem:s15+$0xFFFFFC00] =	vst v23  }
0x16b: {  	v17 =	vor.u32 v17, v16;
	v15 =	vor.u32 $0x1, v27;
	v13 =	vor.u32 $0x1, v28;
	[tilespmem:s15+$0xFFFFF7D0] =	vst v25;
	v23 =	vld.idx.msk [tilespmem:v19+s26+$0x0], $0xffff  }
0x16c: {  	v11 =	vor.u32 $0x1, v17;
	v25 =	vor.u32 $0x1, v1;
	v18 =	vld.idx.msk [tilespmem:v7+s26+$0x0], $0xffff;
	v7 =	vor.u32 $0x2, v27;
	[tilespmem:s15+$0xFFFFF7E0] =	vst v21  }
.Ltmp7:
0x16d: {  	v10 =	vor.u32 $0x3, v27;
	v14 =	vor.u32 $0x2, v17;
	v19 =	vld.idx.msk [tilespmem:v8+s26+$0x0], $0xffff;
	v8 =	vor.u32 $0x2, v28;
	[tilespmem:s17+$0xFFFFFBF0] =	vst v24;
	(pc) =	sbr.rel @p1 .LBB2_13-.Ltmp7, $4  }
0x16e: {  	v12 =	vor.u32 $0x3, v28;
	[tilespmem:s17+$0xFFFFFFD0] =	vst v22;
	v16 =	vld.idx.msk [tilespmem:v3+s26+$0x0], $0xffff;
	v3 =	vmov v6;
	v6 =	vor.u32 $0x3, v17  }
0x16f: {  	s15 =	sadd.s32 $0x40, s15;
	v20 =	vld.idx.msk [tilespmem:v27+s26+$0x0], $0xffff;
	[tilespmem:s5+$0xFFFFF7F0] =	vst v26  }
0x170: {  	v22 =	vld.idx.msk [tilespmem:v28+s26+$0x0], $0xffff;
	[tilespmem:s15+$0xFFFFF400] =	vst v29  }
0x171: {  	s31 =	sadd.s32 $0x40, s31;
	v21 =	vld.idx.msk [tilespmem:v25+s26+$0x0], $0xffff;
	[tilespmem:s5+$0x0] =	vst v23  }
0x172: {  	_ =	sdelay $0x3  }
0x173: {  	v17 =	vld.idx.msk [tilespmem:v17+s26+$0x0], $0xffff  }
0x174: {  	[tilespmem:s5+$0xFFFFFBD0] =	vst v18  }
0x175: {  	v61 =	vor.u32 $0x2, v1;
	[tilespmem:s5+$0xFFFFFBE0] =	vst v19  }
0x176: {  	[tilespmem:s15+$0xFFFFF3D0] =	vst v20  }
0x177: {  	[tilespmem:s15+$0xFFFFF3E0] =	vst v22;
	v15 =	vld.idx.msk [tilespmem:v15+s26+$0x0], $0xffff  }
0x178: {  	v13 =	vld.idx.msk [tilespmem:v13+s26+$0x0], $0xffff;
	[tilespmem:s15+$0xFFFFF3F0] =	vst v17  }
0x179: {  	[tilespmem:s15+$0xFFFFF800] =	vst v21;
	v11 =	vld.idx.msk [tilespmem:v11+s26+$0x0], $0xffff  }
0x17a: {  	[tilespmem:s17+$0xFFFFFFE0] =	vst v9;
	v62 =	vld.idx.msk [tilespmem:v61+s26+$0x0], $0xffff  }
0x17b: {  	v1 =	vor.u32 $0x3, v1;
	v5 =	vld.idx.msk [tilespmem:v5+s26+$0x0], $0xffff;
	[tilespmem:s17+$0xFFFFFFF0] =	vst v16  }
0x17c: {  	v4 =	vld.idx.msk [tilespmem:v4+s26+$0x0], $0xffff;
	[tilespmem:s15+$0xFFFFF7D0] =	vst v15  }
0x17d: {  	v7 =	vld.idx.msk [tilespmem:v7+s26+$0x0], $0xffff;
	[tilespmem:s15+$0xFFFFF7E0] =	vst v13  }
0x17e: {  	v8 =	vld.idx.msk [tilespmem:v8+s26+$0x0], $0xffff;
	[tilespmem:s15+$0xFFFFF7F0] =	vst v11  }
0x17f: {  	[tilespmem:s15+$0xFFFFFC00] =	vst v62;
	v63 =	vld.idx.msk [tilespmem:v14+s26+$0x0], $0xffff  }
0x180: {  	[tilespmem:s5+$0xFFFFFBF0] =	vst v5;
	v1 =	vld.idx.msk [tilespmem:v1+s26+$0x0], $0xffff  }
0x181: {  	v2 =	vld.idx.msk [tilespmem:v2+s26+$0x0], $0xffff;
	[tilespmem:s5+$0xFFFFFFD0] =	vst v4  }
0x182: {  	v3 =	vld.idx.msk [tilespmem:v3+s26+$0x0], $0xffff;
	[tilespmem:s15+$0xFFFFFBD0] =	vst v7  }
0x183: {  	[tilespmem:s15+$0xFFFFFBE0] =	vst v8;
	v4 =	vld.idx.msk [tilespmem:v10+s26+$0x0], $0xffff  }
0x184: {  	v5 =	vld.idx.msk [tilespmem:v12+s26+$0x0], $0xffff;
	[tilespmem:s15+$0xFFFFFBF0] =	vst v63  }
0x185: {  	[tilespmem:s15+$0x0] =	vst v1;
	v1 =	vld.idx.msk [tilespmem:v6+s26+$0x0], $0xffff  }
0x186: {  	[tilespmem:s5+$0xFFFFFFE0] =	vst v2  }
0x187: {  	[tilespmem:s5+$0xFFFFFFF0] =	vst v3  }
0x188: {  	[tilespmem:s15+$0xFFFFFFD0] =	vst v4  }
0x189: {  	s0 =	sor.u32 $0x80, s23;
	[tilespmem:s15+$0xFFFFFFE0] =	vst v5  }
0x18a: {  	s16 =	simm.s32 $0x13000;
	s2 =	sadd.s32 s7, s0;
	[tilespmem:s15+$0xFFFFFFF0] =	vst v1  }
0x18b: {  	[hbm4b:s2+s4] =	stream.linear.scatter [tilespmem:s16], [sflag:$0x2], $0x400, $0x38;
	[tilespmem:$0x14000] =	vst v63  }
0x18c: {  	s17 =	sadd.s32 s0, s10  }
0x18d: {  	[hbm4b:s17+s4] =	stream.linear.scatter [tilespmem:s9], [sflag:$0x2], $0x400, $0x38;
	[tilespmem:$0x14000] =	vst v63  }
0x18e: {  	s20 =	sadd.s32 s0, s11  }
0x18f: {  	[hbm4b:s20+s4] =	stream.linear.scatter [tilespmem:s12], [sflag:$0x2], $0x400, $0x38;
	[tilespmem:$0x14000] =	vst v63  }
0x190: {  	s0 =	sadd.s32 s0, s13  }
0x191: {  	[hbm4b:s0+s4] =	stream.linear.scatter [tilespmem:s18], [sflag:$0x2], $0x400, $0x38;
	[tilespmem:$0x14000] =	vst v63  }
0x192: {  	s0 =	rddreg [dreg:$0x9]  }
0x193: {  	s0 =	sadd.s32 @!p0 s28, s0  }
0x194: {  	s0 =	sshrl.u32 @!p0 s0, $0x3  }
0x195: {  	s5 =	simm.s32 @!p0 $0x400;
	s2 =	simm.s32 @!p0 $0x0;
	s0 =	sadd.s32 @!p0 s3, s0  }
0x196: {  	[tilespmem:s5], [sflag:$0x3] =	stream.linear.gather @!p0 [hbm4b:s0+s2], $0x400, $0x38;
	[tilespmem:$0x14000] =	vst v63  }
0x197: {  	s0 =	simm.s32 @!p0 $0x3  }
0x198: {  	_ =	swait.ge @!p0 [sflag:s0], $0x400  }
0x199: {  	[sflag:s0] =	ssyncset.done @!p0 $0x0  }
0x19a: {  	s31 =	simm.s32 $0x40;
	[sflag:s0] =	ssyncadd.s32 @!p0 $0xFFFFFC00  }
0x19b: {  	v4 =	vld [tilespmem:s31+$0x30]  }
0x19c: {  	v5 =	vld [tilespmem:s31+$0xFFFFFFD0]  }
0x19d: {  	v6 =	vld [tilespmem:s31+$0xFFFFFFE0]  }
0x19e: {  	v3 =	vld [tilespmem:s31+$0xFFFFFFF0]  }
0x19f: {  	v1 =	vld [tilespmem:s31+$0x0]  }
0x1a0: {  	s5 =	simm.s32 $0x1040;
	v2 =	vld [tilespmem:s31+$0x10];
	v7 =	vshrl.u32 v4, $0x2  }
0x1a1: {  	v8 =	vshrl.u32 v5, $0x2;
	v4 =	vld [tilespmem:s31+$0x20];
	[tilespmem:s5+$0x30] =	vst v7  }
0x1a2: {  	s14 =	simm.s32 $0x0;
	s15 =	simm.s32 $0xC0;
	v5 =	vld [tilespmem:s31+$0xFFFFFFC0];
	v6 =	vshrl.u32 v6, $0x2;
	[tilespmem:s5+$0xFFFFFFD0] =	vst v8  }
.LBB2_15:
0x1a3: {  	v7 =	vld [tilespmem:s15+$0x30];
	s14 =	sadd.s32 $0x8, s14;
	[tilespmem:s5+$0xFFFFFFE0] =	vst v6;
	v3 =	vshrl.u32 v3, $0x2  }
0x1a4: {  	v6 =	vld [tilespmem:s15+$0xFFFFFFD0];
	p1 =	slt.u32 s14, $0x38;
	[tilespmem:s5+$0xFFFFFFF0] =	vst v3;
	v1 =	vshrl.u32 v1, $0x2  }
0x1a5: {  	v8 =	vld [tilespmem:s15+$0xFFFFFFE0];
	[tilespmem:s5+$0x0] =	vst v1;
	v1 =	vshrl.u32 v2, $0x2  }
.Ltmp8:
0x1a6: {  	v3 =	vld [tilespmem:s15+$0xFFFFFFF0];
	[tilespmem:s5+$0x10] =	vst v1;
	v2 =	vshrl.u32 v4, $0x2;
	(pc) =	sbr.rel @p1 .LBB2_15-.Ltmp8, $4  }
0x1a7: {  	v1 =	vld [tilespmem:s15+$0x0];
	v4 =	vshrl.u32 v5, $0x2;
	[tilespmem:s5+$0x20] =	vst v2  }
0x1a8: {  	v2 =	vld [tilespmem:s15+$0x10];
	v5 =	vshrl.u32 v7, $0x2;
	[tilespmem:s5+$0xFFFFFFC0] =	vst v4;
	s5 =	sadd.s32 $0x80, s5  }
0x1a9: {  	v6 =	vshrl.u32 v6, $0x2;
	v4 =	vld [tilespmem:s15+$0x20];
	[tilespmem:s5+$0x30] =	vst v5  }
0x1aa: {  	v5 =	vld [tilespmem:s15+$0xFFFFFFC0];
	[tilespmem:s5+$0xFFFFFFD0] =	vst v6;
	v6 =	vshrl.u32 v8, $0x2;
	s15 =	sadd.s32 $0x80, s15  }
0x1ab: {  	[tilespmem:s5+$0xFFFFFFE0] =	vst v6;
	v3 =	vshrl.u32 v3, $0x2  }
0x1ac: {  	[tilespmem:s5+$0xFFFFFFF0] =	vst v3;
	v1 =	vshrl.u32 v1, $0x2  }
0x1ad: {  	[tilespmem:s5+$0x0] =	vst v1;
	v1 =	vshrl.u32 v2, $0x2  }
0x1ae: {  	[tilespmem:s5+$0x10] =	vst v1;
	v1 =	vshrl.u32 v4, $0x2  }
0x1af: {  	v2 =	vshrl.u32 v5, $0x2;
	[tilespmem:s5+$0x20] =	vst v1  }
0x1b0: {  	s0 =	simm.s32 @!p0 $0x400;
	s2 =	simm.s32 @!p0 $0x1000;
	[tilespmem:s5+$0xFFFFFFC0] =	vst v2;
	s5 =	simm.s32 @!p0 $0x2000  }
0x1b1: {  	[tilespmem:s5], [sflag:$0x1] =	stream.indirect.gather @!p0 [hbm4b:s1+s0], $0x10, s2, s0, $0xb8;
	[tilespmem:$0x14000] =	vst v63  }
0x1b2: {  	_ =	swait.ge [sflag:s30], $0x4000  }
0x1b3: {  	[sflag:s30] =	ssyncset.done $0x0  }
0x1b4: {  	[sflag:s30] =	ssyncadd.s32 $0xFFFFC000  }
0x1b5: {  	_ =	swait.ge [sflag:s6], $0x400  }
0x1b6: {  	[sflag:s6] =	ssyncset.done $0x0  }
0x1b7: {  	[sflag:s6] =	ssyncadd.s32 $0xFFFFFC00  }
0x1b8: {  	_ =	swait.ge [sflag:s6], $0x400  }
0x1b9: {  	[sflag:s6] =	ssyncset.done $0x0  }
0x1ba: {  	[sflag:s6] =	ssyncadd.s32 $0xFFFFFC00  }
0x1bb: {  	_ =	swait.ge [sflag:s6], $0x400  }
0x1bc: {  	[sflag:s6] =	ssyncset.done $0x0  }
0x1bd: {  	[sflag:s6] =	ssyncadd.s32 $0xFFFFFC00  }
0x1be: {  	_ =	swait.ge [sflag:s6], $0x400  }
0x1bf: {  	[sflag:s6] =	ssyncset.done $0x0  }
0x1c0: {  	s16 =	simm.s32 $0x830;
	[sflag:s6] =	ssyncadd.s32 $0xFFFFFC00  }
0x1c1: {  	v1 =	vld [tilespmem:s16+$0x0];
	_ =	sdelay $0x1  }
0x1c2: {  	v2 =	vld [tilespmem:s16+$0xFFFFFFE0]  }
0x1c3: {  	s17 =	simm.s32 $0x30  }
0x1c4: {  	v3 =	vmov s17;
	v4 =	vld [tilespmem:s16+$0xFFFFFFD0]  }
0x1c5: {  	s20 =	simm.s32 $0x10;
	v3 =	vshll.u32 v3, $0x4;
	v1 =	vshll.u32 v1, $0x2  }
0x1c6: {  	v6 =	vmov s20;
	v3 =	vor.u32 v0, v3;
	v5 =	vld [tilespmem:s16+$0xFFFFFFF0];
	v1 =	vand.u32 $0xC, v1  }
0x1c7: {  	s5 =	simm.s32 $0x0;
	v2 =	vshll.u32 v2, $0x2;
	v3 =	vor.u32 v3, v1;
	v1 =	vshll.u32 v6, $0x4  }
0x1c8: {  	v2 =	vand.u32 $0xC, v2;
	v6 =	vmov s5;
	v1 =	vor.u32 v0, v1  }
0x1c9: {  	s14 =	simm.s32 $0x20;
	v4 =	vshll.u32 v4, $0x2;
	v6 =	vshll.u32 v6, $0x4;
	v7 =	vor.u32 v1, v2  }
0x1ca: {  	v1 =	vor.u32 v0, v6;
	v2 =	vand.u32 $0xC, v4;
	v4 =	vmov s14  }
0x1cb: {  	s15 =	simm.s32 $0x870;
	v6 =	vor.u32 v1, v2;
	v1 =	vshll.u32 v5, $0x2;
	v2 =	vshll.u32 v4, $0x4  }
0x1cc: {  	v5 =	vld [tilespmem:s15+$0x0];
	v2 =	vor.u32 v0, v2;
	v1 =	vand.u32 $0xC, v1  }
0x1cd: {  	v4 =	vld.idx.msk [tilespmem:v3+s29+$0x0], $0xffff;
	v8 =	vor.u32 v2, v1  }
0x1ce: {  	v1 =	vor.u32 $0x1, v3;
	v2 =	vld.idx.msk [tilespmem:v7+s29+$0x0], $0xffff  }
0x1cf: {  	v11 =	vld [tilespmem:s15+$0xFFFFFFE0]  }
0x1d0: {  	s16 =	simm.s32 $0x70;
	s14 =	simm.s32 $0x8B0;
	v9 =	vor.u32 $0x1, v7;
	v10 =	vld.idx.msk [tilespmem:v6+s29+$0x0], $0xffff  }
0x1d1: {  	s17 =	simm.s32 $0x12800;
	v12 =	vmov s16;
	v19 =	vld [tilespmem:s14+$0xFFFFFFE0];
	v13 =	vor.u32 $0x1, v6  }
0x1d2: {  	[tilespmem:s17+$0xFFFFF830] =	vst v4;
	v4 =	vshll.u32 v5, $0x2;
	v5 =	vshll.u32 v12, $0x4;
	v12 =	vld.idx.msk [tilespmem:v8+s29+$0x0], $0xffff  }
0x1d3: {  	v14 =	vld.idx.msk [tilespmem:v1+s29+$0x0], $0xffff;
	v1 =	vand.u32 $0xC, v4;
	v4 =	vor.u32 v0, v5;
	[tilespmem:s17+$0xFFFFF810] =	vst v2;
	v2 =	vor.u32 $0x1, v8  }
0x1d4: {  	v5 =	vld [tilespmem:s15+$0xFFFFFFD0];
	v1 =	vor.u32 v4, v1  }
0x1d5: {  	v4 =	vld.idx.msk [tilespmem:v9+s29+$0x0], $0xffff;
	[tilespmem:s17+$0xFFFFF800] =	vst v10;
	v9 =	vor.u32 $0x2, v3  }
0x1d6: {  	s20 =	simm.s32 $0x50;
	v15 =	vor.u32 $0x2, v7;
	v10 =	vld.idx.msk [tilespmem:v13+s29+$0x0], $0xffff  }
0x1d7: {  	v16 =	vor.u32 $0x2, v6;
	v13 =	vld [tilespmem:s15+$0xFFFFFFF0];
	[tilespmem:s17+$0xFFFFF820] =	vst v12;
	v12 =	vmov s20  }
0x1d8: {  	s5 =	simm.s32 $0x40;
	v18 =	vor.u32 $0x2, v8;
	v17 =	vld.idx.msk [tilespmem:v2+s29+$0x0], $0xffff;
	v2 =	vshll.u32 v11, $0x2;
	v11 =	vshll.u32 v12, $0x4  }
0x1d9: {  	[tilespmem:s17+$0xFFFFFC30] =	vst v14;
	v14 =	vmov s5;
	v12 =	vld.idx.msk [tilespmem:v1+s29+$0x0], $0xffff;
	v2 =	vand.u32 $0xC, v2;
	v11 =	vor.u32 v0, v11  }
0x1da: {  	v9 =	vld.idx.msk [tilespmem:v9+s29+$0x0], $0xffff;
	[tilespmem:s17+$0xFFFFFC10] =	vst v4;
	v4 =	vshll.u32 v5, $0x2;
	v5 =	vshll.u32 v14, $0x4;
	v2 =	vor.u32 v11, v2  }
0x1db: {  	s15 =	simm.s32 $0x60;
	v5 =	vor.u32 v0, v5;
	v4 =	vand.u32 $0xC, v4;
	v11 =	vor.u32 $0x1, v1;
	[tilespmem:s17+$0xFFFFFC00] =	vst v10;
	v10 =	vld.idx.msk [tilespmem:v15+s29+$0x0], $0xffff  }
0x1dc: {  	v15 =	vld [tilespmem:s14+$0x0];
	v4 =	vor.u32 v5, v4;
	v5 =	vmov s15  }
0x1dd: {  	v13 =	vshll.u32 v13, $0x2;
	v14 =	vld.idx.msk [tilespmem:v16+s29+$0x0], $0xffff;
	v16 =	vor.u32 $0x3, v3;
	v5 =	vshll.u32 v5, $0x4;
	[tilespmem:s17+$0xFFFFFC20] =	vst v17  }
0x1de: {  	s5 =	simm.s32 $0x12840;
	v3 =	vor.u32 v0, v5;
	v5 =	vand.u32 $0xC, v13;
	v13 =	vor.u32 $0x3, v7;
	v17 =	vld.idx.msk [tilespmem:v18+s29+$0x0], $0xffff  }
0x1df: {  	[tilespmem:s5+$0xFFFFF830] =	vst v12;
	v3 =	vor.u32 v3, v5;
	v12 =	vld.idx.msk [tilespmem:v2+s29+$0x0], $0xffff  }
0x1e0: {  	v6 =	vor.u32 $0x3, v6;
	v5 =	vld.idx.msk [tilespmem:v11+s29+$0x0], $0xffff  }
0x1e1: {  	[tilespmem:s17+$0x30] =	vst v9;
	v9 =	vld.idx.msk [tilespmem:v4+s29+$0x0], $0xffff  }
0x1e2: {  	v11 =	vor.u32 $0x1, v2;
	[tilespmem:s17+$0x10] =	vst v10;
	v7 =	vld.idx.msk [tilespmem:v16+s29+$0x0], $0xffff  }
0x1e3: {  	s16 =	simm.s32 $0xB0;
	v8 =	vor.u32 $0x3, v8;
	v13 =	vld.idx.msk [tilespmem:v13+s29+$0x0], $0xffff  }
0x1e4: {  	v10 =	vmov s16;
	v16 =	vor.u32 $0x1, v4;
	[tilespmem:s17+$0x0] =	vst v14;
	v14 =	vshll.u32 v15, $0x2;
	v18 =	vld.idx.msk [tilespmem:v3+s29+$0x0], $0xffff  }
0x1e5: {  	v10 =	vshll.u32 v10, $0x4;
	[tilespmem:s5+$0xFFFFF810] =	vst v12;
	v12 =	vld.idx.msk [tilespmem:v6+s29+$0x0], $0xffff;
	v6 =	vand.u32 $0xC, v14;
	v14 =	vor.u32 $0x1, v3  }
0x1e6: {  	v15 =	vld [tilespmem:s14+$0xFFFFFFD0];
	v10 =	vor.u32 v0, v10;
	[tilespmem:s17+$0x20] =	vst v17  }
0x1e7: {  	[tilespmem:s5+$0xFFFFFC30] =	vst v5;
	v20 =	vld.idx.msk [tilespmem:v11+s29+$0x0], $0xffff;
	v6 =	vor.u32 v10, v6  }
0x1e8: {  	v17 =	vor.u32 $0x2, v1;
	[tilespmem:s5+$0xFFFFF800] =	vst v9;
	v10 =	vld.idx.msk [tilespmem:v8+s29+$0x0], $0xffff  }
0x1e9: {  	v9 =	vshll.u32 v19, $0x2;
	v8 =	vld.idx.msk [tilespmem:v16+s29+$0x0], $0xffff;
	[tilespmem:s5+$0xFFFFF820] =	vst v18  }
0x1ea: {  	s20 =	simm.s32 $0x90;
	v16 =	vand.u32 $0xC, v9;
	[tilespmem:s17+$0x410] =	vst v13;
	v9 =	vld.idx.msk [tilespmem:v14+s29+$0x0], $0xffff;
	v14 =	vor.u32 $0x2, v2  }
0x1eb: {  	s31 =	simm.s32 $0x8F0;
	v11 =	vld [tilespmem:s14+$0xFFFFFFF0];
	v13 =	vor.u32 $0x2, v4;
	v18 =	vmov s20;
	[tilespmem:s17+$0x400] =	vst v12  }
0x1ec: {  	s15 =	simm.s32 $0x80;
	s16 =	simm.s32 $0x8;
	v5 =	vor.u32 $0x2, v3;
	s14 =	simm.s32 $0x12880;
	v18 =	vshll.u32 v18, $0x4;
	v12 =	vld.idx.msk [tilespmem:v6+s29+$0x0], $0xffff;
	[tilespmem:s5+$0xFFFFFC10] =	vst v20  }
.LBB2_17:
0x1ed: {  	s16 =	sadd.s32 $0x4, s16;
	v19 =	vmov s15;
	v18 =	vor.u32 v0, v18;
	v17 =	vld.idx.msk [tilespmem:v17+s29+$0x0], $0xffff;
	[tilespmem:s17+$0x430] =	vst v7  }
0x1ee: {  	v7 =	vshll.u32 v15, $0x2;
	v20 =	vld [tilespmem:s31+$0xFFFFFFE0];
	p1 =	slt.u32 s16, $0x3C;
	v15 =	vshll.u32 v19, $0x4;
	v16 =	vor.u32 v18, v16;
	[tilespmem:s17+$0x420] =	vst v10;
	s17 =	smov.u32 s5;
	s5 =	smov.u32 s14  }
0x1ef: {  	s0 =	sadd.s32 $0x20, s15;
	s15 =	sadd.s32 $0x40, s15;
	v7 =	vand.u32 $0xC, v7;
	v10 =	vor.u32 v0, v15;
	v15 =	vor.u32 $0x1, v6;
	[tilespmem:s17+$0xFFFFFC00] =	vst v8;
	v8 =	vld.idx.msk [tilespmem:v14+s29+$0x0], $0xffff  }
0x1f0: {  	v7 =	vor.u32 v10, v7;
	v10 =	vmov s0;
	v13 =	vld.idx.msk [tilespmem:v13+s29+$0x0], $0xffff  }
0x1f1: {  	v11 =	vshll.u32 v11, $0x2;
	v14 =	vld [tilespmem:s31+$0x0];
	v10 =	vshll.u32 v10, $0x4;
	[tilespmem:s17+$0xFFFFFC20] =	vst v9;
	v9 =	vor.u32 $0x3, v1;
	v1 =	vmovc v6  }
0x1f2: {  	v6 =	vor.u32 v0, v10;
	v10 =	vand.u32 $0xC, v11;
	[tilespmem:s14+$0xFFFFF830] =	vst v12;
	v11 =	vor.u32 $0x3, v2;
	v12 =	vld.idx.msk [tilespmem:v5+s29+$0x0], $0xffff;
	v2 =	vmovc v16  }
0x1f3: {  	v16 =	vld.idx.msk [tilespmem:v16+s29+$0x0], $0xffff;
	v6 =	vor.u32 v6, v10;
	[tilespmem:s17+$0x30] =	vst v17  }
0x1f4: {  	v5 =	vor.u32 $0x2, v6;
	v10 =	vld.idx.msk [tilespmem:v15+s29+$0x0], $0xffff;
	v15 =	vor.u32 $0x3, v4;
	v4 =	vmov v7  }
0x1f5: {  	v18 =	vor.u32 $0x1, v2;
	v17 =	vld.idx.msk [tilespmem:v7+s29+$0x0], $0xffff  }
0x1f6: {  	s0 =	sadd.s32 $0x30, s15;
	[tilespmem:s17+$0x10] =	vst v8;
	v8 =	vor.u32 $0x3, v3;
	v7 =	vld.idx.msk [tilespmem:v9+s29+$0x0], $0xffff;
	v3 =	vmov v6  }
0x1f7: {  	v19 =	vor.u32 $0x1, v4;
	v9 =	vshll.u32 v14, $0x2;
	v14 =	vmov s0;
	v11 =	vld.idx.msk [tilespmem:v11+s29+$0x0], $0xffff  }
0x1f8: {  	v14 =	vshll.u32 v14, $0x4;
	v9 =	vand.u32 $0xC, v9;
	v21 =	vld.idx.msk [tilespmem:v6+s29+$0x0], $0xffff;
	[tilespmem:s17+$0x0] =	vst v13  }
0x1f9: {  	v6 =	vor.u32 v0, v14;
	[tilespmem:s14+$0xFFFFF810] =	vst v16;
	v22 =	vld.idx.msk [tilespmem:v15+s29+$0x0], $0xffff  }
0x1fa: {  	v13 =	vshll.u32 v20, $0x2;
	v6 =	vor.u32 v6, v9;
	v9 =	vor.u32 $0x1, v3;
	v20 =	vld.idx.msk [tilespmem:v18+s29+$0x0], $0xffff;
	[tilespmem:s14+$0xFFFFFC30] =	vst v10  }
0x1fb: {  	v16 =	vand.u32 $0xC, v13;
	v15 =	vld [tilespmem:s31+$0xFFFFFFD0];
	[tilespmem:s17+$0x20] =	vst v12  }
.Ltmp9:
0x1fc: {  	[tilespmem:s14+$0xFFFFF800] =	vst v17;
	v17 =	vor.u32 $0x2, v1;
	v10 =	vld.idx.msk [tilespmem:v8+s29+$0x0], $0xffff;
	(pc) =	sbr.rel @p1 .LBB2_17-.Ltmp9, $4  }
0x1fd: {  	v8 =	vld.idx.msk [tilespmem:v19+s29+$0x0], $0xffff;
	[tilespmem:s17+$0x410] =	vst v11  }
0x1fe: {  	s0 =	sadd.s32 $0x10, s15;
	v14 =	vor.u32 $0x2, v2;
	s14 =	sadd.s32 $0x40, s14;
	v11 =	vld [tilespmem:s31+$0xFFFFFFF0];
	[tilespmem:s5+$0xFFFFF820] =	vst v21  }
0x1ff: {  	v13 =	vor.u32 $0x2, v4;
	v12 =	vmov s0;
	v9 =	vld.idx.msk [tilespmem:v9+s29+$0x0], $0xffff;
	[tilespmem:s17+$0x400] =	vst v22  }
0x200: {  	v18 =	vshll.u32 v12, $0x4;
	s31 =	sadd.s32 $0x40, s31;
	v12 =	vld.idx.msk [tilespmem:v6+s29+$0x0], $0xffff;
	[tilespmem:s5+$0xFFFFFC10] =	vst v20  }
0x201: {  	v19 =	vmov s15  }
0x202: {  	v18 =	vor.u32 v0, v18;
	v15 =	vshll.u32 v15, $0x2;
	s0 =	sadd.s32 $0x20, s15;
	v19 =	vshll.u32 v19, $0x4  }
0x203: {  	v16 =	vor.u32 v18, v16;
	v15 =	vand.u32 $0xC, v15;
	v50 =	vmov s0  }
0x204: {  	v49 =	vor.u32 v0, v19;
	v11 =	vshll.u32 v11, $0x2;
	v51 =	vshll.u32 v50, $0x4  }
0x205: {  	v15 =	vor.u32 v49, v15;
	v18 =	vor.u32 v0, v51;
	v11 =	vand.u32 $0xC, v11  }
0x206: {  	v11 =	vor.u32 v18, v11  }
0x207: {  	v14 =	vld.idx.msk [tilespmem:v14+s29+$0x0], $0xffff;
	[tilespmem:s5+$0xFFFFFC00] =	vst v8  }
0x208: {  	[tilespmem:s17+$0x430] =	vst v7;
	v7 =	vor.u32 $0x1, v6;
	v13 =	vld.idx.msk [tilespmem:v13+s29+$0x0], $0xffff  }
0x209: {  	[tilespmem:s17+$0x420] =	vst v10;
	v2 =	vor.u32 $0x3, v2;
	v52 =	vld.idx.msk [tilespmem:v16+s29+$0x0], $0xffff  }
0x20a: {  	v53 =	vor.u32 $0x1, v16;
	[tilespmem:s5+$0xFFFFFC20] =	vst v9;
	v8 =	vld.idx.msk [tilespmem:v15+s29+$0x0], $0xffff  }
0x20b: {  	v54 =	vor.u32 $0x1, v15;
	[tilespmem:s14+$0xFFFFF830] =	vst v12;
	v55 =	vld.idx.msk [tilespmem:v11+s29+$0x0], $0xffff  }
0x20c: {  	v5 =	vld.idx.msk [tilespmem:v5+s29+$0x0], $0xffff;
	v56 =	vor.u32 $0x1, v11;
	[tilespmem:s5+$0x10] =	vst v14  }
0x20d: {  	v7 =	vld.idx.msk [tilespmem:v7+s29+$0x0], $0xffff;
	[tilespmem:s5+$0x0] =	vst v13  }
0x20e: {  	v4 =	vor.u32 $0x3, v4;
	v2 =	vld.idx.msk [tilespmem:v2+s29+$0x0], $0xffff;
	[tilespmem:s14+$0xFFFFF810] =	vst v52  }
0x20f: {  	v59 =	vor.u32 $0x2, v6;
	v10 =	vld.idx.msk [tilespmem:v53+s29+$0x0], $0xffff;
	[tilespmem:s14+$0xFFFFF800] =	vst v8  }
0x210: {  	v57 =	vor.u32 $0x2, v16;
	v8 =	vld.idx.msk [tilespmem:v54+s29+$0x0], $0xffff;
	[tilespmem:s14+$0xFFFFF820] =	vst v55  }
0x211: {  	v58 =	vor.u32 $0x2, v15;
	[tilespmem:s5+$0x20] =	vst v5;
	v60 =	vld.idx.msk [tilespmem:v56+s29+$0x0], $0xffff  }
0x212: {  	v17 =	vld.idx.msk [tilespmem:v17+s29+$0x0], $0xffff;
	v61 =	vor.u32 $0x2, v11;
	[tilespmem:s14+$0xFFFFFC30] =	vst v7  }
0x213: {  	v1 =	vor.u32 $0x3, v1;
	v4 =	vld.idx.msk [tilespmem:v4+s29+$0x0], $0xffff;
	[tilespmem:s5+$0x410] =	vst v2  }
0x214: {  	v3 =	vor.u32 $0x3, v3;
	v62 =	vld.idx.msk [tilespmem:v59+s29+$0x0], $0xffff;
	[tilespmem:s14+$0xFFFFFC10] =	vst v10  }
0x215: {  	v2 =	vor.u32 $0x3, v6;
	v7 =	vld.idx.msk [tilespmem:v57+s29+$0x0], $0xffff;
	[tilespmem:s14+$0xFFFFFC00] =	vst v8  }
0x216: {  	v8 =	vor.u32 $0x3, v16;
	v5 =	vld.idx.msk [tilespmem:v58+s29+$0x0], $0xffff;
	[tilespmem:s14+$0xFFFFFC20] =	vst v60  }
0x217: {  	v63 =	vor.u32 $0x3, v15;
	[tilespmem:s5+$0x30] =	vst v17;
	v6 =	vld.idx.msk [tilespmem:v61+s29+$0x0], $0xffff  }
0x218: {  	v1 =	vld.idx.msk [tilespmem:v1+s29+$0x0], $0xffff;
	[tilespmem:s5+$0x400] =	vst v4;
	v4 =	vor.u32 $0x3, v11  }
0x219: {  	v3 =	vld.idx.msk [tilespmem:v3+s29+$0x0], $0xffff;
	[tilespmem:s14+$0x30] =	vst v62  }
0x21a: {  	v2 =	vld.idx.msk [tilespmem:v2+s29+$0x0], $0xffff;
	[tilespmem:s14+$0x10] =	vst v7  }
0x21b: {  	v7 =	vld.idx.msk [tilespmem:v8+s29+$0x0], $0xffff;
	[tilespmem:s14+$0x0] =	vst v5  }
0x21c: {  	v5 =	vld.idx.msk [tilespmem:v63+s29+$0x0], $0xffff;
	[tilespmem:s14+$0x20] =	vst v6  }
0x21d: {  	[tilespmem:s5+$0x430] =	vst v1;
	v1 =	vld.idx.msk [tilespmem:v4+s29+$0x0], $0xffff  }
0x21e: {  	[tilespmem:s5+$0x420] =	vst v3  }
0x21f: {  	[tilespmem:s14+$0x430] =	vst v2  }
0x220: {  	[tilespmem:s14+$0x410] =	vst v7  }
0x221: {  	s20 =	sor.u32 $0x100, s23;
	[tilespmem:s14+$0x400] =	vst v5  }
0x222: {  	s31 =	simm.s32 $0x12000;
	s2 =	sadd.s32 s7, s20;
	[tilespmem:s14+$0x420] =	vst v1  }
0x223: {  	[hbm4b:s2+s4] =	stream.linear.scatter [tilespmem:s31], [sflag:$0x2], $0x400, $0x38;
	[tilespmem:$0x14000] =	vst v63  }
0x224: {  	s15 =	simm.s32 $0x12400;
	s14 =	sadd.s32 s20, s10  }
0x225: {  	[hbm4b:s14+s4] =	stream.linear.scatter [tilespmem:s15], [sflag:$0x2], $0x400, $0x38;
	[tilespmem:$0x14000] =	vst v63  }
0x226: {  	s17 =	simm.s32 $0x12800;
	s16 =	sadd.s32 s20, s11  }
0x227: {  	[hbm4b:s16+s4] =	stream.linear.scatter [tilespmem:s17], [sflag:$0x2], $0x400, $0x38;
	[tilespmem:$0x14000] =	vst v63  }
0x228: {  	s0 =	sadd.s32 s20, s13;
	s20 =	simm.s32 $0x12C00  }
0x229: {  	[hbm4b:s0+s4] =	stream.linear.scatter [tilespmem:s20], [sflag:$0x2], $0x400, $0x38;
	[tilespmem:$0x14000] =	vst v63  }
0x22a: {  	s0 =	rddreg [dreg:$0xa]  }
0x22b: {  	s0 =	sadd.s32 @!p0 s28, s0  }
0x22c: {  	s0 =	sshrl.u32 @!p0 s0, $0x3  }
0x22d: {  	s5 =	simm.s32 @!p0 $0x800;
	s2 =	simm.s32 @!p0 $0x0;
	s0 =	sadd.s32 @!p0 s3, s0  }
0x22e: {  	[tilespmem:s5], [sflag:$0x3] =	stream.linear.gather @!p0 [hbm4b:s0+s2], $0x400, $0x38;
	[tilespmem:$0x14000] =	vst v63  }
0x22f: {  	s0 =	simm.s32 @!p0 $0x3  }
0x230: {  	_ =	swait.ge @!p0 [sflag:s0], $0x400  }
0x231: {  	[sflag:s0] =	ssyncset.done @!p0 $0x0  }
0x232: {  	s31 =	simm.s32 $0x470;
	[sflag:s0] =	ssyncadd.s32 @!p0 $0xFFFFFC00  }
0x233: {  	v4 =	vld [tilespmem:s31+$0x0]  }
0x234: {  	v5 =	vld [tilespmem:s31+$0xFFFFFFA0]  }
0x235: {  	v6 =	vld [tilespmem:s31+$0xFFFFFFB0]  }
0x236: {  	v3 =	vld [tilespmem:s31+$0xFFFFFFC0]  }
0x237: {  	v1 =	vld [tilespmem:s31+$0xFFFFFFD0]  }
0x238: {  	s5 =	simm.s32 $0x1470;
	v2 =	vld [tilespmem:s31+$0xFFFFFFE0];
	v7 =	vshrl.u32 v4, $0x2  }
0x239: {  	v8 =	vshrl.u32 v5, $0x2;
	v4 =	vld [tilespmem:s31+$0xFFFFFFF0];
	[tilespmem:s5+$0x0] =	vst v7  }
0x23a: {  	s14 =	simm.s32 $0x0;
	s15 =	simm.s32 $0x4F0;
	v5 =	vld [tilespmem:s31+$0xFFFFFF90];
	v6 =	vshrl.u32 v6, $0x2;
	[tilespmem:s5+$0xFFFFFFA0] =	vst v8  }
.LBB2_19:
0x23b: {  	v7 =	vld [tilespmem:s15+$0x0];
	s14 =	sadd.s32 $0x8, s14;
	[tilespmem:s5+$0xFFFFFFB0] =	vst v6;
	v3 =	vshrl.u32 v3, $0x2  }
0x23c: {  	v6 =	vld [tilespmem:s15+$0xFFFFFFA0];
	p1 =	slt.u32 s14, $0x38;
	[tilespmem:s5+$0xFFFFFFC0] =	vst v3;
	v1 =	vshrl.u32 v1, $0x2  }
0x23d: {  	v8 =	vld [tilespmem:s15+$0xFFFFFFB0];
	[tilespmem:s5+$0xFFFFFFD0] =	vst v1;
	v1 =	vshrl.u32 v2, $0x2  }
.Ltmp10:
0x23e: {  	v3 =	vld [tilespmem:s15+$0xFFFFFFC0];
	[tilespmem:s5+$0xFFFFFFE0] =	vst v1;
	v2 =	vshrl.u32 v4, $0x2;
	(pc) =	sbr.rel @p1 .LBB2_19-.Ltmp10, $4  }
0x23f: {  	v1 =	vld [tilespmem:s15+$0xFFFFFFD0];
	v4 =	vshrl.u32 v5, $0x2;
	[tilespmem:s5+$0xFFFFFFF0] =	vst v2  }
0x240: {  	v2 =	vld [tilespmem:s15+$0xFFFFFFE0];
	v5 =	vshrl.u32 v7, $0x2;
	[tilespmem:s5+$0xFFFFFF90] =	vst v4;
	s5 =	sadd.s32 $0x80, s5  }
0x241: {  	v6 =	vshrl.u32 v6, $0x2;
	v4 =	vld [tilespmem:s15+$0xFFFFFFF0];
	[tilespmem:s5+$0x0] =	vst v5  }
0x242: {  	v5 =	vld [tilespmem:s15+$0xFFFFFF90];
	[tilespmem:s5+$0xFFFFFFA0] =	vst v6;
	v6 =	vshrl.u32 v8, $0x2;
	s15 =	sadd.s32 $0x80, s15  }
0x243: {  	[tilespmem:s5+$0xFFFFFFB0] =	vst v6;
	v3 =	vshrl.u32 v3, $0x2  }
0x244: {  	[tilespmem:s5+$0xFFFFFFC0] =	vst v3;
	v1 =	vshrl.u32 v1, $0x2  }
0x245: {  	[tilespmem:s5+$0xFFFFFFD0] =	vst v1;
	v1 =	vshrl.u32 v2, $0x2  }
0x246: {  	[tilespmem:s5+$0xFFFFFFE0] =	vst v1;
	v1 =	vshrl.u32 v4, $0x2  }
0x247: {  	v2 =	vshrl.u32 v5, $0x2;
	[tilespmem:s5+$0xFFFFFFF0] =	vst v1  }
0x248: {  	s0 =	simm.s32 @!p0 $0x400;
	s2 =	simm.s32 @!p0 $0x1400;
	[tilespmem:s5+$0xFFFFFF90] =	vst v2;
	s5 =	simm.s32 @!p0 $0x6000  }
0x249: {  	[tilespmem:s5], [sflag:$0x1] =	stream.indirect.gather @!p0 [hbm4b:s1+s0], $0x10, s2, s0, $0xb8;
	[tilespmem:$0x14000] =	vst v63  }
0x24a: {  	_ =	swait.ge [sflag:s30], $0x4000  }
0x24b: {  	[sflag:s30] =	ssyncset.done $0x0  }
0x24c: {  	[sflag:s30] =	ssyncadd.s32 $0xFFFFC000  }
0x24d: {  	_ =	swait.ge [sflag:s6], $0x400  }
0x24e: {  	[sflag:s6] =	ssyncset.done $0x0  }
0x24f: {  	[sflag:s6] =	ssyncadd.s32 $0xFFFFFC00  }
0x250: {  	_ =	swait.ge [sflag:s6], $0x400  }
0x251: {  	[sflag:s6] =	ssyncset.done $0x0  }
0x252: {  	[sflag:s6] =	ssyncadd.s32 $0xFFFFFC00  }
0x253: {  	_ =	swait.ge [sflag:s6], $0x400  }
0x254: {  	[sflag:s6] =	ssyncset.done $0x0  }
0x255: {  	[sflag:s6] =	ssyncadd.s32 $0xFFFFFC00  }
0x256: {  	_ =	swait.ge [sflag:s6], $0x400  }
0x257: {  	[sflag:s6] =	ssyncset.done $0x0  }
0x258: {  	s16 =	simm.s32 $0xC30;
	[sflag:s6] =	ssyncadd.s32 $0xFFFFFC00  }
0x259: {  	v1 =	vld [tilespmem:s16+$0x0];
	_ =	sdelay $0x2  }
0x25a: {  	s17 =	simm.s32 $0x30  }
0x25b: {  	v3 =	vmov s17  }
0x25c: {  	v3 =	vshll.u32 v3, $0x4;
	v2 =	vld [tilespmem:s16+$0xFFFFFFD0];
	v1 =	vshll.u32 v1, $0x2  }
0x25d: {  	v3 =	vor.u32 v0, v3;
	v1 =	vand.u32 $0xC, v1  }
0x25e: {  	v4 =	vld [tilespmem:s16+$0xFFFFFFE0];
	v1 =	vor.u32 v3, v1  }
0x25f: {  	s20 =	simm.s32 $0x0  }
0x260: {  	s2 =	simm.s32 $0x10;
	v5 =	vld [tilespmem:s16+$0xFFFFFFF0];
	v3 =	vmov s20  }
0x261: {  	s5 =	simm.s32 $0x20;
	v6 =	vmov s2;
	v2 =	vshll.u32 v2, $0x2;
	v3 =	vshll.u32 v3, $0x4  }
0x262: {  	v8 =	vmov s5;
	v2 =	vand.u32 $0xC, v2;
	v3 =	vor.u32 v0, v3  }
0x263: {  	v2 =	vor.u32 v3, v2;
	v3 =	vshll.u32 v4, $0x2;
	v4 =	vshll.u32 v6, $0x4;
	v6 =	vld.idx.msk [tilespmem:v1+s25+$0x0], $0xffff  }
0x264: {  	v7 =	vor.u32 $0x1, v1;
	v3 =	vand.u32 $0xC, v3;
	v4 =	vor.u32 v0, v4  }
0x265: {  	v3 =	vor.u32 v4, v3;
	v4 =	vshll.u32 v5, $0x2;
	v5 =	vshll.u32 v8, $0x4  }
0x266: {  	s14 =	simm.s32 $0xC70;
	v4 =	vand.u32 $0xC, v4;
	v5 =	vor.u32 v0, v5  }
0x267: {  	s17 =	simm.s32 $0x13C30;
	v4 =	vor.u32 v5, v4;
	v5 =	vld [tilespmem:s14+$0x0]  }
0x268: {  	v8 =	vld.idx.msk [tilespmem:v2+s25+$0x0], $0xffff;
	[tilespmem:s17+$0xFFFFF400] =	vst v6  }
0x269: {  	v6 =	vld.idx.msk [tilespmem:v7+s25+$0x0], $0xffff  }
0x26a: {  	v10 =	vor.u32 $0x1, v2;
	v7 =	vld.idx.msk [tilespmem:v3+s25+$0x0], $0xffff  }
0x26b: {  	v11 =	vld [tilespmem:s14+$0xFFFFFFD0];
	v9 =	vor.u32 $0x2, v1  }
0x26c: {  	v13 =	vld [tilespmem:s14+$0xFFFFFFE0];
	v12 =	vor.u32 $0x1, v3  }
0x26d: {  	s15 =	simm.s32 $0x70;
	v15 =	vld.idx.msk [tilespmem:v4+s25+$0x0], $0xffff;
	[tilespmem:s17+$0xFFFFF3D0] =	vst v8  }
0x26e: {  	v14 =	vmov s15;
	v16 =	vor.u32 $0x1, v4;
	[tilespmem:s17+$0xFFFFF800] =	vst v6  }
0x26f: {  	v14 =	vshll.u32 v14, $0x4;
	v5 =	vshll.u32 v5, $0x2;
	[tilespmem:s17+$0xFFFFF3E0] =	vst v7;
	v7 =	vld.idx.msk [tilespmem:v10+s25+$0x0], $0xffff  }
0x270: {  	v5 =	vand.u32 $0xC, v5;
	v6 =	vor.u32 v0, v14;
	v8 =	vld.idx.msk [tilespmem:v9+s25+$0x0], $0xffff  }
0x271: {  	s16 =	simm.s32 $0x40;
	v1 =	vor.u32 $0x3, v1;
	v10 =	vshll.u32 v11, $0x2;
	v5 =	vor.u32 v6, v5;
	v11 =	vld.idx.msk [tilespmem:v12+s25+$0x0], $0xffff  }
0x272: {  	s20 =	simm.s32 $0x50;
	v14 =	vor.u32 $0x2, v2;
	v6 =	vmov s16;
	v12 =	vshll.u32 v13, $0x2;
	v13 =	vld [tilespmem:s14+$0xFFFFFFF0];
	[tilespmem:s17+$0xFFFFF3F0] =	vst v15  }
0x273: {  	v17 =	vor.u32 $0x2, v3;
	v9 =	vmov s20;
	s14 =	simm.s32 $0xCB0;
	v6 =	vshll.u32 v6, $0x4;
	v15 =	vld.idx.msk [tilespmem:v16+s25+$0x0], $0xffff  }
0x274: {  	v10 =	vand.u32 $0xC, v10;
	v9 =	vshll.u32 v9, $0x4;
	v20 =	vld [tilespmem:s14+$0xFFFFFFE0];
	v6 =	vor.u32 v0, v6  }
0x275: {  	v12 =	vand.u32 $0xC, v12;
	v22 =	vld [tilespmem:s14+$0xFFFFFFF0];
	v9 =	vor.u32 v0, v9;
	v6 =	vor.u32 v6, v10  }
0x276: {  	v10 =	vor.u32 v9, v12;
	[tilespmem:s17+$0xFFFFF7D0] =	vst v7;
	v9 =	vld.idx.msk [tilespmem:v5+s25+$0x0], $0xffff  }
0x277: {  	[tilespmem:s17+$0xFFFFFC00] =	vst v8;
	v8 =	vld.idx.msk [tilespmem:v14+s25+$0x0], $0xffff  }
0x278: {  	s5 =	simm.s32 $0x60;
	[tilespmem:s17+$0xFFFFF7E0] =	vst v11;
	v7 =	vld.idx.msk [tilespmem:v1+s25+$0x0], $0xffff;
	v1 =	vor.u32 $0x1, v5  }
0x279: {  	v11 =	vmov s5;
	v12 =	vld.idx.msk [tilespmem:v17+s25+$0x0], $0xffff  }
0x27a: {  	v21 =	vor.u32 $0x2, v4;
	v13 =	vshll.u32 v13, $0x2;
	v11 =	vshll.u32 v11, $0x4;
	v14 =	vld.idx.msk [tilespmem:v6+s25+$0x0], $0xffff  }
0x27b: {  	v2 =	vor.u32 $0x3, v2;
	s5 =	simm.s32 $0x13C70;
	v13 =	vand.u32 $0xC, v13;
	v11 =	vor.u32 v0, v11;
	v16 =	vld.idx.msk [tilespmem:v10+s25+$0x0], $0xffff  }
0x27c: {  	v11 =	vor.u32 v11, v13;
	v13 =	vld [tilespmem:s14+$0x0];
	[tilespmem:s5+$0xFFFFF400] =	vst v9  }
0x27d: {  	[tilespmem:s17+$0xFFFFF7F0] =	vst v15;
	v9 =	vor.u32 $0x1, v6;
	v1 =	vld.idx.msk [tilespmem:v1+s25+$0x0], $0xffff  }
0x27e: {  	v18 =	vor.u32 $0x2, v5;
	v17 =	vld [tilespmem:s14+$0xFFFFFFD0];
	[tilespmem:s17+$0xFFFFFBD0] =	vst v8  }
0x27f: {  	v19 =	vor.u32 $0x1, v10;
	v21 =	vld.idx.msk [tilespmem:v21+s25+$0x0], $0xffff;
	s14 =	simm.s32 $0xB0;
	[tilespmem:s17+$0xFFFFFBE0] =	vst v12  }
0x280: {  	v3 =	vor.u32 $0x3, v3;
	v12 =	vld.idx.msk [tilespmem:v2+s25+$0x0], $0xffff;
	[tilespmem:s5+$0xFFFFF3D0] =	vst v14;
	v14 =	vmov s14  }
0x281: {  	v23 =	vld.idx.msk [tilespmem:v11+s25+$0x0], $0xffff;
	v13 =	vshll.u32 v13, $0x2;
	[tilespmem:s5+$0xFFFFF3E0] =	vst v16;
	v16 =	vor.u32 $0x3, v4;
	v14 =	vshll.u32 v14, $0x4  }
0x282: {  	v25 =	vor.u32 $0x1, v11;
	v24 =	vld.idx.msk [tilespmem:v9+s25+$0x0], $0xffff;
	v9 =	vand.u32 $0xC, v13;
	[tilespmem:s5+$0xFFFFF800] =	vst v1;
	v1 =	vor.u32 v0, v14  }
0x283: {  	s15 =	simm.s32 $0x80;
	s16 =	simm.s32 $0x90;
	v15 =	vor.u32 $0x2, v6;
	v8 =	vor.u32 $0x3, v5;
	v13 =	vld.idx.msk [tilespmem:v18+s25+$0x0], $0xffff;
	v1 =	vor.u32 v1, v9  }
0x284: {  	v5 =	vmov s16;
	v2 =	vshll.u32 v17, $0x2;
	v4 =	vmov s15;
	v14 =	vld.idx.msk [tilespmem:v19+s25+$0x0], $0xffff  }
0x285: {  	v17 =	vshll.u32 v20, $0x2;
	v2 =	vand.u32 $0xC, v2;
	[tilespmem:s17+$0xFFFFFBF0] =	vst v21;
	v4 =	vshll.u32 v4, $0x4;
	v9 =	vld.idx.msk [tilespmem:v3+s25+$0x0], $0xffff  }
0x286: {  	v4 =	vor.u32 v0, v4;
	v19 =	vor.u32 $0x2, v10;
	v3 =	vshll.u32 v5, $0x4;
	[tilespmem:s5+$0xFFFFF3F0] =	vst v23;
	v16 =	vld.idx.msk [tilespmem:v16+s25+$0x0], $0xffff  }
0x287: {  	[tilespmem:s17+$0x0] =	vst v7;
	v7 =	vand.u32 $0xC, v17;
	v62 =	vor.u32 v4, v2;
	v3 =	vor.u32 v0, v3;
	v23 =	vld.idx.msk [tilespmem:v25+s25+$0x0], $0xffff  }
0x288: {  	s20 =	simm.s32 $0xA0;
	v4 =	vor.u32 $0x3, v6;
	v2 =	vor.u32 $0x3, v10;
	v6 =	vor.u32 v3, v7;
	v26 =	vld.idx.msk [tilespmem:v1+s25+$0x0], $0xffff;
	[tilespmem:s5+$0xFFFFFC00] =	vst v13  }
0x289: {  	v5 =	vor.u32 $0x2, v11;
	v27 =	vor.u32 $0x1, v1;
	v7 =	vmov s20;
	[tilespmem:s5+$0xFFFFF7D0] =	vst v24;
	v63 =	vld.idx.msk [tilespmem:v8+s25+$0x0], $0xffff  }
0x28a: {  	v10 =	vor.u32 $0x3, v62;
	v3 =	vor.u32 $0x3, v11;
	v7 =	vshll.u32 v7, $0x4;
	v18 =	vld.idx.msk [tilespmem:v15+s25+$0x0], $0xffff;
	[tilespmem:s5+$0xFFFFF7E0] =	vst v14  }
0x28b: {  	[tilespmem:s17+$0xFFFFFFD0] =	vst v12;
	v12 =	vor.u32 $0x3, v6;
	v7 =	vor.u32 v0, v7;
	v19 =	vld.idx.msk [tilespmem:v19+s25+$0x0], $0xffff;
	v8 =	vshll.u32 v22, $0x2  }
0x28c: {  	s15 =	simm.s32 $0x13CB0;
	v15 =	vor.u32 $0x1, v62;
	v20 =	vld.idx.msk [tilespmem:v62+s25+$0x0], $0xffff;
	v13 =	vor.u32 $0x1, v6;
	v8 =	vand.u32 $0xC, v8;
	[tilespmem:s5+$0xFFFFF7F0] =	vst v23  }
0x28d: {  	v22 =	vld.idx.msk [tilespmem:v6+s25+$0x0], $0xffff;
	v17 =	vor.u32 v7, v8;
	v7 =	vor.u32 $0x2, v62;
	v8 =	vor.u32 $0x2, v6;
	[tilespmem:s15+$0xFFFFF400] =	vst v26  }
0x28e: {  	s31 =	simm.s32 $0xCF0;
	s16 =	simm.s32 $0x8;
	v11 =	vor.u32 $0x1, v17;
	v14 =	vor.u32 $0x2, v17;
	v6 =	vor.u32 $0x3, v17;
	v21 =	vld.idx.msk [tilespmem:v27+s25+$0x0], $0xffff;
	[tilespmem:s5+$0x0] =	vst v63  }
.LBB2_21:
0x28f: {  	v23 =	vld [tilespmem:s31+$0x0];
	s16 =	sadd.s32 $0x4, s16;
	[tilespmem:s5+$0xFFFFFBD0] =	vst v18  }
0x290: {  	v24 =	vor.u32 $0x2, v1;
	v18 =	vld [tilespmem:s31+$0xFFFFFFD0];
	p1 =	slt.u32 s16, $0x3C;
	[tilespmem:s5+$0xFFFFFBE0] =	vst v19  }
0x291: {  	v19 =	vld [tilespmem:s31+$0xFFFFFFE0];
	[tilespmem:s17+$0xFFFFFFE0] =	vst v9  }
0x292: {  	s14 =	sadd.s32 $0x40, s14;
	v9 =	vld [tilespmem:s31+$0xFFFFFFF0];
	[tilespmem:s15+$0xFFFFF3D0] =	vst v20  }
0x293: {  	s0 =	sadd.s32 $0xFFFFFFD0, s14;
	s2 =	sadd.s32 $0xFFFFFFE0, s14;
	s20 =	sadd.s32 $0xFFFFFFF0, s14;
	v20 =	vmov s14;
	[tilespmem:s15+$0xFFFFF3E0] =	vst v22;
	v17 =	vld.idx.msk [tilespmem:v17+s25+$0x0], $0xffff  }
0x294: {  	v22 =	vmov s0;
	v20 =	vshll.u32 v20, $0x4;
	v23 =	vshll.u32 v23, $0x2;
	v25 =	vld.idx.msk [tilespmem:v15+s25+$0x0], $0xffff;
	[tilespmem:s15+$0xFFFFF800] =	vst v21  }
0x295: {  	v15 =	vmov s2;
	v20 =	vor.u32 v0, v20;
	v21 =	vand.u32 $0xC, v23;
	v23 =	vld.idx.msk [tilespmem:v24+s25+$0x0], $0xffff;
	[tilespmem:s17+$0xFFFFFFF0] =	vst v16;
	s17 =	smov.u32 s5;
	s5 =	smov.u32 s15  }
0x296: {  	v16 =	vshll.u32 v18, $0x2;
	v18 =	vmov s20;
	v20 =	vor.u32 v20, v21;
	v21 =	vld.idx.msk [tilespmem:v13+s25+$0x0], $0xffff  }
0x297: {  	v13 =	vshll.u32 v19, $0x2;
	v19 =	vor.u32 $0x3, v1;
	v9 =	vshll.u32 v9, $0x2;
	v24 =	vld.idx.msk [tilespmem:v5+s25+$0x0], $0xffff;
	v1 =	vmovc v20;
	v5 =	vmovc v14  }
0x298: {  	v15 =	vshll.u32 v15, $0x4;
	v18 =	vshll.u32 v18, $0x4;
	v14 =	vshll.u32 v22, $0x4;
	v22 =	vld.idx.msk [tilespmem:v4+s25+$0x0], $0xffff;
	v4 =	vmovc v10  }
0x299: {  	v13 =	vand.u32 $0xC, v13;
	v10 =	vand.u32 $0xC, v16;
	v16 =	vand.u32 $0xC, v9;
	[tilespmem:s15+$0xFFFFF3F0] =	vst v17;
	v9 =	vld.idx.msk [tilespmem:v2+s25+$0x0], $0xffff;
	v2 =	vmovc v12  }
0x29a: {  	v12 =	vor.u32 v0, v14;
	v14 =	vor.u32 v0, v15;
	v17 =	vor.u32 v0, v18;
	v26 =	vld.idx.msk [tilespmem:v11+s25+$0x0], $0xffff  }
0x29b: {  	v27 =	vor.u32 v12, v10;
	v28 =	vor.u32 v14, v13;
	v29 =	vld.idx.msk [tilespmem:v20+s25+$0x0], $0xffff;
	[tilespmem:s15+$0xFFFFFC00] =	vst v23  }
0x29c: {  	v17 =	vor.u32 v17, v16;
	v15 =	vor.u32 $0x1, v27;
	v13 =	vor.u32 $0x1, v28;
	[tilespmem:s15+$0xFFFFF7D0] =	vst v25;
	v23 =	vld.idx.msk [tilespmem:v19+s25+$0x0], $0xffff  }
0x29d: {  	v11 =	vor.u32 $0x1, v17;
	v25 =	vor.u32 $0x1, v1;
	v18 =	vld.idx.msk [tilespmem:v7+s25+$0x0], $0xffff;
	v7 =	vor.u32 $0x2, v27;
	[tilespmem:s15+$0xFFFFF7E0] =	vst v21  }
.Ltmp11:
0x29e: {  	v10 =	vor.u32 $0x3, v27;
	v14 =	vor.u32 $0x2, v17;
	v19 =	vld.idx.msk [tilespmem:v8+s25+$0x0], $0xffff;
	v8 =	vor.u32 $0x2, v28;
	[tilespmem:s17+$0xFFFFFBF0] =	vst v24;
	(pc) =	sbr.rel @p1 .LBB2_21-.Ltmp11, $4  }
0x29f: {  	v12 =	vor.u32 $0x3, v28;
	[tilespmem:s17+$0xFFFFFFD0] =	vst v22;
	v16 =	vld.idx.msk [tilespmem:v3+s25+$0x0], $0xffff;
	v3 =	vmov v6;
	v6 =	vor.u32 $0x3, v17  }
0x2a0: {  	s15 =	sadd.s32 $0x40, s15;
	v20 =	vld.idx.msk [tilespmem:v27+s25+$0x0], $0xffff;
	[tilespmem:s5+$0xFFFFF7F0] =	vst v26  }
0x2a1: {  	v22 =	vld.idx.msk [tilespmem:v28+s25+$0x0], $0xffff;
	[tilespmem:s15+$0xFFFFF400] =	vst v29  }
0x2a2: {  	s31 =	sadd.s32 $0x40, s31;
	v21 =	vld.idx.msk [tilespmem:v25+s25+$0x0], $0xffff;
	[tilespmem:s5+$0x0] =	vst v23  }
0x2a3: {  	_ =	sdelay $0x3  }
0x2a4: {  	v17 =	vld.idx.msk [tilespmem:v17+s25+$0x0], $0xffff  }
0x2a5: {  	[tilespmem:s5+$0xFFFFFBD0] =	vst v18  }
0x2a6: {  	v59 =	vor.u32 $0x2, v1;
	[tilespmem:s5+$0xFFFFFBE0] =	vst v19  }
0x2a7: {  	[tilespmem:s15+$0xFFFFF3D0] =	vst v20  }
0x2a8: {  	[tilespmem:s15+$0xFFFFF3E0] =	vst v22;
	v15 =	vld.idx.msk [tilespmem:v15+s25+$0x0], $0xffff  }
0x2a9: {  	v13 =	vld.idx.msk [tilespmem:v13+s25+$0x0], $0xffff;
	[tilespmem:s15+$0xFFFFF3F0] =	vst v17  }
0x2aa: {  	[tilespmem:s15+$0xFFFFF800] =	vst v21;
	v11 =	vld.idx.msk [tilespmem:v11+s25+$0x0], $0xffff  }
0x2ab: {  	[tilespmem:s17+$0xFFFFFFE0] =	vst v9;
	v60 =	vld.idx.msk [tilespmem:v59+s25+$0x0], $0xffff  }
0x2ac: {  	v1 =	vor.u32 $0x3, v1;
	v5 =	vld.idx.msk [tilespmem:v5+s25+$0x0], $0xffff;
	[tilespmem:s17+$0xFFFFFFF0] =	vst v16  }
0x2ad: {  	v4 =	vld.idx.msk [tilespmem:v4+s25+$0x0], $0xffff;
	[tilespmem:s15+$0xFFFFF7D0] =	vst v15  }
0x2ae: {  	v7 =	vld.idx.msk [tilespmem:v7+s25+$0x0], $0xffff;
	[tilespmem:s15+$0xFFFFF7E0] =	vst v13  }
0x2af: {  	v8 =	vld.idx.msk [tilespmem:v8+s25+$0x0], $0xffff;
	[tilespmem:s15+$0xFFFFF7F0] =	vst v11  }
0x2b0: {  	[tilespmem:s15+$0xFFFFFC00] =	vst v60;
	v61 =	vld.idx.msk [tilespmem:v14+s25+$0x0], $0xffff  }
0x2b1: {  	[tilespmem:s5+$0xFFFFFBF0] =	vst v5;
	v1 =	vld.idx.msk [tilespmem:v1+s25+$0x0], $0xffff  }
0x2b2: {  	v2 =	vld.idx.msk [tilespmem:v2+s25+$0x0], $0xffff;
	[tilespmem:s5+$0xFFFFFFD0] =	vst v4  }
0x2b3: {  	v3 =	vld.idx.msk [tilespmem:v3+s25+$0x0], $0xffff;
	[tilespmem:s15+$0xFFFFFBD0] =	vst v7  }
0x2b4: {  	[tilespmem:s15+$0xFFFFFBE0] =	vst v8;
	v62 =	vld.idx.msk [tilespmem:v10+s25+$0x0], $0xffff  }
0x2b5: {  	v63 =	vld.idx.msk [tilespmem:v12+s25+$0x0], $0xffff;
	[tilespmem:s15+$0xFFFFFBF0] =	vst v61  }
0x2b6: {  	[tilespmem:s15+$0x0] =	vst v1;
	v1 =	vld.idx.msk [tilespmem:v6+s25+$0x0], $0xffff  }
0x2b7: {  	[tilespmem:s5+$0xFFFFFFE0] =	vst v2  }
0x2b8: {  	[tilespmem:s5+$0xFFFFFFF0] =	vst v3  }
0x2b9: {  	[tilespmem:s15+$0xFFFFFFD0] =	vst v62  }
0x2ba: {  	s0 =	sor.u32 $0x180, s23;
	[tilespmem:s15+$0xFFFFFFE0] =	vst v63  }
0x2bb: {  	s20 =	simm.s32 $0x13000;
	s2 =	sadd.s32 s7, s0;
	[tilespmem:s15+$0xFFFFFFF0] =	vst v1  }
0x2bc: {  	[hbm4b:s2+s4] =	stream.linear.scatter [tilespmem:s20], [sflag:$0x2], $0x400, $0x38;
	[tilespmem:$0x14000] =	vst v63  }
0x2bd: {  	s23 =	sadd.s32 s0, s10  }
0x2be: {  	[hbm4b:s23+s4] =	stream.linear.scatter [tilespmem:s9], [sflag:$0x2], $0x400, $0x38;
	[tilespmem:$0x14000] =	vst v63  }
.Ltmp12:
0x2bf: {  	_ = 	snop;
	(pc) =	sbr.rel @p0 .LBB2_24-.Ltmp12, $4  }
0x2c0: {  	s31 =	sadd.s32 s0, s11  }
0x2c1: {  	[hbm4b:s31+s4] =	stream.linear.scatter [tilespmem:s12], [sflag:$0x2], $0x400, $0x38;
	[tilespmem:$0x14000] =	vst v63  }
0x2c2: {  	s0 =	sadd.s32 s0, s13  }
0x2c3: {  	[hbm4b:s0+s4] =	stream.linear.scatter [tilespmem:s18], [sflag:$0x2], $0x400, $0x38;
	[tilespmem:$0x14000] =	vst v63  }
.Ltmp13:
0x2c4: {  	s0 =	rddreg [dreg:$0xb];
	(pc) =	sbr.rel .LBB2_6-.Ltmp13, $4  }
0x2c5: {  	s0 =	sadd.s32 s28, s0  }
0x2c6: {  	s0 =	sshrl.u32 s0, $0x3  }
0x2c7: {  	s2 =	simm.s32 $0xC00;
	s21 =	sadd.s32 $0x1, s21;
	s0 =	sadd.s32 s3, s0  }
0x2c8: {  	[tilespmem:s2], [sflag:$0x3] =	stream.linear.gather [hbm4b:s0+s4], $0x400, $0x38;
	[tilespmem:$0x14000] =	vst v63  }
.LBB2_25:
0x2c9: {  	_ =	sfence.sel $0x180000  }
0x2ca: {  	[bflag:$0x0] =	sbarrier.arrive $0xFFFF  }
0x2cb: {  	_ =	strace $0x9000004A  }
0x2cc: {  	s0 =	stileid.u32;
	[bflag:$0x2] =	sbarrier.arrive $0xFFFF  }
0x2cd: {  	p0 =	sne.s32 s0, $0x0;
	s0 =	rddreg [dreg:$0x3]  }
0x2ce: {  	s0 =	sadd.s32 @!p0 $0x100000, s0  }
0x2cf: {  	[sflag:s0] =	ssyncadd.tile.s32 @!p0 $0x1;
	_ =	shalt  }
.Lfunc_end2:
_tile_overlayer_lowered:
.L_overlay_start_2:
0x2d0: {  	(tag) =	ssettag $0x2  }
0x2d1: {  	s0 =	rddreg [dreg:$0x0];
	s2 =	stileid.u32  }
0x2d2: {  	s1 =	rddreg [dreg:$0x1];
	p0 =	sne.s32 s2, $0x0  }
0x2d3: {  	s3 =	rddreg [dreg:$0x2];
	[bflag:$0x3] =	sbarrier.arrive $0xFFFF;
	s2 =	simm.s32 @!p0 $0x1C04  }
0x2d4: {  	[timem:s3], [sflag:s2] =	dma.local @!p0 [hbm:s0], s1  }
0x2d5: {  	s0 =	simm.s32 @!p0 $0x4  }
0x2d6: {  	_ =	swait.ge @!p0 [sflag:s0], s1  }
0x2d7: {  	s1 =	ssub.s32 @!p0 $0x0, s1;
	[sflag:s0] =	ssyncset.done @!p0 $0x0  }
0x2d8: {  	[sflag:s0] =	ssyncadd.s32 @!p0 s1  }
0x2d9: {  	[bflag:$0x3] =	sbarrier.arrive $0xFFFF  }
0x2da: {  	_ =	shalt  }

</sc_bundles>
